<compile_context>
chip_gen: v7x
topology: tpu7x:2x2x1
jax: 0.10.2.dev20260603
libtpu: 0.0.44.dev20260713+nightly
codegen_flags: <defaults>
</compile_context>

<pallas_src>
import jax
import jax.numpy as jnp
from jax import lax
from jax.experimental import pallas as pl
from jax.experimental.pallas import tpu as pltpu
from jax.experimental.pallas import tpu_sc as plsc

_LANES = 128
_QROWS = 16
_TILES = 16
_CORES = 2


def _make_sc_agg(n, d, np_, ep, with_cnt):
    rows_per_tile = ep // (_CORES * _TILES) // _LANES
    slc = np_ // _TILES

    mesh = plsc.VectorSubcoreMesh(core_axis_name="c", subcore_axis_name="s")

    out_types = [jax.ShapeDtypeStruct((_CORES * np_, d), jnp.float32)]
    half = rows_per_tile // 2
    scratch = [
        pltpu.VMEM((half, _LANES), jnp.int32),
        pltpu.VMEM((half, _LANES), jnp.int32),
        pltpu.VMEM((2, _LANES, d), jnp.float32),
        pltpu.VMEM_SHARED((np_, d), jnp.float32),
        pltpu.SemaphoreType.DMA,
    ]
    if with_cnt:
        out_types.append(jax.ShapeDtypeStruct((_CORES * np_,), jnp.float32))
        scratch += [
            pltpu.VMEM((_LANES,), jnp.float32),
            pltpu.VMEM_SHARED((np_,), jnp.float32),
            pltpu.VMEM((slc,), jnp.float32),
        ]

    def body(h, src2, dst2, zer2, zer1, ones1, p_out, cnt_out, sidx, didx,
             rows, acc, sem, ones_v, cntacc, cz):
        c = lax.axis_index("c")
        s = lax.axis_index("s")
        base = s * slc
        pltpu.sync_copy(zer2.at[pl.ds(base, slc)], acc.at[pl.ds(base, slc)])
        if with_cnt:
            pltpu.sync_copy(zer1.at[pl.ds(base, slc)], cz)
            pltpu.sync_copy(cz, cntacc.at[pl.ds(base, slc)])
            pltpu.sync_copy(ones1, ones_v)
        wrow = (c * _TILES + s) * rows_per_tile
        plsc.subcore_barrier()

        for hh in range(2):
            hrow = wrow + hh * half
            pltpu.sync_copy(src2.at[pl.ds(hrow, half)], sidx)
            pltpu.sync_copy(dst2.at[pl.ds(hrow, half)], didx)
            pltpu.async_copy(h.at[sidx.at[0]], rows.at[0], sem)

            def group(j, par):
                @pl.when(j + 1 < half)
                def _():
                    pltpu.async_copy(h.at[sidx.at[j + 1]], rows.at[1 - par],
                                     sem)

                pltpu.make_async_copy(h.at[sidx.at[j]], rows.at[par],
                                      sem).wait()
                pltpu.sync_copy(rows.at[par], acc.at[didx.at[j]], add=True)
                if with_cnt:
                    pltpu.sync_copy(ones_v, cntacc.at[didx.at[j]], add=True)

            def jb2(jj, carry2):
                group(2 * jj, 0)
                group(2 * jj + 1, 1)
                return carry2

            lax.fori_loop(0, half // 2, jb2, 0)
        plsc.subcore_barrier()

        pltpu.sync_copy(acc.at[pl.ds(base, slc)],
                        p_out.at[pl.ds(c * np_ + base, slc)])
        if with_cnt:
            pltpu.sync_copy(cntacc.at[pl.ds(base, slc)], cz)
            pltpu.sync_copy(cz, cnt_out.at[pl.ds(c * np_ + base, slc)])

    if with_cnt:
        fn = body
    else:
        def fn(h, src2, dst2, zer2, p_out, sidx, didx, rows, acc, sem):
            return body(h, src2, dst2, zer2, None, None, p_out, None, sidx,
                        didx, rows, acc, sem, None, None, None)

    return pl.kernel(fn, mesh=mesh, out_type=out_types, scratch_types=scratch)


def _combine_body(h_ref, wr_ref, p_ref, inv_ref, wl_ref, bl_ref, g_ref,
                  b_ref, out_ref, *, n, np_, final, wo_ref=None, bo_ref=None):
    agg = p_ref[0:n] + p_ref[np_:np_ + n]
    mean = agg * inv_ref[...]
    y = jnp.dot(mean, wl_ref[...], preferred_element_type=jnp.float32)
    y = y + bl_ref[...]
    y = y + jnp.dot(h_ref[...], wr_ref[...], preferred_element_type=jnp.float32)
    mu = jnp.mean(y, axis=0, keepdims=True)
    var = jnp.mean((y - mu) * (y - mu), axis=0, keepdims=True)
    y = (y - mu) * lax.rsqrt(var + 1e-5) * g_ref[...] + b_ref[...]
    h = jnp.maximum(y, 0.0)
    if final:
        out_ref[...] = jnp.dot(h, wo_ref[...],
                               preferred_element_type=jnp.float32) + bo_ref[...]
    else:
        out_ref[...] = h


def _mid_layer_call(h, wr, p, inv, wl, bl, g, b, n, d, np_):
    def body(h_ref, wr_ref, p_ref, inv_ref, wl_ref, bl_ref, g_ref, b_ref,
             out_ref):
        _combine_body(h_ref, wr_ref, p_ref, inv_ref, wl_ref, bl_ref, g_ref,
                      b_ref, out_ref, n=n, np_=np_, final=False)
    return pl.pallas_call(
        body, out_shape=jax.ShapeDtypeStruct((n, d), jnp.float32),
    )(h, wr, p, inv, wl, bl.reshape(1, d), g.reshape(1, d), b.reshape(1, d))


def _final_layer_call(h, wr, p, inv, wl, bl, g, b, wo, bo, n, d, np_):
    def body(h_ref, wr_ref, p_ref, inv_ref, wl_ref, bl_ref, g_ref, b_ref,
             wo_ref, bo_ref, out_ref):
        _combine_body(h_ref, wr_ref, p_ref, inv_ref, wl_ref, bl_ref, g_ref,
                      b_ref, out_ref, n=n, np_=np_, final=True, wo_ref=wo_ref,
                      bo_ref=bo_ref)
    return pl.pallas_call(
        body, out_shape=jax.ShapeDtypeStruct((n, d), jnp.float32),
    )(h, wr, p, inv, wl, bl.reshape(1, d), g.reshape(1, d), b.reshape(1, d),
      wo, bo.reshape(1, d))


def _layer1_call(h, wr, p, cnt2d, wl, bl, g, b, n, d, np_):
    def body(h_ref, wr_ref, p_ref, cnt_ref, wl_ref, bl_ref, g_ref, b_ref,
             out_ref, inv_ref):
        cnt = jnp.maximum(cnt_ref[0:n] + cnt_ref[np_:np_ + n], 1.0)
        inv = 1.0 / cnt
        inv_ref[...] = inv
        agg = p_ref[0:n] + p_ref[np_:np_ + n]
        mean = agg * inv
        y = jnp.dot(mean, wl_ref[...], preferred_element_type=jnp.float32)
        y = y + bl_ref[...]
        y = y + jnp.dot(h_ref[...], wr_ref[...],
                        preferred_element_type=jnp.float32)
        mu = jnp.mean(y, axis=0, keepdims=True)
        var = jnp.mean((y - mu) * (y - mu), axis=0, keepdims=True)
        y = (y - mu) * lax.rsqrt(var + 1e-5) * g_ref[...] + b_ref[...]
        out_ref[...] = jnp.maximum(y, 0.0)
    return pl.pallas_call(
        body,
        out_shape=[jax.ShapeDtypeStruct((n, d), jnp.float32),
                   jax.ShapeDtypeStruct((n, 1), jnp.float32)],
    )(h, wr, p, cnt2d, wl, bl.reshape(1, d), g.reshape(1, d),
      b.reshape(1, d))


def kernel(x, edge_index, Wl, bl, Wr, gamma, beta, Wo, bo):
    src = edge_index[0]
    dst = edge_index[1]
    n, d = x.shape
    e = src.shape[0]
    L = Wl.shape[0]

    np_ = ((n + _LANES - 1) // _LANES) * _LANES
    chunk_edges = _CORES * _TILES * _LANES * _QROWS
    ep = ((e + chunk_edges - 1) // chunk_edges) * chunk_edges
    pad_e = ep - e
    if pad_e:
        if np_ == n:
            np_ += _LANES
        ar = jnp.arange(pad_e, dtype=jnp.int32)
        srcp = jnp.concatenate([src, (ar * 997) % n])
        dstp = jnp.concatenate([dst, n + ar % (np_ - n)])
    else:
        srcp, dstp = src, dst
    src2 = srcp.reshape(ep // _LANES, _LANES)
    dst2 = dstp.reshape(ep // _LANES, _LANES)
    zer2 = jnp.zeros((np_, d), jnp.float32)
    zer1 = jnp.zeros((np_,), jnp.float32)
    ones1 = jnp.ones((_LANES,), jnp.float32)

    agg_first = _make_sc_agg(n, d, np_, ep, with_cnt=True)
    agg_rest = _make_sc_agg(n, d, np_, ep, with_cnt=False)

    h = x
    inv = None
    for i in range(L):
        if i == 0:
            p, cntp = agg_first(h, src2, dst2, zer2, zer1, ones1)
            h, inv = _layer1_call(h, Wr[i], p, cntp.reshape(_CORES * np_, 1),
                                  Wl[i], bl[i], gamma[i], beta[i], n, d, np_)
        elif i == L - 1:
            (p,) = agg_rest(h, src2, dst2, zer2)
            h = _final_layer_call(h, Wr[i], p, inv, Wl[i], bl[i], gamma[i],
                                  beta[i], Wo, bo, n, d, np_)
        else:
            (p,) = agg_rest(h, src2, dst2, zer2)
            h = _mid_layer_call(h, Wr[i], p, inv, Wl[i], bl[i], gamma[i],
                                beta[i], n, d, np_)
    return h

# --- scband reference (transcript-rebuilt; emitter-appended) ---
"""Pipeline reference for scband-deep-graph-sage-62251255988404 (READ-ONLY COPY).

The authoritative reference and input builder live on the scoring server;
editing this copy changes nothing except your own understanding.
"""

import jax, jax.numpy as jnp
import numpy as np

N = 10000
E = 320000
D = 128
L = 5


def setup_inputs(seed: int = 0) -> dict:
    key = jax.random.key(seed)
    ks = jax.random.split(key, 8)
    x = jax.random.normal(ks[0], (N, D), dtype=jnp.float32)
    edge_index = jax.random.randint(ks[1], (2, E), 0, N, dtype=jnp.int32)
    # Learned parameters. All 5 SAGEConv layers are 128->128 (in_channels == hidden_channels),
    # so we stack them: lin_l (with bias) applied to aggregated neighbors, lin_r (no bias) to root.
    Wl = jax.random.normal(ks[2], (L, D, D), dtype=jnp.float32) * 0.05
    bl = jnp.zeros((L, D), dtype=jnp.float32)
    Wr = jax.random.normal(ks[3], (L, D, D), dtype=jnp.float32) * 0.05
    gamma = jnp.ones((L, D), dtype=jnp.float32)
    beta = jnp.zeros((L, D), dtype=jnp.float32)
    Wo = jax.random.normal(ks[4], (D, D), dtype=jnp.float32) * 0.05
    bo = jnp.zeros((D,), dtype=jnp.float32)
    return {"x": x, "edge_index": edge_index, "Wl": Wl, "bl": bl, "Wr": Wr,
            "gamma": gamma, "beta": beta, "Wo": Wo, "bo": bo}


def reference(x, edge_index, Wl, bl, Wr, gamma, beta, Wo, bo):
    # DeepGraphSAGE forward (deterministic reference: dropout is identity / eval,
    # BatchNorm1d uses batch statistics as in training-mode default).
    src = edge_index[0]
    dst = edge_index[1]
    n = x.shape[0]
    ones = jnp.ones((src.shape[0],), dtype=x.dtype)
    cnt = jax.ops.segment_sum(ones, dst, num_segments=n)
    cnt = jnp.maximum(cnt, 1.0)
    h = x
    for i in range(L):
        # SAGEConv with mean aggregation: lin_l(mean_{j in N(i)} x_j) + lin_r(x_i)
        msg = h[src]  # gather source-node features per edge
        agg = jax.ops.segment_sum(msg, dst, num_segments=n)  # scatter-add to dst
        mean = agg / cnt[:, None]
        h_new = mean @ Wl[i] + bl[i] + h @ Wr[i]
        # BatchNorm1d (batch statistics, biased variance, eps=1e-5, affine)
        mu = jnp.mean(h_new, axis=0)
        var = jnp.var(h_new, axis=0)
        h_new = (h_new - mu) / jnp.sqrt(var + 1e-5) * gamma[i] + beta[i]
        h = jax.nn.relu(h_new)
        # dropout: identity in deterministic reference
    return h @ Wo + bo

if __name__ == "__main__":
    import jax
    _d = setup_inputs()
    print(jax.jit(kernel)(*tuple(_d.values())))

</pallas_src>

<mosaic_0001>
#map = affine_map<(d0, d1) -> (0, 0)>
module attributes {stable_mosaic.version = 14 : i64} {
  func.func @fn(%arg0: i32, %arg1: i32, %arg2: memref<10000x128xf32, #tpu.memory_space<hbm>>, %arg3: memref<2560x128xi32, #tpu.memory_space<hbm>>, %arg4: memref<2560x128xi32, #tpu.memory_space<hbm>>, %arg5: memref<10112x128xf32, #tpu.memory_space<hbm>>, %arg6: memref<20224x128xf32, #tpu.memory_space<hbm>>, %arg7: memref<40x128xi32, #tpu.memory_space<vmem>>, %arg8: memref<40x128xi32, #tpu.memory_space<vmem>>, %arg9: memref<2x128x128xf32, #tpu.memory_space<vmem>>, %arg10: memref<10112x128xf32, #tpu.memory_space<vmem_shared>>, %arg11: memref<!tpu.dma_semaphore, #tpu.memory_space<semaphore_mem>>) attributes {dimension_semantics = [#tpu.dimension_semantics<core_parallel>, #tpu.dimension_semantics<subcore_parallel>], iteration_bounds = array<i64: 2, 16>, scalar_prefetch = 0 : i64, scratch_operands = 5 : i64, tpu.core_type = #tpu.core_type<sc_vector_subcore>, window_params = [{transform_indices = #map}, {transform_indices = #map}, {transform_indices = #map}, {transform_indices = #map}, {transform_indices = #map}]} {
    %mul3A = arith.constant 632 : i32
    %mul3A_0 = arith.muli %arg1, %mul3A : i32
    "tpu.region"() ({
      %run_scoped3A = tpu.sem_alloc : memref<!tpu.dma_semaphore, #tpu.memory_space<semaphore_mem>>
      %dma_start3A_47 = arith.constant 0 : i32
      %dma_start3A_48 = tpu.memref_slice %arg10[%mul3A_0, %dma_start3A_47] : memref<10112x128xf32, #tpu.memory_space<vmem_shared>> -> memref<632x128xf32, #tpu.memory_space<vmem_shared>>
      %dma_start3A_49 = arith.constant 0 : i32
      %dma_start3A_50 = tpu.memref_slice %arg5[%mul3A_0, %dma_start3A_49] : memref<10112x128xf32, #tpu.memory_space<hbm>> -> memref<632x128xf32, #tpu.memory_space<hbm>>
      tpu.enqueue_dma source(%dma_start3A_50 : memref<632x128xf32, #tpu.memory_space<hbm>>) target(%dma_start3A_48 : memref<632x128xf32, #tpu.memory_space<vmem_shared>>) target_semaphore(%run_scoped3A : memref<!tpu.dma_semaphore, #tpu.memory_space<semaphore_mem>>)
      %dma_wait3A = arith.constant 0 : i32
      %dma_wait3A_51 = tpu.memref_slice %arg10[%mul3A_0, %dma_wait3A] : memref<10112x128xf32, #tpu.memory_space<vmem_shared>> -> memref<632x128xf32, #tpu.memory_space<vmem_shared>>
      %dma_wait3A_52 = arith.constant 0 : i32
      %dma_wait3A_53 = tpu.memref_slice %arg5[%mul3A_0, %dma_wait3A_52] : memref<10112x128xf32, #tpu.memory_space<hbm>> -> memref<632x128xf32, #tpu.memory_space<hbm>>
      tpu.wait_dma2 semaphore(%run_scoped3A : memref<!tpu.dma_semaphore, #tpu.memory_space<semaphore_mem>>) src(%dma_wait3A_53 : memref<632x128xf32, #tpu.memory_space<hbm>>) dst(%dma_wait3A_51 : memref<632x128xf32, #tpu.memory_space<vmem_shared>>)
      tpu.yield
    }) : () -> ()
    %mul3A_1 = arith.constant 16 : i32
    %mul3A_2 = arith.muli %arg0, %mul3A_1 : i32
    %add3A = arith.addi %mul3A_2, %arg1 : i32
    %mul3A_3 = arith.constant 80 : i32
    %mul3A_4 = arith.muli %add3A, %mul3A_3 : i32
    %barrier3A = arith.constant 0 : index
    tpu.barrier barrier_id(%barrier3A)
    %add3A_5 = arith.constant 0 : i32
    %add3A_6 = arith.addi %mul3A_4, %add3A_5 : i32
    "tpu.region"() ({
      %run_scoped3A = tpu.sem_alloc : memref<!tpu.dma_semaphore, #tpu.memory_space<semaphore_mem>>
      %dma_start3A_47 = arith.constant 0 : i32
      %dma_start3A_48 = tpu.memref_slice %arg3[%add3A_6, %dma_start3A_47] : memref<2560x128xi32, #tpu.memory_space<hbm>> -> memref<40x128xi32, #tpu.memory_space<hbm>>
      %dma_start3A_49 = arith.constant 0 : i32
      %dma_start3A_50 = tpu.memref_slice %arg3[%add3A_6, %dma_start3A_49] : memref<2560x128xi32, #tpu.memory_space<hbm>> -> memref<40x128xi32, #tpu.memory_space<hbm>>
      tpu.enqueue_dma source(%dma_start3A_50 : memref<40x128xi32, #tpu.memory_space<hbm>>) target(%arg7 : memref<40x128xi32, #tpu.memory_space<vmem>>) target_semaphore(%run_scoped3A : memref<!tpu.dma_semaphore, #tpu.memory_space<semaphore_mem>>)
      %dma_wait3A = arith.constant 0 : i32
      %dma_wait3A_51 = tpu.memref_slice %arg3[%add3A_6, %dma_wait3A] : memref<2560x128xi32, #tpu.memory_space<hbm>> -> memref<40x128xi32, #tpu.memory_space<hbm>>
      %dma_wait3A_52 = arith.constant 0 : i32
      %dma_wait3A_53 = tpu.memref_slice %arg3[%add3A_6, %dma_wait3A_52] : memref<2560x128xi32, #tpu.memory_space<hbm>> -> memref<40x128xi32, #tpu.memory_space<hbm>>
      tpu.wait_dma2 semaphore(%run_scoped3A : memref<!tpu.dma_semaphore, #tpu.memory_space<semaphore_mem>>) src(%dma_wait3A_53 : memref<40x128xi32, #tpu.memory_space<hbm>>) dst(%arg7 : memref<40x128xi32, #tpu.memory_space<vmem>>)
      tpu.yield
    }) : () -> ()
    "tpu.region"() ({
      %run_scoped3A = tpu.sem_alloc : memref<!tpu.dma_semaphore, #tpu.memory_space<semaphore_mem>>
      %dma_start3A_47 = arith.constant 0 : i32
      %dma_start3A_48 = tpu.memref_slice %arg4[%add3A_6, %dma_start3A_47] : memref<2560x128xi32, #tpu.memory_space<hbm>> -> memref<40x128xi32, #tpu.memory_space<hbm>>
      %dma_start3A_49 = arith.constant 0 : i32
      %dma_start3A_50 = tpu.memref_slice %arg4[%add3A_6, %dma_start3A_49] : memref<2560x128xi32, #tpu.memory_space<hbm>> -> memref<40x128xi32, #tpu.memory_space<hbm>>
      tpu.enqueue_dma source(%dma_start3A_50 : memref<40x128xi32, #tpu.memory_space<hbm>>) target(%arg8 : memref<40x128xi32, #tpu.memory_space<vmem>>) target_semaphore(%run_scoped3A : memref<!tpu.dma_semaphore, #tpu.memory_space<semaphore_mem>>)
      %dma_wait3A = arith.constant 0 : i32
      %dma_wait3A_51 = tpu.memref_slice %arg4[%add3A_6, %dma_wait3A] : memref<2560x128xi32, #tpu.memory_space<hbm>> -> memref<40x128xi32, #tpu.memory_space<hbm>>
      %dma_wait3A_52 = arith.constant 0 : i32
      %dma_wait3A_53 = tpu.memref_slice %arg4[%add3A_6, %dma_wait3A_52] : memref<2560x128xi32, #tpu.memory_space<hbm>> -> memref<40x128xi32, #tpu.memory_space<hbm>>
      tpu.wait_dma2 semaphore(%run_scoped3A : memref<!tpu.dma_semaphore, #tpu.memory_space<semaphore_mem>>) src(%dma_wait3A_53 : memref<40x128xi32, #tpu.memory_space<hbm>>) dst(%arg8 : memref<40x128xi32, #tpu.memory_space<vmem>>)
      tpu.yield
    }) : () -> ()
    %dma_start3A = arith.constant 0 : i32
    %dma_start3A_7 = arith.constant 0 : i32
    %dma_start3A_8 = arith.constant 0 : i32
    %dma_start3A_9 = arith.constant 0 : i32
    %dma_start3A_10 = tpu.memref_slice %arg9[%dma_start3A_7, %dma_start3A_8, %dma_start3A_9] : memref<2x128x128xf32, #tpu.memory_space<vmem>> -> memref<1x128x128xf32, #tpu.memory_space<vmem>>
    %dma_start3A_11 = tpu.memref_squeeze %dma_start3A_10 : memref<1x128x128xf32, #tpu.memory_space<vmem>> -> memref<128x128xf32, #tpu.memory_space<vmem>>
    %dma_start3A_12 = arith.constant 0 : i32
    %dma_start3A_13 = tpu.memref_slice %arg7[%dma_start3A, %dma_start3A_12] : memref<40x128xi32, #tpu.memory_space<vmem>> -> memref<1x128xi32, #tpu.memory_space<vmem>>
    %dma_start3A_14 = tpu.memref_squeeze %dma_start3A_13 : memref<1x128xi32, #tpu.memory_space<vmem>> -> memref<128xi32, #tpu.memory_space<vmem>>
    %dma_start3A_15 = arith.constant 0 : i32
    %dma_start3A_16 = arith.constant 0 : i32
    %dma_start3A_17 = tpu.memref_slice %arg2[%dma_start3A_15, %dma_start3A_16] : memref<10000x128xf32, #tpu.memory_space<hbm>> -> memref<10000x128xf32, #tpu.memory_space<hbm>>
    tpu.enqueue_indirect_dma source(%dma_start3A_17 : memref<10000x128xf32, #tpu.memory_space<hbm>>) target(%dma_start3A_11 : memref<128x128xf32, #tpu.memory_space<vmem>>) offsets(%dma_start3A_14 : memref<128xi32, #tpu.memory_space<vmem>>) semaphore(%arg11 : memref<!tpu.dma_semaphore, #tpu.memory_space<semaphore_mem>>)
    %scan3A = arith.constant 0 : i32
    %scan3A_18 = arith.constant 0 : i32
    %scan3A_19 = arith.constant 20 : i32
    %scan3A_20 = arith.addi %scan3A_18, %scan3A_19 : i32
    %scan3A_21 = arith.constant 1 : i32
    scf.for %scan3A_47 = %scan3A_18 to %scan3A_20 step %scan3A_21  : i32 {
      %mul3A_48 = arith.constant 2 : i32
      %mul3A_49 = arith.muli %mul3A_48, %scan3A_47 : i32
      %add3A_50 = arith.constant 1 : i32
      %add3A_51 = arith.addi %mul3A_49, %add3A_50 : i32
      %lt3A = arith.constant 40 : i32
      %lt3A_52 = arith.cmpi slt, %add3A_51, %lt3A : i32
      %convert_element_type3A = arith.extui %lt3A_52 : i1 to i32
      %cond3A = arith.constant 0 : i32
      %cond3A_53 = arith.cmpi ne, %convert_element_type3A, %cond3A : i32
      scf.if %cond3A_53 {
        %add3A_87 = arith.constant 1 : i32
        %add3A_88 = arith.addi %mul3A_49, %add3A_87 : i32
        %dma_start3A_89 = arith.constant 1 : i32
        %dma_start3A_90 = arith.constant 0 : i32
        %dma_start3A_91 = arith.constant 0 : i32
        %dma_start3A_92 = tpu.memref_slice %arg9[%dma_start3A_89, %dma_start3A_90, %dma_start3A_91] : memref<2x128x128xf32, #tpu.memory_space<vmem>> -> memref<1x128x128xf32, #tpu.memory_space<vmem>>
        %dma_start3A_93 = tpu.memref_squeeze %dma_start3A_92 : memref<1x128x128xf32, #tpu.memory_space<vmem>> -> memref<128x128xf32, #tpu.memory_space<vmem>>
        %dma_start3A_94 = arith.constant 0 : i32
        %dma_start3A_95 = tpu.memref_slice %arg7[%add3A_88, %dma_start3A_94] : memref<40x128xi32, #tpu.memory_space<vmem>> -> memref<1x128xi32, #tpu.memory_space<vmem>>
        %dma_start3A_96 = tpu.memref_squeeze %dma_start3A_95 : memref<1x128xi32, #tpu.memory_space<vmem>> -> memref<128xi32, #tpu.memory_space<vmem>>
        %dma_start3A_97 = arith.constant 0 : i32
        %dma_start3A_98 = arith.constant 0 : i32
        %dma_start3A_99 = tpu.memref_slice %arg2[%dma_start3A_97, %dma_start3A_98] : memref<10000x128xf32, #tpu.memory_space<hbm>> -> memref<10000x128xf32, #tpu.memory_space<hbm>>
        tpu.enqueue_indirect_dma source(%dma_start3A_99 : memref<10000x128xf32, #tpu.memory_space<hbm>>) target(%dma_start3A_93 : memref<128x128xf32, #tpu.memory_space<vmem>>) offsets(%dma_start3A_96 : memref<128xi32, #tpu.memory_space<vmem>>) semaphore(%arg11 : memref<!tpu.dma_semaphore, #tpu.memory_space<semaphore_mem>>)
      } else {
      }
      %dma_wait3A = arith.constant 0 : i32
      %dma_wait3A_54 = arith.constant 0 : i32
      %dma_wait3A_55 = arith.constant 0 : i32
      %dma_wait3A_56 = tpu.memref_slice %arg9[%dma_wait3A, %dma_wait3A_54, %dma_wait3A_55] : memref<2x128x128xf32, #tpu.memory_space<vmem>> -> memref<1x128x128xf32, #tpu.memory_space<vmem>>
      %dma_wait3A_57 = tpu.memref_squeeze %dma_wait3A_56 : memref<1x128x128xf32, #tpu.memory_space<vmem>> -> memref<128x128xf32, #tpu.memory_space<vmem>>
      %dma_wait3A_58 = arith.constant 0 : i32
      %dma_wait3A_59 = tpu.memref_slice %arg7[%mul3A_49, %dma_wait3A_58] : memref<40x128xi32, #tpu.memory_space<vmem>> -> memref<1x128xi32, #tpu.memory_space<vmem>>
      %dma_wait3A_60 = tpu.memref_squeeze %dma_wait3A_59 : memref<1x128xi32, #tpu.memory_space<vmem>> -> memref<128xi32, #tpu.memory_space<vmem>>
      %dma_wait3A_61 = arith.constant 0 : i32
      %dma_wait3A_62 = arith.constant 0 : i32
      %dma_wait3A_63 = tpu.memref_slice %arg2[%dma_wait3A_61, %dma_wait3A_62] : memref<10000x128xf32, #tpu.memory_space<hbm>> -> memref<10000x128xf32, #tpu.memory_space<hbm>>
      tpu.wait_indirect_dma semaphore(%arg11 : memref<!tpu.dma_semaphore, #tpu.memory_space<semaphore_mem>>) src(%dma_wait3A_63 : memref<10000x128xf32, #tpu.memory_space<hbm>>) dst(%dma_wait3A_57 : memref<128x128xf32, #tpu.memory_space<vmem>>)
      %run_scoped3A = arith.constant 0 : i32
      "tpu.region"() ({
        %run_scoped3A_87 = tpu.sem_alloc : memref<!tpu.dma_semaphore, #tpu.memory_space<semaphore_mem>>
        %dma_start3A_88 = arith.constant 0 : i32
        %dma_start3A_89 = arith.constant 0 : i32
        %dma_start3A_90 = tpu.memref_slice %arg9[%run_scoped3A, %dma_start3A_88, %dma_start3A_89] : memref<2x128x128xf32, #tpu.memory_space<vmem>> -> memref<1x128x128xf32, #tpu.memory_space<vmem>>
        %dma_start3A_91 = tpu.memref_squeeze %dma_start3A_90 : memref<1x128x128xf32, #tpu.memory_space<vmem>> -> memref<128x128xf32, #tpu.memory_space<vmem>>
        %dma_start3A_92 = arith.constant 0 : i32
        %dma_start3A_93 = tpu.memref_slice %arg8[%mul3A_49, %dma_start3A_92] : memref<40x128xi32, #tpu.memory_space<vmem>> -> memref<1x128xi32, #tpu.memory_space<vmem>>
        %dma_start3A_94 = tpu.memref_squeeze %dma_start3A_93 : memref<1x128xi32, #tpu.memory_space<vmem>> -> memref<128xi32, #tpu.memory_space<vmem>>
        %dma_start3A_95 = arith.constant 0 : i32
        %dma_start3A_96 = arith.constant 0 : i32
        %dma_start3A_97 = tpu.memref_slice %arg10[%dma_start3A_95, %dma_start3A_96] : memref<10112x128xf32, #tpu.memory_space<vmem_shared>> -> memref<10112x128xf32, #tpu.memory_space<vmem_shared>>
        tpu.enqueue_indirect_dma source(%dma_start3A_91 : memref<128x128xf32, #tpu.memory_space<vmem>>) target(%dma_start3A_97 : memref<10112x128xf32, #tpu.memory_space<vmem_shared>>) offsets(%dma_start3A_94 : memref<128xi32, #tpu.memory_space<vmem>>) semaphore(%run_scoped3A_87 : memref<!tpu.dma_semaphore, #tpu.memory_space<semaphore_mem>>) {add = true}
        %dma_wait3A_98 = arith.constant 0 : i32
        %dma_wait3A_99 = arith.constant 0 : i32
        %dma_wait3A_100 = tpu.memref_slice %arg9[%run_scoped3A, %dma_wait3A_98, %dma_wait3A_99] : memref<2x128x128xf32, #tpu.memory_space<vmem>> -> memref<1x128x128xf32, #tpu.memory_space<vmem>>
        %dma_wait3A_101 = tpu.memref_squeeze %dma_wait3A_100 : memref<1x128x128xf32, #tpu.memory_space<vmem>> -> memref<128x128xf32, #tpu.memory_space<vmem>>
        %dma_wait3A_102 = arith.constant 0 : i32
        %dma_wait3A_103 = tpu.memref_slice %arg8[%mul3A_49, %dma_wait3A_102] : memref<40x128xi32, #tpu.memory_space<vmem>> -> memref<1x128xi32, #tpu.memory_space<vmem>>
        %dma_wait3A_104 = tpu.memref_squeeze %dma_wait3A_103 : memref<1x128xi32, #tpu.memory_space<vmem>> -> memref<128xi32, #tpu.memory_space<vmem>>
        %dma_wait3A_105 = arith.constant 0 : i32
        %dma_wait3A_106 = arith.constant 0 : i32
        %dma_wait3A_107 = tpu.memref_slice %arg10[%dma_wait3A_105, %dma_wait3A_106] : memref<10112x128xf32, #tpu.memory_space<vmem_shared>> -> memref<10112x128xf32, #tpu.memory_space<vmem_shared>>
        tpu.wait_indirect_dma semaphore(%run_scoped3A_87 : memref<!tpu.dma_semaphore, #tpu.memory_space<semaphore_mem>>) src(%dma_wait3A_101 : memref<128x128xf32, #tpu.memory_space<vmem>>) dst(%dma_wait3A_107 : memref<10112x128xf32, #tpu.memory_space<vmem_shared>>)
        tpu.yield
      }) : () -> ()
      %mul3A_64 = arith.constant 2 : i32
      %mul3A_65 = arith.muli %mul3A_64, %scan3A_47 : i32
      %add3A_66 = arith.constant 1 : i32
      %add3A_67 = arith.addi %mul3A_65, %add3A_66 : i32
      %add3A_68 = arith.constant 1 : i32
      %add3A_69 = arith.addi %add3A_67, %add3A_68 : i32
      %lt3A_70 = arith.constant 40 : i32
      %lt3A_71 = arith.cmpi slt, %add3A_69, %lt3A_70 : i32
      %convert_element_type3A_72 = arith.extui %lt3A_71 : i1 to i32
      %cond3A_73 = arith.constant 0 : i32
      %cond3A_74 = arith.cmpi ne, %convert_element_type3A_72, %cond3A_73 : i32
      scf.if %cond3A_74 {
        %add3A_87 = arith.constant 1 : i32
        %add3A_88 = arith.addi %add3A_67, %add3A_87 : i32
        %dma_start3A_89 = arith.constant 0 : i32
        %dma_start3A_90 = arith.constant 0 : i32
        %dma_start3A_91 = arith.constant 0 : i32
        %dma_start3A_92 = tpu.memref_slice %arg9[%dma_start3A_89, %dma_start3A_90, %dma_start3A_91] : memref<2x128x128xf32, #tpu.memory_space<vmem>> -> memref<1x128x128xf32, #tpu.memory_space<vmem>>
        %dma_start3A_93 = tpu.memref_squeeze %dma_start3A_92 : memref<1x128x128xf32, #tpu.memory_space<vmem>> -> memref<128x128xf32, #tpu.memory_space<vmem>>
        %dma_start3A_94 = arith.constant 0 : i32
        %dma_start3A_95 = tpu.memref_slice %arg7[%add3A_88, %dma_start3A_94] : memref<40x128xi32, #tpu.memory_space<vmem>> -> memref<1x128xi32, #tpu.memory_space<vmem>>
        %dma_start3A_96 = tpu.memref_squeeze %dma_start3A_95 : memref<1x128xi32, #tpu.memory_space<vmem>> -> memref<128xi32, #tpu.memory_space<vmem>>
        %dma_start3A_97 = arith.constant 0 : i32
        %dma_start3A_98 = arith.constant 0 : i32
        %dma_start3A_99 = tpu.memref_slice %arg2[%dma_start3A_97, %dma_start3A_98] : memref<10000x128xf32, #tpu.memory_space<hbm>> -> memref<10000x128xf32, #tpu.memory_space<hbm>>
        tpu.enqueue_indirect_dma source(%dma_start3A_99 : memref<10000x128xf32, #tpu.memory_space<hbm>>) target(%dma_start3A_93 : memref<128x128xf32, #tpu.memory_space<vmem>>) offsets(%dma_start3A_96 : memref<128xi32, #tpu.memory_space<vmem>>) semaphore(%arg11 : memref<!tpu.dma_semaphore, #tpu.memory_space<semaphore_mem>>)
      } else {
      }
      %dma_wait3A_75 = arith.constant 1 : i32
      %dma_wait3A_76 = arith.constant 0 : i32
      %dma_wait3A_77 = arith.constant 0 : i32
      %dma_wait3A_78 = tpu.memref_slice %arg9[%dma_wait3A_75, %dma_wait3A_76, %dma_wait3A_77] : memref<2x128x128xf32, #tpu.memory_space<vmem>> -> memref<1x128x128xf32, #tpu.memory_space<vmem>>
      %dma_wait3A_79 = tpu.memref_squeeze %dma_wait3A_78 : memref<1x128x128xf32, #tpu.memory_space<vmem>> -> memref<128x128xf32, #tpu.memory_space<vmem>>
      %dma_wait3A_80 = arith.constant 0 : i32
      %dma_wait3A_81 = tpu.memref_slice %arg7[%add3A_67, %dma_wait3A_80] : memref<40x128xi32, #tpu.memory_space<vmem>> -> memref<1x128xi32, #tpu.memory_space<vmem>>
      %dma_wait3A_82 = tpu.memref_squeeze %dma_wait3A_81 : memref<1x128xi32, #tpu.memory_space<vmem>> -> memref<128xi32, #tpu.memory_space<vmem>>
      %dma_wait3A_83 = arith.constant 0 : i32
      %dma_wait3A_84 = arith.constant 0 : i32
      %dma_wait3A_85 = tpu.memref_slice %arg2[%dma_wait3A_83, %dma_wait3A_84] : memref<10000x128xf32, #tpu.memory_space<hbm>> -> memref<10000x128xf32, #tpu.memory_space<hbm>>
      tpu.wait_indirect_dma semaphore(%arg11 : memref<!tpu.dma_semaphore, #tpu.memory_space<semaphore_mem>>) src(%dma_wait3A_85 : memref<10000x128xf32, #tpu.memory_space<hbm>>) dst(%dma_wait3A_79 : memref<128x128xf32, #tpu.memory_space<vmem>>)
      %run_scoped3A_86 = arith.constant 1 : i32
      "tpu.region"() ({
        %run_scoped3A_87 = tpu.sem_alloc : memref<!tpu.dma_semaphore, #tpu.memory_space<semaphore_mem>>
        %dma_start3A_88 = arith.constant 0 : i32
        %dma_start3A_89 = arith.constant 0 : i32
        %dma_start3A_90 = tpu.memref_slice %arg9[%run_scoped3A_86, %dma_start3A_88, %dma_start3A_89] : memref<2x128x128xf32, #tpu.memory_space<vmem>> -> memref<1x128x128xf32, #tpu.memory_space<vmem>>
        %dma_start3A_91 = tpu.memref_squeeze %dma_start3A_90 : memref<1x128x128xf32, #tpu.memory_space<vmem>> -> memref<128x128xf32, #tpu.memory_space<vmem>>
        %dma_start3A_92 = arith.constant 0 : i32
        %dma_start3A_93 = tpu.memref_slice %arg8[%add3A_67, %dma_start3A_92] : memref<40x128xi32, #tpu.memory_space<vmem>> -> memref<1x128xi32, #tpu.memory_space<vmem>>
        %dma_start3A_94 = tpu.memref_squeeze %dma_start3A_93 : memref<1x128xi32, #tpu.memory_space<vmem>> -> memref<128xi32, #tpu.memory_space<vmem>>
        %dma_start3A_95 = arith.constant 0 : i32
        %dma_start3A_96 = arith.constant 0 : i32
        %dma_start3A_97 = tpu.memref_slice %arg10[%dma_start3A_95, %dma_start3A_96] : memref<10112x128xf32, #tpu.memory_space<vmem_shared>> -> memref<10112x128xf32, #tpu.memory_space<vmem_shared>>
        tpu.enqueue_indirect_dma source(%dma_start3A_91 : memref<128x128xf32, #tpu.memory_space<vmem>>) target(%dma_start3A_97 : memref<10112x128xf32, #tpu.memory_space<vmem_shared>>) offsets(%dma_start3A_94 : memref<128xi32, #tpu.memory_space<vmem>>) semaphore(%run_scoped3A_87 : memref<!tpu.dma_semaphore, #tpu.memory_space<semaphore_mem>>) {add = true}
        %dma_wait3A_98 = arith.constant 0 : i32
        %dma_wait3A_99 = arith.constant 0 : i32
        %dma_wait3A_100 = tpu.memref_slice %arg9[%run_scoped3A_86, %dma_wait3A_98, %dma_wait3A_99] : memref<2x128x128xf32, #tpu.memory_space<vmem>> -> memref<1x128x128xf32, #tpu.memory_space<vmem>>
        %dma_wait3A_101 = tpu.memref_squeeze %dma_wait3A_100 : memref<1x128x128xf32, #tpu.memory_space<vmem>> -> memref<128x128xf32, #tpu.memory_space<vmem>>
        %dma_wait3A_102 = arith.constant 0 : i32
        %dma_wait3A_103 = tpu.memref_slice %arg8[%add3A_67, %dma_wait3A_102] : memref<40x128xi32, #tpu.memory_space<vmem>> -> memref<1x128xi32, #tpu.memory_space<vmem>>
        %dma_wait3A_104 = tpu.memref_squeeze %dma_wait3A_103 : memref<1x128xi32, #tpu.memory_space<vmem>> -> memref<128xi32, #tpu.memory_space<vmem>>
        %dma_wait3A_105 = arith.constant 0 : i32
        %dma_wait3A_106 = arith.constant 0 : i32
        %dma_wait3A_107 = tpu.memref_slice %arg10[%dma_wait3A_105, %dma_wait3A_106] : memref<10112x128xf32, #tpu.memory_space<vmem_shared>> -> memref<10112x128xf32, #tpu.memory_space<vmem_shared>>
        tpu.wait_indirect_dma semaphore(%run_scoped3A_87 : memref<!tpu.dma_semaphore, #tpu.memory_space<semaphore_mem>>) src(%dma_wait3A_101 : memref<128x128xf32, #tpu.memory_space<vmem>>) dst(%dma_wait3A_107 : memref<10112x128xf32, #tpu.memory_space<vmem_shared>>)
        tpu.yield
      }) : () -> ()
    }
    %scan3A_22 = arith.constant 20 : i32
    %add3A_23 = arith.constant 40 : i32
    %add3A_24 = arith.addi %mul3A_4, %add3A_23 : i32
    "tpu.region"() ({
      %run_scoped3A = tpu.sem_alloc : memref<!tpu.dma_semaphore, #tpu.memory_space<semaphore_mem>>
      %dma_start3A_47 = arith.constant 0 : i32
      %dma_start3A_48 = tpu.memref_slice %arg3[%add3A_24, %dma_start3A_47] : memref<2560x128xi32, #tpu.memory_space<hbm>> -> memref<40x128xi32, #tpu.memory_space<hbm>>
      %dma_start3A_49 = arith.constant 0 : i32
      %dma_start3A_50 = tpu.memref_slice %arg3[%add3A_24, %dma_start3A_49] : memref<2560x128xi32, #tpu.memory_space<hbm>> -> memref<40x128xi32, #tpu.memory_space<hbm>>
      tpu.enqueue_dma source(%dma_start3A_50 : memref<40x128xi32, #tpu.memory_space<hbm>>) target(%arg7 : memref<40x128xi32, #tpu.memory_space<vmem>>) target_semaphore(%run_scoped3A : memref<!tpu.dma_semaphore, #tpu.memory_space<semaphore_mem>>)
      %dma_wait3A = arith.constant 0 : i32
      %dma_wait3A_51 = tpu.memref_slice %arg3[%add3A_24, %dma_wait3A] : memref<2560x128xi32, #tpu.memory_space<hbm>> -> memref<40x128xi32, #tpu.memory_space<hbm>>
      %dma_wait3A_52 = arith.constant 0 : i32
      %dma_wait3A_53 = tpu.memref_slice %arg3[%add3A_24, %dma_wait3A_52] : memref<2560x128xi32, #tpu.memory_space<hbm>> -> memref<40x128xi32, #tpu.memory_space<hbm>>
      tpu.wait_dma2 semaphore(%run_scoped3A : memref<!tpu.dma_semaphore, #tpu.memory_space<semaphore_mem>>) src(%dma_wait3A_53 : memref<40x128xi32, #tpu.memory_space<hbm>>) dst(%arg7 : memref<40x128xi32, #tpu.memory_space<vmem>>)
      tpu.yield
    }) : () -> ()
    "tpu.region"() ({
      %run_scoped3A = tpu.sem_alloc : memref<!tpu.dma_semaphore, #tpu.memory_space<semaphore_mem>>
      %dma_start3A_47 = arith.constant 0 : i32
      %dma_start3A_48 = tpu.memref_slice %arg4[%add3A_24, %dma_start3A_47] : memref<2560x128xi32, #tpu.memory_space<hbm>> -> memref<40x128xi32, #tpu.memory_space<hbm>>
      %dma_start3A_49 = arith.constant 0 : i32
      %dma_start3A_50 = tpu.memref_slice %arg4[%add3A_24, %dma_start3A_49] : memref<2560x128xi32, #tpu.memory_space<hbm>> -> memref<40x128xi32, #tpu.memory_space<hbm>>
      tpu.enqueue_dma source(%dma_start3A_50 : memref<40x128xi32, #tpu.memory_space<hbm>>) target(%arg8 : memref<40x128xi32, #tpu.memory_space<vmem>>) target_semaphore(%run_scoped3A : memref<!tpu.dma_semaphore, #tpu.memory_space<semaphore_mem>>)
      %dma_wait3A = arith.constant 0 : i32
      %dma_wait3A_51 = tpu.memref_slice %arg4[%add3A_24, %dma_wait3A] : memref<2560x128xi32, #tpu.memory_space<hbm>> -> memref<40x128xi32, #tpu.memory_space<hbm>>
      %dma_wait3A_52 = arith.constant 0 : i32
      %dma_wait3A_53 = tpu.memref_slice %arg4[%add3A_24, %dma_wait3A_52] : memref<2560x128xi32, #tpu.memory_space<hbm>> -> memref<40x128xi32, #tpu.memory_space<hbm>>
      tpu.wait_dma2 semaphore(%run_scoped3A : memref<!tpu.dma_semaphore, #tpu.memory_space<semaphore_mem>>) src(%dma_wait3A_53 : memref<40x128xi32, #tpu.memory_space<hbm>>) dst(%arg8 : memref<40x128xi32, #tpu.memory_space<vmem>>)
      tpu.yield
    }) : () -> ()
    %dma_start3A_25 = arith.constant 0 : i32
    %dma_start3A_26 = arith.constant 0 : i32
    %dma_start3A_27 = arith.constant 0 : i32
    %dma_start3A_28 = arith.constant 0 : i32
    %dma_start3A_29 = tpu.memref_slice %arg9[%dma_start3A_26, %dma_start3A_27, %dma_start3A_28] : memref<2x128x128xf32, #tpu.memory_space<vmem>> -> memref<1x128x128xf32, #tpu.memory_space<vmem>>
    %dma_start3A_30 = tpu.memref_squeeze %dma_start3A_29 : memref<1x128x128xf32, #tpu.memory_space<vmem>> -> memref<128x128xf32, #tpu.memory_space<vmem>>
    %dma_start3A_31 = arith.constant 0 : i32
    %dma_start3A_32 = tpu.memref_slice %arg7[%dma_start3A_25, %dma_start3A_31] : memref<40x128xi32, #tpu.memory_space<vmem>> -> memref<1x128xi32, #tpu.memory_space<vmem>>
    %dma_start3A_33 = tpu.memref_squeeze %dma_start3A_32 : memref<1x128xi32, #tpu.memory_space<vmem>> -> memref<128xi32, #tpu.memory_space<vmem>>
    %dma_start3A_34 = arith.constant 0 : i32
    %dma_start3A_35 = arith.constant 0 : i32
    %dma_start3A_36 = tpu.memref_slice %arg2[%dma_start3A_34, %dma_start3A_35] : memref<10000x128xf32, #tpu.memory_space<hbm>> -> memref<10000x128xf32, #tpu.memory_space<hbm>>
    tpu.enqueue_indirect_dma source(%dma_start3A_36 : memref<10000x128xf32, #tpu.memory_space<hbm>>) target(%dma_start3A_30 : memref<128x128xf32, #tpu.memory_space<vmem>>) offsets(%dma_start3A_33 : memref<128xi32, #tpu.memory_space<vmem>>) semaphore(%arg11 : memref<!tpu.dma_semaphore, #tpu.memory_space<semaphore_mem>>)
    %scan3A_37 = arith.constant 0 : i32
    %scan3A_38 = arith.constant 0 : i32
    %scan3A_39 = arith.constant 20 : i32
    %scan3A_40 = arith.addi %scan3A_38, %scan3A_39 : i32
    %scan3A_41 = arith.constant 1 : i32
    scf.for %scan3A_47 = %scan3A_38 to %scan3A_40 step %scan3A_41  : i32 {
      %mul3A_48 = arith.constant 2 : i32
      %mul3A_49 = arith.muli %mul3A_48, %scan3A_47 : i32
      %add3A_50 = arith.constant 1 : i32
      %add3A_51 = arith.addi %mul3A_49, %add3A_50 : i32
      %lt3A = arith.constant 40 : i32
      %lt3A_52 = arith.cmpi slt, %add3A_51, %lt3A : i32
      %convert_element_type3A = arith.extui %lt3A_52 : i1 to i32
      %cond3A = arith.constant 0 : i32
      %cond3A_53 = arith.cmpi ne, %convert_element_type3A, %cond3A : i32
      scf.if %cond3A_53 {
        %add3A_87 = arith.constant 1 : i32
        %add3A_88 = arith.addi %mul3A_49, %add3A_87 : i32
        %dma_start3A_89 = arith.constant 1 : i32
        %dma_start3A_90 = arith.constant 0 : i32
        %dma_start3A_91 = arith.constant 0 : i32
        %dma_start3A_92 = tpu.memref_slice %arg9[%dma_start3A_89, %dma_start3A_90, %dma_start3A_91] : memref<2x128x128xf32, #tpu.memory_space<vmem>> -> memref<1x128x128xf32, #tpu.memory_space<vmem>>
        %dma_start3A_93 = tpu.memref_squeeze %dma_start3A_92 : memref<1x128x128xf32, #tpu.memory_space<vmem>> -> memref<128x128xf32, #tpu.memory_space<vmem>>
        %dma_start3A_94 = arith.constant 0 : i32
        %dma_start3A_95 = tpu.memref_slice %arg7[%add3A_88, %dma_start3A_94] : memref<40x128xi32, #tpu.memory_space<vmem>> -> memref<1x128xi32, #tpu.memory_space<vmem>>
        %dma_start3A_96 = tpu.memref_squeeze %dma_start3A_95 : memref<1x128xi32, #tpu.memory_space<vmem>> -> memref<128xi32, #tpu.memory_space<vmem>>
        %dma_start3A_97 = arith.constant 0 : i32
        %dma_start3A_98 = arith.constant 0 : i32
        %dma_start3A_99 = tpu.memref_slice %arg2[%dma_start3A_97, %dma_start3A_98] : memref<10000x128xf32, #tpu.memory_space<hbm>> -> memref<10000x128xf32, #tpu.memory_space<hbm>>
        tpu.enqueue_indirect_dma source(%dma_start3A_99 : memref<10000x128xf32, #tpu.memory_space<hbm>>) target(%dma_start3A_93 : memref<128x128xf32, #tpu.memory_space<vmem>>) offsets(%dma_start3A_96 : memref<128xi32, #tpu.memory_space<vmem>>) semaphore(%arg11 : memref<!tpu.dma_semaphore, #tpu.memory_space<semaphore_mem>>)
      } else {
      }
      %dma_wait3A = arith.constant 0 : i32
      %dma_wait3A_54 = arith.constant 0 : i32
      %dma_wait3A_55 = arith.constant 0 : i32
      %dma_wait3A_56 = tpu.memref_slice %arg9[%dma_wait3A, %dma_wait3A_54, %dma_wait3A_55] : memref<2x128x128xf32, #tpu.memory_space<vmem>> -> memref<1x128x128xf32, #tpu.memory_space<vmem>>
      %dma_wait3A_57 = tpu.memref_squeeze %dma_wait3A_56 : memref<1x128x128xf32, #tpu.memory_space<vmem>> -> memref<128x128xf32, #tpu.memory_space<vmem>>
      %dma_wait3A_58 = arith.constant 0 : i32
      %dma_wait3A_59 = tpu.memref_slice %arg7[%mul3A_49, %dma_wait3A_58] : memref<40x128xi32, #tpu.memory_space<vmem>> -> memref<1x128xi32, #tpu.memory_space<vmem>>
      %dma_wait3A_60 = tpu.memref_squeeze %dma_wait3A_59 : memref<1x128xi32, #tpu.memory_space<vmem>> -> memref<128xi32, #tpu.memory_space<vmem>>
      %dma_wait3A_61 = arith.constant 0 : i32
      %dma_wait3A_62 = arith.constant 0 : i32
      %dma_wait3A_63 = tpu.memref_slice %arg2[%dma_wait3A_61, %dma_wait3A_62] : memref<10000x128xf32, #tpu.memory_space<hbm>> -> memref<10000x128xf32, #tpu.memory_space<hbm>>
      tpu.wait_indirect_dma semaphore(%arg11 : memref<!tpu.dma_semaphore, #tpu.memory_space<semaphore_mem>>) src(%dma_wait3A_63 : memref<10000x128xf32, #tpu.memory_space<hbm>>) dst(%dma_wait3A_57 : memref<128x128xf32, #tpu.memory_space<vmem>>)
      %run_scoped3A = arith.constant 0 : i32
      "tpu.region"() ({
        %run_scoped3A_87 = tpu.sem_alloc : memref<!tpu.dma_semaphore, #tpu.memory_space<semaphore_mem>>
        %dma_start3A_88 = arith.constant 0 : i32
        %dma_start3A_89 = arith.constant 0 : i32
        %dma_start3A_90 = tpu.memref_slice %arg9[%run_scoped3A, %dma_start3A_88, %dma_start3A_89] : memref<2x128x128xf32, #tpu.memory_space<vmem>> -> memref<1x128x128xf32, #tpu.memory_space<vmem>>
        %dma_start3A_91 = tpu.memref_squeeze %dma_start3A_90 : memref<1x128x128xf32, #tpu.memory_space<vmem>> -> memref<128x128xf32, #tpu.memory_space<vmem>>
        %dma_start3A_92 = arith.constant 0 : i32
        %dma_start3A_93 = tpu.memref_slice %arg8[%mul3A_49, %dma_start3A_92] : memref<40x128xi32, #tpu.memory_space<vmem>> -> memref<1x128xi32, #tpu.memory_space<vmem>>
        %dma_start3A_94 = tpu.memref_squeeze %dma_start3A_93 : memref<1x128xi32, #tpu.memory_space<vmem>> -> memref<128xi32, #tpu.memory_space<vmem>>
        %dma_start3A_95 = arith.constant 0 : i32
        %dma_start3A_96 = arith.constant 0 : i32
        %dma_start3A_97 = tpu.memref_slice %arg10[%dma_start3A_95, %dma_start3A_96] : memref<10112x128xf32, #tpu.memory_space<vmem_shared>> -> memref<10112x128xf32, #tpu.memory_space<vmem_shared>>
        tpu.enqueue_indirect_dma source(%dma_start3A_91 : memref<128x128xf32, #tpu.memory_space<vmem>>) target(%dma_start3A_97 : memref<10112x128xf32, #tpu.memory_space<vmem_shared>>) offsets(%dma_start3A_94 : memref<128xi32, #tpu.memory_space<vmem>>) semaphore(%run_scoped3A_87 : memref<!tpu.dma_semaphore, #tpu.memory_space<semaphore_mem>>) {add = true}
        %dma_wait3A_98 = arith.constant 0 : i32
        %dma_wait3A_99 = arith.constant 0 : i32
        %dma_wait3A_100 = tpu.memref_slice %arg9[%run_scoped3A, %dma_wait3A_98, %dma_wait3A_99] : memref<2x128x128xf32, #tpu.memory_space<vmem>> -> memref<1x128x128xf32, #tpu.memory_space<vmem>>
        %dma_wait3A_101 = tpu.memref_squeeze %dma_wait3A_100 : memref<1x128x128xf32, #tpu.memory_space<vmem>> -> memref<128x128xf32, #tpu.memory_space<vmem>>
        %dma_wait3A_102 = arith.constant 0 : i32
        %dma_wait3A_103 = tpu.memref_slice %arg8[%mul3A_49, %dma_wait3A_102] : memref<40x128xi32, #tpu.memory_space<vmem>> -> memref<1x128xi32, #tpu.memory_space<vmem>>
        %dma_wait3A_104 = tpu.memref_squeeze %dma_wait3A_103 : memref<1x128xi32, #tpu.memory_space<vmem>> -> memref<128xi32, #tpu.memory_space<vmem>>
        %dma_wait3A_105 = arith.constant 0 : i32
        %dma_wait3A_106 = arith.constant 0 : i32
        %dma_wait3A_107 = tpu.memref_slice %arg10[%dma_wait3A_105, %dma_wait3A_106] : memref<10112x128xf32, #tpu.memory_space<vmem_shared>> -> memref<10112x128xf32, #tpu.memory_space<vmem_shared>>
        tpu.wait_indirect_dma semaphore(%run_scoped3A_87 : memref<!tpu.dma_semaphore, #tpu.memory_space<semaphore_mem>>) src(%dma_wait3A_101 : memref<128x128xf32, #tpu.memory_space<vmem>>) dst(%dma_wait3A_107 : memref<10112x128xf32, #tpu.memory_space<vmem_shared>>)
        tpu.yield
      }) : () -> ()
      %mul3A_64 = arith.constant 2 : i32
      %mul3A_65 = arith.muli %mul3A_64, %scan3A_47 : i32
      %add3A_66 = arith.constant 1 : i32
      %add3A_67 = arith.addi %mul3A_65, %add3A_66 : i32
      %add3A_68 = arith.constant 1 : i32
      %add3A_69 = arith.addi %add3A_67, %add3A_68 : i32
      %lt3A_70 = arith.constant 40 : i32
      %lt3A_71 = arith.cmpi slt, %add3A_69, %lt3A_70 : i32
      %convert_element_type3A_72 = arith.extui %lt3A_71 : i1 to i32
      %cond3A_73 = arith.constant 0 : i32
      %cond3A_74 = arith.cmpi ne, %convert_element_type3A_72, %cond3A_73 : i32
      scf.if %cond3A_74 {
        %add3A_87 = arith.constant 1 : i32
        %add3A_88 = arith.addi %add3A_67, %add3A_87 : i32
        %dma_start3A_89 = arith.constant 0 : i32
        %dma_start3A_90 = arith.constant 0 : i32
        %dma_start3A_91 = arith.constant 0 : i32
        %dma_start3A_92 = tpu.memref_slice %arg9[%dma_start3A_89, %dma_start3A_90, %dma_start3A_91] : memref<2x128x128xf32, #tpu.memory_space<vmem>> -> memref<1x128x128xf32, #tpu.memory_space<vmem>>
        %dma_start3A_93 = tpu.memref_squeeze %dma_start3A_92 : memref<1x128x128xf32, #tpu.memory_space<vmem>> -> memref<128x128xf32, #tpu.memory_space<vmem>>
        %dma_start3A_94 = arith.constant 0 : i32
        %dma_start3A_95 = tpu.memref_slice %arg7[%add3A_88, %dma_start3A_94] : memref<40x128xi32, #tpu.memory_space<vmem>> -> memref<1x128xi32, #tpu.memory_space<vmem>>
        %dma_start3A_96 = tpu.memref_squeeze %dma_start3A_95 : memref<1x128xi32, #tpu.memory_space<vmem>> -> memref<128xi32, #tpu.memory_space<vmem>>
        %dma_start3A_97 = arith.constant 0 : i32
        %dma_start3A_98 = arith.constant 0 : i32
        %dma_start3A_99 = tpu.memref_slice %arg2[%dma_start3A_97, %dma_start3A_98] : memref<10000x128xf32, #tpu.memory_space<hbm>> -> memref<10000x128xf32, #tpu.memory_space<hbm>>
        tpu.enqueue_indirect_dma source(%dma_start3A_99 : memref<10000x128xf32, #tpu.memory_space<hbm>>) target(%dma_start3A_93 : memref<128x128xf32, #tpu.memory_space<vmem>>) offsets(%dma_start3A_96 : memref<128xi32, #tpu.memory_space<vmem>>) semaphore(%arg11 : memref<!tpu.dma_semaphore, #tpu.memory_space<semaphore_mem>>)
      } else {
      }
      %dma_wait3A_75 = arith.constant 1 : i32
      %dma_wait3A_76 = arith.constant 0 : i32
      %dma_wait3A_77 = arith.constant 0 : i32
      %dma_wait3A_78 = tpu.memref_slice %arg9[%dma_wait3A_75, %dma_wait3A_76, %dma_wait3A_77] : memref<2x128x128xf32, #tpu.memory_space<vmem>> -> memref<1x128x128xf32, #tpu.memory_space<vmem>>
      %dma_wait3A_79 = tpu.memref_squeeze %dma_wait3A_78 : memref<1x128x128xf32, #tpu.memory_space<vmem>> -> memref<128x128xf32, #tpu.memory_space<vmem>>
      %dma_wait3A_80 = arith.constant 0 : i32
      %dma_wait3A_81 = tpu.memref_slice %arg7[%add3A_67, %dma_wait3A_80] : memref<40x128xi32, #tpu.memory_space<vmem>> -> memref<1x128xi32, #tpu.memory_space<vmem>>
      %dma_wait3A_82 = tpu.memref_squeeze %dma_wait3A_81 : memref<1x128xi32, #tpu.memory_space<vmem>> -> memref<128xi32, #tpu.memory_space<vmem>>
      %dma_wait3A_83 = arith.constant 0 : i32
      %dma_wait3A_84 = arith.constant 0 : i32
      %dma_wait3A_85 = tpu.memref_slice %arg2[%dma_wait3A_83, %dma_wait3A_84] : memref<10000x128xf32, #tpu.memory_space<hbm>> -> memref<10000x128xf32, #tpu.memory_space<hbm>>
      tpu.wait_indirect_dma semaphore(%arg11 : memref<!tpu.dma_semaphore, #tpu.memory_space<semaphore_mem>>) src(%dma_wait3A_85 : memref<10000x128xf32, #tpu.memory_space<hbm>>) dst(%dma_wait3A_79 : memref<128x128xf32, #tpu.memory_space<vmem>>)
      %run_scoped3A_86 = arith.constant 1 : i32
      "tpu.region"() ({
        %run_scoped3A_87 = tpu.sem_alloc : memref<!tpu.dma_semaphore, #tpu.memory_space<semaphore_mem>>
        %dma_start3A_88 = arith.constant 0 : i32
        %dma_start3A_89 = arith.constant 0 : i32
        %dma_start3A_90 = tpu.memref_slice %arg9[%run_scoped3A_86, %dma_start3A_88, %dma_start3A_89] : memref<2x128x128xf32, #tpu.memory_space<vmem>> -> memref<1x128x128xf32, #tpu.memory_space<vmem>>
        %dma_start3A_91 = tpu.memref_squeeze %dma_start3A_90 : memref<1x128x128xf32, #tpu.memory_space<vmem>> -> memref<128x128xf32, #tpu.memory_space<vmem>>
        %dma_start3A_92 = arith.constant 0 : i32
        %dma_start3A_93 = tpu.memref_slice %arg8[%add3A_67, %dma_start3A_92] : memref<40x128xi32, #tpu.memory_space<vmem>> -> memref<1x128xi32, #tpu.memory_space<vmem>>
        %dma_start3A_94 = tpu.memref_squeeze %dma_start3A_93 : memref<1x128xi32, #tpu.memory_space<vmem>> -> memref<128xi32, #tpu.memory_space<vmem>>
        %dma_start3A_95 = arith.constant 0 : i32
        %dma_start3A_96 = arith.constant 0 : i32
        %dma_start3A_97 = tpu.memref_slice %arg10[%dma_start3A_95, %dma_start3A_96] : memref<10112x128xf32, #tpu.memory_space<vmem_shared>> -> memref<10112x128xf32, #tpu.memory_space<vmem_shared>>
        tpu.enqueue_indirect_dma source(%dma_start3A_91 : memref<128x128xf32, #tpu.memory_space<vmem>>) target(%dma_start3A_97 : memref<10112x128xf32, #tpu.memory_space<vmem_shared>>) offsets(%dma_start3A_94 : memref<128xi32, #tpu.memory_space<vmem>>) semaphore(%run_scoped3A_87 : memref<!tpu.dma_semaphore, #tpu.memory_space<semaphore_mem>>) {add = true}
        %dma_wait3A_98 = arith.constant 0 : i32
        %dma_wait3A_99 = arith.constant 0 : i32
        %dma_wait3A_100 = tpu.memref_slice %arg9[%run_scoped3A_86, %dma_wait3A_98, %dma_wait3A_99] : memref<2x128x128xf32, #tpu.memory_space<vmem>> -> memref<1x128x128xf32, #tpu.memory_space<vmem>>
        %dma_wait3A_101 = tpu.memref_squeeze %dma_wait3A_100 : memref<1x128x128xf32, #tpu.memory_space<vmem>> -> memref<128x128xf32, #tpu.memory_space<vmem>>
        %dma_wait3A_102 = arith.constant 0 : i32
        %dma_wait3A_103 = tpu.memref_slice %arg8[%add3A_67, %dma_wait3A_102] : memref<40x128xi32, #tpu.memory_space<vmem>> -> memref<1x128xi32, #tpu.memory_space<vmem>>
        %dma_wait3A_104 = tpu.memref_squeeze %dma_wait3A_103 : memref<1x128xi32, #tpu.memory_space<vmem>> -> memref<128xi32, #tpu.memory_space<vmem>>
        %dma_wait3A_105 = arith.constant 0 : i32
        %dma_wait3A_106 = arith.constant 0 : i32
        %dma_wait3A_107 = tpu.memref_slice %arg10[%dma_wait3A_105, %dma_wait3A_106] : memref<10112x128xf32, #tpu.memory_space<vmem_shared>> -> memref<10112x128xf32, #tpu.memory_space<vmem_shared>>
        tpu.wait_indirect_dma semaphore(%run_scoped3A_87 : memref<!tpu.dma_semaphore, #tpu.memory_space<semaphore_mem>>) src(%dma_wait3A_101 : memref<128x128xf32, #tpu.memory_space<vmem>>) dst(%dma_wait3A_107 : memref<10112x128xf32, #tpu.memory_space<vmem_shared>>)
        tpu.yield
      }) : () -> ()
    }
    %scan3A_42 = arith.constant 20 : i32
    %barrier3A_43 = arith.constant 0 : index
    tpu.barrier barrier_id(%barrier3A_43)
    %mul3A_44 = arith.constant 10112 : i32
    %mul3A_45 = arith.muli %arg0, %mul3A_44 : i32
    %add3A_46 = arith.addi %mul3A_45, %mul3A_0 : i32
    "tpu.region"() ({
      %run_scoped3A = tpu.sem_alloc : memref<!tpu.dma_semaphore, #tpu.memory_space<semaphore_mem>>
      %dma_start3A_47 = arith.constant 0 : i32
      %dma_start3A_48 = tpu.memref_slice %arg6[%add3A_46, %dma_start3A_47] : memref<20224x128xf32, #tpu.memory_space<hbm>> -> memref<632x128xf32, #tpu.memory_space<hbm>>
      %dma_start3A_49 = arith.constant 0 : i32
      %dma_start3A_50 = tpu.memref_slice %arg10[%mul3A_0, %dma_start3A_49] : memref<10112x128xf32, #tpu.memory_space<vmem_shared>> -> memref<632x128xf32, #tpu.memory_space<vmem_shared>>
      tpu.enqueue_dma source(%dma_start3A_50 : memref<632x128xf32, #tpu.memory_space<vmem_shared>>) target(%dma_start3A_48 : memref<632x128xf32, #tpu.memory_space<hbm>>) target_semaphore(%run_scoped3A : memref<!tpu.dma_semaphore, #tpu.memory_space<semaphore_mem>>)
      %dma_wait3A = arith.constant 0 : i32
      %dma_wait3A_51 = tpu.memref_slice %arg6[%add3A_46, %dma_wait3A] : memref<20224x128xf32, #tpu.memory_space<hbm>> -> memref<632x128xf32, #tpu.memory_space<hbm>>
      %dma_wait3A_52 = arith.constant 0 : i32
      %dma_wait3A_53 = tpu.memref_slice %arg10[%mul3A_0, %dma_wait3A_52] : memref<10112x128xf32, #tpu.memory_space<vmem_shared>> -> memref<632x128xf32, #tpu.memory_space<vmem_shared>>
      tpu.wait_dma2 semaphore(%run_scoped3A : memref<!tpu.dma_semaphore, #tpu.memory_space<semaphore_mem>>) src(%dma_wait3A_53 : memref<632x128xf32, #tpu.memory_space<vmem_shared>>) dst(%dma_wait3A_51 : memref<632x128xf32, #tpu.memory_space<hbm>>)
      tpu.yield
    }) : () -> ()
    return
  }
}

#map = affine_map<(d0, d1) -> (0, 0)>
#map1 = affine_map<(d0, d1) -> (0)>
module attributes {stable_mosaic.version = 14 : i64} {
  func.func @body(%arg0: i32, %arg1: i32, %arg2: memref<10000x128xf32, #tpu.memory_space<hbm>>, %arg3: memref<2560x128xi32, #tpu.memory_space<hbm>>, %arg4: memref<2560x128xi32, #tpu.memory_space<hbm>>, %arg5: memref<10112x128xf32, #tpu.memory_space<hbm>>, %arg6: memref<10112xf32, #tpu.memory_space<hbm>>, %arg7: memref<128xf32, #tpu.memory_space<hbm>>, %arg8: memref<20224x128xf32, #tpu.memory_space<hbm>>, %arg9: memref<20224xf32, #tpu.memory_space<hbm>>, %arg10: memref<40x128xi32, #tpu.memory_space<vmem>>, %arg11: memref<40x128xi32, #tpu.memory_space<vmem>>, %arg12: memref<2x128x128xf32, #tpu.memory_space<vmem>>, %arg13: memref<10112x128xf32, #tpu.memory_space<vmem_shared>>, %arg14: memref<!tpu.dma_semaphore, #tpu.memory_space<semaphore_mem>>, %arg15: memref<128xf32, #tpu.memory_space<vmem>>, %arg16: memref<10112xf32, #tpu.memory_space<vmem_shared>>, %arg17: memref<632xf32, #tpu.memory_space<vmem>>) attributes {dimension_semantics = [#tpu.dimension_semantics<core_parallel>, #tpu.dimension_semantics<subcore_parallel>], iteration_bounds = array<i64: 2, 16>, scalar_prefetch = 0 : i64, scratch_operands = 8 : i64, tpu.core_type = #tpu.core_type<sc_vector_subcore>, window_params = [{transform_indices = #map}, {transform_indices = #map}, {transform_indices = #map}, {transform_indices = #map}, {transform_indices = #map1}, {transform_indices = #map1}, {transform_indices = #map}, {transform_indices = #map1}]} {
    %mul3A = arith.constant 632 : i32
    %mul3A_0 = arith.muli %arg1, %mul3A : i32
    "tpu.region"() ({
      %run_scoped3A = tpu.sem_alloc : memref<!tpu.dma_semaphore, #tpu.memory_space<semaphore_mem>>
      %dma_start3A_50 = arith.constant 0 : i32
      %dma_start3A_51 = tpu.memref_slice %arg13[%mul3A_0, %dma_start3A_50] : memref<10112x128xf32, #tpu.memory_space<vmem_shared>> -> memref<632x128xf32, #tpu.memory_space<vmem_shared>>
      %dma_start3A_52 = arith.constant 0 : i32
      %dma_start3A_53 = tpu.memref_slice %arg5[%mul3A_0, %dma_start3A_52] : memref<10112x128xf32, #tpu.memory_space<hbm>> -> memref<632x128xf32, #tpu.memory_space<hbm>>
      tpu.enqueue_dma source(%dma_start3A_53 : memref<632x128xf32, #tpu.memory_space<hbm>>) target(%dma_start3A_51 : memref<632x128xf32, #tpu.memory_space<vmem_shared>>) target_semaphore(%run_scoped3A : memref<!tpu.dma_semaphore, #tpu.memory_space<semaphore_mem>>)
      %dma_wait3A = arith.constant 0 : i32
      %dma_wait3A_54 = tpu.memref_slice %arg13[%mul3A_0, %dma_wait3A] : memref<10112x128xf32, #tpu.memory_space<vmem_shared>> -> memref<632x128xf32, #tpu.memory_space<vmem_shared>>
      %dma_wait3A_55 = arith.constant 0 : i32
      %dma_wait3A_56 = tpu.memref_slice %arg5[%mul3A_0, %dma_wait3A_55] : memref<10112x128xf32, #tpu.memory_space<hbm>> -> memref<632x128xf32, #tpu.memory_space<hbm>>
      tpu.wait_dma2 semaphore(%run_scoped3A : memref<!tpu.dma_semaphore, #tpu.memory_space<semaphore_mem>>) src(%dma_wait3A_56 : memref<632x128xf32, #tpu.memory_space<hbm>>) dst(%dma_wait3A_54 : memref<632x128xf32, #tpu.memory_space<vmem_shared>>)
      tpu.yield
    }) : () -> ()
    "tpu.region"() ({
      %run_scoped3A = tpu.sem_alloc : memref<!tpu.dma_semaphore, #tpu.memory_space<semaphore_mem>>
      %dma_start3A_50 = tpu.memref_slice %arg6[%mul3A_0] : memref<10112xf32, #tpu.memory_space<hbm>> -> memref<632xf32, #tpu.memory_space<hbm>>
      %dma_start3A_51 = tpu.memref_slice %arg6[%mul3A_0] : memref<10112xf32, #tpu.memory_space<hbm>> -> memref<632xf32, #tpu.memory_space<hbm>>
      tpu.enqueue_dma source(%dma_start3A_51 : memref<632xf32, #tpu.memory_space<hbm>>) target(%arg17 : memref<632xf32, #tpu.memory_space<vmem>>) target_semaphore(%run_scoped3A : memref<!tpu.dma_semaphore, #tpu.memory_space<semaphore_mem>>)
      %dma_wait3A = tpu.memref_slice %arg6[%mul3A_0] : memref<10112xf32, #tpu.memory_space<hbm>> -> memref<632xf32, #tpu.memory_space<hbm>>
      %dma_wait3A_52 = tpu.memref_slice %arg6[%mul3A_0] : memref<10112xf32, #tpu.memory_space<hbm>> -> memref<632xf32, #tpu.memory_space<hbm>>
      tpu.wait_dma2 semaphore(%run_scoped3A : memref<!tpu.dma_semaphore, #tpu.memory_space<semaphore_mem>>) src(%dma_wait3A_52 : memref<632xf32, #tpu.memory_space<hbm>>) dst(%arg17 : memref<632xf32, #tpu.memory_space<vmem>>)
      tpu.yield
    }) : () -> ()
    "tpu.region"() ({
      %run_scoped3A = tpu.sem_alloc : memref<!tpu.dma_semaphore, #tpu.memory_space<semaphore_mem>>
      %dma_start3A_50 = tpu.memref_slice %arg16[%mul3A_0] : memref<10112xf32, #tpu.memory_space<vmem_shared>> -> memref<632xf32, #tpu.memory_space<vmem_shared>>
      %dma_start3A_51 = tpu.memref_slice %arg16[%mul3A_0] : memref<10112xf32, #tpu.memory_space<vmem_shared>> -> memref<632xf32, #tpu.memory_space<vmem_shared>>
      tpu.enqueue_dma source(%arg17 : memref<632xf32, #tpu.memory_space<vmem>>) target(%dma_start3A_51 : memref<632xf32, #tpu.memory_space<vmem_shared>>) target_semaphore(%run_scoped3A : memref<!tpu.dma_semaphore, #tpu.memory_space<semaphore_mem>>)
      %dma_wait3A = tpu.memref_slice %arg16[%mul3A_0] : memref<10112xf32, #tpu.memory_space<vmem_shared>> -> memref<632xf32, #tpu.memory_space<vmem_shared>>
      %dma_wait3A_52 = tpu.memref_slice %arg16[%mul3A_0] : memref<10112xf32, #tpu.memory_space<vmem_shared>> -> memref<632xf32, #tpu.memory_space<vmem_shared>>
      tpu.wait_dma2 semaphore(%run_scoped3A : memref<!tpu.dma_semaphore, #tpu.memory_space<semaphore_mem>>) src(%arg17 : memref<632xf32, #tpu.memory_space<vmem>>) dst(%dma_wait3A_52 : memref<632xf32, #tpu.memory_space<vmem_shared>>)
      tpu.yield
    }) : () -> ()
    "tpu.region"() ({
      %run_scoped3A = tpu.sem_alloc : memref<!tpu.dma_semaphore, #tpu.memory_space<semaphore_mem>>
      tpu.enqueue_dma source(%arg7 : memref<128xf32, #tpu.memory_space<hbm>>) target(%arg15 : memref<128xf32, #tpu.memory_space<vmem>>) target_semaphore(%run_scoped3A : memref<!tpu.dma_semaphore, #tpu.memory_space<semaphore_mem>>)
      tpu.wait_dma2 semaphore(%run_scoped3A : memref<!tpu.dma_semaphore, #tpu.memory_space<semaphore_mem>>) src(%arg7 : memref<128xf32, #tpu.memory_space<hbm>>) dst(%arg15 : memref<128xf32, #tpu.memory_space<vmem>>)
      tpu.yield
    }) : () -> ()
    %mul3A_1 = arith.constant 16 : i32
    %mul3A_2 = arith.muli %arg0, %mul3A_1 : i32
    %add3A = arith.addi %mul3A_2, %arg1 : i32
    %mul3A_3 = arith.constant 80 : i32
    %mul3A_4 = arith.muli %add3A, %mul3A_3 : i32
    %barrier3A = arith.constant 0 : index
    tpu.barrier barrier_id(%barrier3A)
    %add3A_5 = arith.constant 0 : i32
    %add3A_6 = arith.addi %mul3A_4, %add3A_5 : i32
    "tpu.region"() ({
      %run_scoped3A = tpu.sem_alloc : memref<!tpu.dma_semaphore, #tpu.memory_space<semaphore_mem>>
      %dma_start3A_50 = arith.constant 0 : i32
      %dma_start3A_51 = tpu.memref_slice %arg3[%add3A_6, %dma_start3A_50] : memref<2560x128xi32, #tpu.memory_space<hbm>> -> memref<40x128xi32, #tpu.memory_space<hbm>>
      %dma_start3A_52 = arith.constant 0 : i32
      %dma_start3A_53 = tpu.memref_slice %arg3[%add3A_6, %dma_start3A_52] : memref<2560x128xi32, #tpu.memory_space<hbm>> -> memref<40x128xi32, #tpu.memory_space<hbm>>
      tpu.enqueue_dma source(%dma_start3A_53 : memref<40x128xi32, #tpu.memory_space<hbm>>) target(%arg10 : memref<40x128xi32, #tpu.memory_space<vmem>>) target_semaphore(%run_scoped3A : memref<!tpu.dma_semaphore, #tpu.memory_space<semaphore_mem>>)
      %dma_wait3A = arith.constant 0 : i32
      %dma_wait3A_54 = tpu.memref_slice %arg3[%add3A_6, %dma_wait3A] : memref<2560x128xi32, #tpu.memory_space<hbm>> -> memref<40x128xi32, #tpu.memory_space<hbm>>
      %dma_wait3A_55 = arith.constant 0 : i32
      %dma_wait3A_56 = tpu.memref_slice %arg3[%add3A_6, %dma_wait3A_55] : memref<2560x128xi32, #tpu.memory_space<hbm>> -> memref<40x128xi32, #tpu.memory_space<hbm>>
      tpu.wait_dma2 semaphore(%run_scoped3A : memref<!tpu.dma_semaphore, #tpu.memory_space<semaphore_mem>>) src(%dma_wait3A_56 : memref<40x128xi32, #tpu.memory_space<hbm>>) dst(%arg10 : memref<40x128xi32, #tpu.memory_space<vmem>>)
      tpu.yield
    }) : () -> ()
    "tpu.region"() ({
      %run_scoped3A = tpu.sem_alloc : memref<!tpu.dma_semaphore, #tpu.memory_space<semaphore_mem>>
      %dma_start3A_50 = arith.constant 0 : i32
      %dma_start3A_51 = tpu.memref_slice %arg4[%add3A_6, %dma_start3A_50] : memref<2560x128xi32, #tpu.memory_space<hbm>> -> memref<40x128xi32, #tpu.memory_space<hbm>>
      %dma_start3A_52 = arith.constant 0 : i32
      %dma_start3A_53 = tpu.memref_slice %arg4[%add3A_6, %dma_start3A_52] : memref<2560x128xi32, #tpu.memory_space<hbm>> -> memref<40x128xi32, #tpu.memory_space<hbm>>
      tpu.enqueue_dma source(%dma_start3A_53 : memref<40x128xi32, #tpu.memory_space<hbm>>) target(%arg11 : memref<40x128xi32, #tpu.memory_space<vmem>>) target_semaphore(%run_scoped3A : memref<!tpu.dma_semaphore, #tpu.memory_space<semaphore_mem>>)
      %dma_wait3A = arith.constant 0 : i32
      %dma_wait3A_54 = tpu.memref_slice %arg4[%add3A_6, %dma_wait3A] : memref<2560x128xi32, #tpu.memory_space<hbm>> -> memref<40x128xi32, #tpu.memory_space<hbm>>
      %dma_wait3A_55 = arith.constant 0 : i32
      %dma_wait3A_56 = tpu.memref_slice %arg4[%add3A_6, %dma_wait3A_55] : memref<2560x128xi32, #tpu.memory_space<hbm>> -> memref<40x128xi32, #tpu.memory_space<hbm>>
      tpu.wait_dma2 semaphore(%run_scoped3A : memref<!tpu.dma_semaphore, #tpu.memory_space<semaphore_mem>>) src(%dma_wait3A_56 : memref<40x128xi32, #tpu.memory_space<hbm>>) dst(%arg11 : memref<40x128xi32, #tpu.memory_space<vmem>>)
      tpu.yield
    }) : () -> ()
    %dma_start3A = arith.constant 0 : i32
    %dma_start3A_7 = arith.constant 0 : i32
    %dma_start3A_8 = arith.constant 0 : i32
    %dma_start3A_9 = arith.constant 0 : i32
    %dma_start3A_10 = tpu.memref_slice %arg12[%dma_start3A_7, %dma_start3A_8, %dma_start3A_9] : memref<2x128x128xf32, #tpu.memory_space<vmem>> -> memref<1x128x128xf32, #tpu.memory_space<vmem>>
    %dma_start3A_11 = tpu.memref_squeeze %dma_start3A_10 : memref<1x128x128xf32, #tpu.memory_space<vmem>> -> memref<128x128xf32, #tpu.memory_space<vmem>>
    %dma_start3A_12 = arith.constant 0 : i32
    %dma_start3A_13 = tpu.memref_slice %arg10[%dma_start3A, %dma_start3A_12] : memref<40x128xi32, #tpu.memory_space<vmem>> -> memref<1x128xi32, #tpu.memory_space<vmem>>
    %dma_start3A_14 = tpu.memref_squeeze %dma_start3A_13 : memref<1x128xi32, #tpu.memory_space<vmem>> -> memref<128xi32, #tpu.memory_space<vmem>>
    %dma_start3A_15 = arith.constant 0 : i32
    %dma_start3A_16 = arith.constant 0 : i32
    %dma_start3A_17 = tpu.memref_slice %arg2[%dma_start3A_15, %dma_start3A_16] : memref<10000x128xf32, #tpu.memory_space<hbm>> -> memref<10000x128xf32, #tpu.memory_space<hbm>>
    tpu.enqueue_indirect_dma source(%dma_start3A_17 : memref<10000x128xf32, #tpu.memory_space<hbm>>) target(%dma_start3A_11 : memref<128x128xf32, #tpu.memory_space<vmem>>) offsets(%dma_start3A_14 : memref<128xi32, #tpu.memory_space<vmem>>) semaphore(%arg14 : memref<!tpu.dma_semaphore, #tpu.memory_space<semaphore_mem>>)
    %scan3A = arith.constant 0 : i32
    %scan3A_18 = arith.constant 0 : i32
    %scan3A_19 = arith.constant 20 : i32
    %scan3A_20 = arith.addi %scan3A_18, %scan3A_19 : i32
    %scan3A_21 = arith.constant 1 : i32
    scf.for %scan3A_50 = %scan3A_18 to %scan3A_20 step %scan3A_21  : i32 {
      %mul3A_51 = arith.constant 2 : i32
      %mul3A_52 = arith.muli %mul3A_51, %scan3A_50 : i32
      %add3A_53 = arith.constant 1 : i32
      %add3A_54 = arith.addi %mul3A_52, %add3A_53 : i32
      %lt3A = arith.constant 40 : i32
      %lt3A_55 = arith.cmpi slt, %add3A_54, %lt3A : i32
      %convert_element_type3A = arith.extui %lt3A_55 : i1 to i32
      %cond3A = arith.constant 0 : i32
      %cond3A_56 = arith.cmpi ne, %convert_element_type3A, %cond3A : i32
      scf.if %cond3A_56 {
        %add3A_90 = arith.constant 1 : i32
        %add3A_91 = arith.addi %mul3A_52, %add3A_90 : i32
        %dma_start3A_92 = arith.constant 1 : i32
        %dma_start3A_93 = arith.constant 0 : i32
        %dma_start3A_94 = arith.constant 0 : i32
        %dma_start3A_95 = tpu.memref_slice %arg12[%dma_start3A_92, %dma_start3A_93, %dma_start3A_94] : memref<2x128x128xf32, #tpu.memory_space<vmem>> -> memref<1x128x128xf32, #tpu.memory_space<vmem>>
        %dma_start3A_96 = tpu.memref_squeeze %dma_start3A_95 : memref<1x128x128xf32, #tpu.memory_space<vmem>> -> memref<128x128xf32, #tpu.memory_space<vmem>>
        %dma_start3A_97 = arith.constant 0 : i32
        %dma_start3A_98 = tpu.memref_slice %arg10[%add3A_91, %dma_start3A_97] : memref<40x128xi32, #tpu.memory_space<vmem>> -> memref<1x128xi32, #tpu.memory_space<vmem>>
        %dma_start3A_99 = tpu.memref_squeeze %dma_start3A_98 : memref<1x128xi32, #tpu.memory_space<vmem>> -> memref<128xi32, #tpu.memory_space<vmem>>
        %dma_start3A_100 = arith.constant 0 : i32
        %dma_start3A_101 = arith.constant 0 : i32
        %dma_start3A_102 = tpu.memref_slice %arg2[%dma_start3A_100, %dma_start3A_101] : memref<10000x128xf32, #tpu.memory_space<hbm>> -> memref<10000x128xf32, #tpu.memory_space<hbm>>
        tpu.enqueue_indirect_dma source(%dma_start3A_102 : memref<10000x128xf32, #tpu.memory_space<hbm>>) target(%dma_start3A_96 : memref<128x128xf32, #tpu.memory_space<vmem>>) offsets(%dma_start3A_99 : memref<128xi32, #tpu.memory_space<vmem>>) semaphore(%arg14 : memref<!tpu.dma_semaphore, #tpu.memory_space<semaphore_mem>>)
      } else {
      }
      %dma_wait3A = arith.constant 0 : i32
      %dma_wait3A_57 = arith.constant 0 : i32
      %dma_wait3A_58 = arith.constant 0 : i32
      %dma_wait3A_59 = tpu.memref_slice %arg12[%dma_wait3A, %dma_wait3A_57, %dma_wait3A_58] : memref<2x128x128xf32, #tpu.memory_space<vmem>> -> memref<1x128x128xf32, #tpu.memory_space<vmem>>
      %dma_wait3A_60 = tpu.memref_squeeze %dma_wait3A_59 : memref<1x128x128xf32, #tpu.memory_space<vmem>> -> memref<128x128xf32, #tpu.memory_space<vmem>>
      %dma_wait3A_61 = arith.constant 0 : i32
      %dma_wait3A_62 = tpu.memref_slice %arg10[%mul3A_52, %dma_wait3A_61] : memref<40x128xi32, #tpu.memory_space<vmem>> -> memref<1x128xi32, #tpu.memory_space<vmem>>
      %dma_wait3A_63 = tpu.memref_squeeze %dma_wait3A_62 : memref<1x128xi32, #tpu.memory_space<vmem>> -> memref<128xi32, #tpu.memory_space<vmem>>
      %dma_wait3A_64 = arith.constant 0 : i32
      %dma_wait3A_65 = arith.constant 0 : i32
      %dma_wait3A_66 = tpu.memref_slice %arg2[%dma_wait3A_64, %dma_wait3A_65] : memref<10000x128xf32, #tpu.memory_space<hbm>> -> memref<10000x128xf32, #tpu.memory_space<hbm>>
      tpu.wait_indirect_dma semaphore(%arg14 : memref<!tpu.dma_semaphore, #tpu.memory_space<semaphore_mem>>) src(%dma_wait3A_66 : memref<10000x128xf32, #tpu.memory_space<hbm>>) dst(%dma_wait3A_60 : memref<128x128xf32, #tpu.memory_space<vmem>>)
      %run_scoped3A = arith.constant 0 : i32
      "tpu.region"() ({
        %run_scoped3A_90 = tpu.sem_alloc : memref<!tpu.dma_semaphore, #tpu.memory_space<semaphore_mem>>
        %dma_start3A_91 = arith.constant 0 : i32
        %dma_start3A_92 = arith.constant 0 : i32
        %dma_start3A_93 = tpu.memref_slice %arg12[%run_scoped3A, %dma_start3A_91, %dma_start3A_92] : memref<2x128x128xf32, #tpu.memory_space<vmem>> -> memref<1x128x128xf32, #tpu.memory_space<vmem>>
        %dma_start3A_94 = tpu.memref_squeeze %dma_start3A_93 : memref<1x128x128xf32, #tpu.memory_space<vmem>> -> memref<128x128xf32, #tpu.memory_space<vmem>>
        %dma_start3A_95 = arith.constant 0 : i32
        %dma_start3A_96 = tpu.memref_slice %arg11[%mul3A_52, %dma_start3A_95] : memref<40x128xi32, #tpu.memory_space<vmem>> -> memref<1x128xi32, #tpu.memory_space<vmem>>
        %dma_start3A_97 = tpu.memref_squeeze %dma_start3A_96 : memref<1x128xi32, #tpu.memory_space<vmem>> -> memref<128xi32, #tpu.memory_space<vmem>>
        %dma_start3A_98 = arith.constant 0 : i32
        %dma_start3A_99 = arith.constant 0 : i32
        %dma_start3A_100 = tpu.memref_slice %arg13[%dma_start3A_98, %dma_start3A_99] : memref<10112x128xf32, #tpu.memory_space<vmem_shared>> -> memref<10112x128xf32, #tpu.memory_space<vmem_shared>>
        tpu.enqueue_indirect_dma source(%dma_start3A_94 : memref<128x128xf32, #tpu.memory_space<vmem>>) target(%dma_start3A_100 : memref<10112x128xf32, #tpu.memory_space<vmem_shared>>) offsets(%dma_start3A_97 : memref<128xi32, #tpu.memory_space<vmem>>) semaphore(%run_scoped3A_90 : memref<!tpu.dma_semaphore, #tpu.memory_space<semaphore_mem>>) {add = true}
        %dma_wait3A_101 = arith.constant 0 : i32
        %dma_wait3A_102 = arith.constant 0 : i32
        %dma_wait3A_103 = tpu.memref_slice %arg12[%run_scoped3A, %dma_wait3A_101, %dma_wait3A_102] : memref<2x128x128xf32, #tpu.memory_space<vmem>> -> memref<1x128x128xf32, #tpu.memory_space<vmem>>
        %dma_wait3A_104 = tpu.memref_squeeze %dma_wait3A_103 : memref<1x128x128xf32, #tpu.memory_space<vmem>> -> memref<128x128xf32, #tpu.memory_space<vmem>>
        %dma_wait3A_105 = arith.constant 0 : i32
        %dma_wait3A_106 = tpu.memref_slice %arg11[%mul3A_52, %dma_wait3A_105] : memref<40x128xi32, #tpu.memory_space<vmem>> -> memref<1x128xi32, #tpu.memory_space<vmem>>
        %dma_wait3A_107 = tpu.memref_squeeze %dma_wait3A_106 : memref<1x128xi32, #tpu.memory_space<vmem>> -> memref<128xi32, #tpu.memory_space<vmem>>
        %dma_wait3A_108 = arith.constant 0 : i32
        %dma_wait3A_109 = arith.constant 0 : i32
        %dma_wait3A_110 = tpu.memref_slice %arg13[%dma_wait3A_108, %dma_wait3A_109] : memref<10112x128xf32, #tpu.memory_space<vmem_shared>> -> memref<10112x128xf32, #tpu.memory_space<vmem_shared>>
        tpu.wait_indirect_dma semaphore(%run_scoped3A_90 : memref<!tpu.dma_semaphore, #tpu.memory_space<semaphore_mem>>) src(%dma_wait3A_104 : memref<128x128xf32, #tpu.memory_space<vmem>>) dst(%dma_wait3A_110 : memref<10112x128xf32, #tpu.memory_space<vmem_shared>>)
        tpu.yield
      }) : () -> ()
      "tpu.region"() ({
        %run_scoped3A_90 = tpu.sem_alloc : memref<!tpu.dma_semaphore, #tpu.memory_space<semaphore_mem>>
        %dma_start3A_91 = arith.constant 0 : i32
        %dma_start3A_92 = tpu.memref_slice %arg11[%mul3A_52, %dma_start3A_91] : memref<40x128xi32, #tpu.memory_space<vmem>> -> memref<1x128xi32, #tpu.memory_space<vmem>>
        %dma_start3A_93 = tpu.memref_squeeze %dma_start3A_92 : memref<1x128xi32, #tpu.memory_space<vmem>> -> memref<128xi32, #tpu.memory_space<vmem>>
        %dma_start3A_94 = arith.constant 0 : i32
        %dma_start3A_95 = tpu.memref_slice %arg16[%dma_start3A_94] : memref<10112xf32, #tpu.memory_space<vmem_shared>> -> memref<10112xf32, #tpu.memory_space<vmem_shared>>
        tpu.enqueue_indirect_dma source(%arg15 : memref<128xf32, #tpu.memory_space<vmem>>) target(%dma_start3A_95 : memref<10112xf32, #tpu.memory_space<vmem_shared>>) offsets(%dma_start3A_93 : memref<128xi32, #tpu.memory_space<vmem>>) semaphore(%run_scoped3A_90 : memref<!tpu.dma_semaphore, #tpu.memory_space<semaphore_mem>>) {add = true}
        %dma_wait3A_96 = arith.constant 0 : i32
        %dma_wait3A_97 = tpu.memref_slice %arg11[%mul3A_52, %dma_wait3A_96] : memref<40x128xi32, #tpu.memory_space<vmem>> -> memref<1x128xi32, #tpu.memory_space<vmem>>
        %dma_wait3A_98 = tpu.memref_squeeze %dma_wait3A_97 : memref<1x128xi32, #tpu.memory_space<vmem>> -> memref<128xi32, #tpu.memory_space<vmem>>
        %dma_wait3A_99 = arith.constant 0 : i32
        %dma_wait3A_100 = tpu.memref_slice %arg16[%dma_wait3A_99] : memref<10112xf32, #tpu.memory_space<vmem_shared>> -> memref<10112xf32, #tpu.memory_space<vmem_shared>>
        tpu.wait_indirect_dma semaphore(%run_scoped3A_90 : memref<!tpu.dma_semaphore, #tpu.memory_space<semaphore_mem>>) src(%arg15 : memref<128xf32, #tpu.memory_space<vmem>>) dst(%dma_wait3A_100 : memref<10112xf32, #tpu.memory_space<vmem_shared>>)
        tpu.yield
      }) : () -> ()
      %mul3A_67 = arith.constant 2 : i32
      %mul3A_68 = arith.muli %mul3A_67, %scan3A_50 : i32
      %add3A_69 = arith.constant 1 : i32
      %add3A_70 = arith.addi %mul3A_68, %add3A_69 : i32
      %add3A_71 = arith.constant 1 : i32
      %add3A_72 = arith.addi %add3A_70, %add3A_71 : i32
      %lt3A_73 = arith.constant 40 : i32
      %lt3A_74 = arith.cmpi slt, %add3A_72, %lt3A_73 : i32
      %convert_element_type3A_75 = arith.extui %lt3A_74 : i1 to i32
      %cond3A_76 = arith.constant 0 : i32
      %cond3A_77 = arith.cmpi ne, %convert_element_type3A_75, %cond3A_76 : i32
      scf.if %cond3A_77 {
        %add3A_90 = arith.constant 1 : i32
        %add3A_91 = arith.addi %add3A_70, %add3A_90 : i32
        %dma_start3A_92 = arith.constant 0 : i32
        %dma_start3A_93 = arith.constant 0 : i32
        %dma_start3A_94 = arith.constant 0 : i32
        %dma_start3A_95 = tpu.memref_slice %arg12[%dma_start3A_92, %dma_start3A_93, %dma_start3A_94] : memref<2x128x128xf32, #tpu.memory_space<vmem>> -> memref<1x128x128xf32, #tpu.memory_space<vmem>>
        %dma_start3A_96 = tpu.memref_squeeze %dma_start3A_95 : memref<1x128x128xf32, #tpu.memory_space<vmem>> -> memref<128x128xf32, #tpu.memory_space<vmem>>
        %dma_start3A_97 = arith.constant 0 : i32
        %dma_start3A_98 = tpu.memref_slice %arg10[%add3A_91, %dma_start3A_97] : memref<40x128xi32, #tpu.memory_space<vmem>> -> memref<1x128xi32, #tpu.memory_space<vmem>>
        %dma_start3A_99 = tpu.memref_squeeze %dma_start3A_98 : memref<1x128xi32, #tpu.memory_space<vmem>> -> memref<128xi32, #tpu.memory_space<vmem>>
        %dma_start3A_100 = arith.constant 0 : i32
        %dma_start3A_101 = arith.constant 0 : i32
        %dma_start3A_102 = tpu.memref_slice %arg2[%dma_start3A_100, %dma_start3A_101] : memref<10000x128xf32, #tpu.memory_space<hbm>> -> memref<10000x128xf32, #tpu.memory_space<hbm>>
        tpu.enqueue_indirect_dma source(%dma_start3A_102 : memref<10000x128xf32, #tpu.memory_space<hbm>>) target(%dma_start3A_96 : memref<128x128xf32, #tpu.memory_space<vmem>>) offsets(%dma_start3A_99 : memref<128xi32, #tpu.memory_space<vmem>>) semaphore(%arg14 : memref<!tpu.dma_semaphore, #tpu.memory_space<semaphore_mem>>)
      } else {
      }
      %dma_wait3A_78 = arith.constant 1 : i32
      %dma_wait3A_79 = arith.constant 0 : i32
      %dma_wait3A_80 = arith.constant 0 : i32
      %dma_wait3A_81 = tpu.memref_slice %arg12[%dma_wait3A_78, %dma_wait3A_79, %dma_wait3A_80] : memref<2x128x128xf32, #tpu.memory_space<vmem>> -> memref<1x128x128xf32, #tpu.memory_space<vmem>>
      %dma_wait3A_82 = tpu.memref_squeeze %dma_wait3A_81 : memref<1x128x128xf32, #tpu.memory_space<vmem>> -> memref<128x128xf32, #tpu.memory_space<vmem>>
      %dma_wait3A_83 = arith.constant 0 : i32
      %dma_wait3A_84 = tpu.memref_slice %arg10[%add3A_70, %dma_wait3A_83] : memref<40x128xi32, #tpu.memory_space<vmem>> -> memref<1x128xi32, #tpu.memory_space<vmem>>
      %dma_wait3A_85 = tpu.memref_squeeze %dma_wait3A_84 : memref<1x128xi32, #tpu.memory_space<vmem>> -> memref<128xi32, #tpu.memory_space<vmem>>
      %dma_wait3A_86 = arith.constant 0 : i32
      %dma_wait3A_87 = arith.constant 0 : i32
      %dma_wait3A_88 = tpu.memref_slice %arg2[%dma_wait3A_86, %dma_wait3A_87] : memref<10000x128xf32, #tpu.memory_space<hbm>> -> memref<10000x128xf32, #tpu.memory_space<hbm>>
      tpu.wait_indirect_dma semaphore(%arg14 : memref<!tpu.dma_semaphore, #tpu.memory_space<semaphore_mem>>) src(%dma_wait3A_88 : memref<10000x128xf32, #tpu.memory_space<hbm>>) dst(%dma_wait3A_82 : memref<128x128xf32, #tpu.memory_space<vmem>>)
      %run_scoped3A_89 = arith.constant 1 : i32
      "tpu.region"() ({
        %run_scoped3A_90 = tpu.sem_alloc : memref<!tpu.dma_semaphore, #tpu.memory_space<semaphore_mem>>
        %dma_start3A_91 = arith.constant 0 : i32
        %dma_start3A_92 = arith.constant 0 : i32
        %dma_start3A_93 = tpu.memref_slice %arg12[%run_scoped3A_89, %dma_start3A_91, %dma_start3A_92] : memref<2x128x128xf32, #tpu.memory_space<vmem>> -> memref<1x128x128xf32, #tpu.memory_space<vmem>>
        %dma_start3A_94 = tpu.memref_squeeze %dma_start3A_93 : memref<1x128x128xf32, #tpu.memory_space<vmem>> -> memref<128x128xf32, #tpu.memory_space<vmem>>
        %dma_start3A_95 = arith.constant 0 : i32
        %dma_start3A_96 = tpu.memref_slice %arg11[%add3A_70, %dma_start3A_95] : memref<40x128xi32, #tpu.memory_space<vmem>> -> memref<1x128xi32, #tpu.memory_space<vmem>>
        %dma_start3A_97 = tpu.memref_squeeze %dma_start3A_96 : memref<1x128xi32, #tpu.memory_space<vmem>> -> memref<128xi32, #tpu.memory_space<vmem>>
        %dma_start3A_98 = arith.constant 0 : i32
        %dma_start3A_99 = arith.constant 0 : i32
        %dma_start3A_100 = tpu.memref_slice %arg13[%dma_start3A_98, %dma_start3A_99] : memref<10112x128xf32, #tpu.memory_space<vmem_shared>> -> memref<10112x128xf32, #tpu.memory_space<vmem_shared>>
        tpu.enqueue_indirect_dma source(%dma_start3A_94 : memref<128x128xf32, #tpu.memory_space<vmem>>) target(%dma_start3A_100 : memref<10112x128xf32, #tpu.memory_space<vmem_shared>>) offsets(%dma_start3A_97 : memref<128xi32, #tpu.memory_space<vmem>>) semaphore(%run_scoped3A_90 : memref<!tpu.dma_semaphore, #tpu.memory_space<semaphore_mem>>) {add = true}
        %dma_wait3A_101 = arith.constant 0 : i32
        %dma_wait3A_102 = arith.constant 0 : i32
        %dma_wait3A_103 = tpu.memref_slice %arg12[%run_scoped3A_89, %dma_wait3A_101, %dma_wait3A_102] : memref<2x128x128xf32, #tpu.memory_space<vmem>> -> memref<1x128x128xf32, #tpu.memory_space<vmem>>
        %dma_wait3A_104 = tpu.memref_squeeze %dma_wait3A_103 : memref<1x128x128xf32, #tpu.memory_space<vmem>> -> memref<128x128xf32, #tpu.memory_space<vmem>>
        %dma_wait3A_105 = arith.constant 0 : i32
        %dma_wait3A_106 = tpu.memref_slice %arg11[%add3A_70, %dma_wait3A_105] : memref<40x128xi32, #tpu.memory_space<vmem>> -> memref<1x128xi32, #tpu.memory_space<vmem>>
        %dma_wait3A_107 = tpu.memref_squeeze %dma_wait3A_106 : memref<1x128xi32, #tpu.memory_space<vmem>> -> memref<128xi32, #tpu.memory_space<vmem>>
        %dma_wait3A_108 = arith.constant 0 : i32
        %dma_wait3A_109 = arith.constant 0 : i32
        %dma_wait3A_110 = tpu.memref_slice %arg13[%dma_wait3A_108, %dma_wait3A_109] : memref<10112x128xf32, #tpu.memory_space<vmem_shared>> -> memref<10112x128xf32, #tpu.memory_space<vmem_shared>>
        tpu.wait_indirect_dma semaphore(%run_scoped3A_90 : memref<!tpu.dma_semaphore, #tpu.memory_space<semaphore_mem>>) src(%dma_wait3A_104 : memref<128x128xf32, #tpu.memory_space<vmem>>) dst(%dma_wait3A_110 : memref<10112x128xf32, #tpu.memory_space<vmem_shared>>)
        tpu.yield
      }) : () -> ()
      "tpu.region"() ({
        %run_scoped3A_90 = tpu.sem_alloc : memref<!tpu.dma_semaphore, #tpu.memory_space<semaphore_mem>>
        %dma_start3A_91 = arith.constant 0 : i32
        %dma_start3A_92 = tpu.memref_slice %arg11[%add3A_70, %dma_start3A_91] : memref<40x128xi32, #tpu.memory_space<vmem>> -> memref<1x128xi32, #tpu.memory_space<vmem>>
        %dma_start3A_93 = tpu.memref_squeeze %dma_start3A_92 : memref<1x128xi32, #tpu.memory_space<vmem>> -> memref<128xi32, #tpu.memory_space<vmem>>
        %dma_start3A_94 = arith.constant 0 : i32
        %dma_start3A_95 = tpu.memref_slice %arg16[%dma_start3A_94] : memref<10112xf32, #tpu.memory_space<vmem_shared>> -> memref<10112xf32, #tpu.memory_space<vmem_shared>>
        tpu.enqueue_indirect_dma source(%arg15 : memref<128xf32, #tpu.memory_space<vmem>>) target(%dma_start3A_95 : memref<10112xf32, #tpu.memory_space<vmem_shared>>) offsets(%dma_start3A_93 : memref<128xi32, #tpu.memory_space<vmem>>) semaphore(%run_scoped3A_90 : memref<!tpu.dma_semaphore, #tpu.memory_space<semaphore_mem>>) {add = true}
        %dma_wait3A_96 = arith.constant 0 : i32
        %dma_wait3A_97 = tpu.memref_slice %arg11[%add3A_70, %dma_wait3A_96] : memref<40x128xi32, #tpu.memory_space<vmem>> -> memref<1x128xi32, #tpu.memory_space<vmem>>
        %dma_wait3A_98 = tpu.memref_squeeze %dma_wait3A_97 : memref<1x128xi32, #tpu.memory_space<vmem>> -> memref<128xi32, #tpu.memory_space<vmem>>
        %dma_wait3A_99 = arith.constant 0 : i32
        %dma_wait3A_100 = tpu.memref_slice %arg16[%dma_wait3A_99] : memref<10112xf32, #tpu.memory_space<vmem_shared>> -> memref<10112xf32, #tpu.memory_space<vmem_shared>>
        tpu.wait_indirect_dma semaphore(%run_scoped3A_90 : memref<!tpu.dma_semaphore, #tpu.memory_space<semaphore_mem>>) src(%arg15 : memref<128xf32, #tpu.memory_space<vmem>>) dst(%dma_wait3A_100 : memref<10112xf32, #tpu.memory_space<vmem_shared>>)
        tpu.yield
      }) : () -> ()
    }
    %scan3A_22 = arith.constant 20 : i32
    %add3A_23 = arith.constant 40 : i32
    %add3A_24 = arith.addi %mul3A_4, %add3A_23 : i32
    "tpu.region"() ({
      %run_scoped3A = tpu.sem_alloc : memref<!tpu.dma_semaphore, #tpu.memory_space<semaphore_mem>>
      %dma_start3A_50 = arith.constant 0 : i32
      %dma_start3A_51 = tpu.memref_slice %arg3[%add3A_24, %dma_start3A_50] : memref<2560x128xi32, #tpu.memory_space<hbm>> -> memref<40x128xi32, #tpu.memory_space<hbm>>
      %dma_start3A_52 = arith.constant 0 : i32
      %dma_start3A_53 = tpu.memref_slice %arg3[%add3A_24, %dma_start3A_52] : memref<2560x128xi32, #tpu.memory_space<hbm>> -> memref<40x128xi32, #tpu.memory_space<hbm>>
      tpu.enqueue_dma source(%dma_start3A_53 : memref<40x128xi32, #tpu.memory_space<hbm>>) target(%arg10 : memref<40x128xi32, #tpu.memory_space<vmem>>) target_semaphore(%run_scoped3A : memref<!tpu.dma_semaphore, #tpu.memory_space<semaphore_mem>>)
      %dma_wait3A = arith.constant 0 : i32
      %dma_wait3A_54 = tpu.memref_slice %arg3[%add3A_24, %dma_wait3A] : memref<2560x128xi32, #tpu.memory_space<hbm>> -> memref<40x128xi32, #tpu.memory_space<hbm>>
      %dma_wait3A_55 = arith.constant 0 : i32
      %dma_wait3A_56 = tpu.memref_slice %arg3[%add3A_24, %dma_wait3A_55] : memref<2560x128xi32, #tpu.memory_space<hbm>> -> memref<40x128xi32, #tpu.memory_space<hbm>>
      tpu.wait_dma2 semaphore(%run_scoped3A : memref<!tpu.dma_semaphore, #tpu.memory_space<semaphore_mem>>) src(%dma_wait3A_56 : memref<40x128xi32, #tpu.memory_space<hbm>>) dst(%arg10 : memref<40x128xi32, #tpu.memory_space<vmem>>)
      tpu.yield
    }) : () -> ()
    "tpu.region"() ({
      %run_scoped3A = tpu.sem_alloc : memref<!tpu.dma_semaphore, #tpu.memory_space<semaphore_mem>>
      %dma_start3A_50 = arith.constant 0 : i32
      %dma_start3A_51 = tpu.memref_slice %arg4[%add3A_24, %dma_start3A_50] : memref<2560x128xi32, #tpu.memory_space<hbm>> -> memref<40x128xi32, #tpu.memory_space<hbm>>
      %dma_start3A_52 = arith.constant 0 : i32
      %dma_start3A_53 = tpu.memref_slice %arg4[%add3A_24, %dma_start3A_52] : memref<2560x128xi32, #tpu.memory_space<hbm>> -> memref<40x128xi32, #tpu.memory_space<hbm>>
      tpu.enqueue_dma source(%dma_start3A_53 : memref<40x128xi32, #tpu.memory_space<hbm>>) target(%arg11 : memref<40x128xi32, #tpu.memory_space<vmem>>) target_semaphore(%run_scoped3A : memref<!tpu.dma_semaphore, #tpu.memory_space<semaphore_mem>>)
      %dma_wait3A = arith.constant 0 : i32
      %dma_wait3A_54 = tpu.memref_slice %arg4[%add3A_24, %dma_wait3A] : memref<2560x128xi32, #tpu.memory_space<hbm>> -> memref<40x128xi32, #tpu.memory_space<hbm>>
      %dma_wait3A_55 = arith.constant 0 : i32
      %dma_wait3A_56 = tpu.memref_slice %arg4[%add3A_24, %dma_wait3A_55] : memref<2560x128xi32, #tpu.memory_space<hbm>> -> memref<40x128xi32, #tpu.memory_space<hbm>>
      tpu.wait_dma2 semaphore(%run_scoped3A : memref<!tpu.dma_semaphore, #tpu.memory_space<semaphore_mem>>) src(%dma_wait3A_56 : memref<40x128xi32, #tpu.memory_space<hbm>>) dst(%arg11 : memref<40x128xi32, #tpu.memory_space<vmem>>)
      tpu.yield
    }) : () -> ()
    %dma_start3A_25 = arith.constant 0 : i32
    %dma_start3A_26 = arith.constant 0 : i32
    %dma_start3A_27 = arith.constant 0 : i32
    %dma_start3A_28 = arith.constant 0 : i32
    %dma_start3A_29 = tpu.memref_slice %arg12[%dma_start3A_26, %dma_start3A_27, %dma_start3A_28] : memref<2x128x128xf32, #tpu.memory_space<vmem>> -> memref<1x128x128xf32, #tpu.memory_space<vmem>>
    %dma_start3A_30 = tpu.memref_squeeze %dma_start3A_29 : memref<1x128x128xf32, #tpu.memory_space<vmem>> -> memref<128x128xf32, #tpu.memory_space<vmem>>
    %dma_start3A_31 = arith.constant 0 : i32
    %dma_start3A_32 = tpu.memref_slice %arg10[%dma_start3A_25, %dma_start3A_31] : memref<40x128xi32, #tpu.memory_space<vmem>> -> memref<1x128xi32, #tpu.memory_space<vmem>>
    %dma_start3A_33 = tpu.memref_squeeze %dma_start3A_32 : memref<1x128xi32, #tpu.memory_space<vmem>> -> memref<128xi32, #tpu.memory_space<vmem>>
    %dma_start3A_34 = arith.constant 0 : i32
    %dma_start3A_35 = arith.constant 0 : i32
    %dma_start3A_36 = tpu.memref_slice %arg2[%dma_start3A_34, %dma_start3A_35] : memref<10000x128xf32, #tpu.memory_space<hbm>> -> memref<10000x128xf32, #tpu.memory_space<hbm>>
    tpu.enqueue_indirect_dma source(%dma_start3A_36 : memref<10000x128xf32, #tpu.memory_space<hbm>>) target(%dma_start3A_30 : memref<128x128xf32, #tpu.memory_space<vmem>>) offsets(%dma_start3A_33 : memref<128xi32, #tpu.memory_space<vmem>>) semaphore(%arg14 : memref<!tpu.dma_semaphore, #tpu.memory_space<semaphore_mem>>)
    %scan3A_37 = arith.constant 0 : i32
    %scan3A_38 = arith.constant 0 : i32
    %scan3A_39 = arith.constant 20 : i32
    %scan3A_40 = arith.addi %scan3A_38, %scan3A_39 : i32
    %scan3A_41 = arith.constant 1 : i32
    scf.for %scan3A_50 = %scan3A_38 to %scan3A_40 step %scan3A_41  : i32 {
      %mul3A_51 = arith.constant 2 : i32
      %mul3A_52 = arith.muli %mul3A_51, %scan3A_50 : i32
      %add3A_53 = arith.constant 1 : i32
      %add3A_54 = arith.addi %mul3A_52, %add3A_53 : i32
      %lt3A = arith.constant 40 : i32
      %lt3A_55 = arith.cmpi slt, %add3A_54, %lt3A : i32
      %convert_element_type3A = arith.extui %lt3A_55 : i1 to i32
      %cond3A = arith.constant 0 : i32
      %cond3A_56 = arith.cmpi ne, %convert_element_type3A, %cond3A : i32
      scf.if %cond3A_56 {
        %add3A_90 = arith.constant 1 : i32
        %add3A_91 = arith.addi %mul3A_52, %add3A_90 : i32
        %dma_start3A_92 = arith.constant 1 : i32
        %dma_start3A_93 = arith.constant 0 : i32
        %dma_start3A_94 = arith.constant 0 : i32
        %dma_start3A_95 = tpu.memref_slice %arg12[%dma_start3A_92, %dma_start3A_93, %dma_start3A_94] : memref<2x128x128xf32, #tpu.memory_space<vmem>> -> memref<1x128x128xf32, #tpu.memory_space<vmem>>
        %dma_start3A_96 = tpu.memref_squeeze %dma_start3A_95 : memref<1x128x128xf32, #tpu.memory_space<vmem>> -> memref<128x128xf32, #tpu.memory_space<vmem>>
        %dma_start3A_97 = arith.constant 0 : i32
        %dma_start3A_98 = tpu.memref_slice %arg10[%add3A_91, %dma_start3A_97] : memref<40x128xi32, #tpu.memory_space<vmem>> -> memref<1x128xi32, #tpu.memory_space<vmem>>
        %dma_start3A_99 = tpu.memref_squeeze %dma_start3A_98 : memref<1x128xi32, #tpu.memory_space<vmem>> -> memref<128xi32, #tpu.memory_space<vmem>>
        %dma_start3A_100 = arith.constant 0 : i32
        %dma_start3A_101 = arith.constant 0 : i32
        %dma_start3A_102 = tpu.memref_slice %arg2[%dma_start3A_100, %dma_start3A_101] : memref<10000x128xf32, #tpu.memory_space<hbm>> -> memref<10000x128xf32, #tpu.memory_space<hbm>>
        tpu.enqueue_indirect_dma source(%dma_start3A_102 : memref<10000x128xf32, #tpu.memory_space<hbm>>) target(%dma_start3A_96 : memref<128x128xf32, #tpu.memory_space<vmem>>) offsets(%dma_start3A_99 : memref<128xi32, #tpu.memory_space<vmem>>) semaphore(%arg14 : memref<!tpu.dma_semaphore, #tpu.memory_space<semaphore_mem>>)
      } else {
      }
      %dma_wait3A = arith.constant 0 : i32
      %dma_wait3A_57 = arith.constant 0 : i32
      %dma_wait3A_58 = arith.constant 0 : i32
      %dma_wait3A_59 = tpu.memref_slice %arg12[%dma_wait3A, %dma_wait3A_57, %dma_wait3A_58] : memref<2x128x128xf32, #tpu.memory_space<vmem>> -> memref<1x128x128xf32, #tpu.memory_space<vmem>>
      %dma_wait3A_60 = tpu.memref_squeeze %dma_wait3A_59 : memref<1x128x128xf32, #tpu.memory_space<vmem>> -> memref<128x128xf32, #tpu.memory_space<vmem>>
      %dma_wait3A_61 = arith.constant 0 : i32
      %dma_wait3A_62 = tpu.memref_slice %arg10[%mul3A_52, %dma_wait3A_61] : memref<40x128xi32, #tpu.memory_space<vmem>> -> memref<1x128xi32, #tpu.memory_space<vmem>>
      %dma_wait3A_63 = tpu.memref_squeeze %dma_wait3A_62 : memref<1x128xi32, #tpu.memory_space<vmem>> -> memref<128xi32, #tpu.memory_space<vmem>>
      %dma_wait3A_64 = arith.constant 0 : i32
      %dma_wait3A_65 = arith.constant 0 : i32
      %dma_wait3A_66 = tpu.memref_slice %arg2[%dma_wait3A_64, %dma_wait3A_65] : memref<10000x128xf32, #tpu.memory_space<hbm>> -> memref<10000x128xf32, #tpu.memory_space<hbm>>
      tpu.wait_indirect_dma semaphore(%arg14 : memref<!tpu.dma_semaphore, #tpu.memory_space<semaphore_mem>>) src(%dma_wait3A_66 : memref<10000x128xf32, #tpu.memory_space<hbm>>) dst(%dma_wait3A_60 : memref<128x128xf32, #tpu.memory_space<vmem>>)
      %run_scoped3A = arith.constant 0 : i32
      "tpu.region"() ({
        %run_scoped3A_90 = tpu.sem_alloc : memref<!tpu.dma_semaphore, #tpu.memory_space<semaphore_mem>>
        %dma_start3A_91 = arith.constant 0 : i32
        %dma_start3A_92 = arith.constant 0 : i32
        %dma_start3A_93 = tpu.memref_slice %arg12[%run_scoped3A, %dma_start3A_91, %dma_start3A_92] : memref<2x128x128xf32, #tpu.memory_space<vmem>> -> memref<1x128x128xf32, #tpu.memory_space<vmem>>
        %dma_start3A_94 = tpu.memref_squeeze %dma_start3A_93 : memref<1x128x128xf32, #tpu.memory_space<vmem>> -> memref<128x128xf32, #tpu.memory_space<vmem>>
        %dma_start3A_95 = arith.constant 0 : i32
        %dma_start3A_96 = tpu.memref_slice %arg11[%mul3A_52, %dma_start3A_95] : memref<40x128xi32, #tpu.memory_space<vmem>> -> memref<1x128xi32, #tpu.memory_space<vmem>>
        %dma_start3A_97 = tpu.memref_squeeze %dma_start3A_96 : memref<1x128xi32, #tpu.memory_space<vmem>> -> memref<128xi32, #tpu.memory_space<vmem>>
        %dma_start3A_98 = arith.constant 0 : i32
        %dma_start3A_99 = arith.constant 0 : i32
        %dma_start3A_100 = tpu.memref_slice %arg13[%dma_start3A_98, %dma_start3A_99] : memref<10112x128xf32, #tpu.memory_space<vmem_shared>> -> memref<10112x128xf32, #tpu.memory_space<vmem_shared>>
        tpu.enqueue_indirect_dma source(%dma_start3A_94 : memref<128x128xf32, #tpu.memory_space<vmem>>) target(%dma_start3A_100 : memref<10112x128xf32, #tpu.memory_space<vmem_shared>>) offsets(%dma_start3A_97 : memref<128xi32, #tpu.memory_space<vmem>>) semaphore(%run_scoped3A_90 : memref<!tpu.dma_semaphore, #tpu.memory_space<semaphore_mem>>) {add = true}
        %dma_wait3A_101 = arith.constant 0 : i32
        %dma_wait3A_102 = arith.constant 0 : i32
        %dma_wait3A_103 = tpu.memref_slice %arg12[%run_scoped3A, %dma_wait3A_101, %dma_wait3A_102] : memref<2x128x128xf32, #tpu.memory_space<vmem>> -> memref<1x128x128xf32, #tpu.memory_space<vmem>>
        %dma_wait3A_104 = tpu.memref_squeeze %dma_wait3A_103 : memref<1x128x128xf32, #tpu.memory_space<vmem>> -> memref<128x128xf32, #tpu.memory_space<vmem>>
        %dma_wait3A_105 = arith.constant 0 : i32
        %dma_wait3A_106 = tpu.memref_slice %arg11[%mul3A_52, %dma_wait3A_105] : memref<40x128xi32, #tpu.memory_space<vmem>> -> memref<1x128xi32, #tpu.memory_space<vmem>>
        %dma_wait3A_107 = tpu.memref_squeeze %dma_wait3A_106 : memref<1x128xi32, #tpu.memory_space<vmem>> -> memref<128xi32, #tpu.memory_space<vmem>>
        %dma_wait3A_108 = arith.constant 0 : i32
        %dma_wait3A_109 = arith.constant 0 : i32
        %dma_wait3A_110 = tpu.memref_slice %arg13[%dma_wait3A_108, %dma_wait3A_109] : memref<10112x128xf32, #tpu.memory_space<vmem_shared>> -> memref<10112x128xf32, #tpu.memory_space<vmem_shared>>
        tpu.wait_indirect_dma semaphore(%run_scoped3A_90 : memref<!tpu.dma_semaphore, #tpu.memory_space<semaphore_mem>>) src(%dma_wait3A_104 : memref<128x128xf32, #tpu.memory_space<vmem>>) dst(%dma_wait3A_110 : memref<10112x128xf32, #tpu.memory_space<vmem_shared>>)
        tpu.yield
      }) : () -> ()
      "tpu.region"() ({
        %run_scoped3A_90 = tpu.sem_alloc : memref<!tpu.dma_semaphore, #tpu.memory_space<semaphore_mem>>
        %dma_start3A_91 = arith.constant 0 : i32
        %dma_start3A_92 = tpu.memref_slice %arg11[%mul3A_52, %dma_start3A_91] : memref<40x128xi32, #tpu.memory_space<vmem>> -> memref<1x128xi32, #tpu.memory_space<vmem>>
        %dma_start3A_93 = tpu.memref_squeeze %dma_start3A_92 : memref<1x128xi32, #tpu.memory_space<vmem>> -> memref<128xi32, #tpu.memory_space<vmem>>
        %dma_start3A_94 = arith.constant 0 : i32
        %dma_start3A_95 = tpu.memref_slice %arg16[%dma_start3A_94] : memref<10112xf32, #tpu.memory_space<vmem_shared>> -> memref<10112xf32, #tpu.memory_space<vmem_shared>>
        tpu.enqueue_indirect_dma source(%arg15 : memref<128xf32, #tpu.memory_space<vmem>>) target(%dma_start3A_95 : memref<10112xf32, #tpu.memory_space<vmem_shared>>) offsets(%dma_start3A_93 : memref<128xi32, #tpu.memory_space<vmem>>) semaphore(%run_scoped3A_90 : memref<!tpu.dma_semaphore, #tpu.memory_space<semaphore_mem>>) {add = true}
        %dma_wait3A_96 = arith.constant 0 : i32
        %dma_wait3A_97 = tpu.memref_slice %arg11[%mul3A_52, %dma_wait3A_96] : memref<40x128xi32, #tpu.memory_space<vmem>> -> memref<1x128xi32, #tpu.memory_space<vmem>>
        %dma_wait3A_98 = tpu.memref_squeeze %dma_wait3A_97 : memref<1x128xi32, #tpu.memory_space<vmem>> -> memref<128xi32, #tpu.memory_space<vmem>>
        %dma_wait3A_99 = arith.constant 0 : i32
        %dma_wait3A_100 = tpu.memref_slice %arg16[%dma_wait3A_99] : memref<10112xf32, #tpu.memory_space<vmem_shared>> -> memref<10112xf32, #tpu.memory_space<vmem_shared>>
        tpu.wait_indirect_dma semaphore(%run_scoped3A_90 : memref<!tpu.dma_semaphore, #tpu.memory_space<semaphore_mem>>) src(%arg15 : memref<128xf32, #tpu.memory_space<vmem>>) dst(%dma_wait3A_100 : memref<10112xf32, #tpu.memory_space<vmem_shared>>)
        tpu.yield
      }) : () -> ()
      %mul3A_67 = arith.constant 2 : i32
      %mul3A_68 = arith.muli %mul3A_67, %scan3A_50 : i32
      %add3A_69 = arith.constant 1 : i32
      %add3A_70 = arith.addi %mul3A_68, %add3A_69 : i32
      %add3A_71 = arith.constant 1 : i32
      %add3A_72 = arith.addi %add3A_70, %add3A_71 : i32
      %lt3A_73 = arith.constant 40 : i32
      %lt3A_74 = arith.cmpi slt, %add3A_72, %lt3A_73 : i32
      %convert_element_type3A_75 = arith.extui %lt3A_74 : i1 to i32
      %cond3A_76 = arith.constant 0 : i32
      %cond3A_77 = arith.cmpi ne, %convert_element_type3A_75, %cond3A_76 : i32
      scf.if %cond3A_77 {
        %add3A_90 = arith.constant 1 : i32
        %add3A_91 = arith.addi %add3A_70, %add3A_90 : i32
        %dma_start3A_92 = arith.constant 0 : i32
        %dma_start3A_93 = arith.constant 0 : i32
        %dma_start3A_94 = arith.constant 0 : i32
        %dma_start3A_95 = tpu.memref_slice %arg12[%dma_start3A_92, %dma_start3A_93, %dma_start3A_94] : memref<2x128x128xf32, #tpu.memory_space<vmem>> -> memref<1x128x128xf32, #tpu.memory_space<vmem>>
        %dma_start3A_96 = tpu.memref_squeeze %dma_start3A_95 : memref<1x128x128xf32, #tpu.memory_space<vmem>> -> memref<128x128xf32, #tpu.memory_space<vmem>>
        %dma_start3A_97 = arith.constant 0 : i32
        %dma_start3A_98 = tpu.memref_slice %arg10[%add3A_91, %dma_start3A_97] : memref<40x128xi32, #tpu.memory_space<vmem>> -> memref<1x128xi32, #tpu.memory_space<vmem>>
        %dma_start3A_99 = tpu.memref_squeeze %dma_start3A_98 : memref<1x128xi32, #tpu.memory_space<vmem>> -> memref<128xi32, #tpu.memory_space<vmem>>
        %dma_start3A_100 = arith.constant 0 : i32
        %dma_start3A_101 = arith.constant 0 : i32
        %dma_start3A_102 = tpu.memref_slice %arg2[%dma_start3A_100, %dma_start3A_101] : memref<10000x128xf32, #tpu.memory_space<hbm>> -> memref<10000x128xf32, #tpu.memory_space<hbm>>
        tpu.enqueue_indirect_dma source(%dma_start3A_102 : memref<10000x128xf32, #tpu.memory_space<hbm>>) target(%dma_start3A_96 : memref<128x128xf32, #tpu.memory_space<vmem>>) offsets(%dma_start3A_99 : memref<128xi32, #tpu.memory_space<vmem>>) semaphore(%arg14 : memref<!tpu.dma_semaphore, #tpu.memory_space<semaphore_mem>>)
      } else {
      }
      %dma_wait3A_78 = arith.constant 1 : i32
      %dma_wait3A_79 = arith.constant 0 : i32
      %dma_wait3A_80 = arith.constant 0 : i32
      %dma_wait3A_81 = tpu.memref_slice %arg12[%dma_wait3A_78, %dma_wait3A_79, %dma_wait3A_80] : memref<2x128x128xf32, #tpu.memory_space<vmem>> -> memref<1x128x128xf32, #tpu.memory_space<vmem>>
      %dma_wait3A_82 = tpu.memref_squeeze %dma_wait3A_81 : memref<1x128x128xf32, #tpu.memory_space<vmem>> -> memref<128x128xf32, #tpu.memory_space<vmem>>
      %dma_wait3A_83 = arith.constant 0 : i32
      %dma_wait3A_84 = tpu.memref_slice %arg10[%add3A_70, %dma_wait3A_83] : memref<40x128xi32, #tpu.memory_space<vmem>> -> memref<1x128xi32, #tpu.memory_space<vmem>>
      %dma_wait3A_85 = tpu.memref_squeeze %dma_wait3A_84 : memref<1x128xi32, #tpu.memory_space<vmem>> -> memref<128xi32, #tpu.memory_space<vmem>>
      %dma_wait3A_86 = arith.constant 0 : i32
      %dma_wait3A_87 = arith.constant 0 : i32
      %dma_wait3A_88 = tpu.memref_slice %arg2[%dma_wait3A_86, %dma_wait3A_87] : memref<10000x128xf32, #tpu.memory_space<hbm>> -> memref<10000x128xf32, #tpu.memory_space<hbm>>
      tpu.wait_indirect_dma semaphore(%arg14 : memref<!tpu.dma_semaphore, #tpu.memory_space<semaphore_mem>>) src(%dma_wait3A_88 : memref<10000x128xf32, #tpu.memory_space<hbm>>) dst(%dma_wait3A_82 : memref<128x128xf32, #tpu.memory_space<vmem>>)
      %run_scoped3A_89 = arith.constant 1 : i32
      "tpu.region"() ({
        %run_scoped3A_90 = tpu.sem_alloc : memref<!tpu.dma_semaphore, #tpu.memory_space<semaphore_mem>>
        %dma_start3A_91 = arith.constant 0 : i32
        %dma_start3A_92 = arith.constant 0 : i32
        %dma_start3A_93 = tpu.memref_slice %arg12[%run_scoped3A_89, %dma_start3A_91, %dma_start3A_92] : memref<2x128x128xf32, #tpu.memory_space<vmem>> -> memref<1x128x128xf32, #tpu.memory_space<vmem>>
        %dma_start3A_94 = tpu.memref_squeeze %dma_start3A_93 : memref<1x128x128xf32, #tpu.memory_space<vmem>> -> memref<128x128xf32, #tpu.memory_space<vmem>>
        %dma_start3A_95 = arith.constant 0 : i32
        %dma_start3A_96 = tpu.memref_slice %arg11[%add3A_70, %dma_start3A_95] : memref<40x128xi32, #tpu.memory_space<vmem>> -> memref<1x128xi32, #tpu.memory_space<vmem>>
        %dma_start3A_97 = tpu.memref_squeeze %dma_start3A_96 : memref<1x128xi32, #tpu.memory_space<vmem>> -> memref<128xi32, #tpu.memory_space<vmem>>
        %dma_start3A_98 = arith.constant 0 : i32
        %dma_start3A_99 = arith.constant 0 : i32
        %dma_start3A_100 = tpu.memref_slice %arg13[%dma_start3A_98, %dma_start3A_99] : memref<10112x128xf32, #tpu.memory_space<vmem_shared>> -> memref<10112x128xf32, #tpu.memory_space<vmem_shared>>
        tpu.enqueue_indirect_dma source(%dma_start3A_94 : memref<128x128xf32, #tpu.memory_space<vmem>>) target(%dma_start3A_100 : memref<10112x128xf32, #tpu.memory_space<vmem_shared>>) offsets(%dma_start3A_97 : memref<128xi32, #tpu.memory_space<vmem>>) semaphore(%run_scoped3A_90 : memref<!tpu.dma_semaphore, #tpu.memory_space<semaphore_mem>>) {add = true}
        %dma_wait3A_101 = arith.constant 0 : i32
        %dma_wait3A_102 = arith.constant 0 : i32
        %dma_wait3A_103 = tpu.memref_slice %arg12[%run_scoped3A_89, %dma_wait3A_101, %dma_wait3A_102] : memref<2x128x128xf32, #tpu.memory_space<vmem>> -> memref<1x128x128xf32, #tpu.memory_space<vmem>>
        %dma_wait3A_104 = tpu.memref_squeeze %dma_wait3A_103 : memref<1x128x128xf32, #tpu.memory_space<vmem>> -> memref<128x128xf32, #tpu.memory_space<vmem>>
        %dma_wait3A_105 = arith.constant 0 : i32
        %dma_wait3A_106 = tpu.memref_slice %arg11[%add3A_70, %dma_wait3A_105] : memref<40x128xi32, #tpu.memory_space<vmem>> -> memref<1x128xi32, #tpu.memory_space<vmem>>
        %dma_wait3A_107 = tpu.memref_squeeze %dma_wait3A_106 : memref<1x128xi32, #tpu.memory_space<vmem>> -> memref<128xi32, #tpu.memory_space<vmem>>
        %dma_wait3A_108 = arith.constant 0 : i32
        %dma_wait3A_109 = arith.constant 0 : i32
        %dma_wait3A_110 = tpu.memref_slice %arg13[%dma_wait3A_108, %dma_wait3A_109] : memref<10112x128xf32, #tpu.memory_space<vmem_shared>> -> memref<10112x128xf32, #tpu.memory_space<vmem_shared>>
        tpu.wait_indirect_dma semaphore(%run_scoped3A_90 : memref<!tpu.dma_semaphore, #tpu.memory_space<semaphore_mem>>) src(%dma_wait3A_104 : memref<128x128xf32, #tpu.memory_space<vmem>>) dst(%dma_wait3A_110 : memref<10112x128xf32, #tpu.memory_space<vmem_shared>>)
        tpu.yield
      }) : () -> ()
      "tpu.region"() ({
        %run_scoped3A_90 = tpu.sem_alloc : memref<!tpu.dma_semaphore, #tpu.memory_space<semaphore_mem>>
        %dma_start3A_91 = arith.constant 0 : i32
        %dma_start3A_92 = tpu.memref_slice %arg11[%add3A_70, %dma_start3A_91] : memref<40x128xi32, #tpu.memory_space<vmem>> -> memref<1x128xi32, #tpu.memory_space<vmem>>
        %dma_start3A_93 = tpu.memref_squeeze %dma_start3A_92 : memref<1x128xi32, #tpu.memory_space<vmem>> -> memref<128xi32, #tpu.memory_space<vmem>>
        %dma_start3A_94 = arith.constant 0 : i32
        %dma_start3A_95 = tpu.memref_slice %arg16[%dma_start3A_94] : memref<10112xf32, #tpu.memory_space<vmem_shared>> -> memref<10112xf32, #tpu.memory_space<vmem_shared>>
        tpu.enqueue_indirect_dma source(%arg15 : memref<128xf32, #tpu.memory_space<vmem>>) target(%dma_start3A_95 : memref<10112xf32, #tpu.memory_space<vmem_shared>>) offsets(%dma_start3A_93 : memref<128xi32, #tpu.memory_space<vmem>>) semaphore(%run_scoped3A_90 : memref<!tpu.dma_semaphore, #tpu.memory_space<semaphore_mem>>) {add = true}
        %dma_wait3A_96 = arith.constant 0 : i32
        %dma_wait3A_97 = tpu.memref_slice %arg11[%add3A_70, %dma_wait3A_96] : memref<40x128xi32, #tpu.memory_space<vmem>> -> memref<1x128xi32, #tpu.memory_space<vmem>>
        %dma_wait3A_98 = tpu.memref_squeeze %dma_wait3A_97 : memref<1x128xi32, #tpu.memory_space<vmem>> -> memref<128xi32, #tpu.memory_space<vmem>>
        %dma_wait3A_99 = arith.constant 0 : i32
        %dma_wait3A_100 = tpu.memref_slice %arg16[%dma_wait3A_99] : memref<10112xf32, #tpu.memory_space<vmem_shared>> -> memref<10112xf32, #tpu.memory_space<vmem_shared>>
        tpu.wait_indirect_dma semaphore(%run_scoped3A_90 : memref<!tpu.dma_semaphore, #tpu.memory_space<semaphore_mem>>) src(%arg15 : memref<128xf32, #tpu.memory_space<vmem>>) dst(%dma_wait3A_100 : memref<10112xf32, #tpu.memory_space<vmem_shared>>)
        tpu.yield
      }) : () -> ()
    }
    %scan3A_42 = arith.constant 20 : i32
    %barrier3A_43 = arith.constant 0 : index
    tpu.barrier barrier_id(%barrier3A_43)
    %mul3A_44 = arith.constant 10112 : i32
    %mul3A_45 = arith.muli %arg0, %mul3A_44 : i32
    %add3A_46 = arith.addi %mul3A_45, %mul3A_0 : i32
    "tpu.region"() ({
      %run_scoped3A = tpu.sem_alloc : memref<!tpu.dma_semaphore, #tpu.memory_space<semaphore_mem>>
      %dma_start3A_50 = arith.constant 0 : i32
      %dma_start3A_51 = tpu.memref_slice %arg8[%add3A_46, %dma_start3A_50] : memref<20224x128xf32, #tpu.memory_space<hbm>> -> memref<632x128xf32, #tpu.memory_space<hbm>>
      %dma_start3A_52 = arith.constant 0 : i32
      %dma_start3A_53 = tpu.memref_slice %arg13[%mul3A_0, %dma_start3A_52] : memref<10112x128xf32, #tpu.memory_space<vmem_shared>> -> memref<632x128xf32, #tpu.memory_space<vmem_shared>>
      tpu.enqueue_dma source(%dma_start3A_53 : memref<632x128xf32, #tpu.memory_space<vmem_shared>>) target(%dma_start3A_51 : memref<632x128xf32, #tpu.memory_space<hbm>>) target_semaphore(%run_scoped3A : memref<!tpu.dma_semaphore, #tpu.memory_space<semaphore_mem>>)
      %dma_wait3A = arith.constant 0 : i32
      %dma_wait3A_54 = tpu.memref_slice %arg8[%add3A_46, %dma_wait3A] : memref<20224x128xf32, #tpu.memory_space<hbm>> -> memref<632x128xf32, #tpu.memory_space<hbm>>
      %dma_wait3A_55 = arith.constant 0 : i32
      %dma_wait3A_56 = tpu.memref_slice %arg13[%mul3A_0, %dma_wait3A_55] : memref<10112x128xf32, #tpu.memory_space<vmem_shared>> -> memref<632x128xf32, #tpu.memory_space<vmem_shared>>
      tpu.wait_dma2 semaphore(%run_scoped3A : memref<!tpu.dma_semaphore, #tpu.memory_space<semaphore_mem>>) src(%dma_wait3A_56 : memref<632x128xf32, #tpu.memory_space<vmem_shared>>) dst(%dma_wait3A_54 : memref<632x128xf32, #tpu.memory_space<hbm>>)
      tpu.yield
    }) : () -> ()
    "tpu.region"() ({
      %run_scoped3A = tpu.sem_alloc : memref<!tpu.dma_semaphore, #tpu.memory_space<semaphore_mem>>
      %dma_start3A_50 = tpu.memref_slice %arg16[%mul3A_0] : memref<10112xf32, #tpu.memory_space<vmem_shared>> -> memref<632xf32, #tpu.memory_space<vmem_shared>>
      %dma_start3A_51 = tpu.memref_slice %arg16[%mul3A_0] : memref<10112xf32, #tpu.memory_space<vmem_shared>> -> memref<632xf32, #tpu.memory_space<vmem_shared>>
      tpu.enqueue_dma source(%dma_start3A_51 : memref<632xf32, #tpu.memory_space<vmem_shared>>) target(%arg17 : memref<632xf32, #tpu.memory_space<vmem>>) target_semaphore(%run_scoped3A : memref<!tpu.dma_semaphore, #tpu.memory_space<semaphore_mem>>)
      %dma_wait3A = tpu.memref_slice %arg16[%mul3A_0] : memref<10112xf32, #tpu.memory_space<vmem_shared>> -> memref<632xf32, #tpu.memory_space<vmem_shared>>
      %dma_wait3A_52 = tpu.memref_slice %arg16[%mul3A_0] : memref<10112xf32, #tpu.memory_space<vmem_shared>> -> memref<632xf32, #tpu.memory_space<vmem_shared>>
      tpu.wait_dma2 semaphore(%run_scoped3A : memref<!tpu.dma_semaphore, #tpu.memory_space<semaphore_mem>>) src(%dma_wait3A_52 : memref<632xf32, #tpu.memory_space<vmem_shared>>) dst(%arg17 : memref<632xf32, #tpu.memory_space<vmem>>)
      tpu.yield
    }) : () -> ()
    %mul3A_47 = arith.constant 10112 : i32
    %mul3A_48 = arith.muli %arg0, %mul3A_47 : i32
    %add3A_49 = arith.addi %mul3A_48, %mul3A_0 : i32
    "tpu.region"() ({
      %run_scoped3A = tpu.sem_alloc : memref<!tpu.dma_semaphore, #tpu.memory_space<semaphore_mem>>
      %dma_start3A_50 = tpu.memref_slice %arg9[%add3A_49] : memref<20224xf32, #tpu.memory_space<hbm>> -> memref<632xf32, #tpu.memory_space<hbm>>
      %dma_start3A_51 = tpu.memref_slice %arg9[%add3A_49] : memref<20224xf32, #tpu.memory_space<hbm>> -> memref<632xf32, #tpu.memory_space<hbm>>
      tpu.enqueue_dma source(%arg17 : memref<632xf32, #tpu.memory_space<vmem>>) target(%dma_start3A_51 : memref<632xf32, #tpu.memory_space<hbm>>) target_semaphore(%run_scoped3A : memref<!tpu.dma_semaphore, #tpu.memory_space<semaphore_mem>>)
      %dma_wait3A = tpu.memref_slice %arg9[%add3A_49] : memref<20224xf32, #tpu.memory_space<hbm>> -> memref<632xf32, #tpu.memory_space<hbm>>
      %dma_wait3A_52 = tpu.memref_slice %arg9[%add3A_49] : memref<20224xf32, #tpu.memory_space<hbm>> -> memref<632xf32, #tpu.memory_space<hbm>>
      tpu.wait_dma2 semaphore(%run_scoped3A : memref<!tpu.dma_semaphore, #tpu.memory_space<semaphore_mem>>) src(%arg17 : memref<632xf32, #tpu.memory_space<vmem>>) dst(%dma_wait3A_52 : memref<632xf32, #tpu.memory_space<hbm>>)
      tpu.yield
    }) : () -> ()
    return
  }
}

#map = affine_map<(d0, d1) -> (0, 0)>
module attributes {stable_mosaic.version = 14 : i64} {
  func.func @fn(%arg0: i32, %arg1: i32, %arg2: memref<10000x128xf32, #tpu.memory_space<hbm>>, %arg3: memref<2560x128xi32, #tpu.memory_space<hbm>>, %arg4: memref<2560x128xi32, #tpu.memory_space<hbm>>, %arg5: memref<10112x128xf32, #tpu.memory_space<hbm>>, %arg6: memref<20224x128xf32, #tpu.memory_space<hbm>>, %arg7: memref<40x128xi32, #tpu.memory_space<vmem>>, %arg8: memref<40x128xi32, #tpu.memory_space<vmem>>, %arg9: memref<2x128x128xf32, #tpu.memory_space<vmem>>, %arg10: memref<10112x128xf32, #tpu.memory_space<vmem_shared>>, %arg11: memref<!tpu.dma_semaphore, #tpu.memory_space<semaphore_mem>>) attributes {dimension_semantics = [#tpu.dimension_semantics<core_parallel>, #tpu.dimension_semantics<subcore_parallel>], iteration_bounds = array<i64: 2, 16>, scalar_prefetch = 0 : i64, scratch_operands = 5 : i64, tpu.core_type = #tpu.core_type<sc_vector_subcore>, window_params = [{transform_indices = #map}, {transform_indices = #map}, {transform_indices = #map}, {transform_indices = #map}, {transform_indices = #map}]} {
    %mul3A = arith.constant 632 : i32
    %mul3A_0 = arith.muli %arg1, %mul3A : i32
    "tpu.region"() ({
      %run_scoped3A = tpu.sem_alloc : memref<!tpu.dma_semaphore, #tpu.memory_space<semaphore_mem>>
      %dma_start3A_47 = arith.constant 0 : i32
      %dma_start3A_48 = tpu.memref_slice %arg10[%mul3A_0, %dma_start3A_47] : memref<10112x128xf32, #tpu.memory_space<vmem_shared>> -> memref<632x128xf32, #tpu.memory_space<vmem_shared>>
      %dma_start3A_49 = arith.constant 0 : i32
      %dma_start3A_50 = tpu.memref_slice %arg5[%mul3A_0, %dma_start3A_49] : memref<10112x128xf32, #tpu.memory_space<hbm>> -> memref<632x128xf32, #tpu.memory_space<hbm>>
      tpu.enqueue_dma source(%dma_start3A_50 : memref<632x128xf32, #tpu.memory_space<hbm>>) target(%dma_start3A_48 : memref<632x128xf32, #tpu.memory_space<vmem_shared>>) target_semaphore(%run_scoped3A : memref<!tpu.dma_semaphore, #tpu.memory_space<semaphore_mem>>)
      %dma_wait3A = arith.constant 0 : i32
      %dma_wait3A_51 = tpu.memref_slice %arg10[%mul3A_0, %dma_wait3A] : memref<10112x128xf32, #tpu.memory_space<vmem_shared>> -> memref<632x128xf32, #tpu.memory_space<vmem_shared>>
      %dma_wait3A_52 = arith.constant 0 : i32
      %dma_wait3A_53 = tpu.memref_slice %arg5[%mul3A_0, %dma_wait3A_52] : memref<10112x128xf32, #tpu.memory_space<hbm>> -> memref<632x128xf32, #tpu.memory_space<hbm>>
      tpu.wait_dma2 semaphore(%run_scoped3A : memref<!tpu.dma_semaphore, #tpu.memory_space<semaphore_mem>>) src(%dma_wait3A_53 : memref<632x128xf32, #tpu.memory_space<hbm>>) dst(%dma_wait3A_51 : memref<632x128xf32, #tpu.memory_space<vmem_shared>>)
      tpu.yield
    }) : () -> ()
    %mul3A_1 = arith.constant 16 : i32
    %mul3A_2 = arith.muli %arg0, %mul3A_1 : i32
    %add3A = arith.addi %mul3A_2, %arg1 : i32
    %mul3A_3 = arith.constant 80 : i32
    %mul3A_4 = arith.muli %add3A, %mul3A_3 : i32
    %barrier3A = arith.constant 0 : index
    tpu.barrier barrier_id(%barrier3A)
    %add3A_5 = arith.constant 0 : i32
    %add3A_6 = arith.addi %mul3A_4, %add3A_5 : i32
    "tpu.region"() ({
      %run_scoped3A = tpu.sem_alloc : memref<!tpu.dma_semaphore, #tpu.memory_space<semaphore_mem>>
      %dma_start3A_47 = arith.constant 0 : i32
      %dma_start3A_48 = tpu.memref_slice %arg3[%add3A_6, %dma_start3A_47] : memref<2560x128xi32, #tpu.memory_space<hbm>> -> memref<40x128xi32, #tpu.memory_space<hbm>>
      %dma_start3A_49 = arith.constant 0 : i32
      %dma_start3A_50 = tpu.memref_slice %arg3[%add3A_6, %dma_start3A_49] : memref<2560x128xi32, #tpu.memory_space<hbm>> -> memref<40x128xi32, #tpu.memory_space<hbm>>
      tpu.enqueue_dma source(%dma_start3A_50 : memref<40x128xi32, #tpu.memory_space<hbm>>) target(%arg7 : memref<40x128xi32, #tpu.memory_space<vmem>>) target_semaphore(%run_scoped3A : memref<!tpu.dma_semaphore, #tpu.memory_space<semaphore_mem>>)
      %dma_wait3A = arith.constant 0 : i32
      %dma_wait3A_51 = tpu.memref_slice %arg3[%add3A_6, %dma_wait3A] : memref<2560x128xi32, #tpu.memory_space<hbm>> -> memref<40x128xi32, #tpu.memory_space<hbm>>
      %dma_wait3A_52 = arith.constant 0 : i32
      %dma_wait3A_53 = tpu.memref_slice %arg3[%add3A_6, %dma_wait3A_52] : memref<2560x128xi32, #tpu.memory_space<hbm>> -> memref<40x128xi32, #tpu.memory_space<hbm>>
      tpu.wait_dma2 semaphore(%run_scoped3A : memref<!tpu.dma_semaphore, #tpu.memory_space<semaphore_mem>>) src(%dma_wait3A_53 : memref<40x128xi32, #tpu.memory_space<hbm>>) dst(%arg7 : memref<40x128xi32, #tpu.memory_space<vmem>>)
      tpu.yield
    }) : () -> ()
    "tpu.region"() ({
      %run_scoped3A = tpu.sem_alloc : memref<!tpu.dma_semaphore, #tpu.memory_space<semaphore_mem>>
      %dma_start3A_47 = arith.constant 0 : i32
      %dma_start3A_48 = tpu.memref_slice %arg4[%add3A_6, %dma_start3A_47] : memref<2560x128xi32, #tpu.memory_space<hbm>> -> memref<40x128xi32, #tpu.memory_space<hbm>>
      %dma_start3A_49 = arith.constant 0 : i32
      %dma_start3A_50 = tpu.memref_slice %arg4[%add3A_6, %dma_start3A_49] : memref<2560x128xi32, #tpu.memory_space<hbm>> -> memref<40x128xi32, #tpu.memory_space<hbm>>
      tpu.enqueue_dma source(%dma_start3A_50 : memref<40x128xi32, #tpu.memory_space<hbm>>) target(%arg8 : memref<40x128xi32, #tpu.memory_space<vmem>>) target_semaphore(%run_scoped3A : memref<!tpu.dma_semaphore, #tpu.memory_space<semaphore_mem>>)
      %dma_wait3A = arith.constant 0 : i32
      %dma_wait3A_51 = tpu.memref_slice %arg4[%add3A_6, %dma_wait3A] : memref<2560x128xi32, #tpu.memory_space<hbm>> -> memref<40x128xi32, #tpu.memory_space<hbm>>
      %dma_wait3A_52 = arith.constant 0 : i32
      %dma_wait3A_53 = tpu.memref_slice %arg4[%add3A_6, %dma_wait3A_52] : memref<2560x128xi32, #tpu.memory_space<hbm>> -> memref<40x128xi32, #tpu.memory_space<hbm>>
      tpu.wait_dma2 semaphore(%run_scoped3A : memref<!tpu.dma_semaphore, #tpu.memory_space<semaphore_mem>>) src(%dma_wait3A_53 : memref<40x128xi32, #tpu.memory_space<hbm>>) dst(%arg8 : memref<40x128xi32, #tpu.memory_space<vmem>>)
      tpu.yield
    }) : () -> ()
    %dma_start3A = arith.constant 0 : i32
    %dma_start3A_7 = arith.constant 0 : i32
    %dma_start3A_8 = arith.constant 0 : i32
    %dma_start3A_9 = arith.constant 0 : i32
    %dma_start3A_10 = tpu.memref_slice %arg9[%dma_start3A_7, %dma_start3A_8, %dma_start3A_9] : memref<2x128x128xf32, #tpu.memory_space<vmem>> -> memref<1x128x128xf32, #tpu.memory_space<vmem>>
    %dma_start3A_11 = tpu.memref_squeeze %dma_start3A_10 : memref<1x128x128xf32, #tpu.memory_space<vmem>> -> memref<128x128xf32, #tpu.memory_space<vmem>>
    %dma_start3A_12 = arith.constant 0 : i32
    %dma_start3A_13 = tpu.memref_slice %arg7[%dma_start3A, %dma_start3A_12] : memref<40x128xi32, #tpu.memory_space<vmem>> -> memref<1x128xi32, #tpu.memory_space<vmem>>
    %dma_start3A_14 = tpu.memref_squeeze %dma_start3A_13 : memref<1x128xi32, #tpu.memory_space<vmem>> -> memref<128xi32, #tpu.memory_space<vmem>>
    %dma_start3A_15 = arith.constant 0 : i32
    %dma_start3A_16 = arith.constant 0 : i32
    %dma_start3A_17 = tpu.memref_slice %arg2[%dma_start3A_15, %dma_start3A_16] : memref<10000x128xf32, #tpu.memory_space<hbm>> -> memref<10000x128xf32, #tpu.memory_space<hbm>>
    tpu.enqueue_indirect_dma source(%dma_start3A_17 : memref<10000x128xf32, #tpu.memory_space<hbm>>) target(%dma_start3A_11 : memref<128x128xf32, #tpu.memory_space<vmem>>) offsets(%dma_start3A_14 : memref<128xi32, #tpu.memory_space<vmem>>) semaphore(%arg11 : memref<!tpu.dma_semaphore, #tpu.memory_space<semaphore_mem>>)
    %scan3A = arith.constant 0 : i32
    %scan3A_18 = arith.constant 0 : i32
    %scan3A_19 = arith.constant 20 : i32
    %scan3A_20 = arith.addi %scan3A_18, %scan3A_19 : i32
    %scan3A_21 = arith.constant 1 : i32
    scf.for %scan3A_47 = %scan3A_18 to %scan3A_20 step %scan3A_21  : i32 {
      %mul3A_48 = arith.constant 2 : i32
      %mul3A_49 = arith.muli %mul3A_48, %scan3A_47 : i32
      %add3A_50 = arith.constant 1 : i32
      %add3A_51 = arith.addi %mul3A_49, %add3A_50 : i32
      %lt3A = arith.constant 40 : i32
      %lt3A_52 = arith.cmpi slt, %add3A_51, %lt3A : i32
      %convert_element_type3A = arith.extui %lt3A_52 : i1 to i32
      %cond3A = arith.constant 0 : i32
      %cond3A_53 = arith.cmpi ne, %convert_element_type3A, %cond3A : i32
      scf.if %cond3A_53 {
        %add3A_87 = arith.constant 1 : i32
        %add3A_88 = arith.addi %mul3A_49, %add3A_87 : i32
        %dma_start3A_89 = arith.constant 1 : i32
        %dma_start3A_90 = arith.constant 0 : i32
        %dma_start3A_91 = arith.constant 0 : i32
        %dma_start3A_92 = tpu.memref_slice %arg9[%dma_start3A_89, %dma_start3A_90, %dma_start3A_91] : memref<2x128x128xf32, #tpu.memory_space<vmem>> -> memref<1x128x128xf32, #tpu.memory_space<vmem>>
        %dma_start3A_93 = tpu.memref_squeeze %dma_start3A_92 : memref<1x128x128xf32, #tpu.memory_space<vmem>> -> memref<128x128xf32, #tpu.memory_space<vmem>>
        %dma_start3A_94 = arith.constant 0 : i32
        %dma_start3A_95 = tpu.memref_slice %arg7[%add3A_88, %dma_start3A_94] : memref<40x128xi32, #tpu.memory_space<vmem>> -> memref<1x128xi32, #tpu.memory_space<vmem>>
        %dma_start3A_96 = tpu.memref_squeeze %dma_start3A_95 : memref<1x128xi32, #tpu.memory_space<vmem>> -> memref<128xi32, #tpu.memory_space<vmem>>
        %dma_start3A_97 = arith.constant 0 : i32
        %dma_start3A_98 = arith.constant 0 : i32
        %dma_start3A_99 = tpu.memref_slice %arg2[%dma_start3A_97, %dma_start3A_98] : memref<10000x128xf32, #tpu.memory_space<hbm>> -> memref<10000x128xf32, #tpu.memory_space<hbm>>
        tpu.enqueue_indirect_dma source(%dma_start3A_99 : memref<10000x128xf32, #tpu.memory_space<hbm>>) target(%dma_start3A_93 : memref<128x128xf32, #tpu.memory_space<vmem>>) offsets(%dma_start3A_96 : memref<128xi32, #tpu.memory_space<vmem>>) semaphore(%arg11 : memref<!tpu.dma_semaphore, #tpu.memory_space<semaphore_mem>>)
      } else {
      }
      %dma_wait3A = arith.constant 0 : i32
      %dma_wait3A_54 = arith.constant 0 : i32
      %dma_wait3A_55 = arith.constant 0 : i32
      %dma_wait3A_56 = tpu.memref_slice %arg9[%dma_wait3A, %dma_wait3A_54, %dma_wait3A_55] : memref<2x128x128xf32, #tpu.memory_space<vmem>> -> memref<1x128x128xf32, #tpu.memory_space<vmem>>
      %dma_wait3A_57 = tpu.memref_squeeze %dma_wait3A_56 : memref<1x128x128xf32, #tpu.memory_space<vmem>> -> memref<128x128xf32, #tpu.memory_space<vmem>>
      %dma_wait3A_58 = arith.constant 0 : i32
      %dma_wait3A_59 = tpu.memref_slice %arg7[%mul3A_49, %dma_wait3A_58] : memref<40x128xi32, #tpu.memory_space<vmem>> -> memref<1x128xi32, #tpu.memory_space<vmem>>
      %dma_wait3A_60 = tpu.memref_squeeze %dma_wait3A_59 : memref<1x128xi32, #tpu.memory_space<vmem>> -> memref<128xi32, #tpu.memory_space<vmem>>
      %dma_wait3A_61 = arith.constant 0 : i32
      %dma_wait3A_62 = arith.constant 0 : i32
      %dma_wait3A_63 = tpu.memref_slice %arg2[%dma_wait3A_61, %dma_wait3A_62] : memref<10000x128xf32, #tpu.memory_space<hbm>> -> memref<10000x128xf32, #tpu.memory_space<hbm>>
      tpu.wait_indirect_dma semaphore(%arg11 : memref<!tpu.dma_semaphore, #tpu.memory_space<semaphore_mem>>) src(%dma_wait3A_63 : memref<10000x128xf32, #tpu.memory_space<hbm>>) dst(%dma_wait3A_57 : memref<128x128xf32, #tpu.memory_space<vmem>>)
      %run_scoped3A = arith.constant 0 : i32
      "tpu.region"() ({
        %run_scoped3A_87 = tpu.sem_alloc : memref<!tpu.dma_semaphore, #tpu.memory_space<semaphore_mem>>
        %dma_start3A_88 = arith.constant 0 : i32
        %dma_start3A_89 = arith.constant 0 : i32
        %dma_start3A_90 = tpu.memref_slice %arg9[%run_scoped3A, %dma_start3A_88, %dma_start3A_89] : memref<2x128x128xf32, #tpu.memory_space<vmem>> -> memref<1x128x128xf32, #tpu.memory_space<vmem>>
        %dma_start3A_91 = tpu.memref_squeeze %dma_start3A_90 : memref<1x128x128xf32, #tpu.memory_space<vmem>> -> memref<128x128xf32, #tpu.memory_space<vmem>>
        %dma_start3A_92 = arith.constant 0 : i32
        %dma_start3A_93 = tpu.memref_slice %arg8[%mul3A_49, %dma_start3A_92] : memref<40x128xi32, #tpu.memory_space<vmem>> -> memref<1x128xi32, #tpu.memory_space<vmem>>
        %dma_start3A_94 = tpu.memref_squeeze %dma_start3A_93 : memref<1x128xi32, #tpu.memory_space<vmem>> -> memref<128xi32, #tpu.memory_space<vmem>>
        %dma_start3A_95 = arith.constant 0 : i32
        %dma_start3A_96 = arith.constant 0 : i32
        %dma_start3A_97 = tpu.memref_slice %arg10[%dma_start3A_95, %dma_start3A_96] : memref<10112x128xf32, #tpu.memory_space<vmem_shared>> -> memref<10112x128xf32, #tpu.memory_space<vmem_shared>>
        tpu.enqueue_indirect_dma source(%dma_start3A_91 : memref<128x128xf32, #tpu.memory_space<vmem>>) target(%dma_start3A_97 : memref<10112x128xf32, #tpu.memory_space<vmem_shared>>) offsets(%dma_start3A_94 : memref<128xi32, #tpu.memory_space<vmem>>) semaphore(%run_scoped3A_87 : memref<!tpu.dma_semaphore, #tpu.memory_space<semaphore_mem>>) {add = true}
        %dma_wait3A_98 = arith.constant 0 : i32
        %dma_wait3A_99 = arith.constant 0 : i32
        %dma_wait3A_100 = tpu.memref_slice %arg9[%run_scoped3A, %dma_wait3A_98, %dma_wait3A_99] : memref<2x128x128xf32, #tpu.memory_space<vmem>> -> memref<1x128x128xf32, #tpu.memory_space<vmem>>
        %dma_wait3A_101 = tpu.memref_squeeze %dma_wait3A_100 : memref<1x128x128xf32, #tpu.memory_space<vmem>> -> memref<128x128xf32, #tpu.memory_space<vmem>>
        %dma_wait3A_102 = arith.constant 0 : i32
        %dma_wait3A_103 = tpu.memref_slice %arg8[%mul3A_49, %dma_wait3A_102] : memref<40x128xi32, #tpu.memory_space<vmem>> -> memref<1x128xi32, #tpu.memory_space<vmem>>
        %dma_wait3A_104 = tpu.memref_squeeze %dma_wait3A_103 : memref<1x128xi32, #tpu.memory_space<vmem>> -> memref<128xi32, #tpu.memory_space<vmem>>
        %dma_wait3A_105 = arith.constant 0 : i32
        %dma_wait3A_106 = arith.constant 0 : i32
        %dma_wait3A_107 = tpu.memref_slice %arg10[%dma_wait3A_105, %dma_wait3A_106] : memref<10112x128xf32, #tpu.memory_space<vmem_shared>> -> memref<10112x128xf32, #tpu.memory_space<vmem_shared>>
        tpu.wait_indirect_dma semaphore(%run_scoped3A_87 : memref<!tpu.dma_semaphore, #tpu.memory_space<semaphore_mem>>) src(%dma_wait3A_101 : memref<128x128xf32, #tpu.memory_space<vmem>>) dst(%dma_wait3A_107 : memref<10112x128xf32, #tpu.memory_space<vmem_shared>>)
        tpu.yield
      }) : () -> ()
      %mul3A_64 = arith.constant 2 : i32
      %mul3A_65 = arith.muli %mul3A_64, %scan3A_47 : i32
      %add3A_66 = arith.constant 1 : i32
      %add3A_67 = arith.addi %mul3A_65, %add3A_66 : i32
      %add3A_68 = arith.constant 1 : i32
      %add3A_69 = arith.addi %add3A_67, %add3A_68 : i32
      %lt3A_70 = arith.constant 40 : i32
      %lt3A_71 = arith.cmpi slt, %add3A_69, %lt3A_70 : i32
      %convert_element_type3A_72 = arith.extui %lt3A_71 : i1 to i32
      %cond3A_73 = arith.constant 0 : i32
      %cond3A_74 = arith.cmpi ne, %convert_element_type3A_72, %cond3A_73 : i32
      scf.if %cond3A_74 {
        %add3A_87 = arith.constant 1 : i32
        %add3A_88 = arith.addi %add3A_67, %add3A_87 : i32
        %dma_start3A_89 = arith.constant 0 : i32
        %dma_start3A_90 = arith.constant 0 : i32
        %dma_start3A_91 = arith.constant 0 : i32
        %dma_start3A_92 = tpu.memref_slice %arg9[%dma_start3A_89, %dma_start3A_90, %dma_start3A_91] : memref<2x128x128xf32, #tpu.memory_space<vmem>> -> memref<1x128x128xf32, #tpu.memory_space<vmem>>
        %dma_start3A_93 = tpu.memref_squeeze %dma_start3A_92 : memref<1x128x128xf32, #tpu.memory_space<vmem>> -> memref<128x128xf32, #tpu.memory_space<vmem>>
        %dma_start3A_94 = arith.constant 0 : i32
        %dma_start3A_95 = tpu.memref_slice %arg7[%add3A_88, %dma_start3A_94] : memref<40x128xi32, #tpu.memory_space<vmem>> -> memref<1x128xi32, #tpu.memory_space<vmem>>
        %dma_start3A_96 = tpu.memref_squeeze %dma_start3A_95 : memref<1x128xi32, #tpu.memory_space<vmem>> -> memref<128xi32, #tpu.memory_space<vmem>>
        %dma_start3A_97 = arith.constant 0 : i32
        %dma_start3A_98 = arith.constant 0 : i32
        %dma_start3A_99 = tpu.memref_slice %arg2[%dma_start3A_97, %dma_start3A_98] : memref<10000x128xf32, #tpu.memory_space<hbm>> -> memref<10000x128xf32, #tpu.memory_space<hbm>>
        tpu.enqueue_indirect_dma source(%dma_start3A_99 : memref<10000x128xf32, #tpu.memory_space<hbm>>) target(%dma_start3A_93 : memref<128x128xf32, #tpu.memory_space<vmem>>) offsets(%dma_start3A_96 : memref<128xi32, #tpu.memory_space<vmem>>) semaphore(%arg11 : memref<!tpu.dma_semaphore, #tpu.memory_space<semaphore_mem>>)
      } else {
      }
      %dma_wait3A_75 = arith.constant 1 : i32
      %dma_wait3A_76 = arith.constant 0 : i32
      %dma_wait3A_77 = arith.constant 0 : i32
      %dma_wait3A_78 = tpu.memref_slice %arg9[%dma_wait3A_75, %dma_wait3A_76, %dma_wait3A_77] : memref<2x128x128xf32, #tpu.memory_space<vmem>> -> memref<1x128x128xf32, #tpu.memory_space<vmem>>
      %dma_wait3A_79 = tpu.memref_squeeze %dma_wait3A_78 : memref<1x128x128xf32, #tpu.memory_space<vmem>> -> memref<128x128xf32, #tpu.memory_space<vmem>>
      %dma_wait3A_80 = arith.constant 0 : i32
      %dma_wait3A_81 = tpu.memref_slice %arg7[%add3A_67, %dma_wait3A_80] : memref<40x128xi32, #tpu.memory_space<vmem>> -> memref<1x128xi32, #tpu.memory_space<vmem>>
      %dma_wait3A_82 = tpu.memref_squeeze %dma_wait3A_81 : memref<1x128xi32, #tpu.memory_space<vmem>> -> memref<128xi32, #tpu.memory_space<vmem>>
      %dma_wait3A_83 = arith.constant 0 : i32
      %dma_wait3A_84 = arith.constant 0 : i32
      %dma_wait3A_85 = tpu.memref_slice %arg2[%dma_wait3A_83, %dma_wait3A_84] : memref<10000x128xf32, #tpu.memory_space<hbm>> -> memref<10000x128xf32, #tpu.memory_space<hbm>>
      tpu.wait_indirect_dma semaphore(%arg11 : memref<!tpu.dma_semaphore, #tpu.memory_space<semaphore_mem>>) src(%dma_wait3A_85 : memref<10000x128xf32, #tpu.memory_space<hbm>>) dst(%dma_wait3A_79 : memref<128x128xf32, #tpu.memory_space<vmem>>)
      %run_scoped3A_86 = arith.constant 1 : i32
      "tpu.region"() ({
        %run_scoped3A_87 = tpu.sem_alloc : memref<!tpu.dma_semaphore, #tpu.memory_space<semaphore_mem>>
        %dma_start3A_88 = arith.constant 0 : i32
        %dma_start3A_89 = arith.constant 0 : i32
        %dma_start3A_90 = tpu.memref_slice %arg9[%run_scoped3A_86, %dma_start3A_88, %dma_start3A_89] : memref<2x128x128xf32, #tpu.memory_space<vmem>> -> memref<1x128x128xf32, #tpu.memory_space<vmem>>
        %dma_start3A_91 = tpu.memref_squeeze %dma_start3A_90 : memref<1x128x128xf32, #tpu.memory_space<vmem>> -> memref<128x128xf32, #tpu.memory_space<vmem>>
        %dma_start3A_92 = arith.constant 0 : i32
        %dma_start3A_93 = tpu.memref_slice %arg8[%add3A_67, %dma_start3A_92] : memref<40x128xi32, #tpu.memory_space<vmem>> -> memref<1x128xi32, #tpu.memory_space<vmem>>
        %dma_start3A_94 = tpu.memref_squeeze %dma_start3A_93 : memref<1x128xi32, #tpu.memory_space<vmem>> -> memref<128xi32, #tpu.memory_space<vmem>>
        %dma_start3A_95 = arith.constant 0 : i32
        %dma_start3A_96 = arith.constant 0 : i32
        %dma_start3A_97 = tpu.memref_slice %arg10[%dma_start3A_95, %dma_start3A_96] : memref<10112x128xf32, #tpu.memory_space<vmem_shared>> -> memref<10112x128xf32, #tpu.memory_space<vmem_shared>>
        tpu.enqueue_indirect_dma source(%dma_start3A_91 : memref<128x128xf32, #tpu.memory_space<vmem>>) target(%dma_start3A_97 : memref<10112x128xf32, #tpu.memory_space<vmem_shared>>) offsets(%dma_start3A_94 : memref<128xi32, #tpu.memory_space<vmem>>) semaphore(%run_scoped3A_87 : memref<!tpu.dma_semaphore, #tpu.memory_space<semaphore_mem>>) {add = true}
        %dma_wait3A_98 = arith.constant 0 : i32
        %dma_wait3A_99 = arith.constant 0 : i32
        %dma_wait3A_100 = tpu.memref_slice %arg9[%run_scoped3A_86, %dma_wait3A_98, %dma_wait3A_99] : memref<2x128x128xf32, #tpu.memory_space<vmem>> -> memref<1x128x128xf32, #tpu.memory_space<vmem>>
        %dma_wait3A_101 = tpu.memref_squeeze %dma_wait3A_100 : memref<1x128x128xf32, #tpu.memory_space<vmem>> -> memref<128x128xf32, #tpu.memory_space<vmem>>
        %dma_wait3A_102 = arith.constant 0 : i32
        %dma_wait3A_103 = tpu.memref_slice %arg8[%add3A_67, %dma_wait3A_102] : memref<40x128xi32, #tpu.memory_space<vmem>> -> memref<1x128xi32, #tpu.memory_space<vmem>>
        %dma_wait3A_104 = tpu.memref_squeeze %dma_wait3A_103 : memref<1x128xi32, #tpu.memory_space<vmem>> -> memref<128xi32, #tpu.memory_space<vmem>>
        %dma_wait3A_105 = arith.constant 0 : i32
        %dma_wait3A_106 = arith.constant 0 : i32
        %dma_wait3A_107 = tpu.memref_slice %arg10[%dma_wait3A_105, %dma_wait3A_106] : memref<10112x128xf32, #tpu.memory_space<vmem_shared>> -> memref<10112x128xf32, #tpu.memory_space<vmem_shared>>
        tpu.wait_indirect_dma semaphore(%run_scoped3A_87 : memref<!tpu.dma_semaphore, #tpu.memory_space<semaphore_mem>>) src(%dma_wait3A_101 : memref<128x128xf32, #tpu.memory_space<vmem>>) dst(%dma_wait3A_107 : memref<10112x128xf32, #tpu.memory_space<vmem_shared>>)
        tpu.yield
      }) : () -> ()
    }
    %scan3A_22 = arith.constant 20 : i32
    %add3A_23 = arith.constant 40 : i32
    %add3A_24 = arith.addi %mul3A_4, %add3A_23 : i32
    "tpu.region"() ({
      %run_scoped3A = tpu.sem_alloc : memref<!tpu.dma_semaphore, #tpu.memory_space<semaphore_mem>>
      %dma_start3A_47 = arith.constant 0 : i32
      %dma_start3A_48 = tpu.memref_slice %arg3[%add3A_24, %dma_start3A_47] : memref<2560x128xi32, #tpu.memory_space<hbm>> -> memref<40x128xi32, #tpu.memory_space<hbm>>
      %dma_start3A_49 = arith.constant 0 : i32
      %dma_start3A_50 = tpu.memref_slice %arg3[%add3A_24, %dma_start3A_49] : memref<2560x128xi32, #tpu.memory_space<hbm>> -> memref<40x128xi32, #tpu.memory_space<hbm>>
      tpu.enqueue_dma source(%dma_start3A_50 : memref<40x128xi32, #tpu.memory_space<hbm>>) target(%arg7 : memref<40x128xi32, #tpu.memory_space<vmem>>) target_semaphore(%run_scoped3A : memref<!tpu.dma_semaphore, #tpu.memory_space<semaphore_mem>>)
      %dma_wait3A = arith.constant 0 : i32
      %dma_wait3A_51 = tpu.memref_slice %arg3[%add3A_24, %dma_wait3A] : memref<2560x128xi32, #tpu.memory_space<hbm>> -> memref<40x128xi32, #tpu.memory_space<hbm>>
      %dma_wait3A_52 = arith.constant 0 : i32
      %dma_wait3A_53 = tpu.memref_slice %arg3[%add3A_24, %dma_wait3A_52] : memref<2560x128xi32, #tpu.memory_space<hbm>> -> memref<40x128xi32, #tpu.memory_space<hbm>>
      tpu.wait_dma2 semaphore(%run_scoped3A : memref<!tpu.dma_semaphore, #tpu.memory_space<semaphore_mem>>) src(%dma_wait3A_53 : memref<40x128xi32, #tpu.memory_space<hbm>>) dst(%arg7 : memref<40x128xi32, #tpu.memory_space<vmem>>)
      tpu.yield
    }) : () -> ()
    "tpu.region"() ({
      %run_scoped3A = tpu.sem_alloc : memref<!tpu.dma_semaphore, #tpu.memory_space<semaphore_mem>>
      %dma_start3A_47 = arith.constant 0 : i32
      %dma_start3A_48 = tpu.memref_slice %arg4[%add3A_24, %dma_start3A_47] : memref<2560x128xi32, #tpu.memory_space<hbm>> -> memref<40x128xi32, #tpu.memory_space<hbm>>
      %dma_start3A_49 = arith.constant 0 : i32
      %dma_start3A_50 = tpu.memref_slice %arg4[%add3A_24, %dma_start3A_49] : memref<2560x128xi32, #tpu.memory_space<hbm>> -> memref<40x128xi32, #tpu.memory_space<hbm>>
      tpu.enqueue_dma source(%dma_start3A_50 : memref<40x128xi32, #tpu.memory_space<hbm>>) target(%arg8 : memref<40x128xi32, #tpu.memory_space<vmem>>) target_semaphore(%run_scoped3A : memref<!tpu.dma_semaphore, #tpu.memory_space<semaphore_mem>>)
      %dma_wait3A = arith.constant 0 : i32
      %dma_wait3A_51 = tpu.memref_slice %arg4[%add3A_24, %dma_wait3A] : memref<2560x128xi32, #tpu.memory_space<hbm>> -> memref<40x128xi32, #tpu.memory_space<hbm>>
      %dma_wait3A_52 = arith.constant 0 : i32
      %dma_wait3A_53 = tpu.memref_slice %arg4[%add3A_24, %dma_wait3A_52] : memref<2560x128xi32, #tpu.memory_space<hbm>> -> memref<40x128xi32, #tpu.memory_space<hbm>>
      tpu.wait_dma2 semaphore(%run_scoped3A : memref<!tpu.dma_semaphore, #tpu.memory_space<semaphore_mem>>) src(%dma_wait3A_53 : memref<40x128xi32, #tpu.memory_space<hbm>>) dst(%arg8 : memref<40x128xi32, #tpu.memory_space<vmem>>)
      tpu.yield
    }) : () -> ()
    %dma_start3A_25 = arith.constant 0 : i32
    %dma_start3A_26 = arith.constant 0 : i32
    %dma_start3A_27 = arith.constant 0 : i32
    %dma_start3A_28 = arith.constant 0 : i32
    %dma_start3A_29 = tpu.memref_slice %arg9[%dma_start3A_26, %dma_start3A_27, %dma_start3A_28] : memref<2x128x128xf32, #tpu.memory_space<vmem>> -> memref<1x128x128xf32, #tpu.memory_space<vmem>>
    %dma_start3A_30 = tpu.memref_squeeze %dma_start3A_29 : memref<1x128x128xf32, #tpu.memory_space<vmem>> -> memref<128x128xf32, #tpu.memory_space<vmem>>
    %dma_start3A_31 = arith.constant 0 : i32
    %dma_start3A_32 = tpu.memref_slice %arg7[%dma_start3A_25, %dma_start3A_31] : memref<40x128xi32, #tpu.memory_space<vmem>> -> memref<1x128xi32, #tpu.memory_space<vmem>>
    %dma_start3A_33 = tpu.memref_squeeze %dma_start3A_32 : memref<1x128xi32, #tpu.memory_space<vmem>> -> memref<128xi32, #tpu.memory_space<vmem>>
    %dma_start3A_34 = arith.constant 0 : i32
    %dma_start3A_35 = arith.constant 0 : i32
    %dma_start3A_36 = tpu.memref_slice %arg2[%dma_start3A_34, %dma_start3A_35] : memref<10000x128xf32, #tpu.memory_space<hbm>> -> memref<10000x128xf32, #tpu.memory_space<hbm>>
    tpu.enqueue_indirect_dma source(%dma_start3A_36 : memref<10000x128xf32, #tpu.memory_space<hbm>>) target(%dma_start3A_30 : memref<128x128xf32, #tpu.memory_space<vmem>>) offsets(%dma_start3A_33 : memref<128xi32, #tpu.memory_space<vmem>>) semaphore(%arg11 : memref<!tpu.dma_semaphore, #tpu.memory_space<semaphore_mem>>)
    %scan3A_37 = arith.constant 0 : i32
    %scan3A_38 = arith.constant 0 : i32
    %scan3A_39 = arith.constant 20 : i32
    %scan3A_40 = arith.addi %scan3A_38, %scan3A_39 : i32
    %scan3A_41 = arith.constant 1 : i32
    scf.for %scan3A_47 = %scan3A_38 to %scan3A_40 step %scan3A_41  : i32 {
      %mul3A_48 = arith.constant 2 : i32
      %mul3A_49 = arith.muli %mul3A_48, %scan3A_47 : i32
      %add3A_50 = arith.constant 1 : i32
      %add3A_51 = arith.addi %mul3A_49, %add3A_50 : i32
      %lt3A = arith.constant 40 : i32
      %lt3A_52 = arith.cmpi slt, %add3A_51, %lt3A : i32
      %convert_element_type3A = arith.extui %lt3A_52 : i1 to i32
      %cond3A = arith.constant 0 : i32
      %cond3A_53 = arith.cmpi ne, %convert_element_type3A, %cond3A : i32
      scf.if %cond3A_53 {
        %add3A_87 = arith.constant 1 : i32
        %add3A_88 = arith.addi %mul3A_49, %add3A_87 : i32
        %dma_start3A_89 = arith.constant 1 : i32
        %dma_start3A_90 = arith.constant 0 : i32
        %dma_start3A_91 = arith.constant 0 : i32
        %dma_start3A_92 = tpu.memref_slice %arg9[%dma_start3A_89, %dma_start3A_90, %dma_start3A_91] : memref<2x128x128xf32, #tpu.memory_space<vmem>> -> memref<1x128x128xf32, #tpu.memory_space<vmem>>
        %dma_start3A_93 = tpu.memref_squeeze %dma_start3A_92 : memref<1x128x128xf32, #tpu.memory_space<vmem>> -> memref<128x128xf32, #tpu.memory_space<vmem>>
        %dma_start3A_94 = arith.constant 0 : i32
        %dma_start3A_95 = tpu.memref_slice %arg7[%add3A_88, %dma_start3A_94] : memref<40x128xi32, #tpu.memory_space<vmem>> -> memref<1x128xi32, #tpu.memory_space<vmem>>
        %dma_start3A_96 = tpu.memref_squeeze %dma_start3A_95 : memref<1x128xi32, #tpu.memory_space<vmem>> -> memref<128xi32, #tpu.memory_space<vmem>>
        %dma_start3A_97 = arith.constant 0 : i32
        %dma_start3A_98 = arith.constant 0 : i32
        %dma_start3A_99 = tpu.memref_slice %arg2[%dma_start3A_97, %dma_start3A_98] : memref<10000x128xf32, #tpu.memory_space<hbm>> -> memref<10000x128xf32, #tpu.memory_space<hbm>>
        tpu.enqueue_indirect_dma source(%dma_start3A_99 : memref<10000x128xf32, #tpu.memory_space<hbm>>) target(%dma_start3A_93 : memref<128x128xf32, #tpu.memory_space<vmem>>) offsets(%dma_start3A_96 : memref<128xi32, #tpu.memory_space<vmem>>) semaphore(%arg11 : memref<!tpu.dma_semaphore, #tpu.memory_space<semaphore_mem>>)
      } else {
      }
      %dma_wait3A = arith.constant 0 : i32
      %dma_wait3A_54 = arith.constant 0 : i32
      %dma_wait3A_55 = arith.constant 0 : i32
      %dma_wait3A_56 = tpu.memref_slice %arg9[%dma_wait3A, %dma_wait3A_54, %dma_wait3A_55] : memref<2x128x128xf32, #tpu.memory_space<vmem>> -> memref<1x128x128xf32, #tpu.memory_space<vmem>>
      %dma_wait3A_57 = tpu.memref_squeeze %dma_wait3A_56 : memref<1x128x128xf32, #tpu.memory_space<vmem>> -> memref<128x128xf32, #tpu.memory_space<vmem>>
      %dma_wait3A_58 = arith.constant 0 : i32
      %dma_wait3A_59 = tpu.memref_slice %arg7[%mul3A_49, %dma_wait3A_58] : memref<40x128xi32, #tpu.memory_space<vmem>> -> memref<1x128xi32, #tpu.memory_space<vmem>>
      %dma_wait3A_60 = tpu.memref_squeeze %dma_wait3A_59 : memref<1x128xi32, #tpu.memory_space<vmem>> -> memref<128xi32, #tpu.memory_space<vmem>>
      %dma_wait3A_61 = arith.constant 0 : i32
      %dma_wait3A_62 = arith.constant 0 : i32
      %dma_wait3A_63 = tpu.memref_slice %arg2[%dma_wait3A_61, %dma_wait3A_62] : memref<10000x128xf32, #tpu.memory_space<hbm>> -> memref<10000x128xf32, #tpu.memory_space<hbm>>
      tpu.wait_indirect_dma semaphore(%arg11 : memref<!tpu.dma_semaphore, #tpu.memory_space<semaphore_mem>>) src(%dma_wait3A_63 : memref<10000x128xf32, #tpu.memory_space<hbm>>) dst(%dma_wait3A_57 : memref<128x128xf32, #tpu.memory_space<vmem>>)
      %run_scoped3A = arith.constant 0 : i32
      "tpu.region"() ({
        %run_scoped3A_87 = tpu.sem_alloc : memref<!tpu.dma_semaphore, #tpu.memory_space<semaphore_mem>>
        %dma_start3A_88 = arith.constant 0 : i32
        %dma_start3A_89 = arith.constant 0 : i32
        %dma_start3A_90 = tpu.memref_slice %arg9[%run_scoped3A, %dma_start3A_88, %dma_start3A_89] : memref<2x128x128xf32, #tpu.memory_space<vmem>> -> memref<1x128x128xf32, #tpu.memory_space<vmem>>
        %dma_start3A_91 = tpu.memref_squeeze %dma_start3A_90 : memref<1x128x128xf32, #tpu.memory_space<vmem>> -> memref<128x128xf32, #tpu.memory_space<vmem>>
        %dma_start3A_92 = arith.constant 0 : i32
        %dma_start3A_93 = tpu.memref_slice %arg8[%mul3A_49, %dma_start3A_92] : memref<40x128xi32, #tpu.memory_space<vmem>> -> memref<1x128xi32, #tpu.memory_space<vmem>>
        %dma_start3A_94 = tpu.memref_squeeze %dma_start3A_93 : memref<1x128xi32, #tpu.memory_space<vmem>> -> memref<128xi32, #tpu.memory_space<vmem>>
        %dma_start3A_95 = arith.constant 0 : i32
        %dma_start3A_96 = arith.constant 0 : i32
        %dma_start3A_97 = tpu.memref_slice %arg10[%dma_start3A_95, %dma_start3A_96] : memref<10112x128xf32, #tpu.memory_space<vmem_shared>> -> memref<10112x128xf32, #tpu.memory_space<vmem_shared>>
        tpu.enqueue_indirect_dma source(%dma_start3A_91 : memref<128x128xf32, #tpu.memory_space<vmem>>) target(%dma_start3A_97 : memref<10112x128xf32, #tpu.memory_space<vmem_shared>>) offsets(%dma_start3A_94 : memref<128xi32, #tpu.memory_space<vmem>>) semaphore(%run_scoped3A_87 : memref<!tpu.dma_semaphore, #tpu.memory_space<semaphore_mem>>) {add = true}
        %dma_wait3A_98 = arith.constant 0 : i32
        %dma_wait3A_99 = arith.constant 0 : i32
        %dma_wait3A_100 = tpu.memref_slice %arg9[%run_scoped3A, %dma_wait3A_98, %dma_wait3A_99] : memref<2x128x128xf32, #tpu.memory_space<vmem>> -> memref<1x128x128xf32, #tpu.memory_space<vmem>>
        %dma_wait3A_101 = tpu.memref_squeeze %dma_wait3A_100 : memref<1x128x128xf32, #tpu.memory_space<vmem>> -> memref<128x128xf32, #tpu.memory_space<vmem>>
        %dma_wait3A_102 = arith.constant 0 : i32
        %dma_wait3A_103 = tpu.memref_slice %arg8[%mul3A_49, %dma_wait3A_102] : memref<40x128xi32, #tpu.memory_space<vmem>> -> memref<1x128xi32, #tpu.memory_space<vmem>>
        %dma_wait3A_104 = tpu.memref_squeeze %dma_wait3A_103 : memref<1x128xi32, #tpu.memory_space<vmem>> -> memref<128xi32, #tpu.memory_space<vmem>>
        %dma_wait3A_105 = arith.constant 0 : i32
        %dma_wait3A_106 = arith.constant 0 : i32
        %dma_wait3A_107 = tpu.memref_slice %arg10[%dma_wait3A_105, %dma_wait3A_106] : memref<10112x128xf32, #tpu.memory_space<vmem_shared>> -> memref<10112x128xf32, #tpu.memory_space<vmem_shared>>
        tpu.wait_indirect_dma semaphore(%run_scoped3A_87 : memref<!tpu.dma_semaphore, #tpu.memory_space<semaphore_mem>>) src(%dma_wait3A_101 : memref<128x128xf32, #tpu.memory_space<vmem>>) dst(%dma_wait3A_107 : memref<10112x128xf32, #tpu.memory_space<vmem_shared>>)
        tpu.yield
      }) : () -> ()
      %mul3A_64 = arith.constant 2 : i32
      %mul3A_65 = arith.muli %mul3A_64, %scan3A_47 : i32
      %add3A_66 = arith.constant 1 : i32
      %add3A_67 = arith.addi %mul3A_65, %add3A_66 : i32
      %add3A_68 = arith.constant 1 : i32
      %add3A_69 = arith.addi %add3A_67, %add3A_68 : i32
      %lt3A_70 = arith.constant 40 : i32
      %lt3A_71 = arith.cmpi slt, %add3A_69, %lt3A_70 : i32
      %convert_element_type3A_72 = arith.extui %lt3A_71 : i1 to i32
      %cond3A_73 = arith.constant 0 : i32
      %cond3A_74 = arith.cmpi ne, %convert_element_type3A_72, %cond3A_73 : i32
      scf.if %cond3A_74 {
        %add3A_87 = arith.constant 1 : i32
        %add3A_88 = arith.addi %add3A_67, %add3A_87 : i32
        %dma_start3A_89 = arith.constant 0 : i32
        %dma_start3A_90 = arith.constant 0 : i32
        %dma_start3A_91 = arith.constant 0 : i32
        %dma_start3A_92 = tpu.memref_slice %arg9[%dma_start3A_89, %dma_start3A_90, %dma_start3A_91] : memref<2x128x128xf32, #tpu.memory_space<vmem>> -> memref<1x128x128xf32, #tpu.memory_space<vmem>>
        %dma_start3A_93 = tpu.memref_squeeze %dma_start3A_92 : memref<1x128x128xf32, #tpu.memory_space<vmem>> -> memref<128x128xf32, #tpu.memory_space<vmem>>
        %dma_start3A_94 = arith.constant 0 : i32
        %dma_start3A_95 = tpu.memref_slice %arg7[%add3A_88, %dma_start3A_94] : memref<40x128xi32, #tpu.memory_space<vmem>> -> memref<1x128xi32, #tpu.memory_space<vmem>>
        %dma_start3A_96 = tpu.memref_squeeze %dma_start3A_95 : memref<1x128xi32, #tpu.memory_space<vmem>> -> memref<128xi32, #tpu.memory_space<vmem>>
        %dma_start3A_97 = arith.constant 0 : i32
        %dma_start3A_98 = arith.constant 0 : i32
        %dma_start3A_99 = tpu.memref_slice %arg2[%dma_start3A_97, %dma_start3A_98] : memref<10000x128xf32, #tpu.memory_space<hbm>> -> memref<10000x128xf32, #tpu.memory_space<hbm>>
        tpu.enqueue_indirect_dma source(%dma_start3A_99 : memref<10000x128xf32, #tpu.memory_space<hbm>>) target(%dma_start3A_93 : memref<128x128xf32, #tpu.memory_space<vmem>>) offsets(%dma_start3A_96 : memref<128xi32, #tpu.memory_space<vmem>>) semaphore(%arg11 : memref<!tpu.dma_semaphore, #tpu.memory_space<semaphore_mem>>)
      } else {
      }
      %dma_wait3A_75 = arith.constant 1 : i32
      %dma_wait3A_76 = arith.constant 0 : i32
      %dma_wait3A_77 = arith.constant 0 : i32
      %dma_wait3A_78 = tpu.memref_slice %arg9[%dma_wait3A_75, %dma_wait3A_76, %dma_wait3A_77] : memref<2x128x128xf32, #tpu.memory_space<vmem>> -> memref<1x128x128xf32, #tpu.memory_space<vmem>>
      %dma_wait3A_79 = tpu.memref_squeeze %dma_wait3A_78 : memref<1x128x128xf32, #tpu.memory_space<vmem>> -> memref<128x128xf32, #tpu.memory_space<vmem>>
      %dma_wait3A_80 = arith.constant 0 : i32
      %dma_wait3A_81 = tpu.memref_slice %arg7[%add3A_67, %dma_wait3A_80] : memref<40x128xi32, #tpu.memory_space<vmem>> -> memref<1x128xi32, #tpu.memory_space<vmem>>
      %dma_wait3A_82 = tpu.memref_squeeze %dma_wait3A_81 : memref<1x128xi32, #tpu.memory_space<vmem>> -> memref<128xi32, #tpu.memory_space<vmem>>
      %dma_wait3A_83 = arith.constant 0 : i32
      %dma_wait3A_84 = arith.constant 0 : i32
      %dma_wait3A_85 = tpu.memref_slice %arg2[%dma_wait3A_83, %dma_wait3A_84] : memref<10000x128xf32, #tpu.memory_space<hbm>> -> memref<10000x128xf32, #tpu.memory_space<hbm>>
      tpu.wait_indirect_dma semaphore(%arg11 : memref<!tpu.dma_semaphore, #tpu.memory_space<semaphore_mem>>) src(%dma_wait3A_85 : memref<10000x128xf32, #tpu.memory_space<hbm>>) dst(%dma_wait3A_79 : memref<128x128xf32, #tpu.memory_space<vmem>>)
      %run_scoped3A_86 = arith.constant 1 : i32
      "tpu.region"() ({
        %run_scoped3A_87 = tpu.sem_alloc : memref<!tpu.dma_semaphore, #tpu.memory_space<semaphore_mem>>
        %dma_start3A_88 = arith.constant 0 : i32
        %dma_start3A_89 = arith.constant 0 : i32
        %dma_start3A_90 = tpu.memref_slice %arg9[%run_scoped3A_86, %dma_start3A_88, %dma_start3A_89] : memref<2x128x128xf32, #tpu.memory_space<vmem>> -> memref<1x128x128xf32, #tpu.memory_space<vmem>>
        %dma_start3A_91 = tpu.memref_squeeze %dma_start3A_90 : memref<1x128x128xf32, #tpu.memory_space<vmem>> -> memref<128x128xf32, #tpu.memory_space<vmem>>
        %dma_start3A_92 = arith.constant 0 : i32
        %dma_start3A_93 = tpu.memref_slice %arg8[%add3A_67, %dma_start3A_92] : memref<40x128xi32, #tpu.memory_space<vmem>> -> memref<1x128xi32, #tpu.memory_space<vmem>>
        %dma_start3A_94 = tpu.memref_squeeze %dma_start3A_93 : memref<1x128xi32, #tpu.memory_space<vmem>> -> memref<128xi32, #tpu.memory_space<vmem>>
        %dma_start3A_95 = arith.constant 0 : i32
        %dma_start3A_96 = arith.constant 0 : i32
        %dma_start3A_97 = tpu.memref_slice %arg10[%dma_start3A_95, %dma_start3A_96] : memref<10112x128xf32, #tpu.memory_space<vmem_shared>> -> memref<10112x128xf32, #tpu.memory_space<vmem_shared>>
        tpu.enqueue_indirect_dma source(%dma_start3A_91 : memref<128x128xf32, #tpu.memory_space<vmem>>) target(%dma_start3A_97 : memref<10112x128xf32, #tpu.memory_space<vmem_shared>>) offsets(%dma_start3A_94 : memref<128xi32, #tpu.memory_space<vmem>>) semaphore(%run_scoped3A_87 : memref<!tpu.dma_semaphore, #tpu.memory_space<semaphore_mem>>) {add = true}
        %dma_wait3A_98 = arith.constant 0 : i32
        %dma_wait3A_99 = arith.constant 0 : i32
        %dma_wait3A_100 = tpu.memref_slice %arg9[%run_scoped3A_86, %dma_wait3A_98, %dma_wait3A_99] : memref<2x128x128xf32, #tpu.memory_space<vmem>> -> memref<1x128x128xf32, #tpu.memory_space<vmem>>
        %dma_wait3A_101 = tpu.memref_squeeze %dma_wait3A_100 : memref<1x128x128xf32, #tpu.memory_space<vmem>> -> memref<128x128xf32, #tpu.memory_space<vmem>>
        %dma_wait3A_102 = arith.constant 0 : i32
        %dma_wait3A_103 = tpu.memref_slice %arg8[%add3A_67, %dma_wait3A_102] : memref<40x128xi32, #tpu.memory_space<vmem>> -> memref<1x128xi32, #tpu.memory_space<vmem>>
        %dma_wait3A_104 = tpu.memref_squeeze %dma_wait3A_103 : memref<1x128xi32, #tpu.memory_space<vmem>> -> memref<128xi32, #tpu.memory_space<vmem>>
        %dma_wait3A_105 = arith.constant 0 : i32
        %dma_wait3A_106 = arith.constant 0 : i32
        %dma_wait3A_107 = tpu.memref_slice %arg10[%dma_wait3A_105, %dma_wait3A_106] : memref<10112x128xf32, #tpu.memory_space<vmem_shared>> -> memref<10112x128xf32, #tpu.memory_space<vmem_shared>>
        tpu.wait_indirect_dma semaphore(%run_scoped3A_87 : memref<!tpu.dma_semaphore, #tpu.memory_space<semaphore_mem>>) src(%dma_wait3A_101 : memref<128x128xf32, #tpu.memory_space<vmem>>) dst(%dma_wait3A_107 : memref<10112x128xf32, #tpu.memory_space<vmem_shared>>)
        tpu.yield
      }) : () -> ()
    }
    %scan3A_42 = arith.constant 20 : i32
    %barrier3A_43 = arith.constant 0 : index
    tpu.barrier barrier_id(%barrier3A_43)
    %mul3A_44 = arith.constant 10112 : i32
    %mul3A_45 = arith.muli %arg0, %mul3A_44 : i32
    %add3A_46 = arith.addi %mul3A_45, %mul3A_0 : i32
    "tpu.region"() ({
      %run_scoped3A = tpu.sem_alloc : memref<!tpu.dma_semaphore, #tpu.memory_space<semaphore_mem>>
      %dma_start3A_47 = arith.constant 0 : i32
      %dma_start3A_48 = tpu.memref_slice %arg6[%add3A_46, %dma_start3A_47] : memref<20224x128xf32, #tpu.memory_space<hbm>> -> memref<632x128xf32, #tpu.memory_space<hbm>>
      %dma_start3A_49 = arith.constant 0 : i32
      %dma_start3A_50 = tpu.memref_slice %arg10[%mul3A_0, %dma_start3A_49] : memref<10112x128xf32, #tpu.memory_space<vmem_shared>> -> memref<632x128xf32, #tpu.memory_space<vmem_shared>>
      tpu.enqueue_dma source(%dma_start3A_50 : memref<632x128xf32, #tpu.memory_space<vmem_shared>>) target(%dma_start3A_48 : memref<632x128xf32, #tpu.memory_space<hbm>>) target_semaphore(%run_scoped3A : memref<!tpu.dma_semaphore, #tpu.memory_space<semaphore_mem>>)
      %dma_wait3A = arith.constant 0 : i32
      %dma_wait3A_51 = tpu.memref_slice %arg6[%add3A_46, %dma_wait3A] : memref<20224x128xf32, #tpu.memory_space<hbm>> -> memref<632x128xf32, #tpu.memory_space<hbm>>
      %dma_wait3A_52 = arith.constant 0 : i32
      %dma_wait3A_53 = tpu.memref_slice %arg10[%mul3A_0, %dma_wait3A_52] : memref<10112x128xf32, #tpu.memory_space<vmem_shared>> -> memref<632x128xf32, #tpu.memory_space<vmem_shared>>
      tpu.wait_dma2 semaphore(%run_scoped3A : memref<!tpu.dma_semaphore, #tpu.memory_space<semaphore_mem>>) src(%dma_wait3A_53 : memref<632x128xf32, #tpu.memory_space<vmem_shared>>) dst(%dma_wait3A_51 : memref<632x128xf32, #tpu.memory_space<hbm>>)
      tpu.yield
    }) : () -> ()
    return
  }
}

#map = affine_map<(d0, d1) -> (0, 0)>
module attributes {stable_mosaic.version = 14 : i64} {
  func.func @fn(%arg0: i32, %arg1: i32, %arg2: memref<10000x128xf32, #tpu.memory_space<hbm>>, %arg3: memref<2560x128xi32, #tpu.memory_space<hbm>>, %arg4: memref<2560x128xi32, #tpu.memory_space<hbm>>, %arg5: memref<10112x128xf32, #tpu.memory_space<hbm>>, %arg6: memref<20224x128xf32, #tpu.memory_space<hbm>>, %arg7: memref<40x128xi32, #tpu.memory_space<vmem>>, %arg8: memref<40x128xi32, #tpu.memory_space<vmem>>, %arg9: memref<2x128x128xf32, #tpu.memory_space<vmem>>, %arg10: memref<10112x128xf32, #tpu.memory_space<vmem_shared>>, %arg11: memref<!tpu.dma_semaphore, #tpu.memory_space<semaphore_mem>>) attributes {dimension_semantics = [#tpu.dimension_semantics<core_parallel>, #tpu.dimension_semantics<subcore_parallel>], iteration_bounds = array<i64: 2, 16>, scalar_prefetch = 0 : i64, scratch_operands = 5 : i64, tpu.core_type = #tpu.core_type<sc_vector_subcore>, window_params = [{transform_indices = #map}, {transform_indices = #map}, {transform_indices = #map}, {transform_indices = #map}, {transform_indices = #map}]} {
    %mul3A = arith.constant 632 : i32
    %mul3A_0 = arith.muli %arg1, %mul3A : i32
    "tpu.region"() ({
      %run_scoped3A = tpu.sem_alloc : memref<!tpu.dma_semaphore, #tpu.memory_space<semaphore_mem>>
      %dma_start3A_47 = arith.constant 0 : i32
      %dma_start3A_48 = tpu.memref_slice %arg10[%mul3A_0, %dma_start3A_47] : memref<10112x128xf32, #tpu.memory_space<vmem_shared>> -> memref<632x128xf32, #tpu.memory_space<vmem_shared>>
      %dma_start3A_49 = arith.constant 0 : i32
      %dma_start3A_50 = tpu.memref_slice %arg5[%mul3A_0, %dma_start3A_49] : memref<10112x128xf32, #tpu.memory_space<hbm>> -> memref<632x128xf32, #tpu.memory_space<hbm>>
      tpu.enqueue_dma source(%dma_start3A_50 : memref<632x128xf32, #tpu.memory_space<hbm>>) target(%dma_start3A_48 : memref<632x128xf32, #tpu.memory_space<vmem_shared>>) target_semaphore(%run_scoped3A : memref<!tpu.dma_semaphore, #tpu.memory_space<semaphore_mem>>)
      %dma_wait3A = arith.constant 0 : i32
      %dma_wait3A_51 = tpu.memref_slice %arg10[%mul3A_0, %dma_wait3A] : memref<10112x128xf32, #tpu.memory_space<vmem_shared>> -> memref<632x128xf32, #tpu.memory_space<vmem_shared>>
      %dma_wait3A_52 = arith.constant 0 : i32
      %dma_wait3A_53 = tpu.memref_slice %arg5[%mul3A_0, %dma_wait3A_52] : memref<10112x128xf32, #tpu.memory_space<hbm>> -> memref<632x128xf32, #tpu.memory_space<hbm>>
      tpu.wait_dma2 semaphore(%run_scoped3A : memref<!tpu.dma_semaphore, #tpu.memory_space<semaphore_mem>>) src(%dma_wait3A_53 : memref<632x128xf32, #tpu.memory_space<hbm>>) dst(%dma_wait3A_51 : memref<632x128xf32, #tpu.memory_space<vmem_shared>>)
      tpu.yield
    }) : () -> ()
    %mul3A_1 = arith.constant 16 : i32
    %mul3A_2 = arith.muli %arg0, %mul3A_1 : i32
    %add3A = arith.addi %mul3A_2, %arg1 : i32
    %mul3A_3 = arith.constant 80 : i32
    %mul3A_4 = arith.muli %add3A, %mul3A_3 : i32
    %barrier3A = arith.constant 0 : index
    tpu.barrier barrier_id(%barrier3A)
    %add3A_5 = arith.constant 0 : i32
    %add3A_6 = arith.addi %mul3A_4, %add3A_5 : i32
    "tpu.region"() ({
      %run_scoped3A = tpu.sem_alloc : memref<!tpu.dma_semaphore, #tpu.memory_space<semaphore_mem>>
      %dma_start3A_47 = arith.constant 0 : i32
      %dma_start3A_48 = tpu.memref_slice %arg3[%add3A_6, %dma_start3A_47] : memref<2560x128xi32, #tpu.memory_space<hbm>> -> memref<40x128xi32, #tpu.memory_space<hbm>>
      %dma_start3A_49 = arith.constant 0 : i32
      %dma_start3A_50 = tpu.memref_slice %arg3[%add3A_6, %dma_start3A_49] : memref<2560x128xi32, #tpu.memory_space<hbm>> -> memref<40x128xi32, #tpu.memory_space<hbm>>
      tpu.enqueue_dma source(%dma_start3A_50 : memref<40x128xi32, #tpu.memory_space<hbm>>) target(%arg7 : memref<40x128xi32, #tpu.memory_space<vmem>>) target_semaphore(%run_scoped3A : memref<!tpu.dma_semaphore, #tpu.memory_space<semaphore_mem>>)
      %dma_wait3A = arith.constant 0 : i32
      %dma_wait3A_51 = tpu.memref_slice %arg3[%add3A_6, %dma_wait3A] : memref<2560x128xi32, #tpu.memory_space<hbm>> -> memref<40x128xi32, #tpu.memory_space<hbm>>
      %dma_wait3A_52 = arith.constant 0 : i32
      %dma_wait3A_53 = tpu.memref_slice %arg3[%add3A_6, %dma_wait3A_52] : memref<2560x128xi32, #tpu.memory_space<hbm>> -> memref<40x128xi32, #tpu.memory_space<hbm>>
      tpu.wait_dma2 semaphore(%run_scoped3A : memref<!tpu.dma_semaphore, #tpu.memory_space<semaphore_mem>>) src(%dma_wait3A_53 : memref<40x128xi32, #tpu.memory_space<hbm>>) dst(%arg7 : memref<40x128xi32, #tpu.memory_space<vmem>>)
      tpu.yield
    }) : () -> ()
    "tpu.region"() ({
      %run_scoped3A = tpu.sem_alloc : memref<!tpu.dma_semaphore, #tpu.memory_space<semaphore_mem>>
      %dma_start3A_47 = arith.constant 0 : i32
      %dma_start3A_48 = tpu.memref_slice %arg4[%add3A_6, %dma_start3A_47] : memref<2560x128xi32, #tpu.memory_space<hbm>> -> memref<40x128xi32, #tpu.memory_space<hbm>>
      %dma_start3A_49 = arith.constant 0 : i32
      %dma_start3A_50 = tpu.memref_slice %arg4[%add3A_6, %dma_start3A_49] : memref<2560x128xi32, #tpu.memory_space<hbm>> -> memref<40x128xi32, #tpu.memory_space<hbm>>
      tpu.enqueue_dma source(%dma_start3A_50 : memref<40x128xi32, #tpu.memory_space<hbm>>) target(%arg8 : memref<40x128xi32, #tpu.memory_space<vmem>>) target_semaphore(%run_scoped3A : memref<!tpu.dma_semaphore, #tpu.memory_space<semaphore_mem>>)
      %dma_wait3A = arith.constant 0 : i32
      %dma_wait3A_51 = tpu.memref_slice %arg4[%add3A_6, %dma_wait3A] : memref<2560x128xi32, #tpu.memory_space<hbm>> -> memref<40x128xi32, #tpu.memory_space<hbm>>
      %dma_wait3A_52 = arith.constant 0 : i32
      %dma_wait3A_53 = tpu.memref_slice %arg4[%add3A_6, %dma_wait3A_52] : memref<2560x128xi32, #tpu.memory_space<hbm>> -> memref<40x128xi32, #tpu.memory_space<hbm>>
      tpu.wait_dma2 semaphore(%run_scoped3A : memref<!tpu.dma_semaphore, #tpu.memory_space<semaphore_mem>>) src(%dma_wait3A_53 : memref<40x128xi32, #tpu.memory_space<hbm>>) dst(%arg8 : memref<40x128xi32, #tpu.memory_space<vmem>>)
      tpu.yield
    }) : () -> ()
    %dma_start3A = arith.constant 0 : i32
    %dma_start3A_7 = arith.constant 0 : i32
    %dma_start3A_8 = arith.constant 0 : i32
    %dma_start3A_9 = arith.constant 0 : i32
    %dma_start3A_10 = tpu.memref_slice %arg9[%dma_start3A_7, %dma_start3A_8, %dma_start3A_9] : memref<2x128x128xf32, #tpu.memory_space<vmem>> -> memref<1x128x128xf32, #tpu.memory_space<vmem>>
    %dma_start3A_11 = tpu.memref_squeeze %dma_start3A_10 : memref<1x128x128xf32, #tpu.memory_space<vmem>> -> memref<128x128xf32, #tpu.memory_space<vmem>>
    %dma_start3A_12 = arith.constant 0 : i32
    %dma_start3A_13 = tpu.memref_slice %arg7[%dma_start3A, %dma_start3A_12] : memref<40x128xi32, #tpu.memory_space<vmem>> -> memref<1x128xi32, #tpu.memory_space<vmem>>
    %dma_start3A_14 = tpu.memref_squeeze %dma_start3A_13 : memref<1x128xi32, #tpu.memory_space<vmem>> -> memref<128xi32, #tpu.memory_space<vmem>>
    %dma_start3A_15 = arith.constant 0 : i32
    %dma_start3A_16 = arith.constant 0 : i32
    %dma_start3A_17 = tpu.memref_slice %arg2[%dma_start3A_15, %dma_start3A_16] : memref<10000x128xf32, #tpu.memory_space<hbm>> -> memref<10000x128xf32, #tpu.memory_space<hbm>>
    tpu.enqueue_indirect_dma source(%dma_start3A_17 : memref<10000x128xf32, #tpu.memory_space<hbm>>) target(%dma_start3A_11 : memref<128x128xf32, #tpu.memory_space<vmem>>) offsets(%dma_start3A_14 : memref<128xi32, #tpu.memory_space<vmem>>) semaphore(%arg11 : memref<!tpu.dma_semaphore, #tpu.memory_space<semaphore_mem>>)
    %scan3A = arith.constant 0 : i32
    %scan3A_18 = arith.constant 0 : i32
    %scan3A_19 = arith.constant 20 : i32
    %scan3A_20 = arith.addi %scan3A_18, %scan3A_19 : i32
    %scan3A_21 = arith.constant 1 : i32
    scf.for %scan3A_47 = %scan3A_18 to %scan3A_20 step %scan3A_21  : i32 {
      %mul3A_48 = arith.constant 2 : i32
      %mul3A_49 = arith.muli %mul3A_48, %scan3A_47 : i32
      %add3A_50 = arith.constant 1 : i32
      %add3A_51 = arith.addi %mul3A_49, %add3A_50 : i32
      %lt3A = arith.constant 40 : i32
      %lt3A_52 = arith.cmpi slt, %add3A_51, %lt3A : i32
      %convert_element_type3A = arith.extui %lt3A_52 : i1 to i32
      %cond3A = arith.constant 0 : i32
      %cond3A_53 = arith.cmpi ne, %convert_element_type3A, %cond3A : i32
      scf.if %cond3A_53 {
        %add3A_87 = arith.constant 1 : i32
        %add3A_88 = arith.addi %mul3A_49, %add3A_87 : i32
        %dma_start3A_89 = arith.constant 1 : i32
        %dma_start3A_90 = arith.constant 0 : i32
        %dma_start3A_91 = arith.constant 0 : i32
        %dma_start3A_92 = tpu.memref_slice %arg9[%dma_start3A_89, %dma_start3A_90, %dma_start3A_91] : memref<2x128x128xf32, #tpu.memory_space<vmem>> -> memref<1x128x128xf32, #tpu.memory_space<vmem>>
        %dma_start3A_93 = tpu.memref_squeeze %dma_start3A_92 : memref<1x128x128xf32, #tpu.memory_space<vmem>> -> memref<128x128xf32, #tpu.memory_space<vmem>>
        %dma_start3A_94 = arith.constant 0 : i32
        %dma_start3A_95 = tpu.memref_slice %arg7[%add3A_88, %dma_start3A_94] : memref<40x128xi32, #tpu.memory_space<vmem>> -> memref<1x128xi32, #tpu.memory_space<vmem>>
        %dma_start3A_96 = tpu.memref_squeeze %dma_start3A_95 : memref<1x128xi32, #tpu.memory_space<vmem>> -> memref<128xi32, #tpu.memory_space<vmem>>
        %dma_start3A_97 = arith.constant 0 : i32
        %dma_start3A_98 = arith.constant 0 : i32
        %dma_start3A_99 = tpu.memref_slice %arg2[%dma_start3A_97, %dma_start3A_98] : memref<10000x128xf32, #tpu.memory_space<hbm>> -> memref<10000x128xf32, #tpu.memory_space<hbm>>
        tpu.enqueue_indirect_dma source(%dma_start3A_99 : memref<10000x128xf32, #tpu.memory_space<hbm>>) target(%dma_start3A_93 : memref<128x128xf32, #tpu.memory_space<vmem>>) offsets(%dma_start3A_96 : memref<128xi32, #tpu.memory_space<vmem>>) semaphore(%arg11 : memref<!tpu.dma_semaphore, #tpu.memory_space<semaphore_mem>>)
      } else {
      }
      %dma_wait3A = arith.constant 0 : i32
      %dma_wait3A_54 = arith.constant 0 : i32
      %dma_wait3A_55 = arith.constant 0 : i32
      %dma_wait3A_56 = tpu.memref_slice %arg9[%dma_wait3A, %dma_wait3A_54, %dma_wait3A_55] : memref<2x128x128xf32, #tpu.memory_space<vmem>> -> memref<1x128x128xf32, #tpu.memory_space<vmem>>
      %dma_wait3A_57 = tpu.memref_squeeze %dma_wait3A_56 : memref<1x128x128xf32, #tpu.memory_space<vmem>> -> memref<128x128xf32, #tpu.memory_space<vmem>>
      %dma_wait3A_58 = arith.constant 0 : i32
      %dma_wait3A_59 = tpu.memref_slice %arg7[%mul3A_49, %dma_wait3A_58] : memref<40x128xi32, #tpu.memory_space<vmem>> -> memref<1x128xi32, #tpu.memory_space<vmem>>
      %dma_wait3A_60 = tpu.memref_squeeze %dma_wait3A_59 : memref<1x128xi32, #tpu.memory_space<vmem>> -> memref<128xi32, #tpu.memory_space<vmem>>
      %dma_wait3A_61 = arith.constant 0 : i32
      %dma_wait3A_62 = arith.constant 0 : i32
      %dma_wait3A_63 = tpu.memref_slice %arg2[%dma_wait3A_61, %dma_wait3A_62] : memref<10000x128xf32, #tpu.memory_space<hbm>> -> memref<10000x128xf32, #tpu.memory_space<hbm>>
      tpu.wait_indirect_dma semaphore(%arg11 : memref<!tpu.dma_semaphore, #tpu.memory_space<semaphore_mem>>) src(%dma_wait3A_63 : memref<10000x128xf32, #tpu.memory_space<hbm>>) dst(%dma_wait3A_57 : memref<128x128xf32, #tpu.memory_space<vmem>>)
      %run_scoped3A = arith.constant 0 : i32
      "tpu.region"() ({
        %run_scoped3A_87 = tpu.sem_alloc : memref<!tpu.dma_semaphore, #tpu.memory_space<semaphore_mem>>
        %dma_start3A_88 = arith.constant 0 : i32
        %dma_start3A_89 = arith.constant 0 : i32
        %dma_start3A_90 = tpu.memref_slice %arg9[%run_scoped3A, %dma_start3A_88, %dma_start3A_89] : memref<2x128x128xf32, #tpu.memory_space<vmem>> -> memref<1x128x128xf32, #tpu.memory_space<vmem>>
        %dma_start3A_91 = tpu.memref_squeeze %dma_start3A_90 : memref<1x128x128xf32, #tpu.memory_space<vmem>> -> memref<128x128xf32, #tpu.memory_space<vmem>>
        %dma_start3A_92 = arith.constant 0 : i32
        %dma_start3A_93 = tpu.memref_slice %arg8[%mul3A_49, %dma_start3A_92] : memref<40x128xi32, #tpu.memory_space<vmem>> -> memref<1x128xi32, #tpu.memory_space<vmem>>
        %dma_start3A_94 = tpu.memref_squeeze %dma_start3A_93 : memref<1x128xi32, #tpu.memory_space<vmem>> -> memref<128xi32, #tpu.memory_space<vmem>>
        %dma_start3A_95 = arith.constant 0 : i32
        %dma_start3A_96 = arith.constant 0 : i32
        %dma_start3A_97 = tpu.memref_slice %arg10[%dma_start3A_95, %dma_start3A_96] : memref<10112x128xf32, #tpu.memory_space<vmem_shared>> -> memref<10112x128xf32, #tpu.memory_space<vmem_shared>>
        tpu.enqueue_indirect_dma source(%dma_start3A_91 : memref<128x128xf32, #tpu.memory_space<vmem>>) target(%dma_start3A_97 : memref<10112x128xf32, #tpu.memory_space<vmem_shared>>) offsets(%dma_start3A_94 : memref<128xi32, #tpu.memory_space<vmem>>) semaphore(%run_scoped3A_87 : memref<!tpu.dma_semaphore, #tpu.memory_space<semaphore_mem>>) {add = true}
        %dma_wait3A_98 = arith.constant 0 : i32
        %dma_wait3A_99 = arith.constant 0 : i32
        %dma_wait3A_100 = tpu.memref_slice %arg9[%run_scoped3A, %dma_wait3A_98, %dma_wait3A_99] : memref<2x128x128xf32, #tpu.memory_space<vmem>> -> memref<1x128x128xf32, #tpu.memory_space<vmem>>
        %dma_wait3A_101 = tpu.memref_squeeze %dma_wait3A_100 : memref<1x128x128xf32, #tpu.memory_space<vmem>> -> memref<128x128xf32, #tpu.memory_space<vmem>>
        %dma_wait3A_102 = arith.constant 0 : i32
        %dma_wait3A_103 = tpu.memref_slice %arg8[%mul3A_49, %dma_wait3A_102] : memref<40x128xi32, #tpu.memory_space<vmem>> -> memref<1x128xi32, #tpu.memory_space<vmem>>
        %dma_wait3A_104 = tpu.memref_squeeze %dma_wait3A_103 : memref<1x128xi32, #tpu.memory_space<vmem>> -> memref<128xi32, #tpu.memory_space<vmem>>
        %dma_wait3A_105 = arith.constant 0 : i32
        %dma_wait3A_106 = arith.constant 0 : i32
        %dma_wait3A_107 = tpu.memref_slice %arg10[%dma_wait3A_105, %dma_wait3A_106] : memref<10112x128xf32, #tpu.memory_space<vmem_shared>> -> memref<10112x128xf32, #tpu.memory_space<vmem_shared>>
        tpu.wait_indirect_dma semaphore(%run_scoped3A_87 : memref<!tpu.dma_semaphore, #tpu.memory_space<semaphore_mem>>) src(%dma_wait3A_101 : memref<128x128xf32, #tpu.memory_space<vmem>>) dst(%dma_wait3A_107 : memref<10112x128xf32, #tpu.memory_space<vmem_shared>>)
        tpu.yield
      }) : () -> ()
      %mul3A_64 = arith.constant 2 : i32
      %mul3A_65 = arith.muli %mul3A_64, %scan3A_47 : i32
      %add3A_66 = arith.constant 1 : i32
      %add3A_67 = arith.addi %mul3A_65, %add3A_66 : i32
      %add3A_68 = arith.constant 1 : i32
      %add3A_69 = arith.addi %add3A_67, %add3A_68 : i32
      %lt3A_70 = arith.constant 40 : i32
      %lt3A_71 = arith.cmpi slt, %add3A_69, %lt3A_70 : i32
      %convert_element_type3A_72 = arith.extui %lt3A_71 : i1 to i32
      %cond3A_73 = arith.constant 0 : i32
      %cond3A_74 = arith.cmpi ne, %convert_element_type3A_72, %cond3A_73 : i32
      scf.if %cond3A_74 {
        %add3A_87 = arith.constant 1 : i32
        %add3A_88 = arith.addi %add3A_67, %add3A_87 : i32
        %dma_start3A_89 = arith.constant 0 : i32
        %dma_start3A_90 = arith.constant 0 : i32
        %dma_start3A_91 = arith.constant 0 : i32
        %dma_start3A_92 = tpu.memref_slice %arg9[%dma_start3A_89, %dma_start3A_90, %dma_start3A_91] : memref<2x128x128xf32, #tpu.memory_space<vmem>> -> memref<1x128x128xf32, #tpu.memory_space<vmem>>
        %dma_start3A_93 = tpu.memref_squeeze %dma_start3A_92 : memref<1x128x128xf32, #tpu.memory_space<vmem>> -> memref<128x128xf32, #tpu.memory_space<vmem>>
        %dma_start3A_94 = arith.constant 0 : i32
        %dma_start3A_95 = tpu.memref_slice %arg7[%add3A_88, %dma_start3A_94] : memref<40x128xi32, #tpu.memory_space<vmem>> -> memref<1x128xi32, #tpu.memory_space<vmem>>
        %dma_start3A_96 = tpu.memref_squeeze %dma_start3A_95 : memref<1x128xi32, #tpu.memory_space<vmem>> -> memref<128xi32, #tpu.memory_space<vmem>>
        %dma_start3A_97 = arith.constant 0 : i32
        %dma_start3A_98 = arith.constant 0 : i32
        %dma_start3A_99 = tpu.memref_slice %arg2[%dma_start3A_97, %dma_start3A_98] : memref<10000x128xf32, #tpu.memory_space<hbm>> -> memref<10000x128xf32, #tpu.memory_space<hbm>>
        tpu.enqueue_indirect_dma source(%dma_start3A_99 : memref<10000x128xf32, #tpu.memory_space<hbm>>) target(%dma_start3A_93 : memref<128x128xf32, #tpu.memory_space<vmem>>) offsets(%dma_start3A_96 : memref<128xi32, #tpu.memory_space<vmem>>) semaphore(%arg11 : memref<!tpu.dma_semaphore, #tpu.memory_space<semaphore_mem>>)
      } else {
      }
      %dma_wait3A_75 = arith.constant 1 : i32
      %dma_wait3A_76 = arith.constant 0 : i32
      %dma_wait3A_77 = arith.constant 0 : i32
      %dma_wait3A_78 = tpu.memref_slice %arg9[%dma_wait3A_75, %dma_wait3A_76, %dma_wait3A_77] : memref<2x128x128xf32, #tpu.memory_space<vmem>> -> memref<1x128x128xf32, #tpu.memory_space<vmem>>
      %dma_wait3A_79 = tpu.memref_squeeze %dma_wait3A_78 : memref<1x128x128xf32, #tpu.memory_space<vmem>> -> memref<128x128xf32, #tpu.memory_space<vmem>>
      %dma_wait3A_80 = arith.constant 0 : i32
      %dma_wait3A_81 = tpu.memref_slice %arg7[%add3A_67, %dma_wait3A_80] : memref<40x128xi32, #tpu.memory_space<vmem>> -> memref<1x128xi32, #tpu.memory_space<vmem>>
      %dma_wait3A_82 = tpu.memref_squeeze %dma_wait3A_81 : memref<1x128xi32, #tpu.memory_space<vmem>> -> memref<128xi32, #tpu.memory_space<vmem>>
      %dma_wait3A_83 = arith.constant 0 : i32
      %dma_wait3A_84 = arith.constant 0 : i32
      %dma_wait3A_85 = tpu.memref_slice %arg2[%dma_wait3A_83, %dma_wait3A_84] : memref<10000x128xf32, #tpu.memory_space<hbm>> -> memref<10000x128xf32, #tpu.memory_space<hbm>>
      tpu.wait_indirect_dma semaphore(%arg11 : memref<!tpu.dma_semaphore, #tpu.memory_space<semaphore_mem>>) src(%dma_wait3A_85 : memref<10000x128xf32, #tpu.memory_space<hbm>>) dst(%dma_wait3A_79 : memref<128x128xf32, #tpu.memory_space<vmem>>)
      %run_scoped3A_86 = arith.constant 1 : i32
      "tpu.region"() ({
        %run_scoped3A_87 = tpu.sem_alloc : memref<!tpu.dma_semaphore, #tpu.memory_space<semaphore_mem>>
        %dma_start3A_88 = arith.constant 0 : i32
        %dma_start3A_89 = arith.constant 0 : i32
        %dma_start3A_90 = tpu.memref_slice %arg9[%run_scoped3A_86, %dma_start3A_88, %dma_start3A_89] : memref<2x128x128xf32, #tpu.memory_space<vmem>> -> memref<1x128x128xf32, #tpu.memory_space<vmem>>
        %dma_start3A_91 = tpu.memref_squeeze %dma_start3A_90 : memref<1x128x128xf32, #tpu.memory_space<vmem>> -> memref<128x128xf32, #tpu.memory_space<vmem>>
        %dma_start3A_92 = arith.constant 0 : i32
        %dma_start3A_93 = tpu.memref_slice %arg8[%add3A_67, %dma_start3A_92] : memref<40x128xi32, #tpu.memory_space<vmem>> -> memref<1x128xi32, #tpu.memory_space<vmem>>
        %dma_start3A_94 = tpu.memref_squeeze %dma_start3A_93 : memref<1x128xi32, #tpu.memory_space<vmem>> -> memref<128xi32, #tpu.memory_space<vmem>>
        %dma_start3A_95 = arith.constant 0 : i32
        %dma_start3A_96 = arith.constant 0 : i32
        %dma_start3A_97 = tpu.memref_slice %arg10[%dma_start3A_95, %dma_start3A_96] : memref<10112x128xf32, #tpu.memory_space<vmem_shared>> -> memref<10112x128xf32, #tpu.memory_space<vmem_shared>>
        tpu.enqueue_indirect_dma source(%dma_start3A_91 : memref<128x128xf32, #tpu.memory_space<vmem>>) target(%dma_start3A_97 : memref<10112x128xf32, #tpu.memory_space<vmem_shared>>) offsets(%dma_start3A_94 : memref<128xi32, #tpu.memory_space<vmem>>) semaphore(%run_scoped3A_87 : memref<!tpu.dma_semaphore, #tpu.memory_space<semaphore_mem>>) {add = true}
        %dma_wait3A_98 = arith.constant 0 : i32
        %dma_wait3A_99 = arith.constant 0 : i32
        %dma_wait3A_100 = tpu.memref_slice %arg9[%run_scoped3A_86, %dma_wait3A_98, %dma_wait3A_99] : memref<2x128x128xf32, #tpu.memory_space<vmem>> -> memref<1x128x128xf32, #tpu.memory_space<vmem>>
        %dma_wait3A_101 = tpu.memref_squeeze %dma_wait3A_100 : memref<1x128x128xf32, #tpu.memory_space<vmem>> -> memref<128x128xf32, #tpu.memory_space<vmem>>
        %dma_wait3A_102 = arith.constant 0 : i32
        %dma_wait3A_103 = tpu.memref_slice %arg8[%add3A_67, %dma_wait3A_102] : memref<40x128xi32, #tpu.memory_space<vmem>> -> memref<1x128xi32, #tpu.memory_space<vmem>>
        %dma_wait3A_104 = tpu.memref_squeeze %dma_wait3A_103 : memref<1x128xi32, #tpu.memory_space<vmem>> -> memref<128xi32, #tpu.memory_space<vmem>>
        %dma_wait3A_105 = arith.constant 0 : i32
        %dma_wait3A_106 = arith.constant 0 : i32
        %dma_wait3A_107 = tpu.memref_slice %arg10[%dma_wait3A_105, %dma_wait3A_106] : memref<10112x128xf32, #tpu.memory_space<vmem_shared>> -> memref<10112x128xf32, #tpu.memory_space<vmem_shared>>
        tpu.wait_indirect_dma semaphore(%run_scoped3A_87 : memref<!tpu.dma_semaphore, #tpu.memory_space<semaphore_mem>>) src(%dma_wait3A_101 : memref<128x128xf32, #tpu.memory_space<vmem>>) dst(%dma_wait3A_107 : memref<10112x128xf32, #tpu.memory_space<vmem_shared>>)
        tpu.yield
      }) : () -> ()
    }
    %scan3A_22 = arith.constant 20 : i32
    %add3A_23 = arith.constant 40 : i32
    %add3A_24 = arith.addi %mul3A_4, %add3A_23 : i32
    "tpu.region"() ({
      %run_scoped3A = tpu.sem_alloc : memref<!tpu.dma_semaphore, #tpu.memory_space<semaphore_mem>>
      %dma_start3A_47 = arith.constant 0 : i32
      %dma_start3A_48 = tpu.memref_slice %arg3[%add3A_24, %dma_start3A_47] : memref<2560x128xi32, #tpu.memory_space<hbm>> -> memref<40x128xi32, #tpu.memory_space<hbm>>
      %dma_start3A_49 = arith.constant 0 : i32
      %dma_start3A_50 = tpu.memref_slice %arg3[%add3A_24, %dma_start3A_49] : memref<2560x128xi32, #tpu.memory_space<hbm>> -> memref<40x128xi32, #tpu.memory_space<hbm>>
      tpu.enqueue_dma source(%dma_start3A_50 : memref<40x128xi32, #tpu.memory_space<hbm>>) target(%arg7 : memref<40x128xi32, #tpu.memory_space<vmem>>) target_semaphore(%run_scoped3A : memref<!tpu.dma_semaphore, #tpu.memory_space<semaphore_mem>>)
      %dma_wait3A = arith.constant 0 : i32
      %dma_wait3A_51 = tpu.memref_slice %arg3[%add3A_24, %dma_wait3A] : memref<2560x128xi32, #tpu.memory_space<hbm>> -> memref<40x128xi32, #tpu.memory_space<hbm>>
      %dma_wait3A_52 = arith.constant 0 : i32
      %dma_wait3A_53 = tpu.memref_slice %arg3[%add3A_24, %dma_wait3A_52] : memref<2560x128xi32, #tpu.memory_space<hbm>> -> memref<40x128xi32, #tpu.memory_space<hbm>>
      tpu.wait_dma2 semaphore(%run_scoped3A : memref<!tpu.dma_semaphore, #tpu.memory_space<semaphore_mem>>) src(%dma_wait3A_53 : memref<40x128xi32, #tpu.memory_space<hbm>>) dst(%arg7 : memref<40x128xi32, #tpu.memory_space<vmem>>)
      tpu.yield
    }) : () -> ()
    "tpu.region"() ({
      %run_scoped3A = tpu.sem_alloc : memref<!tpu.dma_semaphore, #tpu.memory_space<semaphore_mem>>
      %dma_start3A_47 = arith.constant 0 : i32
      %dma_start3A_48 = tpu.memref_slice %arg4[%add3A_24, %dma_start3A_47] : memref<2560x128xi32, #tpu.memory_space<hbm>> -> memref<40x128xi32, #tpu.memory_space<hbm>>
      %dma_start3A_49 = arith.constant 0 : i32
      %dma_start3A_50 = tpu.memref_slice %arg4[%add3A_24, %dma_start3A_49] : memref<2560x128xi32, #tpu.memory_space<hbm>> -> memref<40x128xi32, #tpu.memory_space<hbm>>
      tpu.enqueue_dma source(%dma_start3A_50 : memref<40x128xi32, #tpu.memory_space<hbm>>) target(%arg8 : memref<40x128xi32, #tpu.memory_space<vmem>>) target_semaphore(%run_scoped3A : memref<!tpu.dma_semaphore, #tpu.memory_space<semaphore_mem>>)
      %dma_wait3A = arith.constant 0 : i32
      %dma_wait3A_51 = tpu.memref_slice %arg4[%add3A_24, %dma_wait3A] : memref<2560x128xi32, #tpu.memory_space<hbm>> -> memref<40x128xi32, #tpu.memory_space<hbm>>
      %dma_wait3A_52 = arith.constant 0 : i32
      %dma_wait3A_53 = tpu.memref_slice %arg4[%add3A_24, %dma_wait3A_52] : memref<2560x128xi32, #tpu.memory_space<hbm>> -> memref<40x128xi32, #tpu.memory_space<hbm>>
      tpu.wait_dma2 semaphore(%run_scoped3A : memref<!tpu.dma_semaphore, #tpu.memory_space<semaphore_mem>>) src(%dma_wait3A_53 : memref<40x128xi32, #tpu.memory_space<hbm>>) dst(%arg8 : memref<40x128xi32, #tpu.memory_space<vmem>>)
      tpu.yield
    }) : () -> ()
    %dma_start3A_25 = arith.constant 0 : i32
    %dma_start3A_26 = arith.constant 0 : i32
    %dma_start3A_27 = arith.constant 0 : i32
    %dma_start3A_28 = arith.constant 0 : i32
    %dma_start3A_29 = tpu.memref_slice %arg9[%dma_start3A_26, %dma_start3A_27, %dma_start3A_28] : memref<2x128x128xf32, #tpu.memory_space<vmem>> -> memref<1x128x128xf32, #tpu.memory_space<vmem>>
    %dma_start3A_30 = tpu.memref_squeeze %dma_start3A_29 : memref<1x128x128xf32, #tpu.memory_space<vmem>> -> memref<128x128xf32, #tpu.memory_space<vmem>>
    %dma_start3A_31 = arith.constant 0 : i32
    %dma_start3A_32 = tpu.memref_slice %arg7[%dma_start3A_25, %dma_start3A_31] : memref<40x128xi32, #tpu.memory_space<vmem>> -> memref<1x128xi32, #tpu.memory_space<vmem>>
    %dma_start3A_33 = tpu.memref_squeeze %dma_start3A_32 : memref<1x128xi32, #tpu.memory_space<vmem>> -> memref<128xi32, #tpu.memory_space<vmem>>
    %dma_start3A_34 = arith.constant 0 : i32
    %dma_start3A_35 = arith.constant 0 : i32
    %dma_start3A_36 = tpu.memref_slice %arg2[%dma_start3A_34, %dma_start3A_35] : memref<10000x128xf32, #tpu.memory_space<hbm>> -> memref<10000x128xf32, #tpu.memory_space<hbm>>
    tpu.enqueue_indirect_dma source(%dma_start3A_36 : memref<10000x128xf32, #tpu.memory_space<hbm>>) target(%dma_start3A_30 : memref<128x128xf32, #tpu.memory_space<vmem>>) offsets(%dma_start3A_33 : memref<128xi32, #tpu.memory_space<vmem>>) semaphore(%arg11 : memref<!tpu.dma_semaphore, #tpu.memory_space<semaphore_mem>>)
    %scan3A_37 = arith.constant 0 : i32
    %scan3A_38 = arith.constant 0 : i32
    %scan3A_39 = arith.constant 20 : i32
    %scan3A_40 = arith.addi %scan3A_38, %scan3A_39 : i32
    %scan3A_41 = arith.constant 1 : i32
    scf.for %scan3A_47 = %scan3A_38 to %scan3A_40 step %scan3A_41  : i32 {
      %mul3A_48 = arith.constant 2 : i32
      %mul3A_49 = arith.muli %mul3A_48, %scan3A_47 : i32
      %add3A_50 = arith.constant 1 : i32
      %add3A_51 = arith.addi %mul3A_49, %add3A_50 : i32
      %lt3A = arith.constant 40 : i32
      %lt3A_52 = arith.cmpi slt, %add3A_51, %lt3A : i32
      %convert_element_type3A = arith.extui %lt3A_52 : i1 to i32
      %cond3A = arith.constant 0 : i32
      %cond3A_53 = arith.cmpi ne, %convert_element_type3A, %cond3A : i32
      scf.if %cond3A_53 {
        %add3A_87 = arith.constant 1 : i32
        %add3A_88 = arith.addi %mul3A_49, %add3A_87 : i32
        %dma_start3A_89 = arith.constant 1 : i32
        %dma_start3A_90 = arith.constant 0 : i32
        %dma_start3A_91 = arith.constant 0 : i32
        %dma_start3A_92 = tpu.memref_slice %arg9[%dma_start3A_89, %dma_start3A_90, %dma_start3A_91] : memref<2x128x128xf32, #tpu.memory_space<vmem>> -> memref<1x128x128xf32, #tpu.memory_space<vmem>>
        %dma_start3A_93 = tpu.memref_squeeze %dma_start3A_92 : memref<1x128x128xf32, #tpu.memory_space<vmem>> -> memref<128x128xf32, #tpu.memory_space<vmem>>
        %dma_start3A_94 = arith.constant 0 : i32
        %dma_start3A_95 = tpu.memref_slice %arg7[%add3A_88, %dma_start3A_94] : memref<40x128xi32, #tpu.memory_space<vmem>> -> memref<1x128xi32, #tpu.memory_space<vmem>>
        %dma_start3A_96 = tpu.memref_squeeze %dma_start3A_95 : memref<1x128xi32, #tpu.memory_space<vmem>> -> memref<128xi32, #tpu.memory_space<vmem>>
        %dma_start3A_97 = arith.constant 0 : i32
        %dma_start3A_98 = arith.constant 0 : i32
        %dma_start3A_99 = tpu.memref_slice %arg2[%dma_start3A_97, %dma_start3A_98] : memref<10000x128xf32, #tpu.memory_space<hbm>> -> memref<10000x128xf32, #tpu.memory_space<hbm>>
        tpu.enqueue_indirect_dma source(%dma_start3A_99 : memref<10000x128xf32, #tpu.memory_space<hbm>>) target(%dma_start3A_93 : memref<128x128xf32, #tpu.memory_space<vmem>>) offsets(%dma_start3A_96 : memref<128xi32, #tpu.memory_space<vmem>>) semaphore(%arg11 : memref<!tpu.dma_semaphore, #tpu.memory_space<semaphore_mem>>)
      } else {
      }
      %dma_wait3A = arith.constant 0 : i32
      %dma_wait3A_54 = arith.constant 0 : i32
      %dma_wait3A_55 = arith.constant 0 : i32
      %dma_wait3A_56 = tpu.memref_slice %arg9[%dma_wait3A, %dma_wait3A_54, %dma_wait3A_55] : memref<2x128x128xf32, #tpu.memory_space<vmem>> -> memref<1x128x128xf32, #tpu.memory_space<vmem>>
      %dma_wait3A_57 = tpu.memref_squeeze %dma_wait3A_56 : memref<1x128x128xf32, #tpu.memory_space<vmem>> -> memref<128x128xf32, #tpu.memory_space<vmem>>
      %dma_wait3A_58 = arith.constant 0 : i32
      %dma_wait3A_59 = tpu.memref_slice %arg7[%mul3A_49, %dma_wait3A_58] : memref<40x128xi32, #tpu.memory_space<vmem>> -> memref<1x128xi32, #tpu.memory_space<vmem>>
      %dma_wait3A_60 = tpu.memref_squeeze %dma_wait3A_59 : memref<1x128xi32, #tpu.memory_space<vmem>> -> memref<128xi32, #tpu.memory_space<vmem>>
      %dma_wait3A_61 = arith.constant 0 : i32
      %dma_wait3A_62 = arith.constant 0 : i32
      %dma_wait3A_63 = tpu.memref_slice %arg2[%dma_wait3A_61, %dma_wait3A_62] : memref<10000x128xf32, #tpu.memory_space<hbm>> -> memref<10000x128xf32, #tpu.memory_space<hbm>>
      tpu.wait_indirect_dma semaphore(%arg11 : memref<!tpu.dma_semaphore, #tpu.memory_space<semaphore_mem>>) src(%dma_wait3A_63 : memref<10000x128xf32, #tpu.memory_space<hbm>>) dst(%dma_wait3A_57 : memref<128x128xf32, #tpu.memory_space<vmem>>)
      %run_scoped3A = arith.constant 0 : i32
      "tpu.region"() ({
        %run_scoped3A_87 = tpu.sem_alloc : memref<!tpu.dma_semaphore, #tpu.memory_space<semaphore_mem>>
        %dma_start3A_88 = arith.constant 0 : i32
        %dma_start3A_89 = arith.constant 0 : i32
        %dma_start3A_90 = tpu.memref_slice %arg9[%run_scoped3A, %dma_start3A_88, %dma_start3A_89] : memref<2x128x128xf32, #tpu.memory_space<vmem>> -> memref<1x128x128xf32, #tpu.memory_space<vmem>>
        %dma_start3A_91 = tpu.memref_squeeze %dma_start3A_90 : memref<1x128x128xf32, #tpu.memory_space<vmem>> -> memref<128x128xf32, #tpu.memory_space<vmem>>
        %dma_start3A_92 = arith.constant 0 : i32
        %dma_start3A_93 = tpu.memref_slice %arg8[%mul3A_49, %dma_start3A_92] : memref<40x128xi32, #tpu.memory_space<vmem>> -> memref<1x128xi32, #tpu.memory_space<vmem>>
        %dma_start3A_94 = tpu.memref_squeeze %dma_start3A_93 : memref<1x128xi32, #tpu.memory_space<vmem>> -> memref<128xi32, #tpu.memory_space<vmem>>
        %dma_start3A_95 = arith.constant 0 : i32
        %dma_start3A_96 = arith.constant 0 : i32
        %dma_start3A_97 = tpu.memref_slice %arg10[%dma_start3A_95, %dma_start3A_96] : memref<10112x128xf32, #tpu.memory_space<vmem_shared>> -> memref<10112x128xf32, #tpu.memory_space<vmem_shared>>
        tpu.enqueue_indirect_dma source(%dma_start3A_91 : memref<128x128xf32, #tpu.memory_space<vmem>>) target(%dma_start3A_97 : memref<10112x128xf32, #tpu.memory_space<vmem_shared>>) offsets(%dma_start3A_94 : memref<128xi32, #tpu.memory_space<vmem>>) semaphore(%run_scoped3A_87 : memref<!tpu.dma_semaphore, #tpu.memory_space<semaphore_mem>>) {add = true}
        %dma_wait3A_98 = arith.constant 0 : i32
        %dma_wait3A_99 = arith.constant 0 : i32
        %dma_wait3A_100 = tpu.memref_slice %arg9[%run_scoped3A, %dma_wait3A_98, %dma_wait3A_99] : memref<2x128x128xf32, #tpu.memory_space<vmem>> -> memref<1x128x128xf32, #tpu.memory_space<vmem>>
        %dma_wait3A_101 = tpu.memref_squeeze %dma_wait3A_100 : memref<1x128x128xf32, #tpu.memory_space<vmem>> -> memref<128x128xf32, #tpu.memory_space<vmem>>
        %dma_wait3A_102 = arith.constant 0 : i32
        %dma_wait3A_103 = tpu.memref_slice %arg8[%mul3A_49, %dma_wait3A_102] : memref<40x128xi32, #tpu.memory_space<vmem>> -> memref<1x128xi32, #tpu.memory_space<vmem>>
        %dma_wait3A_104 = tpu.memref_squeeze %dma_wait3A_103 : memref<1x128xi32, #tpu.memory_space<vmem>> -> memref<128xi32, #tpu.memory_space<vmem>>
        %dma_wait3A_105 = arith.constant 0 : i32
        %dma_wait3A_106 = arith.constant 0 : i32
        %dma_wait3A_107 = tpu.memref_slice %arg10[%dma_wait3A_105, %dma_wait3A_106] : memref<10112x128xf32, #tpu.memory_space<vmem_shared>> -> memref<10112x128xf32, #tpu.memory_space<vmem_shared>>
        tpu.wait_indirect_dma semaphore(%run_scoped3A_87 : memref<!tpu.dma_semaphore, #tpu.memory_space<semaphore_mem>>) src(%dma_wait3A_101 : memref<128x128xf32, #tpu.memory_space<vmem>>) dst(%dma_wait3A_107 : memref<10112x128xf32, #tpu.memory_space<vmem_shared>>)
        tpu.yield
      }) : () -> ()
      %mul3A_64 = arith.constant 2 : i32
      %mul3A_65 = arith.muli %mul3A_64, %scan3A_47 : i32
      %add3A_66 = arith.constant 1 : i32
      %add3A_67 = arith.addi %mul3A_65, %add3A_66 : i32
      %add3A_68 = arith.constant 1 : i32
      %add3A_69 = arith.addi %add3A_67, %add3A_68 : i32
      %lt3A_70 = arith.constant 40 : i32
      %lt3A_71 = arith.cmpi slt, %add3A_69, %lt3A_70 : i32
      %convert_element_type3A_72 = arith.extui %lt3A_71 : i1 to i32
      %cond3A_73 = arith.constant 0 : i32
      %cond3A_74 = arith.cmpi ne, %convert_element_type3A_72, %cond3A_73 : i32
      scf.if %cond3A_74 {
        %add3A_87 = arith.constant 1 : i32
        %add3A_88 = arith.addi %add3A_67, %add3A_87 : i32
        %dma_start3A_89 = arith.constant 0 : i32
        %dma_start3A_90 = arith.constant 0 : i32
        %dma_start3A_91 = arith.constant 0 : i32
        %dma_start3A_92 = tpu.memref_slice %arg9[%dma_start3A_89, %dma_start3A_90, %dma_start3A_91] : memref<2x128x128xf32, #tpu.memory_space<vmem>> -> memref<1x128x128xf32, #tpu.memory_space<vmem>>
        %dma_start3A_93 = tpu.memref_squeeze %dma_start3A_92 : memref<1x128x128xf32, #tpu.memory_space<vmem>> -> memref<128x128xf32, #tpu.memory_space<vmem>>
        %dma_start3A_94 = arith.constant 0 : i32
        %dma_start3A_95 = tpu.memref_slice %arg7[%add3A_88, %dma_start3A_94] : memref<40x128xi32, #tpu.memory_space<vmem>> -> memref<1x128xi32, #tpu.memory_space<vmem>>
        %dma_start3A_96 = tpu.memref_squeeze %dma_start3A_95 : memref<1x128xi32, #tpu.memory_space<vmem>> -> memref<128xi32, #tpu.memory_space<vmem>>
        %dma_start3A_97 = arith.constant 0 : i32
        %dma_start3A_98 = arith.constant 0 : i32
        %dma_start3A_99 = tpu.memref_slice %arg2[%dma_start3A_97, %dma_start3A_98] : memref<10000x128xf32, #tpu.memory_space<hbm>> -> memref<10000x128xf32, #tpu.memory_space<hbm>>
        tpu.enqueue_indirect_dma source(%dma_start3A_99 : memref<10000x128xf32, #tpu.memory_space<hbm>>) target(%dma_start3A_93 : memref<128x128xf32, #tpu.memory_space<vmem>>) offsets(%dma_start3A_96 : memref<128xi32, #tpu.memory_space<vmem>>) semaphore(%arg11 : memref<!tpu.dma_semaphore, #tpu.memory_space<semaphore_mem>>)
      } else {
      }
      %dma_wait3A_75 = arith.constant 1 : i32
      %dma_wait3A_76 = arith.constant 0 : i32
      %dma_wait3A_77 = arith.constant 0 : i32
      %dma_wait3A_78 = tpu.memref_slice %arg9[%dma_wait3A_75, %dma_wait3A_76, %dma_wait3A_77] : memref<2x128x128xf32, #tpu.memory_space<vmem>> -> memref<1x128x128xf32, #tpu.memory_space<vmem>>
      %dma_wait3A_79 = tpu.memref_squeeze %dma_wait3A_78 : memref<1x128x128xf32, #tpu.memory_space<vmem>> -> memref<128x128xf32, #tpu.memory_space<vmem>>
      %dma_wait3A_80 = arith.constant 0 : i32
      %dma_wait3A_81 = tpu.memref_slice %arg7[%add3A_67, %dma_wait3A_80] : memref<40x128xi32, #tpu.memory_space<vmem>> -> memref<1x128xi32, #tpu.memory_space<vmem>>
      %dma_wait3A_82 = tpu.memref_squeeze %dma_wait3A_81 : memref<1x128xi32, #tpu.memory_space<vmem>> -> memref<128xi32, #tpu.memory_space<vmem>>
      %dma_wait3A_83 = arith.constant 0 : i32
      %dma_wait3A_84 = arith.constant 0 : i32
      %dma_wait3A_85 = tpu.memref_slice %arg2[%dma_wait3A_83, %dma_wait3A_84] : memref<10000x128xf32, #tpu.memory_space<hbm>> -> memref<10000x128xf32, #tpu.memory_space<hbm>>
      tpu.wait_indirect_dma semaphore(%arg11 : memref<!tpu.dma_semaphore, #tpu.memory_space<semaphore_mem>>) src(%dma_wait3A_85 : memref<10000x128xf32, #tpu.memory_space<hbm>>) dst(%dma_wait3A_79 : memref<128x128xf32, #tpu.memory_space<vmem>>)
      %run_scoped3A_86 = arith.constant 1 : i32
      "tpu.region"() ({
        %run_scoped3A_87 = tpu.sem_alloc : memref<!tpu.dma_semaphore, #tpu.memory_space<semaphore_mem>>
        %dma_start3A_88 = arith.constant 0 : i32
        %dma_start3A_89 = arith.constant 0 : i32
        %dma_start3A_90 = tpu.memref_slice %arg9[%run_scoped3A_86, %dma_start3A_88, %dma_start3A_89] : memref<2x128x128xf32, #tpu.memory_space<vmem>> -> memref<1x128x128xf32, #tpu.memory_space<vmem>>
        %dma_start3A_91 = tpu.memref_squeeze %dma_start3A_90 : memref<1x128x128xf32, #tpu.memory_space<vmem>> -> memref<128x128xf32, #tpu.memory_space<vmem>>
        %dma_start3A_92 = arith.constant 0 : i32
        %dma_start3A_93 = tpu.memref_slice %arg8[%add3A_67, %dma_start3A_92] : memref<40x128xi32, #tpu.memory_space<vmem>> -> memref<1x128xi32, #tpu.memory_space<vmem>>
        %dma_start3A_94 = tpu.memref_squeeze %dma_start3A_93 : memref<1x128xi32, #tpu.memory_space<vmem>> -> memref<128xi32, #tpu.memory_space<vmem>>
        %dma_start3A_95 = arith.constant 0 : i32
        %dma_start3A_96 = arith.constant 0 : i32
        %dma_start3A_97 = tpu.memref_slice %arg10[%dma_start3A_95, %dma_start3A_96] : memref<10112x128xf32, #tpu.memory_space<vmem_shared>> -> memref<10112x128xf32, #tpu.memory_space<vmem_shared>>
        tpu.enqueue_indirect_dma source(%dma_start3A_91 : memref<128x128xf32, #tpu.memory_space<vmem>>) target(%dma_start3A_97 : memref<10112x128xf32, #tpu.memory_space<vmem_shared>>) offsets(%dma_start3A_94 : memref<128xi32, #tpu.memory_space<vmem>>) semaphore(%run_scoped3A_87 : memref<!tpu.dma_semaphore, #tpu.memory_space<semaphore_mem>>) {add = true}
        %dma_wait3A_98 = arith.constant 0 : i32
        %dma_wait3A_99 = arith.constant 0 : i32
        %dma_wait3A_100 = tpu.memref_slice %arg9[%run_scoped3A_86, %dma_wait3A_98, %dma_wait3A_99] : memref<2x128x128xf32, #tpu.memory_space<vmem>> -> memref<1x128x128xf32, #tpu.memory_space<vmem>>
        %dma_wait3A_101 = tpu.memref_squeeze %dma_wait3A_100 : memref<1x128x128xf32, #tpu.memory_space<vmem>> -> memref<128x128xf32, #tpu.memory_space<vmem>>
        %dma_wait3A_102 = arith.constant 0 : i32
        %dma_wait3A_103 = tpu.memref_slice %arg8[%add3A_67, %dma_wait3A_102] : memref<40x128xi32, #tpu.memory_space<vmem>> -> memref<1x128xi32, #tpu.memory_space<vmem>>
        %dma_wait3A_104 = tpu.memref_squeeze %dma_wait3A_103 : memref<1x128xi32, #tpu.memory_space<vmem>> -> memref<128xi32, #tpu.memory_space<vmem>>
        %dma_wait3A_105 = arith.constant 0 : i32
        %dma_wait3A_106 = arith.constant 0 : i32
        %dma_wait3A_107 = tpu.memref_slice %arg10[%dma_wait3A_105, %dma_wait3A_106] : memref<10112x128xf32, #tpu.memory_space<vmem_shared>> -> memref<10112x128xf32, #tpu.memory_space<vmem_shared>>
        tpu.wait_indirect_dma semaphore(%run_scoped3A_87 : memref<!tpu.dma_semaphore, #tpu.memory_space<semaphore_mem>>) src(%dma_wait3A_101 : memref<128x128xf32, #tpu.memory_space<vmem>>) dst(%dma_wait3A_107 : memref<10112x128xf32, #tpu.memory_space<vmem_shared>>)
        tpu.yield
      }) : () -> ()
    }
    %scan3A_42 = arith.constant 20 : i32
    %barrier3A_43 = arith.constant 0 : index
    tpu.barrier barrier_id(%barrier3A_43)
    %mul3A_44 = arith.constant 10112 : i32
    %mul3A_45 = arith.muli %arg0, %mul3A_44 : i32
    %add3A_46 = arith.addi %mul3A_45, %mul3A_0 : i32
    "tpu.region"() ({
      %run_scoped3A = tpu.sem_alloc : memref<!tpu.dma_semaphore, #tpu.memory_space<semaphore_mem>>
      %dma_start3A_47 = arith.constant 0 : i32
      %dma_start3A_48 = tpu.memref_slice %arg6[%add3A_46, %dma_start3A_47] : memref<20224x128xf32, #tpu.memory_space<hbm>> -> memref<632x128xf32, #tpu.memory_space<hbm>>
      %dma_start3A_49 = arith.constant 0 : i32
      %dma_start3A_50 = tpu.memref_slice %arg10[%mul3A_0, %dma_start3A_49] : memref<10112x128xf32, #tpu.memory_space<vmem_shared>> -> memref<632x128xf32, #tpu.memory_space<vmem_shared>>
      tpu.enqueue_dma source(%dma_start3A_50 : memref<632x128xf32, #tpu.memory_space<vmem_shared>>) target(%dma_start3A_48 : memref<632x128xf32, #tpu.memory_space<hbm>>) target_semaphore(%run_scoped3A : memref<!tpu.dma_semaphore, #tpu.memory_space<semaphore_mem>>)
      %dma_wait3A = arith.constant 0 : i32
      %dma_wait3A_51 = tpu.memref_slice %arg6[%add3A_46, %dma_wait3A] : memref<20224x128xf32, #tpu.memory_space<hbm>> -> memref<632x128xf32, #tpu.memory_space<hbm>>
      %dma_wait3A_52 = arith.constant 0 : i32
      %dma_wait3A_53 = tpu.memref_slice %arg10[%mul3A_0, %dma_wait3A_52] : memref<10112x128xf32, #tpu.memory_space<vmem_shared>> -> memref<632x128xf32, #tpu.memory_space<vmem_shared>>
      tpu.wait_dma2 semaphore(%run_scoped3A : memref<!tpu.dma_semaphore, #tpu.memory_space<semaphore_mem>>) src(%dma_wait3A_53 : memref<632x128xf32, #tpu.memory_space<vmem_shared>>) dst(%dma_wait3A_51 : memref<632x128xf32, #tpu.memory_space<hbm>>)
      tpu.yield
    }) : () -> ()
    return
  }
}

#map = affine_map<(d0, d1) -> (0, 0)>
module attributes {stable_mosaic.version = 14 : i64} {
  func.func @fn(%arg0: i32, %arg1: i32, %arg2: memref<10000x128xf32, #tpu.memory_space<hbm>>, %arg3: memref<2560x128xi32, #tpu.memory_space<hbm>>, %arg4: memref<2560x128xi32, #tpu.memory_space<hbm>>, %arg5: memref<10112x128xf32, #tpu.memory_space<hbm>>, %arg6: memref<20224x128xf32, #tpu.memory_space<hbm>>, %arg7: memref<40x128xi32, #tpu.memory_space<vmem>>, %arg8: memref<40x128xi32, #tpu.memory_space<vmem>>, %arg9: memref<2x128x128xf32, #tpu.memory_space<vmem>>, %arg10: memref<10112x128xf32, #tpu.memory_space<vmem_shared>>, %arg11: memref<!tpu.dma_semaphore, #tpu.memory_space<semaphore_mem>>) attributes {dimension_semantics = [#tpu.dimension_semantics<core_parallel>, #tpu.dimension_semantics<subcore_parallel>], iteration_bounds = array<i64: 2, 16>, scalar_prefetch = 0 : i64, scratch_operands = 5 : i64, tpu.core_type = #tpu.core_type<sc_vector_subcore>, window_params = [{transform_indices = #map}, {transform_indices = #map}, {transform_indices = #map}, {transform_indices = #map}, {transform_indices = #map}]} {
    %mul3A = arith.constant 632 : i32
    %mul3A_0 = arith.muli %arg1, %mul3A : i32
    "tpu.region"() ({
      %run_scoped3A = tpu.sem_alloc : memref<!tpu.dma_semaphore, #tpu.memory_space<semaphore_mem>>
      %dma_start3A_47 = arith.constant 0 : i32
      %dma_start3A_48 = tpu.memref_slice %arg10[%mul3A_0, %dma_start3A_47] : memref<10112x128xf32, #tpu.memory_space<vmem_shared>> -> memref<632x128xf32, #tpu.memory_space<vmem_shared>>
      %dma_start3A_49 = arith.constant 0 : i32
      %dma_start3A_50 = tpu.memref_slice %arg5[%mul3A_0, %dma_start3A_49] : memref<10112x128xf32, #tpu.memory_space<hbm>> -> memref<632x128xf32, #tpu.memory_space<hbm>>
      tpu.enqueue_dma source(%dma_start3A_50 : memref<632x128xf32, #tpu.memory_space<hbm>>) target(%dma_start3A_48 : memref<632x128xf32, #tpu.memory_space<vmem_shared>>) target_semaphore(%run_scoped3A : memref<!tpu.dma_semaphore, #tpu.memory_space<semaphore_mem>>)
      %dma_wait3A = arith.constant 0 : i32
      %dma_wait3A_51 = tpu.memref_slice %arg10[%mul3A_0, %dma_wait3A] : memref<10112x128xf32, #tpu.memory_space<vmem_shared>> -> memref<632x128xf32, #tpu.memory_space<vmem_shared>>
      %dma_wait3A_52 = arith.constant 0 : i32
      %dma_wait3A_53 = tpu.memref_slice %arg5[%mul3A_0, %dma_wait3A_52] : memref<10112x128xf32, #tpu.memory_space<hbm>> -> memref<632x128xf32, #tpu.memory_space<hbm>>
      tpu.wait_dma2 semaphore(%run_scoped3A : memref<!tpu.dma_semaphore, #tpu.memory_space<semaphore_mem>>) src(%dma_wait3A_53 : memref<632x128xf32, #tpu.memory_space<hbm>>) dst(%dma_wait3A_51 : memref<632x128xf32, #tpu.memory_space<vmem_shared>>)
      tpu.yield
    }) : () -> ()
    %mul3A_1 = arith.constant 16 : i32
    %mul3A_2 = arith.muli %arg0, %mul3A_1 : i32
    %add3A = arith.addi %mul3A_2, %arg1 : i32
    %mul3A_3 = arith.constant 80 : i32
    %mul3A_4 = arith.muli %add3A, %mul3A_3 : i32
    %barrier3A = arith.constant 0 : index
    tpu.barrier barrier_id(%barrier3A)
    %add3A_5 = arith.constant 0 : i32
    %add3A_6 = arith.addi %mul3A_4, %add3A_5 : i32
    "tpu.region"() ({
      %run_scoped3A = tpu.sem_alloc : memref<!tpu.dma_semaphore, #tpu.memory_space<semaphore_mem>>
      %dma_start3A_47 = arith.constant 0 : i32
      %dma_start3A_48 = tpu.memref_slice %arg3[%add3A_6, %dma_start3A_47] : memref<2560x128xi32, #tpu.memory_space<hbm>> -> memref<40x128xi32, #tpu.memory_space<hbm>>
      %dma_start3A_49 = arith.constant 0 : i32
      %dma_start3A_50 = tpu.memref_slice %arg3[%add3A_6, %dma_start3A_49] : memref<2560x128xi32, #tpu.memory_space<hbm>> -> memref<40x128xi32, #tpu.memory_space<hbm>>
      tpu.enqueue_dma source(%dma_start3A_50 : memref<40x128xi32, #tpu.memory_space<hbm>>) target(%arg7 : memref<40x128xi32, #tpu.memory_space<vmem>>) target_semaphore(%run_scoped3A : memref<!tpu.dma_semaphore, #tpu.memory_space<semaphore_mem>>)
      %dma_wait3A = arith.constant 0 : i32
      %dma_wait3A_51 = tpu.memref_slice %arg3[%add3A_6, %dma_wait3A] : memref<2560x128xi32, #tpu.memory_space<hbm>> -> memref<40x128xi32, #tpu.memory_space<hbm>>
      %dma_wait3A_52 = arith.constant 0 : i32
      %dma_wait3A_53 = tpu.memref_slice %arg3[%add3A_6, %dma_wait3A_52] : memref<2560x128xi32, #tpu.memory_space<hbm>> -> memref<40x128xi32, #tpu.memory_space<hbm>>
      tpu.wait_dma2 semaphore(%run_scoped3A : memref<!tpu.dma_semaphore, #tpu.memory_space<semaphore_mem>>) src(%dma_wait3A_53 : memref<40x128xi32, #tpu.memory_space<hbm>>) dst(%arg7 : memref<40x128xi32, #tpu.memory_space<vmem>>)
      tpu.yield
    }) : () -> ()
    "tpu.region"() ({
      %run_scoped3A = tpu.sem_alloc : memref<!tpu.dma_semaphore, #tpu.memory_space<semaphore_mem>>
      %dma_start3A_47 = arith.constant 0 : i32
      %dma_start3A_48 = tpu.memref_slice %arg4[%add3A_6, %dma_start3A_47] : memref<2560x128xi32, #tpu.memory_space<hbm>> -> memref<40x128xi32, #tpu.memory_space<hbm>>
      %dma_start3A_49 = arith.constant 0 : i32
      %dma_start3A_50 = tpu.memref_slice %arg4[%add3A_6, %dma_start3A_49] : memref<2560x128xi32, #tpu.memory_space<hbm>> -> memref<40x128xi32, #tpu.memory_space<hbm>>
      tpu.enqueue_dma source(%dma_start3A_50 : memref<40x128xi32, #tpu.memory_space<hbm>>) target(%arg8 : memref<40x128xi32, #tpu.memory_space<vmem>>) target_semaphore(%run_scoped3A : memref<!tpu.dma_semaphore, #tpu.memory_space<semaphore_mem>>)
      %dma_wait3A = arith.constant 0 : i32
      %dma_wait3A_51 = tpu.memref_slice %arg4[%add3A_6, %dma_wait3A] : memref<2560x128xi32, #tpu.memory_space<hbm>> -> memref<40x128xi32, #tpu.memory_space<hbm>>
      %dma_wait3A_52 = arith.constant 0 : i32
      %dma_wait3A_53 = tpu.memref_slice %arg4[%add3A_6, %dma_wait3A_52] : memref<2560x128xi32, #tpu.memory_space<hbm>> -> memref<40x128xi32, #tpu.memory_space<hbm>>
      tpu.wait_dma2 semaphore(%run_scoped3A : memref<!tpu.dma_semaphore, #tpu.memory_space<semaphore_mem>>) src(%dma_wait3A_53 : memref<40x128xi32, #tpu.memory_space<hbm>>) dst(%arg8 : memref<40x128xi32, #tpu.memory_space<vmem>>)
      tpu.yield
    }) : () -> ()
    %dma_start3A = arith.constant 0 : i32
    %dma_start3A_7 = arith.constant 0 : i32
    %dma_start3A_8 = arith.constant 0 : i32
    %dma_start3A_9 = arith.constant 0 : i32
    %dma_start3A_10 = tpu.memref_slice %arg9[%dma_start3A_7, %dma_start3A_8, %dma_start3A_9] : memref<2x128x128xf32, #tpu.memory_space<vmem>> -> memref<1x128x128xf32, #tpu.memory_space<vmem>>
    %dma_start3A_11 = tpu.memref_squeeze %dma_start3A_10 : memref<1x128x128xf32, #tpu.memory_space<vmem>> -> memref<128x128xf32, #tpu.memory_space<vmem>>
    %dma_start3A_12 = arith.constant 0 : i32
    %dma_start3A_13 = tpu.memref_slice %arg7[%dma_start3A, %dma_start3A_12] : memref<40x128xi32, #tpu.memory_space<vmem>> -> memref<1x128xi32, #tpu.memory_space<vmem>>
    %dma_start3A_14 = tpu.memref_squeeze %dma_start3A_13 : memref<1x128xi32, #tpu.memory_space<vmem>> -> memref<128xi32, #tpu.memory_space<vmem>>
    %dma_start3A_15 = arith.constant 0 : i32
    %dma_start3A_16 = arith.constant 0 : i32
    %dma_start3A_17 = tpu.memref_slice %arg2[%dma_start3A_15, %dma_start3A_16] : memref<10000x128xf32, #tpu.memory_space<hbm>> -> memref<10000x128xf32, #tpu.memory_space<hbm>>
    tpu.enqueue_indirect_dma source(%dma_start3A_17 : memref<10000x128xf32, #tpu.memory_space<hbm>>) target(%dma_start3A_11 : memref<128x128xf32, #tpu.memory_space<vmem>>) offsets(%dma_start3A_14 : memref<128xi32, #tpu.memory_space<vmem>>) semaphore(%arg11 : memref<!tpu.dma_semaphore, #tpu.memory_space<semaphore_mem>>)
    %scan3A = arith.constant 0 : i32
    %scan3A_18 = arith.constant 0 : i32
    %scan3A_19 = arith.constant 20 : i32
    %scan3A_20 = arith.addi %scan3A_18, %scan3A_19 : i32
    %scan3A_21 = arith.constant 1 : i32
    scf.for %scan3A_47 = %scan3A_18 to %scan3A_20 step %scan3A_21  : i32 {
      %mul3A_48 = arith.constant 2 : i32
      %mul3A_49 = arith.muli %mul3A_48, %scan3A_47 : i32
      %add3A_50 = arith.constant 1 : i32
      %add3A_51 = arith.addi %mul3A_49, %add3A_50 : i32
      %lt3A = arith.constant 40 : i32
      %lt3A_52 = arith.cmpi slt, %add3A_51, %lt3A : i32
      %convert_element_type3A = arith.extui %lt3A_52 : i1 to i32
      %cond3A = arith.constant 0 : i32
      %cond3A_53 = arith.cmpi ne, %convert_element_type3A, %cond3A : i32
      scf.if %cond3A_53 {
        %add3A_87 = arith.constant 1 : i32
        %add3A_88 = arith.addi %mul3A_49, %add3A_87 : i32
        %dma_start3A_89 = arith.constant 1 : i32
        %dma_start3A_90 = arith.constant 0 : i32
        %dma_start3A_91 = arith.constant 0 : i32
        %dma_start3A_92 = tpu.memref_slice %arg9[%dma_start3A_89, %dma_start3A_90, %dma_start3A_91] : memref<2x128x128xf32, #tpu.memory_space<vmem>> -> memref<1x128x128xf32, #tpu.memory_space<vmem>>
        %dma_start3A_93 = tpu.memref_squeeze %dma_start3A_92 : memref<1x128x128xf32, #tpu.memory_space<vmem>> -> memref<128x128xf32, #tpu.memory_space<vmem>>
        %dma_start3A_94 = arith.constant 0 : i32
        %dma_start3A_95 = tpu.memref_slice %arg7[%add3A_88, %dma_start3A_94] : memref<40x128xi32, #tpu.memory_space<vmem>> -> memref<1x128xi32, #tpu.memory_space<vmem>>
        %dma_start3A_96 = tpu.memref_squeeze %dma_start3A_95 : memref<1x128xi32, #tpu.memory_space<vmem>> -> memref<128xi32, #tpu.memory_space<vmem>>
        %dma_start3A_97 = arith.constant 0 : i32
        %dma_start3A_98 = arith.constant 0 : i32
        %dma_start3A_99 = tpu.memref_slice %arg2[%dma_start3A_97, %dma_start3A_98] : memref<10000x128xf32, #tpu.memory_space<hbm>> -> memref<10000x128xf32, #tpu.memory_space<hbm>>
        tpu.enqueue_indirect_dma source(%dma_start3A_99 : memref<10000x128xf32, #tpu.memory_space<hbm>>) target(%dma_start3A_93 : memref<128x128xf32, #tpu.memory_space<vmem>>) offsets(%dma_start3A_96 : memref<128xi32, #tpu.memory_space<vmem>>) semaphore(%arg11 : memref<!tpu.dma_semaphore, #tpu.memory_space<semaphore_mem>>)
      } else {
      }
      %dma_wait3A = arith.constant 0 : i32
      %dma_wait3A_54 = arith.constant 0 : i32
      %dma_wait3A_55 = arith.constant 0 : i32
      %dma_wait3A_56 = tpu.memref_slice %arg9[%dma_wait3A, %dma_wait3A_54, %dma_wait3A_55] : memref<2x128x128xf32, #tpu.memory_space<vmem>> -> memref<1x128x128xf32, #tpu.memory_space<vmem>>
      %dma_wait3A_57 = tpu.memref_squeeze %dma_wait3A_56 : memref<1x128x128xf32, #tpu.memory_space<vmem>> -> memref<128x128xf32, #tpu.memory_space<vmem>>
      %dma_wait3A_58 = arith.constant 0 : i32
      %dma_wait3A_59 = tpu.memref_slice %arg7[%mul3A_49, %dma_wait3A_58] : memref<40x128xi32, #tpu.memory_space<vmem>> -> memref<1x128xi32, #tpu.memory_space<vmem>>
      %dma_wait3A_60 = tpu.memref_squeeze %dma_wait3A_59 : memref<1x128xi32, #tpu.memory_space<vmem>> -> memref<128xi32, #tpu.memory_space<vmem>>
      %dma_wait3A_61 = arith.constant 0 : i32
      %dma_wait3A_62 = arith.constant 0 : i32
      %dma_wait3A_63 = tpu.memref_slice %arg2[%dma_wait3A_61, %dma_wait3A_62] : memref<10000x128xf32, #tpu.memory_space<hbm>> -> memref<10000x128xf32, #tpu.memory_space<hbm>>
      tpu.wait_indirect_dma semaphore(%arg11 : memref<!tpu.dma_semaphore, #tpu.memory_space<semaphore_mem>>) src(%dma_wait3A_63 : memref<10000x128xf32, #tpu.memory_space<hbm>>) dst(%dma_wait3A_57 : memref<128x128xf32, #tpu.memory_space<vmem>>)
      %run_scoped3A = arith.constant 0 : i32
      "tpu.region"() ({
        %run_scoped3A_87 = tpu.sem_alloc : memref<!tpu.dma_semaphore, #tpu.memory_space<semaphore_mem>>
        %dma_start3A_88 = arith.constant 0 : i32
        %dma_start3A_89 = arith.constant 0 : i32
        %dma_start3A_90 = tpu.memref_slice %arg9[%run_scoped3A, %dma_start3A_88, %dma_start3A_89] : memref<2x128x128xf32, #tpu.memory_space<vmem>> -> memref<1x128x128xf32, #tpu.memory_space<vmem>>
        %dma_start3A_91 = tpu.memref_squeeze %dma_start3A_90 : memref<1x128x128xf32, #tpu.memory_space<vmem>> -> memref<128x128xf32, #tpu.memory_space<vmem>>
        %dma_start3A_92 = arith.constant 0 : i32
        %dma_start3A_93 = tpu.memref_slice %arg8[%mul3A_49, %dma_start3A_92] : memref<40x128xi32, #tpu.memory_space<vmem>> -> memref<1x128xi32, #tpu.memory_space<vmem>>
        %dma_start3A_94 = tpu.memref_squeeze %dma_start3A_93 : memref<1x128xi32, #tpu.memory_space<vmem>> -> memref<128xi32, #tpu.memory_space<vmem>>
        %dma_start3A_95 = arith.constant 0 : i32
        %dma_start3A_96 = arith.constant 0 : i32
        %dma_start3A_97 = tpu.memref_slice %arg10[%dma_start3A_95, %dma_start3A_96] : memref<10112x128xf32, #tpu.memory_space<vmem_shared>> -> memref<10112x128xf32, #tpu.memory_space<vmem_shared>>
        tpu.enqueue_indirect_dma source(%dma_start3A_91 : memref<128x128xf32, #tpu.memory_space<vmem>>) target(%dma_start3A_97 : memref<10112x128xf32, #tpu.memory_space<vmem_shared>>) offsets(%dma_start3A_94 : memref<128xi32, #tpu.memory_space<vmem>>) semaphore(%run_scoped3A_87 : memref<!tpu.dma_semaphore, #tpu.memory_space<semaphore_mem>>) {add = true}
        %dma_wait3A_98 = arith.constant 0 : i32
        %dma_wait3A_99 = arith.constant 0 : i32
        %dma_wait3A_100 = tpu.memref_slice %arg9[%run_scoped3A, %dma_wait3A_98, %dma_wait3A_99] : memref<2x128x128xf32, #tpu.memory_space<vmem>> -> memref<1x128x128xf32, #tpu.memory_space<vmem>>
        %dma_wait3A_101 = tpu.memref_squeeze %dma_wait3A_100 : memref<1x128x128xf32, #tpu.memory_space<vmem>> -> memref<128x128xf32, #tpu.memory_space<vmem>>
        %dma_wait3A_102 = arith.constant 0 : i32
        %dma_wait3A_103 = tpu.memref_slice %arg8[%mul3A_49, %dma_wait3A_102] : memref<40x128xi32, #tpu.memory_space<vmem>> -> memref<1x128xi32, #tpu.memory_space<vmem>>
        %dma_wait3A_104 = tpu.memref_squeeze %dma_wait3A_103 : memref<1x128xi32, #tpu.memory_space<vmem>> -> memref<128xi32, #tpu.memory_space<vmem>>
        %dma_wait3A_105 = arith.constant 0 : i32
        %dma_wait3A_106 = arith.constant 0 : i32
        %dma_wait3A_107 = tpu.memref_slice %arg10[%dma_wait3A_105, %dma_wait3A_106] : memref<10112x128xf32, #tpu.memory_space<vmem_shared>> -> memref<10112x128xf32, #tpu.memory_space<vmem_shared>>
        tpu.wait_indirect_dma semaphore(%run_scoped3A_87 : memref<!tpu.dma_semaphore, #tpu.memory_space<semaphore_mem>>) src(%dma_wait3A_101 : memref<128x128xf32, #tpu.memory_space<vmem>>) dst(%dma_wait3A_107 : memref<10112x128xf32, #tpu.memory_space<vmem_shared>>)
        tpu.yield
      }) : () -> ()
      %mul3A_64 = arith.constant 2 : i32
      %mul3A_65 = arith.muli %mul3A_64, %scan3A_47 : i32
      %add3A_66 = arith.constant 1 : i32
      %add3A_67 = arith.addi %mul3A_65, %add3A_66 : i32
      %add3A_68 = arith.constant 1 : i32
      %add3A_69 = arith.addi %add3A_67, %add3A_68 : i32
      %lt3A_70 = arith.constant 40 : i32
      %lt3A_71 = arith.cmpi slt, %add3A_69, %lt3A_70 : i32
      %convert_element_type3A_72 = arith.extui %lt3A_71 : i1 to i32
      %cond3A_73 = arith.constant 0 : i32
      %cond3A_74 = arith.cmpi ne, %convert_element_type3A_72, %cond3A_73 : i32
      scf.if %cond3A_74 {
        %add3A_87 = arith.constant 1 : i32
        %add3A_88 = arith.addi %add3A_67, %add3A_87 : i32
        %dma_start3A_89 = arith.constant 0 : i32
        %dma_start3A_90 = arith.constant 0 : i32
        %dma_start3A_91 = arith.constant 0 : i32
        %dma_start3A_92 = tpu.memref_slice %arg9[%dma_start3A_89, %dma_start3A_90, %dma_start3A_91] : memref<2x128x128xf32, #tpu.memory_space<vmem>> -> memref<1x128x128xf32, #tpu.memory_space<vmem>>
        %dma_start3A_93 = tpu.memref_squeeze %dma_start3A_92 : memref<1x128x128xf32, #tpu.memory_space<vmem>> -> memref<128x128xf32, #tpu.memory_space<vmem>>
        %dma_start3A_94 = arith.constant 0 : i32
        %dma_start3A_95 = tpu.memref_slice %arg7[%add3A_88, %dma_start3A_94] : memref<40x128xi32, #tpu.memory_space<vmem>> -> memref<1x128xi32, #tpu.memory_space<vmem>>
        %dma_start3A_96 = tpu.memref_squeeze %dma_start3A_95 : memref<1x128xi32, #tpu.memory_space<vmem>> -> memref<128xi32, #tpu.memory_space<vmem>>
        %dma_start3A_97 = arith.constant 0 : i32
        %dma_start3A_98 = arith.constant 0 : i32
        %dma_start3A_99 = tpu.memref_slice %arg2[%dma_start3A_97, %dma_start3A_98] : memref<10000x128xf32, #tpu.memory_space<hbm>> -> memref<10000x128xf32, #tpu.memory_space<hbm>>
        tpu.enqueue_indirect_dma source(%dma_start3A_99 : memref<10000x128xf32, #tpu.memory_space<hbm>>) target(%dma_start3A_93 : memref<128x128xf32, #tpu.memory_space<vmem>>) offsets(%dma_start3A_96 : memref<128xi32, #tpu.memory_space<vmem>>) semaphore(%arg11 : memref<!tpu.dma_semaphore, #tpu.memory_space<semaphore_mem>>)
      } else {
      }
      %dma_wait3A_75 = arith.constant 1 : i32
      %dma_wait3A_76 = arith.constant 0 : i32
      %dma_wait3A_77 = arith.constant 0 : i32
      %dma_wait3A_78 = tpu.memref_slice %arg9[%dma_wait3A_75, %dma_wait3A_76, %dma_wait3A_77] : memref<2x128x128xf32, #tpu.memory_space<vmem>> -> memref<1x128x128xf32, #tpu.memory_space<vmem>>
      %dma_wait3A_79 = tpu.memref_squeeze %dma_wait3A_78 : memref<1x128x128xf32, #tpu.memory_space<vmem>> -> memref<128x128xf32, #tpu.memory_space<vmem>>
      %dma_wait3A_80 = arith.constant 0 : i32
      %dma_wait3A_81 = tpu.memref_slice %arg7[%add3A_67, %dma_wait3A_80] : memref<40x128xi32, #tpu.memory_space<vmem>> -> memref<1x128xi32, #tpu.memory_space<vmem>>
      %dma_wait3A_82 = tpu.memref_squeeze %dma_wait3A_81 : memref<1x128xi32, #tpu.memory_space<vmem>> -> memref<128xi32, #tpu.memory_space<vmem>>
      %dma_wait3A_83 = arith.constant 0 : i32
      %dma_wait3A_84 = arith.constant 0 : i32
      %dma_wait3A_85 = tpu.memref_slice %arg2[%dma_wait3A_83, %dma_wait3A_84] : memref<10000x128xf32, #tpu.memory_space<hbm>> -> memref<10000x128xf32, #tpu.memory_space<hbm>>
      tpu.wait_indirect_dma semaphore(%arg11 : memref<!tpu.dma_semaphore, #tpu.memory_space<semaphore_mem>>) src(%dma_wait3A_85 : memref<10000x128xf32, #tpu.memory_space<hbm>>) dst(%dma_wait3A_79 : memref<128x128xf32, #tpu.memory_space<vmem>>)
      %run_scoped3A_86 = arith.constant 1 : i32
      "tpu.region"() ({
        %run_scoped3A_87 = tpu.sem_alloc : memref<!tpu.dma_semaphore, #tpu.memory_space<semaphore_mem>>
        %dma_start3A_88 = arith.constant 0 : i32
        %dma_start3A_89 = arith.constant 0 : i32
        %dma_start3A_90 = tpu.memref_slice %arg9[%run_scoped3A_86, %dma_start3A_88, %dma_start3A_89] : memref<2x128x128xf32, #tpu.memory_space<vmem>> -> memref<1x128x128xf32, #tpu.memory_space<vmem>>
        %dma_start3A_91 = tpu.memref_squeeze %dma_start3A_90 : memref<1x128x128xf32, #tpu.memory_space<vmem>> -> memref<128x128xf32, #tpu.memory_space<vmem>>
        %dma_start3A_92 = arith.constant 0 : i32
        %dma_start3A_93 = tpu.memref_slice %arg8[%add3A_67, %dma_start3A_92] : memref<40x128xi32, #tpu.memory_space<vmem>> -> memref<1x128xi32, #tpu.memory_space<vmem>>
        %dma_start3A_94 = tpu.memref_squeeze %dma_start3A_93 : memref<1x128xi32, #tpu.memory_space<vmem>> -> memref<128xi32, #tpu.memory_space<vmem>>
        %dma_start3A_95 = arith.constant 0 : i32
        %dma_start3A_96 = arith.constant 0 : i32
        %dma_start3A_97 = tpu.memref_slice %arg10[%dma_start3A_95, %dma_start3A_96] : memref<10112x128xf32, #tpu.memory_space<vmem_shared>> -> memref<10112x128xf32, #tpu.memory_space<vmem_shared>>
        tpu.enqueue_indirect_dma source(%dma_start3A_91 : memref<128x128xf32, #tpu.memory_space<vmem>>) target(%dma_start3A_97 : memref<10112x128xf32, #tpu.memory_space<vmem_shared>>) offsets(%dma_start3A_94 : memref<128xi32, #tpu.memory_space<vmem>>) semaphore(%run_scoped3A_87 : memref<!tpu.dma_semaphore, #tpu.memory_space<semaphore_mem>>) {add = true}
        %dma_wait3A_98 = arith.constant 0 : i32
        %dma_wait3A_99 = arith.constant 0 : i32
        %dma_wait3A_100 = tpu.memref_slice %arg9[%run_scoped3A_86, %dma_wait3A_98, %dma_wait3A_99] : memref<2x128x128xf32, #tpu.memory_space<vmem>> -> memref<1x128x128xf32, #tpu.memory_space<vmem>>
        %dma_wait3A_101 = tpu.memref_squeeze %dma_wait3A_100 : memref<1x128x128xf32, #tpu.memory_space<vmem>> -> memref<128x128xf32, #tpu.memory_space<vmem>>
        %dma_wait3A_102 = arith.constant 0 : i32
        %dma_wait3A_103 = tpu.memref_slice %arg8[%add3A_67, %dma_wait3A_102] : memref<40x128xi32, #tpu.memory_space<vmem>> -> memref<1x128xi32, #tpu.memory_space<vmem>>
        %dma_wait3A_104 = tpu.memref_squeeze %dma_wait3A_103 : memref<1x128xi32, #tpu.memory_space<vmem>> -> memref<128xi32, #tpu.memory_space<vmem>>
        %dma_wait3A_105 = arith.constant 0 : i32
        %dma_wait3A_106 = arith.constant 0 : i32
        %dma_wait3A_107 = tpu.memref_slice %arg10[%dma_wait3A_105, %dma_wait3A_106] : memref<10112x128xf32, #tpu.memory_space<vmem_shared>> -> memref<10112x128xf32, #tpu.memory_space<vmem_shared>>
        tpu.wait_indirect_dma semaphore(%run_scoped3A_87 : memref<!tpu.dma_semaphore, #tpu.memory_space<semaphore_mem>>) src(%dma_wait3A_101 : memref<128x128xf32, #tpu.memory_space<vmem>>) dst(%dma_wait3A_107 : memref<10112x128xf32, #tpu.memory_space<vmem_shared>>)
        tpu.yield
      }) : () -> ()
    }
    %scan3A_22 = arith.constant 20 : i32
    %add3A_23 = arith.constant 40 : i32
    %add3A_24 = arith.addi %mul3A_4, %add3A_23 : i32
    "tpu.region"() ({
      %run_scoped3A = tpu.sem_alloc : memref<!tpu.dma_semaphore, #tpu.memory_space<semaphore_mem>>
      %dma_start3A_47 = arith.constant 0 : i32
      %dma_start3A_48 = tpu.memref_slice %arg3[%add3A_24, %dma_start3A_47] : memref<2560x128xi32, #tpu.memory_space<hbm>> -> memref<40x128xi32, #tpu.memory_space<hbm>>
      %dma_start3A_49 = arith.constant 0 : i32
      %dma_start3A_50 = tpu.memref_slice %arg3[%add3A_24, %dma_start3A_49] : memref<2560x128xi32, #tpu.memory_space<hbm>> -> memref<40x128xi32, #tpu.memory_space<hbm>>
      tpu.enqueue_dma source(%dma_start3A_50 : memref<40x128xi32, #tpu.memory_space<hbm>>) target(%arg7 : memref<40x128xi32, #tpu.memory_space<vmem>>) target_semaphore(%run_scoped3A : memref<!tpu.dma_semaphore, #tpu.memory_space<semaphore_mem>>)
      %dma_wait3A = arith.constant 0 : i32
      %dma_wait3A_51 = tpu.memref_slice %arg3[%add3A_24, %dma_wait3A] : memref<2560x128xi32, #tpu.memory_space<hbm>> -> memref<40x128xi32, #tpu.memory_space<hbm>>
      %dma_wait3A_52 = arith.constant 0 : i32
      %dma_wait3A_53 = tpu.memref_slice %arg3[%add3A_24, %dma_wait3A_52] : memref<2560x128xi32, #tpu.memory_space<hbm>> -> memref<40x128xi32, #tpu.memory_space<hbm>>
      tpu.wait_dma2 semaphore(%run_scoped3A : memref<!tpu.dma_semaphore, #tpu.memory_space<semaphore_mem>>) src(%dma_wait3A_53 : memref<40x128xi32, #tpu.memory_space<hbm>>) dst(%arg7 : memref<40x128xi32, #tpu.memory_space<vmem>>)
      tpu.yield
    }) : () -> ()
    "tpu.region"() ({
      %run_scoped3A = tpu.sem_alloc : memref<!tpu.dma_semaphore, #tpu.memory_space<semaphore_mem>>
      %dma_start3A_47 = arith.constant 0 : i32
      %dma_start3A_48 = tpu.memref_slice %arg4[%add3A_24, %dma_start3A_47] : memref<2560x128xi32, #tpu.memory_space<hbm>> -> memref<40x128xi32, #tpu.memory_space<hbm>>
      %dma_start3A_49 = arith.constant 0 : i32
      %dma_start3A_50 = tpu.memref_slice %arg4[%add3A_24, %dma_start3A_49] : memref<2560x128xi32, #tpu.memory_space<hbm>> -> memref<40x128xi32, #tpu.memory_space<hbm>>
      tpu.enqueue_dma source(%dma_start3A_50 : memref<40x128xi32, #tpu.memory_space<hbm>>) target(%arg8 : memref<40x128xi32, #tpu.memory_space<vmem>>) target_semaphore(%run_scoped3A : memref<!tpu.dma_semaphore, #tpu.memory_space<semaphore_mem>>)
      %dma_wait3A = arith.constant 0 : i32
      %dma_wait3A_51 = tpu.memref_slice %arg4[%add3A_24, %dma_wait3A] : memref<2560x128xi32, #tpu.memory_space<hbm>> -> memref<40x128xi32, #tpu.memory_space<hbm>>
      %dma_wait3A_52 = arith.constant 0 : i32
      %dma_wait3A_53 = tpu.memref_slice %arg4[%add3A_24, %dma_wait3A_52] : memref<2560x128xi32, #tpu.memory_space<hbm>> -> memref<40x128xi32, #tpu.memory_space<hbm>>
      tpu.wait_dma2 semaphore(%run_scoped3A : memref<!tpu.dma_semaphore, #tpu.memory_space<semaphore_mem>>) src(%dma_wait3A_53 : memref<40x128xi32, #tpu.memory_space<hbm>>) dst(%arg8 : memref<40x128xi32, #tpu.memory_space<vmem>>)
      tpu.yield
    }) : () -> ()
    %dma_start3A_25 = arith.constant 0 : i32
    %dma_start3A_26 = arith.constant 0 : i32
    %dma_start3A_27 = arith.constant 0 : i32
    %dma_start3A_28 = arith.constant 0 : i32
    %dma_start3A_29 = tpu.memref_slice %arg9[%dma_start3A_26, %dma_start3A_27, %dma_start3A_28] : memref<2x128x128xf32, #tpu.memory_space<vmem>> -> memref<1x128x128xf32, #tpu.memory_space<vmem>>
    %dma_start3A_30 = tpu.memref_squeeze %dma_start3A_29 : memref<1x128x128xf32, #tpu.memory_space<vmem>> -> memref<128x128xf32, #tpu.memory_space<vmem>>
    %dma_start3A_31 = arith.constant 0 : i32
    %dma_start3A_32 = tpu.memref_slice %arg7[%dma_start3A_25, %dma_start3A_31] : memref<40x128xi32, #tpu.memory_space<vmem>> -> memref<1x128xi32, #tpu.memory_space<vmem>>
    %dma_start3A_33 = tpu.memref_squeeze %dma_start3A_32 : memref<1x128xi32, #tpu.memory_space<vmem>> -> memref<128xi32, #tpu.memory_space<vmem>>
    %dma_start3A_34 = arith.constant 0 : i32
    %dma_start3A_35 = arith.constant 0 : i32
    %dma_start3A_36 = tpu.memref_slice %arg2[%dma_start3A_34, %dma_start3A_35] : memref<10000x128xf32, #tpu.memory_space<hbm>> -> memref<10000x128xf32, #tpu.memory_space<hbm>>
    tpu.enqueue_indirect_dma source(%dma_start3A_36 : memref<10000x128xf32, #tpu.memory_space<hbm>>) target(%dma_start3A_30 : memref<128x128xf32, #tpu.memory_space<vmem>>) offsets(%dma_start3A_33 : memref<128xi32, #tpu.memory_space<vmem>>) semaphore(%arg11 : memref<!tpu.dma_semaphore, #tpu.memory_space<semaphore_mem>>)
    %scan3A_37 = arith.constant 0 : i32
    %scan3A_38 = arith.constant 0 : i32
    %scan3A_39 = arith.constant 20 : i32
    %scan3A_40 = arith.addi %scan3A_38, %scan3A_39 : i32
    %scan3A_41 = arith.constant 1 : i32
    scf.for %scan3A_47 = %scan3A_38 to %scan3A_40 step %scan3A_41  : i32 {
      %mul3A_48 = arith.constant 2 : i32
      %mul3A_49 = arith.muli %mul3A_48, %scan3A_47 : i32
      %add3A_50 = arith.constant 1 : i32
      %add3A_51 = arith.addi %mul3A_49, %add3A_50 : i32
      %lt3A = arith.constant 40 : i32
      %lt3A_52 = arith.cmpi slt, %add3A_51, %lt3A : i32
      %convert_element_type3A = arith.extui %lt3A_52 : i1 to i32
      %cond3A = arith.constant 0 : i32
      %cond3A_53 = arith.cmpi ne, %convert_element_type3A, %cond3A : i32
      scf.if %cond3A_53 {
        %add3A_87 = arith.constant 1 : i32
        %add3A_88 = arith.addi %mul3A_49, %add3A_87 : i32
        %dma_start3A_89 = arith.constant 1 : i32
        %dma_start3A_90 = arith.constant 0 : i32
        %dma_start3A_91 = arith.constant 0 : i32
        %dma_start3A_92 = tpu.memref_slice %arg9[%dma_start3A_89, %dma_start3A_90, %dma_start3A_91] : memref<2x128x128xf32, #tpu.memory_space<vmem>> -> memref<1x128x128xf32, #tpu.memory_space<vmem>>
        %dma_start3A_93 = tpu.memref_squeeze %dma_start3A_92 : memref<1x128x128xf32, #tpu.memory_space<vmem>> -> memref<128x128xf32, #tpu.memory_space<vmem>>
        %dma_start3A_94 = arith.constant 0 : i32
        %dma_start3A_95 = tpu.memref_slice %arg7[%add3A_88, %dma_start3A_94] : memref<40x128xi32, #tpu.memory_space<vmem>> -> memref<1x128xi32, #tpu.memory_space<vmem>>
        %dma_start3A_96 = tpu.memref_squeeze %dma_start3A_95 : memref<1x128xi32, #tpu.memory_space<vmem>> -> memref<128xi32, #tpu.memory_space<vmem>>
        %dma_start3A_97 = arith.constant 0 : i32
        %dma_start3A_98 = arith.constant 0 : i32
        %dma_start3A_99 = tpu.memref_slice %arg2[%dma_start3A_97, %dma_start3A_98] : memref<10000x128xf32, #tpu.memory_space<hbm>> -> memref<10000x128xf32, #tpu.memory_space<hbm>>
        tpu.enqueue_indirect_dma source(%dma_start3A_99 : memref<10000x128xf32, #tpu.memory_space<hbm>>) target(%dma_start3A_93 : memref<128x128xf32, #tpu.memory_space<vmem>>) offsets(%dma_start3A_96 : memref<128xi32, #tpu.memory_space<vmem>>) semaphore(%arg11 : memref<!tpu.dma_semaphore, #tpu.memory_space<semaphore_mem>>)
      } else {
      }
      %dma_wait3A = arith.constant 0 : i32
      %dma_wait3A_54 = arith.constant 0 : i32
      %dma_wait3A_55 = arith.constant 0 : i32
      %dma_wait3A_56 = tpu.memref_slice %arg9[%dma_wait3A, %dma_wait3A_54, %dma_wait3A_55] : memref<2x128x128xf32, #tpu.memory_space<vmem>> -> memref<1x128x128xf32, #tpu.memory_space<vmem>>
      %dma_wait3A_57 = tpu.memref_squeeze %dma_wait3A_56 : memref<1x128x128xf32, #tpu.memory_space<vmem>> -> memref<128x128xf32, #tpu.memory_space<vmem>>
      %dma_wait3A_58 = arith.constant 0 : i32
      %dma_wait3A_59 = tpu.memref_slice %arg7[%mul3A_49, %dma_wait3A_58] : memref<40x128xi32, #tpu.memory_space<vmem>> -> memref<1x128xi32, #tpu.memory_space<vmem>>
      %dma_wait3A_60 = tpu.memref_squeeze %dma_wait3A_59 : memref<1x128xi32, #tpu.memory_space<vmem>> -> memref<128xi32, #tpu.memory_space<vmem>>
      %dma_wait3A_61 = arith.constant 0 : i32
      %dma_wait3A_62 = arith.constant 0 : i32
      %dma_wait3A_63 = tpu.memref_slice %arg2[%dma_wait3A_61, %dma_wait3A_62] : memref<10000x128xf32, #tpu.memory_space<hbm>> -> memref<10000x128xf32, #tpu.memory_space<hbm>>
      tpu.wait_indirect_dma semaphore(%arg11 : memref<!tpu.dma_semaphore, #tpu.memory_space<semaphore_mem>>) src(%dma_wait3A_63 : memref<10000x128xf32, #tpu.memory_space<hbm>>) dst(%dma_wait3A_57 : memref<128x128xf32, #tpu.memory_space<vmem>>)
      %run_scoped3A = arith.constant 0 : i32
      "tpu.region"() ({
        %run_scoped3A_87 = tpu.sem_alloc : memref<!tpu.dma_semaphore, #tpu.memory_space<semaphore_mem>>
        %dma_start3A_88 = arith.constant 0 : i32
        %dma_start3A_89 = arith.constant 0 : i32
        %dma_start3A_90 = tpu.memref_slice %arg9[%run_scoped3A, %dma_start3A_88, %dma_start3A_89] : memref<2x128x128xf32, #tpu.memory_space<vmem>> -> memref<1x128x128xf32, #tpu.memory_space<vmem>>
        %dma_start3A_91 = tpu.memref_squeeze %dma_start3A_90 : memref<1x128x128xf32, #tpu.memory_space<vmem>> -> memref<128x128xf32, #tpu.memory_space<vmem>>
        %dma_start3A_92 = arith.constant 0 : i32
        %dma_start3A_93 = tpu.memref_slice %arg8[%mul3A_49, %dma_start3A_92] : memref<40x128xi32, #tpu.memory_space<vmem>> -> memref<1x128xi32, #tpu.memory_space<vmem>>
        %dma_start3A_94 = tpu.memref_squeeze %dma_start3A_93 : memref<1x128xi32, #tpu.memory_space<vmem>> -> memref<128xi32, #tpu.memory_space<vmem>>
        %dma_start3A_95 = arith.constant 0 : i32
        %dma_start3A_96 = arith.constant 0 : i32
        %dma_start3A_97 = tpu.memref_slice %arg10[%dma_start3A_95, %dma_start3A_96] : memref<10112x128xf32, #tpu.memory_space<vmem_shared>> -> memref<10112x128xf32, #tpu.memory_space<vmem_shared>>
        tpu.enqueue_indirect_dma source(%dma_start3A_91 : memref<128x128xf32, #tpu.memory_space<vmem>>) target(%dma_start3A_97 : memref<10112x128xf32, #tpu.memory_space<vmem_shared>>) offsets(%dma_start3A_94 : memref<128xi32, #tpu.memory_space<vmem>>) semaphore(%run_scoped3A_87 : memref<!tpu.dma_semaphore, #tpu.memory_space<semaphore_mem>>) {add = true}
        %dma_wait3A_98 = arith.constant 0 : i32
        %dma_wait3A_99 = arith.constant 0 : i32
        %dma_wait3A_100 = tpu.memref_slice %arg9[%run_scoped3A, %dma_wait3A_98, %dma_wait3A_99] : memref<2x128x128xf32, #tpu.memory_space<vmem>> -> memref<1x128x128xf32, #tpu.memory_space<vmem>>
        %dma_wait3A_101 = tpu.memref_squeeze %dma_wait3A_100 : memref<1x128x128xf32, #tpu.memory_space<vmem>> -> memref<128x128xf32, #tpu.memory_space<vmem>>
        %dma_wait3A_102 = arith.constant 0 : i32
        %dma_wait3A_103 = tpu.memref_slice %arg8[%mul3A_49, %dma_wait3A_102] : memref<40x128xi32, #tpu.memory_space<vmem>> -> memref<1x128xi32, #tpu.memory_space<vmem>>
        %dma_wait3A_104 = tpu.memref_squeeze %dma_wait3A_103 : memref<1x128xi32, #tpu.memory_space<vmem>> -> memref<128xi32, #tpu.memory_space<vmem>>
        %dma_wait3A_105 = arith.constant 0 : i32
        %dma_wait3A_106 = arith.constant 0 : i32
        %dma_wait3A_107 = tpu.memref_slice %arg10[%dma_wait3A_105, %dma_wait3A_106] : memref<10112x128xf32, #tpu.memory_space<vmem_shared>> -> memref<10112x128xf32, #tpu.memory_space<vmem_shared>>
        tpu.wait_indirect_dma semaphore(%run_scoped3A_87 : memref<!tpu.dma_semaphore, #tpu.memory_space<semaphore_mem>>) src(%dma_wait3A_101 : memref<128x128xf32, #tpu.memory_space<vmem>>) dst(%dma_wait3A_107 : memref<10112x128xf32, #tpu.memory_space<vmem_shared>>)
        tpu.yield
      }) : () -> ()
      %mul3A_64 = arith.constant 2 : i32
      %mul3A_65 = arith.muli %mul3A_64, %scan3A_47 : i32
      %add3A_66 = arith.constant 1 : i32
      %add3A_67 = arith.addi %mul3A_65, %add3A_66 : i32
      %add3A_68 = arith.constant 1 : i32
      %add3A_69 = arith.addi %add3A_67, %add3A_68 : i32
      %lt3A_70 = arith.constant 40 : i32
      %lt3A_71 = arith.cmpi slt, %add3A_69, %lt3A_70 : i32
      %convert_element_type3A_72 = arith.extui %lt3A_71 : i1 to i32
      %cond3A_73 = arith.constant 0 : i32
      %cond3A_74 = arith.cmpi ne, %convert_element_type3A_72, %cond3A_73 : i32
      scf.if %cond3A_74 {
        %add3A_87 = arith.constant 1 : i32
        %add3A_88 = arith.addi %add3A_67, %add3A_87 : i32
        %dma_start3A_89 = arith.constant 0 : i32
        %dma_start3A_90 = arith.constant 0 : i32
        %dma_start3A_91 = arith.constant 0 : i32
        %dma_start3A_92 = tpu.memref_slice %arg9[%dma_start3A_89, %dma_start3A_90, %dma_start3A_91] : memref<2x128x128xf32, #tpu.memory_space<vmem>> -> memref<1x128x128xf32, #tpu.memory_space<vmem>>
        %dma_start3A_93 = tpu.memref_squeeze %dma_start3A_92 : memref<1x128x128xf32, #tpu.memory_space<vmem>> -> memref<128x128xf32, #tpu.memory_space<vmem>>
        %dma_start3A_94 = arith.constant 0 : i32
        %dma_start3A_95 = tpu.memref_slice %arg7[%add3A_88, %dma_start3A_94] : memref<40x128xi32, #tpu.memory_space<vmem>> -> memref<1x128xi32, #tpu.memory_space<vmem>>
        %dma_start3A_96 = tpu.memref_squeeze %dma_start3A_95 : memref<1x128xi32, #tpu.memory_space<vmem>> -> memref<128xi32, #tpu.memory_space<vmem>>
        %dma_start3A_97 = arith.constant 0 : i32
        %dma_start3A_98 = arith.constant 0 : i32
        %dma_start3A_99 = tpu.memref_slice %arg2[%dma_start3A_97, %dma_start3A_98] : memref<10000x128xf32, #tpu.memory_space<hbm>> -> memref<10000x128xf32, #tpu.memory_space<hbm>>
        tpu.enqueue_indirect_dma source(%dma_start3A_99 : memref<10000x128xf32, #tpu.memory_space<hbm>>) target(%dma_start3A_93 : memref<128x128xf32, #tpu.memory_space<vmem>>) offsets(%dma_start3A_96 : memref<128xi32, #tpu.memory_space<vmem>>) semaphore(%arg11 : memref<!tpu.dma_semaphore, #tpu.memory_space<semaphore_mem>>)
      } else {
      }
      %dma_wait3A_75 = arith.constant 1 : i32
      %dma_wait3A_76 = arith.constant 0 : i32
      %dma_wait3A_77 = arith.constant 0 : i32
      %dma_wait3A_78 = tpu.memref_slice %arg9[%dma_wait3A_75, %dma_wait3A_76, %dma_wait3A_77] : memref<2x128x128xf32, #tpu.memory_space<vmem>> -> memref<1x128x128xf32, #tpu.memory_space<vmem>>
      %dma_wait3A_79 = tpu.memref_squeeze %dma_wait3A_78 : memref<1x128x128xf32, #tpu.memory_space<vmem>> -> memref<128x128xf32, #tpu.memory_space<vmem>>
      %dma_wait3A_80 = arith.constant 0 : i32
      %dma_wait3A_81 = tpu.memref_slice %arg7[%add3A_67, %dma_wait3A_80] : memref<40x128xi32, #tpu.memory_space<vmem>> -> memref<1x128xi32, #tpu.memory_space<vmem>>
      %dma_wait3A_82 = tpu.memref_squeeze %dma_wait3A_81 : memref<1x128xi32, #tpu.memory_space<vmem>> -> memref<128xi32, #tpu.memory_space<vmem>>
      %dma_wait3A_83 = arith.constant 0 : i32
      %dma_wait3A_84 = arith.constant 0 : i32
      %dma_wait3A_85 = tpu.memref_slice %arg2[%dma_wait3A_83, %dma_wait3A_84] : memref<10000x128xf32, #tpu.memory_space<hbm>> -> memref<10000x128xf32, #tpu.memory_space<hbm>>
      tpu.wait_indirect_dma semaphore(%arg11 : memref<!tpu.dma_semaphore, #tpu.memory_space<semaphore_mem>>) src(%dma_wait3A_85 : memref<10000x128xf32, #tpu.memory_space<hbm>>) dst(%dma_wait3A_79 : memref<128x128xf32, #tpu.memory_space<vmem>>)
      %run_scoped3A_86 = arith.constant 1 : i32
      "tpu.region"() ({
        %run_scoped3A_87 = tpu.sem_alloc : memref<!tpu.dma_semaphore, #tpu.memory_space<semaphore_mem>>
        %dma_start3A_88 = arith.constant 0 : i32
        %dma_start3A_89 = arith.constant 0 : i32
        %dma_start3A_90 = tpu.memref_slice %arg9[%run_scoped3A_86, %dma_start3A_88, %dma_start3A_89] : memref<2x128x128xf32, #tpu.memory_space<vmem>> -> memref<1x128x128xf32, #tpu.memory_space<vmem>>
        %dma_start3A_91 = tpu.memref_squeeze %dma_start3A_90 : memref<1x128x128xf32, #tpu.memory_space<vmem>> -> memref<128x128xf32, #tpu.memory_space<vmem>>
        %dma_start3A_92 = arith.constant 0 : i32
        %dma_start3A_93 = tpu.memref_slice %arg8[%add3A_67, %dma_start3A_92] : memref<40x128xi32, #tpu.memory_space<vmem>> -> memref<1x128xi32, #tpu.memory_space<vmem>>
        %dma_start3A_94 = tpu.memref_squeeze %dma_start3A_93 : memref<1x128xi32, #tpu.memory_space<vmem>> -> memref<128xi32, #tpu.memory_space<vmem>>
        %dma_start3A_95 = arith.constant 0 : i32
        %dma_start3A_96 = arith.constant 0 : i32
        %dma_start3A_97 = tpu.memref_slice %arg10[%dma_start3A_95, %dma_start3A_96] : memref<10112x128xf32, #tpu.memory_space<vmem_shared>> -> memref<10112x128xf32, #tpu.memory_space<vmem_shared>>
        tpu.enqueue_indirect_dma source(%dma_start3A_91 : memref<128x128xf32, #tpu.memory_space<vmem>>) target(%dma_start3A_97 : memref<10112x128xf32, #tpu.memory_space<vmem_shared>>) offsets(%dma_start3A_94 : memref<128xi32, #tpu.memory_space<vmem>>) semaphore(%run_scoped3A_87 : memref<!tpu.dma_semaphore, #tpu.memory_space<semaphore_mem>>) {add = true}
        %dma_wait3A_98 = arith.constant 0 : i32
        %dma_wait3A_99 = arith.constant 0 : i32
        %dma_wait3A_100 = tpu.memref_slice %arg9[%run_scoped3A_86, %dma_wait3A_98, %dma_wait3A_99] : memref<2x128x128xf32, #tpu.memory_space<vmem>> -> memref<1x128x128xf32, #tpu.memory_space<vmem>>
        %dma_wait3A_101 = tpu.memref_squeeze %dma_wait3A_100 : memref<1x128x128xf32, #tpu.memory_space<vmem>> -> memref<128x128xf32, #tpu.memory_space<vmem>>
        %dma_wait3A_102 = arith.constant 0 : i32
        %dma_wait3A_103 = tpu.memref_slice %arg8[%add3A_67, %dma_wait3A_102] : memref<40x128xi32, #tpu.memory_space<vmem>> -> memref<1x128xi32, #tpu.memory_space<vmem>>
        %dma_wait3A_104 = tpu.memref_squeeze %dma_wait3A_103 : memref<1x128xi32, #tpu.memory_space<vmem>> -> memref<128xi32, #tpu.memory_space<vmem>>
        %dma_wait3A_105 = arith.constant 0 : i32
        %dma_wait3A_106 = arith.constant 0 : i32
        %dma_wait3A_107 = tpu.memref_slice %arg10[%dma_wait3A_105, %dma_wait3A_106] : memref<10112x128xf32, #tpu.memory_space<vmem_shared>> -> memref<10112x128xf32, #tpu.memory_space<vmem_shared>>
        tpu.wait_indirect_dma semaphore(%run_scoped3A_87 : memref<!tpu.dma_semaphore, #tpu.memory_space<semaphore_mem>>) src(%dma_wait3A_101 : memref<128x128xf32, #tpu.memory_space<vmem>>) dst(%dma_wait3A_107 : memref<10112x128xf32, #tpu.memory_space<vmem_shared>>)
        tpu.yield
      }) : () -> ()
    }
    %scan3A_42 = arith.constant 20 : i32
    %barrier3A_43 = arith.constant 0 : index
    tpu.barrier barrier_id(%barrier3A_43)
    %mul3A_44 = arith.constant 10112 : i32
    %mul3A_45 = arith.muli %arg0, %mul3A_44 : i32
    %add3A_46 = arith.addi %mul3A_45, %mul3A_0 : i32
    "tpu.region"() ({
      %run_scoped3A = tpu.sem_alloc : memref<!tpu.dma_semaphore, #tpu.memory_space<semaphore_mem>>
      %dma_start3A_47 = arith.constant 0 : i32
      %dma_start3A_48 = tpu.memref_slice %arg6[%add3A_46, %dma_start3A_47] : memref<20224x128xf32, #tpu.memory_space<hbm>> -> memref<632x128xf32, #tpu.memory_space<hbm>>
      %dma_start3A_49 = arith.constant 0 : i32
      %dma_start3A_50 = tpu.memref_slice %arg10[%mul3A_0, %dma_start3A_49] : memref<10112x128xf32, #tpu.memory_space<vmem_shared>> -> memref<632x128xf32, #tpu.memory_space<vmem_shared>>
      tpu.enqueue_dma source(%dma_start3A_50 : memref<632x128xf32, #tpu.memory_space<vmem_shared>>) target(%dma_start3A_48 : memref<632x128xf32, #tpu.memory_space<hbm>>) target_semaphore(%run_scoped3A : memref<!tpu.dma_semaphore, #tpu.memory_space<semaphore_mem>>)
      %dma_wait3A = arith.constant 0 : i32
      %dma_wait3A_51 = tpu.memref_slice %arg6[%add3A_46, %dma_wait3A] : memref<20224x128xf32, #tpu.memory_space<hbm>> -> memref<632x128xf32, #tpu.memory_space<hbm>>
      %dma_wait3A_52 = arith.constant 0 : i32
      %dma_wait3A_53 = tpu.memref_slice %arg10[%mul3A_0, %dma_wait3A_52] : memref<10112x128xf32, #tpu.memory_space<vmem_shared>> -> memref<632x128xf32, #tpu.memory_space<vmem_shared>>
      tpu.wait_dma2 semaphore(%run_scoped3A : memref<!tpu.dma_semaphore, #tpu.memory_space<semaphore_mem>>) src(%dma_wait3A_53 : memref<632x128xf32, #tpu.memory_space<vmem_shared>>) dst(%dma_wait3A_51 : memref<632x128xf32, #tpu.memory_space<hbm>>)
      tpu.yield
    }) : () -> ()
    return
  }
}

module attributes {stable_mosaic.version = 14 : i64} {
  func.func @body(%arg0: memref<10000x128xf32, #tpu.memory_space<vmem>>, %arg1: memref<128x128xf32, #tpu.memory_space<vmem>>, %arg2: memref<20224x128xf32, #tpu.memory_space<vmem>>, %arg3: memref<10000x1xf32, #tpu.memory_space<vmem>>, %arg4: memref<128x128xf32, #tpu.memory_space<vmem>>, %arg5: memref<1x128xf32, #tpu.memory_space<vmem>>, %arg6: memref<1x128xf32, #tpu.memory_space<vmem>>, %arg7: memref<1x128xf32, #tpu.memory_space<vmem>>, %arg8: memref<10000x128xf32, #tpu.memory_space<vmem>>) attributes {dimension_semantics = [], scalar_prefetch = 0 : i64, scratch_operands = 0 : i64, tpu.core_type = #tpu.core_type<tc>} {
    %get3A = arith.constant 0 : index
    %get3A_0 = arith.constant 0 : index
    %get3A_1 = vector.load %arg2[%get3A, %get3A_0] : memref<20224x128xf32, #tpu.memory_space<vmem>>, vector<10000x128xf32>
    %get3A_2 = arith.constant 10112 : index
    %get3A_3 = arith.constant 0 : index
    %get3A_4 = vector.load %arg2[%get3A_2, %get3A_3] : memref<20224x128xf32, #tpu.memory_space<vmem>>, vector<10000x128xf32>
    %add3A = arith.addf %get3A_1, %get3A_4 : vector<10000x128xf32>
    %get3A_5 = arith.constant 0 : index
    %get3A_6 = arith.constant 0 : index
    %get3A_7 = vector.load %arg3[%get3A_5, %get3A_6] : memref<10000x1xf32, #tpu.memory_space<vmem>>, vector<10000x1xf32>
    %mul3A = vector.broadcast %get3A_7 : vector<10000x1xf32> to vector<10000x128xf32>
    %mul3A_8 = arith.mulf %add3A, %mul3A : vector<10000x128xf32>
    %get3A_9 = arith.constant 0 : index
    %get3A_10 = arith.constant 0 : index
    %get3A_11 = vector.load %arg4[%get3A_9, %get3A_10] : memref<128x128xf32, #tpu.memory_space<vmem>>, vector<128x128xf32>
    %dot_general3A = arith.constant dense<0.000000e+00> : vector<10000x128xf32>
    %dot_general3A_12 = tpu.matmul %mul3A_8, %get3A_11, %dot_general3A {dimension_numbers = #tpu.dot_dimension_numbers<[1], [0], [0], [1], [0, 0, 1, 1], [], []>, transpose_lhs_hint = false} : vector<10000x128xf32>, vector<128x128xf32>, vector<10000x128xf32> -> vector<10000x128xf32>
    %get3A_13 = arith.constant 0 : index
    %get3A_14 = arith.constant 0 : index
    %get3A_15 = vector.load %arg5[%get3A_13, %get3A_14] : memref<1x128xf32, #tpu.memory_space<vmem>>, vector<1x128xf32>
    %add3A_16 = vector.broadcast %get3A_15 : vector<1x128xf32> to vector<10000x128xf32>
    %add3A_17 = arith.addf %dot_general3A_12, %add3A_16 : vector<10000x128xf32>
    %get3A_18 = arith.constant 0 : index
    %get3A_19 = arith.constant 0 : index
    %get3A_20 = vector.load %arg0[%get3A_18, %get3A_19] : memref<10000x128xf32, #tpu.memory_space<vmem>>, vector<10000x128xf32>
    %get3A_21 = arith.constant 0 : index
    %get3A_22 = arith.constant 0 : index
    %get3A_23 = vector.load %arg1[%get3A_21, %get3A_22] : memref<128x128xf32, #tpu.memory_space<vmem>>, vector<128x128xf32>
    %dot_general3A_24 = arith.constant dense<0.000000e+00> : vector<10000x128xf32>
    %dot_general3A_25 = tpu.matmul %get3A_20, %get3A_23, %dot_general3A_24 {dimension_numbers = #tpu.dot_dimension_numbers<[1], [0], [0], [1], [0, 0, 1, 1], [], []>, transpose_lhs_hint = false} : vector<10000x128xf32>, vector<128x128xf32>, vector<10000x128xf32> -> vector<10000x128xf32>
    %add3A_26 = arith.addf %add3A_17, %dot_general3A_25 : vector<10000x128xf32>
    %reduce_sum3A = arith.constant dense<0.000000e+00> : vector<128xf32>
    %reduce_sum3A_27 = vector.multi_reduction <add>, %add3A_26, %reduce_sum3A [0] : vector<10000x128xf32> to vector<128xf32>
    %broadcast_in_dim3A = vector.shape_cast %reduce_sum3A_27 : vector<128xf32> to vector<1x128xf32>
    %div3A = arith.constant 1.000000e+04 : f32
    %div3A_28 = vector.broadcast %div3A : f32 to vector<1x128xf32>
    %div3A_29 = arith.divf %broadcast_in_dim3A, %div3A_28 : vector<1x128xf32>
    %sub3A = vector.broadcast %div3A_29 : vector<1x128xf32> to vector<10000x128xf32>
    %sub3A_30 = arith.subf %add3A_26, %sub3A : vector<10000x128xf32>
    %sub3A_31 = vector.broadcast %div3A_29 : vector<1x128xf32> to vector<10000x128xf32>
    %sub3A_32 = arith.subf %add3A_26, %sub3A_31 : vector<10000x128xf32>
    %mul3A_33 = arith.mulf %sub3A_30, %sub3A_32 : vector<10000x128xf32>
    %reduce_sum3A_34 = arith.constant dense<0.000000e+00> : vector<128xf32>
    %reduce_sum3A_35 = vector.multi_reduction <add>, %mul3A_33, %reduce_sum3A_34 [0] : vector<10000x128xf32> to vector<128xf32>
    %broadcast_in_dim3A_36 = vector.shape_cast %reduce_sum3A_35 : vector<128xf32> to vector<1x128xf32>
    %div3A_37 = arith.constant 1.000000e+04 : f32
    %div3A_38 = vector.broadcast %div3A_37 : f32 to vector<1x128xf32>
    %div3A_39 = arith.divf %broadcast_in_dim3A_36, %div3A_38 : vector<1x128xf32>
    %sub3A_40 = vector.broadcast %div3A_29 : vector<1x128xf32> to vector<10000x128xf32>
    %sub3A_41 = arith.subf %add3A_26, %sub3A_40 : vector<10000x128xf32>
    %add3A_42 = arith.constant 9.99999974E-6 : f32
    %add3A_43 = vector.broadcast %add3A_42 : f32 to vector<1x128xf32>
    %add3A_44 = arith.addf %div3A_39, %add3A_43 : vector<1x128xf32>
    %rsqrt3A = math.rsqrt %add3A_44 : vector<1x128xf32>
    %mul3A_45 = vector.broadcast %rsqrt3A : vector<1x128xf32> to vector<10000x128xf32>
    %mul3A_46 = arith.mulf %sub3A_41, %mul3A_45 : vector<10000x128xf32>
    %get3A_47 = arith.constant 0 : index
    %get3A_48 = arith.constant 0 : index
    %get3A_49 = vector.load %arg6[%get3A_47, %get3A_48] : memref<1x128xf32, #tpu.memory_space<vmem>>, vector<1x128xf32>
    %mul3A_50 = vector.broadcast %get3A_49 : vector<1x128xf32> to vector<10000x128xf32>
    %mul3A_51 = arith.mulf %mul3A_46, %mul3A_50 : vector<10000x128xf32>
    %get3A_52 = arith.constant 0 : index
    %get3A_53 = arith.constant 0 : index
    %get3A_54 = vector.load %arg7[%get3A_52, %get3A_53] : memref<1x128xf32, #tpu.memory_space<vmem>>, vector<1x128xf32>
    %add3A_55 = vector.broadcast %get3A_54 : vector<1x128xf32> to vector<10000x128xf32>
    %add3A_56 = arith.addf %mul3A_51, %add3A_55 : vector<10000x128xf32>
    %max3A = arith.constant 0.000000e+00 : f32
    %max3A_57 = vector.broadcast %max3A : f32 to vector<10000x128xf32>
    %max3A_58 = arith.maximumf %add3A_56, %max3A_57 : vector<10000x128xf32>
    %swap3A = arith.constant 0 : index
    %swap3A_59 = arith.constant 0 : index
    %swap3A_60 = vector.load %arg8[%swap3A, %swap3A_59] : memref<10000x128xf32, #tpu.memory_space<vmem>>, vector<10000x128xf32>
    tpu.vector_store %arg8[%swap3A, %swap3A_59], %max3A_58 {strides = array<i32>} : memref<10000x128xf32, #tpu.memory_space<vmem>>, vector<10000x128xf32>,
    return
  }
}

module attributes {stable_mosaic.version = 14 : i64} {
  func.func @body(%arg0: memref<10000x128xf32, #tpu.memory_space<vmem>>, %arg1: memref<128x128xf32, #tpu.memory_space<vmem>>, %arg2: memref<20224x128xf32, #tpu.memory_space<vmem>>, %arg3: memref<20224x1xf32, #tpu.memory_space<vmem>>, %arg4: memref<128x128xf32, #tpu.memory_space<vmem>>, %arg5: memref<1x128xf32, #tpu.memory_space<vmem>>, %arg6: memref<1x128xf32, #tpu.memory_space<vmem>>, %arg7: memref<1x128xf32, #tpu.memory_space<vmem>>, %arg8: memref<10000x128xf32, #tpu.memory_space<vmem>>, %arg9: memref<10000x1xf32, #tpu.memory_space<vmem>>) attributes {dimension_semantics = [], scalar_prefetch = 0 : i64, scratch_operands = 0 : i64, tpu.core_type = #tpu.core_type<tc>} {
    %get3A = arith.constant 0 : index
    %get3A_0 = arith.constant 0 : index
    %get3A_1 = vector.load %arg3[%get3A, %get3A_0] : memref<20224x1xf32, #tpu.memory_space<vmem>>, vector<10000x1xf32>
    %get3A_2 = arith.constant 10112 : index
    %get3A_3 = arith.constant 0 : index
    %get3A_4 = vector.load %arg3[%get3A_2, %get3A_3] : memref<20224x1xf32, #tpu.memory_space<vmem>>, vector<10000x1xf32>
    %add3A = arith.addf %get3A_1, %get3A_4 : vector<10000x1xf32>
    %max3A = arith.constant 1.000000e+00 : f32
    %max3A_5 = vector.broadcast %max3A : f32 to vector<10000x1xf32>
    %max3A_6 = arith.maximumf %add3A, %max3A_5 : vector<10000x1xf32>
    %div3A = arith.constant 1.000000e+00 : f32
    %div3A_7 = vector.broadcast %div3A : f32 to vector<10000x1xf32>
    %div3A_8 = arith.divf %div3A_7, %max3A_6 : vector<10000x1xf32>
    %swap3A = arith.constant 0 : index
    %swap3A_9 = arith.constant 0 : index
    %swap3A_10 = vector.load %arg9[%swap3A, %swap3A_9] : memref<10000x1xf32, #tpu.memory_space<vmem>>, vector<10000x1xf32>
    tpu.vector_store %arg9[%swap3A, %swap3A_9], %div3A_8 {strides = array<i32>} : memref<10000x1xf32, #tpu.memory_space<vmem>>, vector<10000x1xf32>,
    %get3A_11 = arith.constant 0 : index
    %get3A_12 = arith.constant 0 : index
    %get3A_13 = vector.load %arg2[%get3A_11, %get3A_12] : memref<20224x128xf32, #tpu.memory_space<vmem>>, vector<10000x128xf32>
    %get3A_14 = arith.constant 10112 : index
    %get3A_15 = arith.constant 0 : index
    %get3A_16 = vector.load %arg2[%get3A_14, %get3A_15] : memref<20224x128xf32, #tpu.memory_space<vmem>>, vector<10000x128xf32>
    %add3A_17 = arith.addf %get3A_13, %get3A_16 : vector<10000x128xf32>
    %mul3A = vector.broadcast %div3A_8 : vector<10000x1xf32> to vector<10000x128xf32>
    %mul3A_18 = arith.mulf %add3A_17, %mul3A : vector<10000x128xf32>
    %get3A_19 = arith.constant 0 : index
    %get3A_20 = arith.constant 0 : index
    %get3A_21 = vector.load %arg4[%get3A_19, %get3A_20] : memref<128x128xf32, #tpu.memory_space<vmem>>, vector<128x128xf32>
    %dot_general3A = arith.constant dense<0.000000e+00> : vector<10000x128xf32>
    %dot_general3A_22 = tpu.matmul %mul3A_18, %get3A_21, %dot_general3A {dimension_numbers = #tpu.dot_dimension_numbers<[1], [0], [0], [1], [0, 0, 1, 1], [], []>, transpose_lhs_hint = false} : vector<10000x128xf32>, vector<128x128xf32>, vector<10000x128xf32> -> vector<10000x128xf32>
    %get3A_23 = arith.constant 0 : index
    %get3A_24 = arith.constant 0 : index
    %get3A_25 = vector.load %arg5[%get3A_23, %get3A_24] : memref<1x128xf32, #tpu.memory_space<vmem>>, vector<1x128xf32>
    %add3A_26 = vector.broadcast %get3A_25 : vector<1x128xf32> to vector<10000x128xf32>
    %add3A_27 = arith.addf %dot_general3A_22, %add3A_26 : vector<10000x128xf32>
    %get3A_28 = arith.constant 0 : index
    %get3A_29 = arith.constant 0 : index
    %get3A_30 = vector.load %arg0[%get3A_28, %get3A_29] : memref<10000x128xf32, #tpu.memory_space<vmem>>, vector<10000x128xf32>
    %get3A_31 = arith.constant 0 : index
    %get3A_32 = arith.constant 0 : index
    %get3A_33 = vector.load %arg1[%get3A_31, %get3A_32] : memref<128x128xf32, #tpu.memory_space<vmem>>, vector<128x128xf32>
    %dot_general3A_34 = arith.constant dense<0.000000e+00> : vector<10000x128xf32>
    %dot_general3A_35 = tpu.matmul %get3A_30, %get3A_33, %dot_general3A_34 {dimension_numbers = #tpu.dot_dimension_numbers<[1], [0], [0], [1], [0, 0, 1, 1], [], []>, transpose_lhs_hint = false} : vector<10000x128xf32>, vector<128x128xf32>, vector<10000x128xf32> -> vector<10000x128xf32>
    %add3A_36 = arith.addf %add3A_27, %dot_general3A_35 : vector<10000x128xf32>
    %reduce_sum3A = arith.constant dense<0.000000e+00> : vector<128xf32>
    %reduce_sum3A_37 = vector.multi_reduction <add>, %add3A_36, %reduce_sum3A [0] : vector<10000x128xf32> to vector<128xf32>
    %broadcast_in_dim3A = vector.shape_cast %reduce_sum3A_37 : vector<128xf32> to vector<1x128xf32>
    %div3A_38 = arith.constant 1.000000e+04 : f32
    %div3A_39 = vector.broadcast %div3A_38 : f32 to vector<1x128xf32>
    %div3A_40 = arith.divf %broadcast_in_dim3A, %div3A_39 : vector<1x128xf32>
    %sub3A = vector.broadcast %div3A_40 : vector<1x128xf32> to vector<10000x128xf32>
    %sub3A_41 = arith.subf %add3A_36, %sub3A : vector<10000x128xf32>
    %sub3A_42 = vector.broadcast %div3A_40 : vector<1x128xf32> to vector<10000x128xf32>
    %sub3A_43 = arith.subf %add3A_36, %sub3A_42 : vector<10000x128xf32>
    %mul3A_44 = arith.mulf %sub3A_41, %sub3A_43 : vector<10000x128xf32>
    %reduce_sum3A_45 = arith.constant dense<0.000000e+00> : vector<128xf32>
    %reduce_sum3A_46 = vector.multi_reduction <add>, %mul3A_44, %reduce_sum3A_45 [0] : vector<10000x128xf32> to vector<128xf32>
    %broadcast_in_dim3A_47 = vector.shape_cast %reduce_sum3A_46 : vector<128xf32> to vector<1x128xf32>
    %div3A_48 = arith.constant 1.000000e+04 : f32
    %div3A_49 = vector.broadcast %div3A_48 : f32 to vector<1x128xf32>
    %div3A_50 = arith.divf %broadcast_in_dim3A_47, %div3A_49 : vector<1x128xf32>
    %sub3A_51 = vector.broadcast %div3A_40 : vector<1x128xf32> to vector<10000x128xf32>
    %sub3A_52 = arith.subf %add3A_36, %sub3A_51 : vector<10000x128xf32>
    %add3A_53 = arith.constant 9.99999974E-6 : f32
    %add3A_54 = vector.broadcast %add3A_53 : f32 to vector<1x128xf32>
    %add3A_55 = arith.addf %div3A_50, %add3A_54 : vector<1x128xf32>
    %rsqrt3A = math.rsqrt %add3A_55 : vector<1x128xf32>
    %mul3A_56 = vector.broadcast %rsqrt3A : vector<1x128xf32> to vector<10000x128xf32>
    %mul3A_57 = arith.mulf %sub3A_52, %mul3A_56 : vector<10000x128xf32>
    %get3A_58 = arith.constant 0 : index
    %get3A_59 = arith.constant 0 : index
    %get3A_60 = vector.load %arg6[%get3A_58, %get3A_59] : memref<1x128xf32, #tpu.memory_space<vmem>>, vector<1x128xf32>
    %mul3A_61 = vector.broadcast %get3A_60 : vector<1x128xf32> to vector<10000x128xf32>
    %mul3A_62 = arith.mulf %mul3A_57, %mul3A_61 : vector<10000x128xf32>
    %get3A_63 = arith.constant 0 : index
    %get3A_64 = arith.constant 0 : index
    %get3A_65 = vector.load %arg7[%get3A_63, %get3A_64] : memref<1x128xf32, #tpu.memory_space<vmem>>, vector<1x128xf32>
    %add3A_66 = vector.broadcast %get3A_65 : vector<1x128xf32> to vector<10000x128xf32>
    %add3A_67 = arith.addf %mul3A_62, %add3A_66 : vector<10000x128xf32>
    %max3A_68 = arith.constant 0.000000e+00 : f32
    %max3A_69 = vector.broadcast %max3A_68 : f32 to vector<10000x128xf32>
    %max3A_70 = arith.maximumf %add3A_67, %max3A_69 : vector<10000x128xf32>
    %swap3A_71 = arith.constant 0 : index
    %swap3A_72 = arith.constant 0 : index
    %swap3A_73 = vector.load %arg8[%swap3A_71, %swap3A_72] : memref<10000x128xf32, #tpu.memory_space<vmem>>, vector<10000x128xf32>
    tpu.vector_store %arg8[%swap3A_71, %swap3A_72], %max3A_70 {strides = array<i32>} : memref<10000x128xf32, #tpu.memory_space<vmem>>, vector<10000x128xf32>,
    return
  }
}

module attributes {stable_mosaic.version = 14 : i64} {
  func.func @body(%arg0: memref<10000x128xf32, #tpu.memory_space<vmem>>, %arg1: memref<128x128xf32, #tpu.memory_space<vmem>>, %arg2: memref<20224x128xf32, #tpu.memory_space<vmem>>, %arg3: memref<10000x1xf32, #tpu.memory_space<vmem>>, %arg4: memref<128x128xf32, #tpu.memory_space<vmem>>, %arg5: memref<1x128xf32, #tpu.memory_space<vmem>>, %arg6: memref<1x128xf32, #tpu.memory_space<vmem>>, %arg7: memref<1x128xf32, #tpu.memory_space<vmem>>, %arg8: memref<128x128xf32, #tpu.memory_space<vmem>>, %arg9: memref<1x128xf32, #tpu.memory_space<vmem>>, %arg10: memref<10000x128xf32, #tpu.memory_space<vmem>>) attributes {dimension_semantics = [], scalar_prefetch = 0 : i64, scratch_operands = 0 : i64, tpu.core_type = #tpu.core_type<tc>} {
    %get3A = arith.constant 0 : index
    %get3A_0 = arith.constant 0 : index
    %get3A_1 = vector.load %arg2[%get3A, %get3A_0] : memref<20224x128xf32, #tpu.memory_space<vmem>>, vector<10000x128xf32>
    %get3A_2 = arith.constant 10112 : index
    %get3A_3 = arith.constant 0 : index
    %get3A_4 = vector.load %arg2[%get3A_2, %get3A_3] : memref<20224x128xf32, #tpu.memory_space<vmem>>, vector<10000x128xf32>
    %add3A = arith.addf %get3A_1, %get3A_4 : vector<10000x128xf32>
    %get3A_5 = arith.constant 0 : index
    %get3A_6 = arith.constant 0 : index
    %get3A_7 = vector.load %arg3[%get3A_5, %get3A_6] : memref<10000x1xf32, #tpu.memory_space<vmem>>, vector<10000x1xf32>
    %mul3A = vector.broadcast %get3A_7 : vector<10000x1xf32> to vector<10000x128xf32>
    %mul3A_8 = arith.mulf %add3A, %mul3A : vector<10000x128xf32>
    %get3A_9 = arith.constant 0 : index
    %get3A_10 = arith.constant 0 : index
    %get3A_11 = vector.load %arg4[%get3A_9, %get3A_10] : memref<128x128xf32, #tpu.memory_space<vmem>>, vector<128x128xf32>
    %dot_general3A = arith.constant dense<0.000000e+00> : vector<10000x128xf32>
    %dot_general3A_12 = tpu.matmul %mul3A_8, %get3A_11, %dot_general3A {dimension_numbers = #tpu.dot_dimension_numbers<[1], [0], [0], [1], [0, 0, 1, 1], [], []>, transpose_lhs_hint = false} : vector<10000x128xf32>, vector<128x128xf32>, vector<10000x128xf32> -> vector<10000x128xf32>
    %get3A_13 = arith.constant 0 : index
    %get3A_14 = arith.constant 0 : index
    %get3A_15 = vector.load %arg5[%get3A_13, %get3A_14] : memref<1x128xf32, #tpu.memory_space<vmem>>, vector<1x128xf32>
    %add3A_16 = vector.broadcast %get3A_15 : vector<1x128xf32> to vector<10000x128xf32>
    %add3A_17 = arith.addf %dot_general3A_12, %add3A_16 : vector<10000x128xf32>
    %get3A_18 = arith.constant 0 : index
    %get3A_19 = arith.constant 0 : index
    %get3A_20 = vector.load %arg0[%get3A_18, %get3A_19] : memref<10000x128xf32, #tpu.memory_space<vmem>>, vector<10000x128xf32>
    %get3A_21 = arith.constant 0 : index
    %get3A_22 = arith.constant 0 : index
    %get3A_23 = vector.load %arg1[%get3A_21, %get3A_22] : memref<128x128xf32, #tpu.memory_space<vmem>>, vector<128x128xf32>
    %dot_general3A_24 = arith.constant dense<0.000000e+00> : vector<10000x128xf32>
    %dot_general3A_25 = tpu.matmul %get3A_20, %get3A_23, %dot_general3A_24 {dimension_numbers = #tpu.dot_dimension_numbers<[1], [0], [0], [1], [0, 0, 1, 1], [], []>, transpose_lhs_hint = false} : vector<10000x128xf32>, vector<128x128xf32>, vector<10000x128xf32> -> vector<10000x128xf32>
    %add3A_26 = arith.addf %add3A_17, %dot_general3A_25 : vector<10000x128xf32>
    %reduce_sum3A = arith.constant dense<0.000000e+00> : vector<128xf32>
    %reduce_sum3A_27 = vector.multi_reduction <add>, %add3A_26, %reduce_sum3A [0] : vector<10000x128xf32> to vector<128xf32>
    %broadcast_in_dim3A = vector.shape_cast %reduce_sum3A_27 : vector<128xf32> to vector<1x128xf32>
    %div3A = arith.constant 1.000000e+04 : f32
    %div3A_28 = vector.broadcast %div3A : f32 to vector<1x128xf32>
    %div3A_29 = arith.divf %broadcast_in_dim3A, %div3A_28 : vector<1x128xf32>
    %sub3A = vector.broadcast %div3A_29 : vector<1x128xf32> to vector<10000x128xf32>
    %sub3A_30 = arith.subf %add3A_26, %sub3A : vector<10000x128xf32>
    %sub3A_31 = vector.broadcast %div3A_29 : vector<1x128xf32> to vector<10000x128xf32>
    %sub3A_32 = arith.subf %add3A_26, %sub3A_31 : vector<10000x128xf32>
    %mul3A_33 = arith.mulf %sub3A_30, %sub3A_32 : vector<10000x128xf32>
    %reduce_sum3A_34 = arith.constant dense<0.000000e+00> : vector<128xf32>
    %reduce_sum3A_35 = vector.multi_reduction <add>, %mul3A_33, %reduce_sum3A_34 [0] : vector<10000x128xf32> to vector<128xf32>
    %broadcast_in_dim3A_36 = vector.shape_cast %reduce_sum3A_35 : vector<128xf32> to vector<1x128xf32>
    %div3A_37 = arith.constant 1.000000e+04 : f32
    %div3A_38 = vector.broadcast %div3A_37 : f32 to vector<1x128xf32>
    %div3A_39 = arith.divf %broadcast_in_dim3A_36, %div3A_38 : vector<1x128xf32>
    %sub3A_40 = vector.broadcast %div3A_29 : vector<1x128xf32> to vector<10000x128xf32>
    %sub3A_41 = arith.subf %add3A_26, %sub3A_40 : vector<10000x128xf32>
    %add3A_42 = arith.constant 9.99999974E-6 : f32
    %add3A_43 = vector.broadcast %add3A_42 : f32 to vector<1x128xf32>
    %add3A_44 = arith.addf %div3A_39, %add3A_43 : vector<1x128xf32>
    %rsqrt3A = math.rsqrt %add3A_44 : vector<1x128xf32>
    %mul3A_45 = vector.broadcast %rsqrt3A : vector<1x128xf32> to vector<10000x128xf32>
    %mul3A_46 = arith.mulf %sub3A_41, %mul3A_45 : vector<10000x128xf32>
    %get3A_47 = arith.constant 0 : index
    %get3A_48 = arith.constant 0 : index
    %get3A_49 = vector.load %arg6[%get3A_47, %get3A_48] : memref<1x128xf32, #tpu.memory_space<vmem>>, vector<1x128xf32>
    %mul3A_50 = vector.broadcast %get3A_49 : vector<1x128xf32> to vector<10000x128xf32>
    %mul3A_51 = arith.mulf %mul3A_46, %mul3A_50 : vector<10000x128xf32>
    %get3A_52 = arith.constant 0 : index
    %get3A_53 = arith.constant 0 : index
    %get3A_54 = vector.load %arg7[%get3A_52, %get3A_53] : memref<1x128xf32, #tpu.memory_space<vmem>>, vector<1x128xf32>
    %add3A_55 = vector.broadcast %get3A_54 : vector<1x128xf32> to vector<10000x128xf32>
    %add3A_56 = arith.addf %mul3A_51, %add3A_55 : vector<10000x128xf32>
    %max3A = arith.constant 0.000000e+00 : f32
    %max3A_57 = vector.broadcast %max3A : f32 to vector<10000x128xf32>
    %max3A_58 = arith.maximumf %add3A_56, %max3A_57 : vector<10000x128xf32>
    %get3A_59 = arith.constant 0 : index
    %get3A_60 = arith.constant 0 : index
    %get3A_61 = vector.load %arg8[%get3A_59, %get3A_60] : memref<128x128xf32, #tpu.memory_space<vmem>>, vector<128x128xf32>
    %dot_general3A_62 = arith.constant dense<0.000000e+00> : vector<10000x128xf32>
    %dot_general3A_63 = tpu.matmul %max3A_58, %get3A_61, %dot_general3A_62 {dimension_numbers = #tpu.dot_dimension_numbers<[1], [0], [0], [1], [0, 0, 1, 1], [], []>, transpose_lhs_hint = false} : vector<10000x128xf32>, vector<128x128xf32>, vector<10000x128xf32> -> vector<10000x128xf32>
    %get3A_64 = arith.constant 0 : index
    %get3A_65 = arith.constant 0 : index
    %get3A_66 = vector.load %arg9[%get3A_64, %get3A_65] : memref<1x128xf32, #tpu.memory_space<vmem>>, vector<1x128xf32>
    %add3A_67 = vector.broadcast %get3A_66 : vector<1x128xf32> to vector<10000x128xf32>
    %add3A_68 = arith.addf %dot_general3A_63, %add3A_67 : vector<10000x128xf32>
    %swap3A = arith.constant 0 : index
    %swap3A_69 = arith.constant 0 : index
    %swap3A_70 = vector.load %arg10[%swap3A, %swap3A_69] : memref<10000x128xf32, #tpu.memory_space<vmem>>, vector<10000x128xf32>
    tpu.vector_store %arg10[%swap3A, %swap3A_69], %add3A_68 {strides = array<i32>} : memref<10000x128xf32, #tpu.memory_space<vmem>>, vector<10000x128xf32>,
    return
  }
}

</mosaic_0001>

<sc_bundles>
// kernel: kernel.12.cloned.1.call-start
scs
__scs_entry_jumppad:
0x0: {  	(pc) =	sbr.rel $0x88, $3  }
0x1: {  	(tag) =	ssettag $0x0;
	lr =	simm.s32 $0x1  }
0x2: {  	[smem:$0x3F98] =	sst lr;
	_ =	strace $0xD0000000  }
0x3: {  	_ = 	snop  }
0x4: {  	_ = 	snop  }
0x5: {  	_ = 	snop  }
0x6: {  	_ = 	snop  }
0x7: {  	_ = 	snop  }
__scs_overlays_trampoline_lowered:
0x8: {  	[smem:$0x3FA7] =	sst s0  }
0x9: {  	[smem:$0x3FA8] =	sst s1  }
0xa: {  	[smem:$0x3FA9] =	sst s2  }
0xb: {  	[smem:$0x3FAA] =	sst s3  }
0xc: {  	[smem:$0x3FAB] =	sst s4  }
0xd: {  	[smem:$0x3FAC] =	sst s5  }
0xe: {  	[smem:$0x3FAD] =	sst s6  }
0xf: {  	[smem:$0x3FAE] =	sst s7  }
0x10: {  	[smem:$0x3FAF] =	sst s8  }
0x11: {  	[smem:$0x3FB0] =	sst s9;
	s0 =	simm.s32 @!p0 $0x0  }
0x12: {  	s1 =	sld [smem:$0x3F96];
	s0 =	simm.s32 @p0 $0x1  }
0x13: {  	[smem:$0x3FB1] =	sst s0;
	s0 =	simm.s32 @!p1 $0x0  }
0x14: {  	s2 =	sld [smem:$0x3F95];
	s0 =	simm.s32 @p1 $0x1  }
0x15: {  	[smem:$0x3FB2] =	sst s0;
	s0 =	simm.s32 @!p2 $0x0  }
0x16: {  	s3 =	sld [smem:$0x3FDB];
	s0 =	simm.s32 @p2 $0x1  }
0x17: {  	s4 =	simm.s32 $0x1BF5;
	[smem:$0x3FB4] =	sst s0  }
0x18: {  	s0 =	sld [smem:$0x3F97];
	_ =	swait.ge [sflag:s4], $0x0  }
0x19: {  	s7 =	sld [smem:$0x3F98]  }
0x1a: {  	s8 =	sadd.s32 $0xFFFFE003, lr  }
0x1b: {  	s9 =	sadd.s32 $0xFFFFFEF7, lr;
	s5 =	simm.s32 $0xFFFFFFFF;
	p2 =	slt.u32 s8, $0xFFFFF086  }
0x1c: {  	p1 =	slt.u32 s9, $0xF7A;
	s5 =	simm.s32 @!p2 $0x0  }
0x1d: {  	s5 =	simm.s32 @p1 $0x1;
	p0 =	seq.s32 s7, s2  }
0x1e: {  	s7 =	smul.u32 @!p0 $0xF7A, s2;
	p2 =	seq.s32 @!p0 s5, $0x0  }
0x1f: {  	s9 =	smul.u32 $0xF7A, s1;
	s8 =	simm.s32 @!p0 $0x1BF5;
	p2 =	por !p2, p0  }
0x20: {  	[sflag:s8] =	ssyncset.s32 @!p0 $0xFFFFF086;
	s6 =	sadd.s32 @!p0 s3, s7;
	s7 =	simm.s32 @!p0 $0x108  }
0x21: {  	s3 =	sadd.s32 s3, s9;
	s6 =	sadd.s32 @!p0 $0x88, s6;
	s7 =	simm.s32 @p2 $0x1082  }
0x22: {  	[simem:s7], [sflag:s8] =	dma.local @!p0 [hbm:s6], $0xF7A  }
0x23: {  	s9 =	sor.u32 $0xD0000000, s2;
	s6 =	simm.s32 $0x108;
	_ =	swait.ge @!p0 [sflag:s8], $0x0  }
0x24: {  	s3 =	sadd.s32 $0x88, s3;
	s6 =	simm.s32 @!p1 $0x1082;
	[sflag:s4] =	ssyncset.s32 $0xFFFFF086  }
0x25: {  	[simem:s6], [sflag:s4] =	dma.local [hbm:s3], $0xF7A  }
0x26: {  	[smem:$0x3F98] =	sst s1;
	(tag) =	ssettag s2;
	_ =	strace s9  }
0x27: {  	s1 =	sld [smem:$0x3FA8]  }
0x28: {  	s2 =	sld [smem:$0x3FA9]  }
0x29: {  	s4 =	sld [smem:$0x3FAB]  }
0x2a: {  	p0 =	seq.s32 s5, $0x0;
	s5 =	sld [smem:$0x3FAC]  }
0x2b: {  	s6 =	sld [smem:$0x3FAD]  }
0x2c: {  	s7 =	sld [smem:$0x3FAE]  }
0x2d: {  	s3 =	simm.s32 $0x108;
	s8 =	sld [smem:$0x3FAF]  }
0x2e: {  	s3 =	simm.s32 @!p0 $0x1082;
	s9 =	sld [smem:$0x3FB0]  }
0x2f: {  	lr =	sadd.s32 s0, s3;
	s0 =	sld [smem:$0x3FA7]  }
0x30: {  	s3 =	sld [smem:$0x3FAA]  }
0x31: {  	[smem:$0x3FB3] =	sst s10  }
0x32: {  	s10 =	sld [smem:$0x3FB1];
	_ =	sdelay $0x3  }
0x33: {  	p0 =	seq.s32 s10, $0x1;
	s10 =	sld [smem:$0x3FB3];
	_ =	sdelay $0x3  }
0x34: {  	[smem:$0x3FB3] =	sst s10  }
0x35: {  	s10 =	sld [smem:$0x3FB2];
	_ =	sdelay $0x3  }
0x36: {  	p1 =	seq.s32 s10, $0x1;
	s10 =	sld [smem:$0x3FB3];
	_ =	sdelay $0x3  }
0x37: {  	[smem:$0x3FB3] =	sst s10  }
0x38: {  	s10 =	sld [smem:$0x3FB4]  }
0x39: {  	_ = 	snop;
	(pc) =	sbr.ind lr, $3  }
0x3a: {  	_ = 	snop  }
0x3b: {  	_ = 	snop  }
0x3c: {  	p2 =	seq.s32 s10, $0x1;
	s10 =	sld [smem:$0x3FB3]  }
0x3d: {  	_ =	shalt  }
0x3e: {  	_ =	shalt  }
0x3f: {  	_ =	shalt  }
0x40: {  	_ =	shalt  }
0x41: {  	_ =	shalt  }
0x42: {  	_ =	shalt  }
0x43: {  	_ =	shalt  }
0x44: {  	_ =	shalt  }
0x45: {  	_ =	shalt  }
0x46: {  	_ =	shalt  }
0x47: {  	_ =	shalt  }
0x48: {  	_ =	shalt  }
0x49: {  	_ =	shalt  }
0x4a: {  	_ =	shalt  }
0x4b: {  	_ =	shalt  }
0x4c: {  	_ =	shalt  }
0x4d: {  	_ =	shalt  }
0x4e: {  	_ =	shalt  }
0x4f: {  	_ =	shalt  }
0x50: {  	_ =	shalt  }
0x51: {  	_ =	shalt  }
0x52: {  	_ =	shalt  }
0x53: {  	_ =	shalt  }
0x54: {  	_ =	shalt  }
0x55: {  	_ =	shalt  }
0x56: {  	_ =	shalt  }
0x57: {  	_ =	shalt  }
0x58: {  	_ =	shalt  }
0x59: {  	_ =	shalt  }
0x5a: {  	_ =	shalt  }
0x5b: {  	_ =	shalt  }
0x5c: {  	_ =	shalt  }
0x5d: {  	_ =	shalt  }
0x5e: {  	_ =	shalt  }
0x5f: {  	_ =	shalt  }
0x60: {  	_ =	shalt  }
0x61: {  	_ =	shalt  }
0x62: {  	_ =	shalt  }
0x63: {  	_ =	shalt  }
0x64: {  	_ =	shalt  }
0x65: {  	_ =	shalt  }
0x66: {  	_ =	shalt  }
0x67: {  	_ =	shalt  }
0x68: {  	_ =	shalt  }
0x69: {  	_ =	shalt  }
0x6a: {  	_ =	shalt  }
0x6b: {  	_ =	shalt  }
0x6c: {  	_ =	shalt  }
0x6d: {  	_ =	shalt  }
0x6e: {  	_ =	shalt  }
0x6f: {  	_ =	shalt  }
0x70: {  	_ =	shalt  }
0x71: {  	_ =	shalt  }
0x72: {  	_ =	shalt  }
0x73: {  	_ =	shalt  }
0x74: {  	_ =	shalt  }
0x75: {  	_ =	shalt  }
0x76: {  	_ =	shalt  }
0x77: {  	_ =	shalt  }
0x78: {  	_ =	shalt  }
0x79: {  	_ =	shalt  }
0x7a: {  	_ =	shalt  }
0x7b: {  	_ =	shalt  }
0x7c: {  	_ =	shalt  }
0x7d: {  	_ =	shalt  }
0x7e: {  	_ =	shalt  }
0x7f: {  	_ =	shalt  }
0x80: {  	_ =	shalt  }
0x81: {  	_ =	shalt  }
0x82: {  	_ =	shalt  }
0x83: {  	_ =	shalt  }
0x84: {  	_ =	shalt  }
0x85: {  	_ =	shalt  }
0x86: {  	_ =	shalt  }
0x87: {  	_ =	shalt  }
.Lfunc_end0:
.L_simem_size_0:
called_computation_lowered:
.L_overlay_start_0:
0x88: {  	s2 =	sld [smem:$0x3FD9]  }
0x89: {  	s3 =	sld [smem:$0x3FFE];
	_ =	sdelay $0x1  }
0x8a: {  	s1 =	srdreg.scid  }
0x8b: {  	s0 =	sand.u32 $0x1, s1  }
0x8c: {  	s17 =	sshll.u32 s0, $0xA;
	s2 =	sadd.s32 s3, s2  }
0x8d: {  	s2 =	sadd.s32 s2, s17  }
0x8e: {  	[smem:$0x3FBF] =	sst s2  }
0x8f: {  	_ = 	snop  }
0x90: {  	s2 =	sld [smem:$0x3FC9]  }
0x91: {  	s18 =	sld [smem:$0x3FD0];
	(tm) =	ssettm $0x1  }
0x92: {  	s4 =	sld [smem:$0x3FFB];
	_ =	sdelay $0x3  }
0x93: {  	_ =	strace s4  }
0x94: {  	s4 =	sld [smem:$0x3FFC];
	_ =	sdelay $0x3  }
0x95: {  	_ =	strace s4  }
0x96: {  	s4 =	sld [smem:$0x3FFD];
	_ =	sdelay $0x3  }
0x97: {  	_ =	strace s4  }
0x98: {  	_ =	strace $0x8FFFFFFF  }
0x99: {  	s19 =	sld [smem:$0x3FDB];
	_ =	sdelay $0x1  }
0x9a: {  	s5 =	simm.s32 $_scs_section_size  }
0x9b: {  	s6 =	simm.s32 $_size__tile_overlayer_lowered;
	s7 =	simm.s32 $_tile_overlayer_lowered  }
0x9c: {  	s22 =	simm.s32 $0x1BFF;
	s21 =	sshll.u32 s7, $0x1;
	s4 =	sadd.s32 s5, s19  }
0x9d: {  	s8 =	simm.s32 $0x0;
	s20 =	sshll.u32 s6, $0x1;
	s6 =	sadd.s32 s21, s4  }
0x9e: {  	[timem:s8], [sflag:s22] =	dma.local [hbm:s6], s20  }
0x9f: {  	_ =	swait.ge [sflag:s22], s20  }
0xa0: {  	s5 =	ssub.s32 $0x0, s20;
	[sflag:s22] =	ssyncset.done $0x0  }
0xa1: {  	[sflag:s22] =	ssyncadd.s32 s5;
	_ =	sdelay $0x1  }
0xa2: {  	s23 =	simm.s32 $0x1B8B  }
0xa3: {  	_ =	swait.ge [sflag:s23], $0x1  }
0xa4: {  	[sflag:s23] =	ssyncset.done $0x0  }
0xa5: {  	s25 =	simm.s32 $0x1B8E;
	s24 =	sld [smem:$0x3FFE];
	[sflag:s23] =	ssyncadd.s32 $0xFFFFFFFF  }
0xa6: {  	s26 =	simm.s32 $execute0_lowered;
	[smem:$0x3FD2] =	sst s25  }
0xa7: {  	s6 =	sshll.u32 s26, $0x1;
	_ =	strace $0x80000046;
	[dreg:$0x1] =	wrdreg $0xFFFFFFFF  }
0xa8: {  	s28 =	simm.s32 $_size_execute0_lowered;
	s4 =	sadd.s32 s4, s6;
	[dreg:$0x0] =	wrdreg $0x0  }
0xa9: {  	s6 =	sshll.u32 s28, $0x1;
	[dreg:$0x2] =	wrdreg s4  }
0xaa: {  	[dreg:$0x3] =	wrdreg s6  }
0xab: {  	[dreg:$0x4] =	wrdreg $0xC0  }
0xac: {  	_ =	task [dreg:s8], $0x5FFFF  }
0xad: {  	[dreg:$0x1] =	wrdreg $0xFFFFFFFF  }
0xae: {  	[dreg:$0x0] =	wrdreg $0x60  }
0xaf: {  	[dreg:$0x2] =	wrdreg s2  }
0xb0: {  	[dreg:$0x3] =	wrdreg s24  }
0xb1: {  	[dreg:$0x4] =	wrdreg s18  }
0xb2: {  	[dreg:$0x5] =	wrdreg $0xA8000  }
0xb3: {  	[dreg:$0x6] =	wrdreg $0x1E4800  }
0xb4: {  	[dreg:$0x7] =	wrdreg $0x9  }
0xb5: {  	_ =	task.clear_ibuf [dreg:s8], $0x8FFFF;
	_ =	strace $0x90000046  }
0xb6: {  	s29 =	simm.s32 $0x9;
	_ =	strace $0x80000048  }
0xb7: {  	_ =	swait.ge [sflag:s29], $0x1  }
0xb8: {  	[sflag:s29] =	ssyncadd.s32 $0xFFFFFFFF  }
0xb9: {  	_ =	strace $0x90000048  }
0xba: {  	_ =	sfence  }
0xbb: {  	s30 =	sld [smem:$0x0];
	_ =	sdelay $0x2  }
0xbc: {  	s31 =	sshll.u32 s1, $0xD;
	s1 =	sshrl.u32 s1, $0x2  }
0xbd: {  	s3 =	sand.u32 $0x4000, s31;
	s1 =	sadd.s32 s1, s30  }
0xbe: {  	s0 =	sor.u32 s3, s0;
	s1 =	sshll.u32 s1, $0x11  }
0xbf: {  	s0 =	sor.u32 s1, s0  }
0xc0: {  	s0 =	sadd.s32 $0x8F2B, s0  }
0xc1: {  	[sflag:s0] =	ssyncadd.remote.s32 $0x1  }
0xc2: {  	_ =	sfence.sel $0xFFFF  }
0xc3: {  	[dreg:$0x0] =	wrdreg $0xFFFFFFFF;
	(pc) =	sbr.abs _section_cstart, $3  }
0xc4: {  	[dreg:$0x1] =	wrdreg $0xFFFFFFFF  }
0xc5: {  	_ =	task.clear_ibuf [dreg:s8], $0x2FFFF;
	_ =	strace $0x9FFFFFFF  }
0xc6: {  	(tm) =	ssettm $0x7FFFFFFF  }
0xc7: {  	_ =	shalt  }
tec
execute0_lowered:
.L_overlay_start_1:
0x0: {  	(tag) =	ssettag $0x1  }
0x1: {  	s1 =	rddreg [dreg:$0x0]  }
0x2: {  	s0 =	rddreg [dreg:$0x1]  }
0x3: {  	s2 =	rddreg [dreg:$0x2]  }
0x4: {  	s3 =	rddreg [dreg:$0x3]  }
0x5: {  	s4 =	rddreg [dreg:$0x4]  }
0x6: {  	s20 =	stileid.u32;
	s7 =	srdreg.scid  }
0x7: {  	s5 =	simm.s32 $0x0;
	s28 =	simm.s32 $0x1380;
	s29 =	simm.s32 $0x2700  }
0x8: {  	s30 =	simm.s32 $0x2780;
	s31 =	simm.s32 $0x0;
	s6 =	smul.u32 $0x2780, s20  }
0x9: {  	s10 =	smul.u32 $0x278, s20;
	s7 =	sand.u32 $0x1, s7;
	[smem:$0x7FF] =	sst s5  }
0xa: {  	s13 =	sadd.s32 $0x4800, s0;
	s14 =	sadd.s32 $0xE800, s0;
	s15 =	smul.u32 $0x4F000, s20  }
0xb: {  	s26 =	sadd.s32 $0x18800, s0;
	s22 =	sshll.u32 s20, $0x6;
	s8 =	smul.u32 $0x2780, s7  }
0xc: {  	_ =	strace $0x80000047;
	[dreg:$0x6] =	wrdreg s26;
	s12 =	ssub.s32 $0x2, s7  }
0xd: {  	s7 =	sshll.u32 s7, $0x4;
	s9 =	sadd.s32 s6, s0;
	s25 =	sshrl.u32 s10, $0x3  }
0xe: {  	s6 =	sshrl.u32 s12, $0x1;
	s17 =	sor.u32 s20, s7;
	s20 =	simm.s32 $0x1E6F8  }
0xf: {  	s16 =	sadd.s32 s10, s8;
	s11 =	sadd.s32 s25, s0;
	s18 =	ssub.s32 s12, s6  }
0x10: {  	s12 =	sshrl.u32 s15, $0x2;
	s15 =	smul.u32 $0x2800, s17;
	s21 =	sadd.s32 $0x19000, s9  }
0x11: {  	s23 =	smul.u32 $0x500, s17;
	s10 =	sadd.s32 s10, s4;
	s8 =	sshll.u32 s16, $0x4  }
0x12: {  	s19 =	sadd.s32 s12, s3;
	[dreg:$0x7] =	wrdreg s21;
	s24 =	sadd.s32 $0x18A00, s11  }
0x13: {  	s26 =	sshrl.u32 s16, $0x3;
	s17 =	smax.u32 s18, $0x1;
	s21 =	simm.s32 $0x1E400  }
0x14: {  	s0 =	sadd.s32 s8, s0;
	s8 =	sor.u32 $0x1C02, s22;
	s12 =	sshrl.u32 s15, $0x3  }
0x15: {  	[dreg:$0x8] =	wrdreg s24;
	s11 =	sadd.s32 s13, s23;
	s16 =	sadd.s32 s2, s26  }
0x16: {  	s18 =	sshrl.u32 s19, $0x3;
	s19 =	simm.s32 $0x2;
	s22 =	simm.s32 $0x1400  }
0x17: {  	s24 =	simm.s32 $0x2800;
	s26 =	simm.s32 $0x1;
	s25 =	sadd.s32 $0x280, s12  }
0x18: {  	s12 =	sadd.s32 s14, s23;
	s15 =	sadd.s32 $0x40800, s0;
	s23 =	simm.s32 $0x80  }
0x19: {  	s13 =	sadd.s32 s13, s25;
	s14 =	sadd.s32 s14, s25;
	s25 =	simm.s32 $0x6800  }
.LBB2_1:
0x1a: {  	s0 =	rddreg [dreg:$0x7]  }
0x1b: {  	[spmem:s18], [sflag:s8] =	dma.local [hbm:s0], $0x2780  }
0x1c: {  	_ =	swait.ge [sflag:s19], $0x2780  }
0x1d: {  	[sflag:s19] =	ssyncset.done $0x0  }
0x1e: {  	s7 =	rddreg [dreg:$0x8];
	[sflag:s19] =	ssyncadd.s32 $0xFFFFD880  }
0x1f: {  	[tilespmem:s20], [sflag:$0x2] =	stream.linear.gather [hbm4b:s7+s5], $0x278, $0x38;
	[tilespmem:$0x1E978] =	vst v63  }
0x20: {  	_ =	swait.ge [sflag:s19], $0x278  }
0x21: {  	[sflag:s19] =	ssyncset.done $0x0  }
0x22: {  	[sflag:s19] =	ssyncadd.s32 $0xFFFFFD88  }
0x23: {  	[spmem:s10] =	stream.linear.scatter [tilespmem:s20], [sflag:$0x2], $0x278, $0x38;
	[tilespmem:$0x1E978] =	vst v63  }
0x24: {  	_ =	swait.ge [sflag:s19], $0x278  }
0x25: {  	[sflag:s19] =	ssyncset.done $0x0  }
0x26: {  	s9 =	rddreg [dreg:$0x6];
	[sflag:s19] =	ssyncadd.s32 $0xFFFFFD88  }
0x27: {  	[tilespmem:s21], [sflag:$0x2] =	stream.linear.gather [hbm4b:s9+s5], $0x80, $0x38;
	[tilespmem:$0x1E978] =	vst v63  }
0x28: {  	_ =	swait.ge [sflag:s19], $0x80  }
0x29: {  	[sflag:s19] =	ssyncset.done $0x0  }
0x2a: {  	[sflag:s19] =	ssyncadd.s32 $0xFFFFFF80  }
0x2b: {  	[bflag:$0x0] =	sbarrier.arrive $0xFFFF  }
0x2c: {  	[tilespmem:s5], [sflag:$0x2] =	stream.linear.gather [hbm4b:s11+s5], $0x1400, $0x38;
	[tilespmem:$0x1E978] =	vst v63  }
0x2d: {  	_ =	swait.ge [sflag:s19], $0x1400  }
0x2e: {  	[sflag:s19] =	ssyncset.done $0x0  }
0x2f: {  	[sflag:s19] =	ssyncadd.s32 $0xFFFFEC00  }
0x30: {  	[tilespmem:s22], [sflag:$0x2] =	stream.linear.gather [hbm4b:s12+s5], $0x1400, $0x38;
	[tilespmem:$0x1E978] =	vst v63  }
0x31: {  	_ =	swait.ge [sflag:s19], $0x1400  }
0x32: {  	[sflag:s19] =	ssyncset.done $0x0  }
0x33: {  	[sflag:s19] =	ssyncadd.s32 $0xFFFFEC00  }
0x34: {  	[tilespmem:s24], [sflag:$0x1] =	stream.indirect.gather [hbm4b:s1+s23], $0x80, s5, s23, $0xb8;
	[tilespmem:$0x1E978] =	vst v63  }
0x35: {  	s2 =	simm.s32 $0x80  }
0x36: {  	[tilespmem:s25], [sflag:$0x1] =	stream.indirect.gather [hbm4b:s1+s23], $0x80, s2, s23, $0xb8;
	[tilespmem:$0x1E978] =	vst v63  }
0x37: {  	_ =	swait.ge [sflag:s26], $0x4000  }
0x38: {  	[sflag:s26] =	ssyncset.done $0x0  }
0x39: {  	s6 =	simm.s32 $0x1400;
	[sflag:s26] =	ssyncadd.s32 $0xFFFFC000  }
0x3a: {  	[spmem:s3] =	stream.indirect.scatter.add.f32 [tilespmem:s24], [sflag:$0x2], $0x80, s6, s23, $0xb8;
	[tilespmem:$0x1E978] =	vst v63  }
0x3b: {  	_ =	swait.ge [sflag:s19], $0x4000  }
0x3c: {  	[sflag:s19] =	ssyncset.done $0x0  }
0x3d: {  	[sflag:s19] =	ssyncadd.s32 $0xFFFFC000  }
0x3e: {  	[spmem:s4] =	stream.indirect.scatter.add.f32 [tilespmem:s21], [sflag:$0x2], $0x1, s6, s23, $0xb8;
	[tilespmem:$0x1E978] =	vst v63  }
0x3f: {  	_ =	swait.ge [sflag:s19], $0x80  }
0x40: {  	[sflag:s19] =	ssyncset.done $0x0  }
0x41: {  	s7 =	simm.s32 $0x100;
	[sflag:s19] =	ssyncadd.s32 $0xFFFFFF80  }
0x42: {  	[tilespmem:s24], [sflag:$0x1] =	stream.indirect.gather [hbm4b:s1+s23], $0x80, s7, s23, $0xb8;
	[tilespmem:$0x1E978] =	vst v63  }
0x43: {  	_ =	swait.ge [sflag:s26], $0x4000  }
0x44: {  	[sflag:s26] =	ssyncset.done $0x0  }
0x45: {  	s9 =	simm.s32 $0x1480;
	[sflag:s26] =	ssyncadd.s32 $0xFFFFC000  }
0x46: {  	[spmem:s3] =	stream.indirect.scatter.add.f32 [tilespmem:s25], [sflag:$0x2], $0x80, s9, s23, $0xb8;
	[tilespmem:$0x1E978] =	vst v63  }
0x47: {  	_ =	swait.ge [sflag:s19], $0x4000  }
0x48: {  	[sflag:s19] =	ssyncset.done $0x0  }
0x49: {  	[sflag:s19] =	ssyncadd.s32 $0xFFFFC000  }
0x4a: {  	[spmem:s4] =	stream.indirect.scatter.add.f32 [tilespmem:s21], [sflag:$0x2], $0x1, s9, s23, $0xb8;
	[tilespmem:$0x1E978] =	vst v63  }
0x4b: {  	_ =	swait.ge [sflag:s19], $0x80  }
0x4c: {  	s0 =	simm.s32 $0x100;
	s2 =	simm.s32 $0x800;
	[sflag:s19] =	ssyncset.done $0x0  }
.LBB2_2:
0x4d: {  	s6 =	sadd.s32 $0x80, s0  }
0x4e: {  	[sflag:s19] =	ssyncadd.s32 $0xFFFFFF80;
	s7 =	smov.u32 s2;
	s9 =	sadd.s32 $0x400, s2  }
0x4f: {  	[tilespmem:s25], [sflag:$0x1] =	stream.indirect.gather [hbm4b:s1+s23], $0x80, s6, s23, $0xb8;
	[tilespmem:$0x1E978] =	vst v63  }
0x50: {  	p0 =	sne.s32 s2, $0x4800;
	_ =	swait.ge [sflag:s26], $0x4000  }
0x51: {  	[sflag:s26] =	ssyncset.done $0x0  }
0x52: {  	s2 =	sadd.s32 $0x1400, s0;
	[sflag:s26] =	ssyncadd.s32 $0xFFFFC000  }
0x53: {  	[spmem:s3] =	stream.indirect.scatter.add.f32 [tilespmem:s24], [sflag:$0x2], $0x80, s2, s23, $0xb8;
	[tilespmem:$0x1E978] =	vst v63  }
0x54: {  	_ =	swait.ge [sflag:s19], $0x4000  }
0x55: {  	[sflag:s19] =	ssyncset.done $0x0  }
0x56: {  	[sflag:s19] =	ssyncadd.s32 $0xFFFFC000  }
0x57: {  	[spmem:s4] =	stream.indirect.scatter.add.f32 [tilespmem:s21], [sflag:$0x2], $0x1, s2, s23, $0xb8;
	[tilespmem:$0x1E978] =	vst v63  }
0x58: {  	_ =	swait.ge [sflag:s19], $0x80  }
0x59: {  	[sflag:s19] =	ssyncset.done $0x0  }
0x5a: {  	s2 =	sadd.s32 $0x100, s0;
	[sflag:s19] =	ssyncadd.s32 $0xFFFFFF80  }
0x5b: {  	[tilespmem:s24], [sflag:$0x1] =	stream.indirect.gather [hbm4b:s1+s23], $0x80, s2, s23, $0xb8;
	[tilespmem:$0x1E978] =	vst v63  }
0x5c: {  	_ =	swait.ge [sflag:s26], $0x4000  }
0x5d: {  	[sflag:s26] =	ssyncset.done $0x0  }
0x5e: {  	s0 =	sadd.s32 $0x1480, s0;
	[sflag:s26] =	ssyncadd.s32 $0xFFFFC000  }
0x5f: {  	[spmem:s3] =	stream.indirect.scatter.add.f32 [tilespmem:s25], [sflag:$0x2], $0x80, s0, s23, $0xb8;
	[tilespmem:$0x1E978] =	vst v63  }
0x60: {  	_ =	swait.ge [sflag:s19], $0x4000  }
.Ltmp0:
0x61: {  	[sflag:s19] =	ssyncset.done $0x0;
	(pc) =	sbr.rel @p0 .LBB2_2-.Ltmp0, $4  }
0x62: {  	[sflag:s19] =	ssyncadd.s32 $0xFFFFC000  }
0x63: {  	[spmem:s4] =	stream.indirect.scatter.add.f32 [tilespmem:s21], [sflag:$0x2], $0x1, s0, s23, $0xb8;
	[tilespmem:$0x1E978] =	vst v63  }
0x64: {  	_ =	swait.ge [sflag:s19], $0x80  }
0x65: {  	s2 =	smov.u32 s9;
	s0 =	sshra.s32 s7, $0x2;
	[sflag:s19] =	ssyncset.done $0x0  }
0x66: {  	s2 =	sadd.s32 $0x80, s0;
	[sflag:s19] =	ssyncadd.s32 $0xFFFFFF80  }
0x67: {  	[tilespmem:s25], [sflag:$0x1] =	stream.indirect.gather [hbm4b:s1+s23], $0x80, s2, s23, $0xb8;
	[tilespmem:$0x1E978] =	vst v63  }
0x68: {  	_ =	swait.ge [sflag:s26], $0x4000  }
0x69: {  	[sflag:s26] =	ssyncset.done $0x0  }
0x6a: {  	s9 =	sadd.s32 $0x1400, s0;
	[sflag:s26] =	ssyncadd.s32 $0xFFFFC000  }
0x6b: {  	[spmem:s3] =	stream.indirect.scatter.add.f32 [tilespmem:s24], [sflag:$0x2], $0x80, s9, s23, $0xb8;
	[tilespmem:$0x1E978] =	vst v63  }
0x6c: {  	_ =	swait.ge [sflag:s19], $0x4000  }
0x6d: {  	[sflag:s19] =	ssyncset.done $0x0  }
0x6e: {  	[sflag:s19] =	ssyncadd.s32 $0xFFFFC000  }
0x6f: {  	[spmem:s4] =	stream.indirect.scatter.add.f32 [tilespmem:s21], [sflag:$0x2], $0x1, s9, s23, $0xb8;
	[tilespmem:$0x1E978] =	vst v63  }
0x70: {  	_ =	swait.ge [sflag:s19], $0x80  }
0x71: {  	[sflag:s19] =	ssyncset.done $0x0  }
0x72: {  	s6 =	sadd.s32 $0x100, s0;
	[sflag:s19] =	ssyncadd.s32 $0xFFFFFF80  }
0x73: {  	[tilespmem:s24], [sflag:$0x1] =	stream.indirect.gather [hbm4b:s1+s23], $0x80, s6, s23, $0xb8;
	[tilespmem:$0x1E978] =	vst v63  }
0x74: {  	_ =	swait.ge [sflag:s26], $0x4000  }
0x75: {  	[sflag:s26] =	ssyncset.done $0x0  }
0x76: {  	s7 =	sadd.s32 $0x1480, s0;
	[sflag:s26] =	ssyncadd.s32 $0xFFFFC000  }
0x77: {  	[spmem:s3] =	stream.indirect.scatter.add.f32 [tilespmem:s25], [sflag:$0x2], $0x80, s7, s23, $0xb8;
	[tilespmem:$0x1E978] =	vst v63  }
0x78: {  	_ =	swait.ge [sflag:s19], $0x4000  }
0x79: {  	[sflag:s19] =	ssyncset.done $0x0  }
0x7a: {  	[sflag:s19] =	ssyncadd.s32 $0xFFFFC000  }
0x7b: {  	[spmem:s4] =	stream.indirect.scatter.add.f32 [tilespmem:s21], [sflag:$0x2], $0x1, s7, s23, $0xb8;
	[tilespmem:$0x1E978] =	vst v63  }
0x7c: {  	_ =	swait.ge [sflag:s19], $0x80  }
0x7d: {  	[sflag:s19] =	ssyncset.done $0x0  }
0x7e: {  	[sflag:s19] =	ssyncadd.s32 $0xFFFFFF80  }
0x7f: {  	[tilespmem:s25], [sflag:$0x1] =	stream.indirect.gather [hbm4b:s1+s23], $0x80, s28, s23, $0xb8;
	[tilespmem:$0x1E978] =	vst v63  }
0x80: {  	_ =	swait.ge [sflag:s26], $0x4000  }
0x81: {  	[sflag:s26] =	ssyncset.done $0x0  }
0x82: {  	[sflag:s26] =	ssyncadd.s32 $0xFFFFC000  }
0x83: {  	[spmem:s3] =	stream.indirect.scatter.add.f32 [tilespmem:s24], [sflag:$0x2], $0x80, s29, s23, $0xb8;
	[tilespmem:$0x1E978] =	vst v63  }
0x84: {  	_ =	swait.ge [sflag:s19], $0x4000  }
0x85: {  	[sflag:s19] =	ssyncset.done $0x0  }
0x86: {  	[sflag:s19] =	ssyncadd.s32 $0xFFFFC000  }
0x87: {  	[spmem:s4] =	stream.indirect.scatter.add.f32 [tilespmem:s21], [sflag:$0x2], $0x1, s29, s23, $0xb8;
	[tilespmem:$0x1E978] =	vst v63  }
0x88: {  	_ =	swait.ge [sflag:s19], $0x80  }
0x89: {  	[sflag:s19] =	ssyncset.done $0x0  }
0x8a: {  	[sflag:s19] =	ssyncadd.s32 $0xFFFFFF80  }
0x8b: {  	_ =	swait.ge [sflag:s26], $0x4000  }
0x8c: {  	[sflag:s26] =	ssyncset.done $0x0  }
0x8d: {  	[sflag:s26] =	ssyncadd.s32 $0xFFFFC000  }
0x8e: {  	[spmem:s3] =	stream.indirect.scatter.add.f32 [tilespmem:s25], [sflag:$0x2], $0x80, s30, s23, $0xb8;
	[tilespmem:$0x1E978] =	vst v63  }
0x8f: {  	_ =	swait.ge [sflag:s19], $0x4000  }
0x90: {  	[sflag:s19] =	ssyncset.done $0x0  }
0x91: {  	[sflag:s19] =	ssyncadd.s32 $0xFFFFC000  }
0x92: {  	[spmem:s4] =	stream.indirect.scatter.add.f32 [tilespmem:s21], [sflag:$0x2], $0x1, s30, s23, $0xb8;
	[tilespmem:$0x1E978] =	vst v63  }
0x93: {  	_ =	swait.ge [sflag:s19], $0x80  }
0x94: {  	[sflag:s19] =	ssyncset.done $0x0  }
0x95: {  	s9 =	simm.s32 $0x0;
	[sflag:s19] =	ssyncadd.s32 $0xFFFFFF80  }
0x96: {  	[tilespmem:s9], [sflag:$0x2] =	stream.linear.gather [hbm4b:s13+s9], $0x1400, $0x38;
	[tilespmem:$0x1E978] =	vst v63  }
0x97: {  	_ =	swait.ge [sflag:s19], $0x1400  }
0x98: {  	[sflag:s19] =	ssyncset.done $0x0  }
0x99: {  	[sflag:s19] =	ssyncadd.s32 $0xFFFFEC00  }
0x9a: {  	[tilespmem:s22], [sflag:$0x2] =	stream.linear.gather [hbm4b:s14+s9], $0x1400, $0x38;
	[tilespmem:$0x1E978] =	vst v63  }
0x9b: {  	_ =	swait.ge [sflag:s19], $0x1400  }
0x9c: {  	[sflag:s19] =	ssyncset.done $0x0  }
0x9d: {  	[sflag:s19] =	ssyncadd.s32 $0xFFFFEC00  }
0x9e: {  	[tilespmem:s24], [sflag:$0x1] =	stream.indirect.gather [hbm4b:s1+s23], $0x80, s9, s23, $0xb8;
	[tilespmem:$0x1E978] =	vst v63  }
0x9f: {  	s2 =	simm.s32 $0x80  }
0xa0: {  	[tilespmem:s25], [sflag:$0x1] =	stream.indirect.gather [hbm4b:s1+s23], $0x80, s2, s23, $0xb8;
	[tilespmem:$0x1E978] =	vst v63  }
0xa1: {  	_ =	swait.ge [sflag:s26], $0x4000  }
0xa2: {  	[sflag:s26] =	ssyncset.done $0x0  }
0xa3: {  	s6 =	simm.s32 $0x1400;
	[sflag:s26] =	ssyncadd.s32 $0xFFFFC000  }
0xa4: {  	[spmem:s3] =	stream.indirect.scatter.add.f32 [tilespmem:s24], [sflag:$0x2], $0x80, s6, s23, $0xb8;
	[tilespmem:$0x1E978] =	vst v63  }
0xa5: {  	_ =	swait.ge [sflag:s19], $0x4000  }
0xa6: {  	[sflag:s19] =	ssyncset.done $0x0  }
0xa7: {  	[sflag:s19] =	ssyncadd.s32 $0xFFFFC000  }
0xa8: {  	[spmem:s4] =	stream.indirect.scatter.add.f32 [tilespmem:s21], [sflag:$0x2], $0x1, s6, s23, $0xb8;
	[tilespmem:$0x1E978] =	vst v63  }
0xa9: {  	_ =	swait.ge [sflag:s19], $0x80  }
0xaa: {  	[sflag:s19] =	ssyncset.done $0x0  }
0xab: {  	s7 =	simm.s32 $0x100;
	[sflag:s19] =	ssyncadd.s32 $0xFFFFFF80  }
0xac: {  	[tilespmem:s24], [sflag:$0x1] =	stream.indirect.gather [hbm4b:s1+s23], $0x80, s7, s23, $0xb8;
	[tilespmem:$0x1E978] =	vst v63  }
0xad: {  	_ =	swait.ge [sflag:s26], $0x4000  }
0xae: {  	[sflag:s26] =	ssyncset.done $0x0  }
0xaf: {  	s9 =	simm.s32 $0x1480;
	[sflag:s26] =	ssyncadd.s32 $0xFFFFC000  }
0xb0: {  	[spmem:s3] =	stream.indirect.scatter.add.f32 [tilespmem:s25], [sflag:$0x2], $0x80, s9, s23, $0xb8;
	[tilespmem:$0x1E978] =	vst v63  }
0xb1: {  	_ =	swait.ge [sflag:s19], $0x4000  }
0xb2: {  	[sflag:s19] =	ssyncset.done $0x0  }
0xb3: {  	[sflag:s19] =	ssyncadd.s32 $0xFFFFC000  }
0xb4: {  	[spmem:s4] =	stream.indirect.scatter.add.f32 [tilespmem:s21], [sflag:$0x2], $0x1, s9, s23, $0xb8;
	[tilespmem:$0x1E978] =	vst v63  }
0xb5: {  	_ =	swait.ge [sflag:s19], $0x80  }
0xb6: {  	s0 =	simm.s32 $0x100;
	s2 =	simm.s32 $0x800;
	[sflag:s19] =	ssyncset.done $0x0  }
.LBB2_4:
0xb7: {  	s6 =	sadd.s32 $0x80, s0  }
0xb8: {  	[sflag:s19] =	ssyncadd.s32 $0xFFFFFF80;
	s7 =	smov.u32 s2;
	s9 =	sadd.s32 $0x400, s2  }
0xb9: {  	[tilespmem:s25], [sflag:$0x1] =	stream.indirect.gather [hbm4b:s1+s23], $0x80, s6, s23, $0xb8;
	[tilespmem:$0x1E978] =	vst v63  }
0xba: {  	p0 =	sne.s32 s2, $0x4800;
	_ =	swait.ge [sflag:s26], $0x4000  }
0xbb: {  	[sflag:s26] =	ssyncset.done $0x0  }
0xbc: {  	s2 =	sadd.s32 $0x1400, s0;
	[sflag:s26] =	ssyncadd.s32 $0xFFFFC000  }
0xbd: {  	[spmem:s3] =	stream.indirect.scatter.add.f32 [tilespmem:s24], [sflag:$0x2], $0x80, s2, s23, $0xb8;
	[tilespmem:$0x1E978] =	vst v63  }
0xbe: {  	_ =	swait.ge [sflag:s19], $0x4000  }
0xbf: {  	[sflag:s19] =	ssyncset.done $0x0  }
0xc0: {  	[sflag:s19] =	ssyncadd.s32 $0xFFFFC000  }
0xc1: {  	[spmem:s4] =	stream.indirect.scatter.add.f32 [tilespmem:s21], [sflag:$0x2], $0x1, s2, s23, $0xb8;
	[tilespmem:$0x1E978] =	vst v63  }
0xc2: {  	_ =	swait.ge [sflag:s19], $0x80  }
0xc3: {  	[sflag:s19] =	ssyncset.done $0x0  }
0xc4: {  	s2 =	sadd.s32 $0x100, s0;
	[sflag:s19] =	ssyncadd.s32 $0xFFFFFF80  }
0xc5: {  	[tilespmem:s24], [sflag:$0x1] =	stream.indirect.gather [hbm4b:s1+s23], $0x80, s2, s23, $0xb8;
	[tilespmem:$0x1E978] =	vst v63  }
0xc6: {  	_ =	swait.ge [sflag:s26], $0x4000  }
0xc7: {  	[sflag:s26] =	ssyncset.done $0x0  }
0xc8: {  	s0 =	sadd.s32 $0x1480, s0;
	[sflag:s26] =	ssyncadd.s32 $0xFFFFC000  }
0xc9: {  	[spmem:s3] =	stream.indirect.scatter.add.f32 [tilespmem:s25], [sflag:$0x2], $0x80, s0, s23, $0xb8;
	[tilespmem:$0x1E978] =	vst v63  }
0xca: {  	_ =	swait.ge [sflag:s19], $0x4000  }
.Ltmp1:
0xcb: {  	[sflag:s19] =	ssyncset.done $0x0;
	(pc) =	sbr.rel @p0 .LBB2_4-.Ltmp1, $4  }
0xcc: {  	[sflag:s19] =	ssyncadd.s32 $0xFFFFC000  }
0xcd: {  	[spmem:s4] =	stream.indirect.scatter.add.f32 [tilespmem:s21], [sflag:$0x2], $0x1, s0, s23, $0xb8;
	[tilespmem:$0x1E978] =	vst v63  }
0xce: {  	_ =	swait.ge [sflag:s19], $0x80  }
0xcf: {  	s2 =	smov.u32 s9;
	s0 =	sshra.s32 s7, $0x2;
	[sflag:s19] =	ssyncset.done $0x0  }
0xd0: {  	s2 =	sadd.s32 $0x80, s0;
	[sflag:s19] =	ssyncadd.s32 $0xFFFFFF80  }
0xd1: {  	[tilespmem:s25], [sflag:$0x1] =	stream.indirect.gather [hbm4b:s1+s23], $0x80, s2, s23, $0xb8;
	[tilespmem:$0x1E978] =	vst v63  }
0xd2: {  	_ =	swait.ge [sflag:s26], $0x4000  }
0xd3: {  	[sflag:s26] =	ssyncset.done $0x0  }
0xd4: {  	s6 =	sadd.s32 $0x1400, s0;
	[sflag:s26] =	ssyncadd.s32 $0xFFFFC000  }
0xd5: {  	[spmem:s3] =	stream.indirect.scatter.add.f32 [tilespmem:s24], [sflag:$0x2], $0x80, s6, s23, $0xb8;
	[tilespmem:$0x1E978] =	vst v63  }
0xd6: {  	_ =	swait.ge [sflag:s19], $0x4000  }
0xd7: {  	[sflag:s19] =	ssyncset.done $0x0  }
0xd8: {  	[sflag:s19] =	ssyncadd.s32 $0xFFFFC000  }
0xd9: {  	[spmem:s4] =	stream.indirect.scatter.add.f32 [tilespmem:s21], [sflag:$0x2], $0x1, s6, s23, $0xb8;
	[tilespmem:$0x1E978] =	vst v63  }
0xda: {  	_ =	swait.ge [sflag:s19], $0x80  }
0xdb: {  	[sflag:s19] =	ssyncset.done $0x0  }
0xdc: {  	s7 =	sadd.s32 $0x100, s0;
	[sflag:s19] =	ssyncadd.s32 $0xFFFFFF80  }
0xdd: {  	[tilespmem:s24], [sflag:$0x1] =	stream.indirect.gather [hbm4b:s1+s23], $0x80, s7, s23, $0xb8;
	[tilespmem:$0x1E978] =	vst v63  }
0xde: {  	_ =	swait.ge [sflag:s26], $0x4000  }
0xdf: {  	[sflag:s26] =	ssyncset.done $0x0  }
0xe0: {  	s9 =	sadd.s32 $0x1480, s0;
	[sflag:s26] =	ssyncadd.s32 $0xFFFFC000  }
0xe1: {  	[spmem:s3] =	stream.indirect.scatter.add.f32 [tilespmem:s25], [sflag:$0x2], $0x80, s9, s23, $0xb8;
	[tilespmem:$0x1E978] =	vst v63  }
0xe2: {  	_ =	swait.ge [sflag:s19], $0x4000  }
0xe3: {  	[sflag:s19] =	ssyncset.done $0x0  }
0xe4: {  	[sflag:s19] =	ssyncadd.s32 $0xFFFFC000  }
0xe5: {  	[spmem:s4] =	stream.indirect.scatter.add.f32 [tilespmem:s21], [sflag:$0x2], $0x1, s9, s23, $0xb8;
	[tilespmem:$0x1E978] =	vst v63  }
0xe6: {  	_ =	swait.ge [sflag:s19], $0x80  }
0xe7: {  	[sflag:s19] =	ssyncset.done $0x0  }
0xe8: {  	[sflag:s19] =	ssyncadd.s32 $0xFFFFFF80  }
0xe9: {  	[tilespmem:s25], [sflag:$0x1] =	stream.indirect.gather [hbm4b:s1+s23], $0x80, s28, s23, $0xb8;
	[tilespmem:$0x1E978] =	vst v63  }
0xea: {  	_ =	swait.ge [sflag:s26], $0x4000  }
0xeb: {  	[sflag:s26] =	ssyncset.done $0x0  }
0xec: {  	[sflag:s26] =	ssyncadd.s32 $0xFFFFC000  }
0xed: {  	[spmem:s3] =	stream.indirect.scatter.add.f32 [tilespmem:s24], [sflag:$0x2], $0x80, s29, s23, $0xb8;
	[tilespmem:$0x1E978] =	vst v63  }
0xee: {  	_ =	swait.ge [sflag:s19], $0x4000  }
0xef: {  	[sflag:s19] =	ssyncset.done $0x0  }
0xf0: {  	[sflag:s19] =	ssyncadd.s32 $0xFFFFC000  }
0xf1: {  	[spmem:s4] =	stream.indirect.scatter.add.f32 [tilespmem:s21], [sflag:$0x2], $0x1, s29, s23, $0xb8;
	[tilespmem:$0x1E978] =	vst v63  }
0xf2: {  	_ =	swait.ge [sflag:s19], $0x80  }
0xf3: {  	[sflag:s19] =	ssyncset.done $0x0  }
0xf4: {  	[sflag:s19] =	ssyncadd.s32 $0xFFFFFF80  }
0xf5: {  	_ =	swait.ge [sflag:s26], $0x4000  }
0xf6: {  	[sflag:s26] =	ssyncset.done $0x0  }
0xf7: {  	[sflag:s26] =	ssyncadd.s32 $0xFFFFC000  }
0xf8: {  	[spmem:s3] =	stream.indirect.scatter.add.f32 [tilespmem:s25], [sflag:$0x2], $0x80, s30, s23, $0xb8;
	[tilespmem:$0x1E978] =	vst v63  }
0xf9: {  	_ =	swait.ge [sflag:s19], $0x4000  }
0xfa: {  	[sflag:s19] =	ssyncset.done $0x0  }
0xfb: {  	[sflag:s19] =	ssyncadd.s32 $0xFFFFC000  }
0xfc: {  	[spmem:s4] =	stream.indirect.scatter.add.f32 [tilespmem:s21], [sflag:$0x2], $0x1, s30, s23, $0xb8;
	[tilespmem:$0x1E978] =	vst v63  }
0xfd: {  	_ =	swait.ge [sflag:s19], $0x80  }
0xfe: {  	[sflag:s19] =	ssyncset.done $0x0  }
0xff: {  	[sflag:s19] =	ssyncadd.s32 $0xFFFFFF80  }
0x100: {  	[bflag:$0x0] =	sbarrier.arrive $0xFFFF  }
0x101: {  	[hbm:s15], [sflag:s8] =	dma.local [spmem:s18], $0x2780  }
0x102: {  	_ =	swait.ge [sflag:s19], $0x2780  }
0x103: {  	[sflag:s19] =	ssyncset.done $0x0  }
0x104: {  	[sflag:s19] =	ssyncadd.s32 $0xFFFFD880  }
0x105: {  	[tilespmem:s20], [sflag:$0x2] =	stream.linear.gather [spmem:s10], $0x278, $0x38;
	[tilespmem:$0x1E978] =	vst v63  }
0x106: {  	s31 =	sadd.s32 $0x1, s31;
	_ =	swait.ge [sflag:s19], $0x278  }
0x107: {  	p0 =	sne.s32 s31, s17;
	[sflag:s19] =	ssyncset.done $0x0  }
.Ltmp2:
0x108: {  	[sflag:s19] =	ssyncadd.s32 $0xFFFFFD88;
	(pc) =	sbr.rel @p0 .LBB2_1-.Ltmp2, $4  }
0x109: {  	[hbm4b:s16+s5] =	stream.linear.scatter [tilespmem:s20], [sflag:$0x2], $0x278, $0x38;
	[tilespmem:$0x1E978] =	vst v63  }
0x10a: {  	_ =	swait.ge [sflag:s19], $0x278  }
0x10b: {  	[sflag:s19] =	ssyncset.done $0x0  }
0x10c: {  	[sflag:s19] =	ssyncadd.s32 $0xFFFFFD88  }
0x10d: {  	_ =	sfence.sel $0x180000  }
0x10e: {  	[bflag:$0x0] =	sbarrier.arrive $0xFFFF  }
0x10f: {  	_ =	strace $0x90000047  }
0x110: {  	s0 =	stileid.u32;
	[bflag:$0x2] =	sbarrier.arrive $0xFFFF  }
0x111: {  	p0 =	sne.s32 s0, $0x0;
	s0 =	rddreg [dreg:$0x5]  }
0x112: {  	s0 =	sadd.s32 @!p0 $0x100000, s0  }
0x113: {  	[sflag:s0] =	ssyncadd.tile.s32 @!p0 $0x1;
	_ =	shalt  }
.Lfunc_end2:
_tile_overlayer_lowered:
.L_overlay_start_2:
0x114: {  	(tag) =	ssettag $0x2  }
0x115: {  	s0 =	rddreg [dreg:$0x0];
	s2 =	stileid.u32  }
0x116: {  	s1 =	rddreg [dreg:$0x1];
	p0 =	sne.s32 s2, $0x0  }
0x117: {  	s3 =	rddreg [dreg:$0x2];
	[bflag:$0x3] =	sbarrier.arrive $0xFFFF;
	s2 =	simm.s32 @!p0 $0x1C02  }
0x118: {  	[timem:s3], [sflag:s2] =	dma.local @!p0 [hbm:s0], s1  }
0x119: {  	s0 =	simm.s32 @!p0 $0x2  }
0x11a: {  	_ =	swait.ge @!p0 [sflag:s0], s1  }
0x11b: {  	s1 =	ssub.s32 @!p0 $0x0, s1;
	[sflag:s0] =	ssyncset.done @!p0 $0x0  }
0x11c: {  	[sflag:s0] =	ssyncadd.s32 @!p0 s1  }
0x11d: {  	[bflag:$0x3] =	sbarrier.arrive $0xFFFF  }
0x11e: {  	_ =	shalt  }

// kernel: kernel.15.cloned.1.call-start
scs
__scs_entry_jumppad:
0x0: {  	(pc) =	sbr.rel $0x88, $3  }
0x1: {  	(tag) =	ssettag $0x0;
	lr =	simm.s32 $0x1  }
0x2: {  	[smem:$0x3F98] =	sst lr;
	_ =	strace $0xD0000000  }
0x3: {  	_ = 	snop  }
0x4: {  	_ = 	snop  }
0x5: {  	_ = 	snop  }
0x6: {  	_ = 	snop  }
0x7: {  	_ = 	snop  }
__scs_overlays_trampoline_lowered:
0x8: {  	[smem:$0x3FA7] =	sst s0  }
0x9: {  	[smem:$0x3FA8] =	sst s1  }
0xa: {  	[smem:$0x3FA9] =	sst s2  }
0xb: {  	[smem:$0x3FAA] =	sst s3  }
0xc: {  	[smem:$0x3FAB] =	sst s4  }
0xd: {  	[smem:$0x3FAC] =	sst s5  }
0xe: {  	[smem:$0x3FAD] =	sst s6  }
0xf: {  	[smem:$0x3FAE] =	sst s7  }
0x10: {  	[smem:$0x3FAF] =	sst s8  }
0x11: {  	[smem:$0x3FB0] =	sst s9;
	s0 =	simm.s32 @!p0 $0x0  }
0x12: {  	s1 =	sld [smem:$0x3F96];
	s0 =	simm.s32 @p0 $0x1  }
0x13: {  	[smem:$0x3FB1] =	sst s0;
	s0 =	simm.s32 @!p1 $0x0  }
0x14: {  	s2 =	sld [smem:$0x3F95];
	s0 =	simm.s32 @p1 $0x1  }
0x15: {  	[smem:$0x3FB2] =	sst s0;
	s0 =	simm.s32 @!p2 $0x0  }
0x16: {  	s3 =	sld [smem:$0x3FDB];
	s0 =	simm.s32 @p2 $0x1  }
0x17: {  	s4 =	simm.s32 $0x1BF5;
	[smem:$0x3FB4] =	sst s0  }
0x18: {  	s0 =	sld [smem:$0x3F97];
	_ =	swait.ge [sflag:s4], $0x0  }
0x19: {  	s7 =	sld [smem:$0x3F98]  }
0x1a: {  	s8 =	sadd.s32 $0xFFFFE003, lr  }
0x1b: {  	s9 =	sadd.s32 $0xFFFFFEF7, lr;
	s5 =	simm.s32 $0xFFFFFFFF;
	p2 =	slt.u32 s8, $0xFFFFF086  }
0x1c: {  	p1 =	slt.u32 s9, $0xF7A;
	s5 =	simm.s32 @!p2 $0x0  }
0x1d: {  	s5 =	simm.s32 @p1 $0x1;
	p0 =	seq.s32 s7, s2  }
0x1e: {  	s7 =	smul.u32 @!p0 $0xF7A, s2;
	p2 =	seq.s32 @!p0 s5, $0x0  }
0x1f: {  	s9 =	smul.u32 $0xF7A, s1;
	s8 =	simm.s32 @!p0 $0x1BF5;
	p2 =	por !p2, p0  }
0x20: {  	[sflag:s8] =	ssyncset.s32 @!p0 $0xFFFFF086;
	s6 =	sadd.s32 @!p0 s3, s7;
	s7 =	simm.s32 @!p0 $0x108  }
0x21: {  	s3 =	sadd.s32 s3, s9;
	s6 =	sadd.s32 @!p0 $0x88, s6;
	s7 =	simm.s32 @p2 $0x1082  }
0x22: {  	[simem:s7], [sflag:s8] =	dma.local @!p0 [hbm:s6], $0xF7A  }
0x23: {  	s9 =	sor.u32 $0xD0000000, s2;
	s6 =	simm.s32 $0x108;
	_ =	swait.ge @!p0 [sflag:s8], $0x0  }
0x24: {  	s3 =	sadd.s32 $0x88, s3;
	s6 =	simm.s32 @!p1 $0x1082;
	[sflag:s4] =	ssyncset.s32 $0xFFFFF086  }
0x25: {  	[simem:s6], [sflag:s4] =	dma.local [hbm:s3], $0xF7A  }
0x26: {  	[smem:$0x3F98] =	sst s1;
	(tag) =	ssettag s2;
	_ =	strace s9  }
0x27: {  	s1 =	sld [smem:$0x3FA8]  }
0x28: {  	s2 =	sld [smem:$0x3FA9]  }
0x29: {  	s4 =	sld [smem:$0x3FAB]  }
0x2a: {  	p0 =	seq.s32 s5, $0x0;
	s5 =	sld [smem:$0x3FAC]  }
0x2b: {  	s6 =	sld [smem:$0x3FAD]  }
0x2c: {  	s7 =	sld [smem:$0x3FAE]  }
0x2d: {  	s3 =	simm.s32 $0x108;
	s8 =	sld [smem:$0x3FAF]  }
0x2e: {  	s3 =	simm.s32 @!p0 $0x1082;
	s9 =	sld [smem:$0x3FB0]  }
0x2f: {  	lr =	sadd.s32 s0, s3;
	s0 =	sld [smem:$0x3FA7]  }
0x30: {  	s3 =	sld [smem:$0x3FAA]  }
0x31: {  	[smem:$0x3FB3] =	sst s10  }
0x32: {  	s10 =	sld [smem:$0x3FB1];
	_ =	sdelay $0x3  }
0x33: {  	p0 =	seq.s32 s10, $0x1;
	s10 =	sld [smem:$0x3FB3];
	_ =	sdelay $0x3  }
0x34: {  	[smem:$0x3FB3] =	sst s10  }
0x35: {  	s10 =	sld [smem:$0x3FB2];
	_ =	sdelay $0x3  }
0x36: {  	p1 =	seq.s32 s10, $0x1;
	s10 =	sld [smem:$0x3FB3];
	_ =	sdelay $0x3  }
0x37: {  	[smem:$0x3FB3] =	sst s10  }
0x38: {  	s10 =	sld [smem:$0x3FB4]  }
0x39: {  	_ = 	snop;
	(pc) =	sbr.ind lr, $3  }
0x3a: {  	_ = 	snop  }
0x3b: {  	_ = 	snop  }
0x3c: {  	p2 =	seq.s32 s10, $0x1;
	s10 =	sld [smem:$0x3FB3]  }
0x3d: {  	_ =	shalt  }
0x3e: {  	_ =	shalt  }
0x3f: {  	_ =	shalt  }
0x40: {  	_ =	shalt  }
0x41: {  	_ =	shalt  }
0x42: {  	_ =	shalt  }
0x43: {  	_ =	shalt  }
0x44: {  	_ =	shalt  }
0x45: {  	_ =	shalt  }
0x46: {  	_ =	shalt  }
0x47: {  	_ =	shalt  }
0x48: {  	_ =	shalt  }
0x49: {  	_ =	shalt  }
0x4a: {  	_ =	shalt  }
0x4b: {  	_ =	shalt  }
0x4c: {  	_ =	shalt  }
0x4d: {  	_ =	shalt  }
0x4e: {  	_ =	shalt  }
0x4f: {  	_ =	shalt  }
0x50: {  	_ =	shalt  }
0x51: {  	_ =	shalt  }
0x52: {  	_ =	shalt  }
0x53: {  	_ =	shalt  }
0x54: {  	_ =	shalt  }
0x55: {  	_ =	shalt  }
0x56: {  	_ =	shalt  }
0x57: {  	_ =	shalt  }
0x58: {  	_ =	shalt  }
0x59: {  	_ =	shalt  }
0x5a: {  	_ =	shalt  }
0x5b: {  	_ =	shalt  }
0x5c: {  	_ =	shalt  }
0x5d: {  	_ =	shalt  }
0x5e: {  	_ =	shalt  }
0x5f: {  	_ =	shalt  }
0x60: {  	_ =	shalt  }
0x61: {  	_ =	shalt  }
0x62: {  	_ =	shalt  }
0x63: {  	_ =	shalt  }
0x64: {  	_ =	shalt  }
0x65: {  	_ =	shalt  }
0x66: {  	_ =	shalt  }
0x67: {  	_ =	shalt  }
0x68: {  	_ =	shalt  }
0x69: {  	_ =	shalt  }
0x6a: {  	_ =	shalt  }
0x6b: {  	_ =	shalt  }
0x6c: {  	_ =	shalt  }
0x6d: {  	_ =	shalt  }
0x6e: {  	_ =	shalt  }
0x6f: {  	_ =	shalt  }
0x70: {  	_ =	shalt  }
0x71: {  	_ =	shalt  }
0x72: {  	_ =	shalt  }
0x73: {  	_ =	shalt  }
0x74: {  	_ =	shalt  }
0x75: {  	_ =	shalt  }
0x76: {  	_ =	shalt  }
0x77: {  	_ =	shalt  }
0x78: {  	_ =	shalt  }
0x79: {  	_ =	shalt  }
0x7a: {  	_ =	shalt  }
0x7b: {  	_ =	shalt  }
0x7c: {  	_ =	shalt  }
0x7d: {  	_ =	shalt  }
0x7e: {  	_ =	shalt  }
0x7f: {  	_ =	shalt  }
0x80: {  	_ =	shalt  }
0x81: {  	_ =	shalt  }
0x82: {  	_ =	shalt  }
0x83: {  	_ =	shalt  }
0x84: {  	_ =	shalt  }
0x85: {  	_ =	shalt  }
0x86: {  	_ =	shalt  }
0x87: {  	_ =	shalt  }
.Lfunc_end0:
.L_simem_size_0:
called_computation.1_lowered:
.L_overlay_start_0:
0x88: {  	s2 =	sld [smem:$0x3FD9]  }
0x89: {  	s3 =	sld [smem:$0x3FFE];
	_ =	sdelay $0x1  }
0x8a: {  	s1 =	srdreg.scid  }
0x8b: {  	s0 =	sand.u32 $0x1, s1  }
0x8c: {  	s17 =	sshll.u32 s0, $0xA;
	s2 =	sadd.s32 s3, s2  }
0x8d: {  	s2 =	sadd.s32 s2, s17  }
0x8e: {  	[smem:$0x3FBF] =	sst s2  }
0x8f: {  	_ = 	snop  }
0x90: {  	s2 =	sld [smem:$0x3FD0];
	(tm) =	ssettm $0x1  }
0x91: {  	s18 =	sld [smem:$0x3FFB];
	_ =	sdelay $0x3  }
0x92: {  	_ =	strace s18  }
0x93: {  	s3 =	sld [smem:$0x3FFC];
	_ =	sdelay $0x3  }
0x94: {  	_ =	strace s3  }
0x95: {  	s3 =	sld [smem:$0x3FFD];
	_ =	sdelay $0x3  }
0x96: {  	_ =	strace s3  }
0x97: {  	_ =	strace $0x8FFFFFFF  }
0x98: {  	s19 =	sld [smem:$0x3FDB];
	_ =	sdelay $0x1  }
0x99: {  	s4 =	simm.s32 $_scs_section_size  }
0x9a: {  	s5 =	simm.s32 $_size__tile_overlayer_lowered;
	s6 =	simm.s32 $_tile_overlayer_lowered  }
0x9b: {  	s22 =	simm.s32 $0x1BFF;
	s21 =	sshll.u32 s6, $0x1;
	s3 =	sadd.s32 s4, s19  }
0x9c: {  	s7 =	simm.s32 $0x0;
	s20 =	sshll.u32 s5, $0x1;
	s5 =	sadd.s32 s21, s3  }
0x9d: {  	[timem:s7], [sflag:s22] =	dma.local [hbm:s5], s20  }
0x9e: {  	_ =	swait.ge [sflag:s22], s20  }
0x9f: {  	s4 =	ssub.s32 $0x0, s20;
	[sflag:s22] =	ssyncset.done $0x0  }
0xa0: {  	[sflag:s22] =	ssyncadd.s32 s4;
	_ =	sdelay $0x1  }
0xa1: {  	s23 =	simm.s32 $0x1B8B  }
0xa2: {  	_ =	swait.ge [sflag:s23], $0x1  }
0xa3: {  	[sflag:s23] =	ssyncset.done $0x0  }
0xa4: {  	s25 =	simm.s32 $0x1B8E;
	s24 =	sld [smem:$0x3FFE];
	[sflag:s23] =	ssyncadd.s32 $0xFFFFFFFF  }
0xa5: {  	s26 =	simm.s32 $execute0_lowered;
	[smem:$0x3FD2] =	sst s25  }
0xa6: {  	s5 =	sshll.u32 s26, $0x1;
	_ =	strace $0x80000049;
	[dreg:$0x1] =	wrdreg $0xFFFFFFFF  }
0xa7: {  	s28 =	simm.s32 $_size_execute0_lowered;
	s3 =	sadd.s32 s3, s5;
	[dreg:$0x0] =	wrdreg $0x0  }
0xa8: {  	s5 =	sshll.u32 s28, $0x1;
	[dreg:$0x2] =	wrdreg s3  }
0xa9: {  	[dreg:$0x3] =	wrdreg s5  }
0xaa: {  	[dreg:$0x4] =	wrdreg $0xC0  }
0xab: {  	_ =	task [dreg:s7], $0x5FFFF  }
0xac: {  	[dreg:$0x1] =	wrdreg $0xFFFFFFFF  }
0xad: {  	[dreg:$0x0] =	wrdreg $0x60  }
0xae: {  	[dreg:$0x2] =	wrdreg s2  }
0xaf: {  	[dreg:$0x3] =	wrdreg s24  }
0xb0: {  	[dreg:$0x4] =	wrdreg $0xA8000  }
0xb1: {  	[dreg:$0x5] =	wrdreg $0x9  }
0xb2: {  	_ =	task.clear_ibuf [dreg:s7], $0x6FFFF;
	_ =	strace $0x90000049  }
0xb3: {  	s29 =	simm.s32 $0x9;
	_ =	strace $0x8000004B  }
0xb4: {  	_ =	swait.ge [sflag:s29], $0x1  }
0xb5: {  	[sflag:s29] =	ssyncadd.s32 $0xFFFFFFFF  }
0xb6: {  	_ =	strace $0x9000004B  }
0xb7: {  	_ =	sfence  }
0xb8: {  	s30 =	sld [smem:$0x0];
	_ =	sdelay $0x2  }
0xb9: {  	s31 =	sshll.u32 s1, $0xD;
	s1 =	sshrl.u32 s1, $0x2  }
0xba: {  	s3 =	sand.u32 $0x4000, s31;
	s1 =	sadd.s32 s1, s30  }
0xbb: {  	s0 =	sor.u32 s3, s0;
	s1 =	sshll.u32 s1, $0x11  }
0xbc: {  	s0 =	sor.u32 s1, s0  }
0xbd: {  	s0 =	sadd.s32 $0x8F2B, s0  }
0xbe: {  	[sflag:s0] =	ssyncadd.remote.s32 $0x1  }
0xbf: {  	_ =	sfence.sel $0xFFFF  }
0xc0: {  	[dreg:$0x0] =	wrdreg $0xFFFFFFFF;
	(pc) =	sbr.abs _section_cstart, $3  }
0xc1: {  	[dreg:$0x1] =	wrdreg $0xFFFFFFFF  }
0xc2: {  	_ =	task.clear_ibuf [dreg:s7], $0x2FFFF;
	_ =	strace $0x9FFFFFFF  }
0xc3: {  	(tm) =	ssettm $0x7FFFFFFF  }
tec
execute0_lowered:
.L_overlay_start_1:
0x0: {  	(tag) =	ssettag $0x1  }
0x1: {  	s2 =	rddreg [dreg:$0x0]  }
0x2: {  	s5 =	rddreg [dreg:$0x1]  }
0x3: {  	s3 =	rddreg [dreg:$0x2]  }
0x4: {  	s0 =	rddreg [dreg:$0x3]  }
0x5: {  	s1 =	stileid.u32;
	s6 =	srdreg.scid;
	s4 =	simm.s32 $0x0  }
0x6: {  	s16 =	simm.s32 $0x80;
	s17 =	simm.s32 $0x2800;
	s18 =	simm.s32 $0x6800  }
0x7: {  	s19 =	simm.s32 $0x1;
	s20 =	simm.s32 $0x1380;
	s21 =	simm.s32 $0x2700  }
0x8: {  	s22 =	simm.s32 $0x2780;
	s23 =	simm.s32 $0x0;
	s7 =	smul.u32 $0x2780, s1  }
0x9: {  	s6 =	sand.u32 $0x1, s6;
	[smem:$0x7FF] =	sst s4;
	s9 =	sadd.s32 $0x4800, s5  }
0xa: {  	s10 =	sadd.s32 $0xE800, s5;
	s12 =	smul.u32 $0x4F000, s1;
	s29 =	sshll.u32 s1, $0x6  }
0xb: {  	s8 =	smul.u32 $0x27800, s6;
	_ =	strace $0x8000004A;
	s24 =	ssub.s32 $0x2, s6  }
0xc: {  	s6 =	sshll.u32 s6, $0x4;
	s11 =	sadd.s32 s7, s5;
	s25 =	sshrl.u32 s24, $0x1  }
0xd: {  	s6 =	sor.u32 s1, s6;
	s26 =	sshrl.u32 s12, $0x2;
	s7 =	sadd.s32 s7, s8  }
0xe: {  	s14 =	ssub.s32 s24, s25;
	s28 =	smul.u32 $0x2800, s6;
	s15 =	sadd.s32 s26, s3  }
0xf: {  	s30 =	smul.u32 $0x500, s6;
	s6 =	sor.u32 $0x1C02, s29;
	s13 =	sadd.s32 s7, s5  }
0x10: {  	s5 =	sadd.s32 $0x19000, s11;
	s12 =	smax.u32 s14, $0x1;
	s31 =	sshrl.u32 s28, $0x3  }
0x11: {  	s14 =	simm.s32 $0x2;
	s7 =	sadd.s32 s9, s30;
	s11 =	sadd.s32 $0x280, s31  }
0x12: {  	s8 =	sadd.s32 s10, s30;
	s9 =	sadd.s32 s9, s11;
	s10 =	sadd.s32 s10, s11  }
0x13: {  	s11 =	sadd.s32 $0x40800, s13;
	s13 =	sshrl.u32 s15, $0x3;
	s15 =	simm.s32 $0x1400  }
.LBB2_1:
0x14: {  	[spmem:s13], [sflag:s6] =	dma.local [hbm:s5], $0x2780  }
0x15: {  	_ =	swait.ge [sflag:s14], $0x2780  }
0x16: {  	[sflag:s14] =	ssyncset.done $0x0  }
0x17: {  	[sflag:s14] =	ssyncadd.s32 $0xFFFFD880  }
0x18: {  	[bflag:$0x0] =	sbarrier.arrive $0xFFFF  }
0x19: {  	[tilespmem:s4], [sflag:$0x2] =	stream.linear.gather [hbm4b:s7+s4], $0x1400, $0x38;
	[tilespmem:$0x1E400] =	vst v63  }
0x1a: {  	_ =	swait.ge [sflag:s14], $0x1400  }
0x1b: {  	[sflag:s14] =	ssyncset.done $0x0  }
0x1c: {  	[sflag:s14] =	ssyncadd.s32 $0xFFFFEC00  }
0x1d: {  	[tilespmem:s15], [sflag:$0x2] =	stream.linear.gather [hbm4b:s8+s4], $0x1400, $0x38;
	[tilespmem:$0x1E400] =	vst v63  }
0x1e: {  	_ =	swait.ge [sflag:s14], $0x1400  }
0x1f: {  	[sflag:s14] =	ssyncset.done $0x0  }
0x20: {  	[sflag:s14] =	ssyncadd.s32 $0xFFFFEC00  }
0x21: {  	[tilespmem:s17], [sflag:$0x1] =	stream.indirect.gather [hbm4b:s2+s16], $0x80, s4, s16, $0xb8;
	[tilespmem:$0x1E400] =	vst v63  }
0x22: {  	s24 =	simm.s32 $0x80  }
0x23: {  	[tilespmem:s18], [sflag:$0x1] =	stream.indirect.gather [hbm4b:s2+s16], $0x80, s24, s16, $0xb8;
	[tilespmem:$0x1E400] =	vst v63  }
0x24: {  	_ =	swait.ge [sflag:s19], $0x4000  }
0x25: {  	[sflag:s19] =	ssyncset.done $0x0  }
0x26: {  	s29 =	simm.s32 $0x1400;
	[sflag:s19] =	ssyncadd.s32 $0xFFFFC000  }
0x27: {  	[spmem:s3] =	stream.indirect.scatter.add.f32 [tilespmem:s17], [sflag:$0x2], $0x80, s29, s16, $0xb8;
	[tilespmem:$0x1E400] =	vst v63  }
0x28: {  	_ =	swait.ge [sflag:s14], $0x4000  }
0x29: {  	[sflag:s14] =	ssyncset.done $0x0  }
0x2a: {  	s30 =	simm.s32 $0x100;
	[sflag:s14] =	ssyncadd.s32 $0xFFFFC000  }
0x2b: {  	[tilespmem:s17], [sflag:$0x1] =	stream.indirect.gather [hbm4b:s2+s16], $0x80, s30, s16, $0xb8;
	[tilespmem:$0x1E400] =	vst v63  }
0x2c: {  	_ =	swait.ge [sflag:s19], $0x4000  }
0x2d: {  	[sflag:s19] =	ssyncset.done $0x0  }
0x2e: {  	s31 =	simm.s32 $0x1480;
	[sflag:s19] =	ssyncadd.s32 $0xFFFFC000  }
0x2f: {  	[spmem:s3] =	stream.indirect.scatter.add.f32 [tilespmem:s18], [sflag:$0x2], $0x80, s31, s16, $0xb8;
	[tilespmem:$0x1E400] =	vst v63  }
0x30: {  	_ =	swait.ge [sflag:s14], $0x4000  }
0x31: {  	s25 =	simm.s32 $0x800;
	s24 =	simm.s32 $0x100;
	[sflag:s14] =	ssyncset.done $0x0  }
.LBB2_2:
0x32: {  	s26 =	sadd.s32 $0x80, s24  }
0x33: {  	[sflag:s14] =	ssyncadd.s32 $0xFFFFC000;
	s28 =	smov.u32 s25;
	s29 =	sadd.s32 $0x400, s25  }
0x34: {  	[tilespmem:s18], [sflag:$0x1] =	stream.indirect.gather [hbm4b:s2+s16], $0x80, s26, s16, $0xb8;
	[tilespmem:$0x1E400] =	vst v63  }
0x35: {  	p0 =	sne.s32 s25, $0x4800;
	_ =	swait.ge [sflag:s19], $0x4000  }
0x36: {  	[sflag:s19] =	ssyncset.done $0x0  }
0x37: {  	s25 =	sadd.s32 $0x1400, s24;
	[sflag:s19] =	ssyncadd.s32 $0xFFFFC000  }
0x38: {  	[spmem:s3] =	stream.indirect.scatter.add.f32 [tilespmem:s17], [sflag:$0x2], $0x80, s25, s16, $0xb8;
	[tilespmem:$0x1E400] =	vst v63  }
0x39: {  	_ =	swait.ge [sflag:s14], $0x4000  }
0x3a: {  	[sflag:s14] =	ssyncset.done $0x0  }
0x3b: {  	s25 =	sadd.s32 $0x100, s24;
	[sflag:s14] =	ssyncadd.s32 $0xFFFFC000  }
0x3c: {  	[tilespmem:s17], [sflag:$0x1] =	stream.indirect.gather [hbm4b:s2+s16], $0x80, s25, s16, $0xb8;
	[tilespmem:$0x1E400] =	vst v63  }
0x3d: {  	_ =	swait.ge [sflag:s19], $0x4000  }
.Ltmp0:
0x3e: {  	[sflag:s19] =	ssyncset.done $0x0;
	(pc) =	sbr.rel @p0 .LBB2_2-.Ltmp0, $4  }
0x3f: {  	s24 =	sadd.s32 $0x1480, s24;
	[sflag:s19] =	ssyncadd.s32 $0xFFFFC000  }
0x40: {  	[spmem:s3] =	stream.indirect.scatter.add.f32 [tilespmem:s18], [sflag:$0x2], $0x80, s24, s16, $0xb8;
	[tilespmem:$0x1E400] =	vst v63  }
0x41: {  	_ =	swait.ge [sflag:s14], $0x4000  }
0x42: {  	s25 =	smov.u32 s29;
	s24 =	sshra.s32 s28, $0x2;
	[sflag:s14] =	ssyncset.done $0x0  }
0x43: {  	s25 =	sadd.s32 $0x80, s24;
	[sflag:s14] =	ssyncadd.s32 $0xFFFFC000  }
0x44: {  	[tilespmem:s18], [sflag:$0x1] =	stream.indirect.gather [hbm4b:s2+s16], $0x80, s25, s16, $0xb8;
	[tilespmem:$0x1E400] =	vst v63  }
0x45: {  	_ =	swait.ge [sflag:s19], $0x4000  }
0x46: {  	[sflag:s19] =	ssyncset.done $0x0  }
0x47: {  	s30 =	sadd.s32 $0x1400, s24;
	[sflag:s19] =	ssyncadd.s32 $0xFFFFC000  }
0x48: {  	[spmem:s3] =	stream.indirect.scatter.add.f32 [tilespmem:s17], [sflag:$0x2], $0x80, s30, s16, $0xb8;
	[tilespmem:$0x1E400] =	vst v63  }
0x49: {  	_ =	swait.ge [sflag:s14], $0x4000  }
0x4a: {  	[sflag:s14] =	ssyncset.done $0x0  }
0x4b: {  	s31 =	sadd.s32 $0x100, s24;
	[sflag:s14] =	ssyncadd.s32 $0xFFFFC000  }
0x4c: {  	[tilespmem:s17], [sflag:$0x1] =	stream.indirect.gather [hbm4b:s2+s16], $0x80, s31, s16, $0xb8;
	[tilespmem:$0x1E400] =	vst v63  }
0x4d: {  	_ =	swait.ge [sflag:s19], $0x4000  }
0x4e: {  	[sflag:s19] =	ssyncset.done $0x0  }
0x4f: {  	s25 =	sadd.s32 $0x1480, s24;
	[sflag:s19] =	ssyncadd.s32 $0xFFFFC000  }
0x50: {  	[spmem:s3] =	stream.indirect.scatter.add.f32 [tilespmem:s18], [sflag:$0x2], $0x80, s25, s16, $0xb8;
	[tilespmem:$0x1E400] =	vst v63  }
0x51: {  	_ =	swait.ge [sflag:s14], $0x4000  }
0x52: {  	[sflag:s14] =	ssyncset.done $0x0  }
0x53: {  	[sflag:s14] =	ssyncadd.s32 $0xFFFFC000  }
0x54: {  	[tilespmem:s18], [sflag:$0x1] =	stream.indirect.gather [hbm4b:s2+s16], $0x80, s20, s16, $0xb8;
	[tilespmem:$0x1E400] =	vst v63  }
0x55: {  	_ =	swait.ge [sflag:s19], $0x4000  }
0x56: {  	[sflag:s19] =	ssyncset.done $0x0  }
0x57: {  	[sflag:s19] =	ssyncadd.s32 $0xFFFFC000  }
0x58: {  	[spmem:s3] =	stream.indirect.scatter.add.f32 [tilespmem:s17], [sflag:$0x2], $0x80, s21, s16, $0xb8;
	[tilespmem:$0x1E400] =	vst v63  }
0x59: {  	_ =	swait.ge [sflag:s14], $0x4000  }
0x5a: {  	[sflag:s14] =	ssyncset.done $0x0  }
0x5b: {  	[sflag:s14] =	ssyncadd.s32 $0xFFFFC000  }
0x5c: {  	_ =	swait.ge [sflag:s19], $0x4000  }
0x5d: {  	[sflag:s19] =	ssyncset.done $0x0  }
0x5e: {  	[sflag:s19] =	ssyncadd.s32 $0xFFFFC000  }
0x5f: {  	[spmem:s3] =	stream.indirect.scatter.add.f32 [tilespmem:s18], [sflag:$0x2], $0x80, s22, s16, $0xb8;
	[tilespmem:$0x1E400] =	vst v63  }
0x60: {  	_ =	swait.ge [sflag:s14], $0x4000  }
0x61: {  	[sflag:s14] =	ssyncset.done $0x0  }
0x62: {  	s26 =	simm.s32 $0x0;
	[sflag:s14] =	ssyncadd.s32 $0xFFFFC000  }
0x63: {  	[tilespmem:s26], [sflag:$0x2] =	stream.linear.gather [hbm4b:s9+s26], $0x1400, $0x38;
	[tilespmem:$0x1E400] =	vst v63  }
0x64: {  	_ =	swait.ge [sflag:s14], $0x1400  }
0x65: {  	[sflag:s14] =	ssyncset.done $0x0  }
0x66: {  	[sflag:s14] =	ssyncadd.s32 $0xFFFFEC00  }
0x67: {  	[tilespmem:s15], [sflag:$0x2] =	stream.linear.gather [hbm4b:s10+s26], $0x1400, $0x38;
	[tilespmem:$0x1E400] =	vst v63  }
0x68: {  	_ =	swait.ge [sflag:s14], $0x1400  }
0x69: {  	[sflag:s14] =	ssyncset.done $0x0  }
0x6a: {  	[sflag:s14] =	ssyncadd.s32 $0xFFFFEC00  }
0x6b: {  	[tilespmem:s17], [sflag:$0x1] =	stream.indirect.gather [hbm4b:s2+s16], $0x80, s26, s16, $0xb8;
	[tilespmem:$0x1E400] =	vst v63  }
0x6c: {  	s28 =	simm.s32 $0x80  }
0x6d: {  	[tilespmem:s18], [sflag:$0x1] =	stream.indirect.gather [hbm4b:s2+s16], $0x80, s28, s16, $0xb8;
	[tilespmem:$0x1E400] =	vst v63  }
0x6e: {  	_ =	swait.ge [sflag:s19], $0x4000  }
0x6f: {  	[sflag:s19] =	ssyncset.done $0x0  }
0x70: {  	s29 =	simm.s32 $0x1400;
	[sflag:s19] =	ssyncadd.s32 $0xFFFFC000  }
0x71: {  	[spmem:s3] =	stream.indirect.scatter.add.f32 [tilespmem:s17], [sflag:$0x2], $0x80, s29, s16, $0xb8;
	[tilespmem:$0x1E400] =	vst v63  }
0x72: {  	_ =	swait.ge [sflag:s14], $0x4000  }
0x73: {  	[sflag:s14] =	ssyncset.done $0x0  }
0x74: {  	s30 =	simm.s32 $0x100;
	[sflag:s14] =	ssyncadd.s32 $0xFFFFC000  }
0x75: {  	[tilespmem:s17], [sflag:$0x1] =	stream.indirect.gather [hbm4b:s2+s16], $0x80, s30, s16, $0xb8;
	[tilespmem:$0x1E400] =	vst v63  }
0x76: {  	_ =	swait.ge [sflag:s19], $0x4000  }
0x77: {  	[sflag:s19] =	ssyncset.done $0x0  }
0x78: {  	s31 =	simm.s32 $0x1480;
	[sflag:s19] =	ssyncadd.s32 $0xFFFFC000  }
0x79: {  	[spmem:s3] =	stream.indirect.scatter.add.f32 [tilespmem:s18], [sflag:$0x2], $0x80, s31, s16, $0xb8;
	[tilespmem:$0x1E400] =	vst v63  }
0x7a: {  	_ =	swait.ge [sflag:s14], $0x4000  }
0x7b: {  	s24 =	simm.s32 $0x100;
	s25 =	simm.s32 $0x800;
	[sflag:s14] =	ssyncset.done $0x0  }
.LBB2_4:
0x7c: {  	s26 =	sadd.s32 $0x80, s24  }
0x7d: {  	[sflag:s14] =	ssyncadd.s32 $0xFFFFC000;
	s28 =	smov.u32 s25;
	s29 =	sadd.s32 $0x400, s25  }
0x7e: {  	[tilespmem:s18], [sflag:$0x1] =	stream.indirect.gather [hbm4b:s2+s16], $0x80, s26, s16, $0xb8;
	[tilespmem:$0x1E400] =	vst v63  }
0x7f: {  	p0 =	sne.s32 s25, $0x4800;
	_ =	swait.ge [sflag:s19], $0x4000  }
0x80: {  	[sflag:s19] =	ssyncset.done $0x0  }
0x81: {  	s25 =	sadd.s32 $0x1400, s24;
	[sflag:s19] =	ssyncadd.s32 $0xFFFFC000  }
0x82: {  	[spmem:s3] =	stream.indirect.scatter.add.f32 [tilespmem:s17], [sflag:$0x2], $0x80, s25, s16, $0xb8;
	[tilespmem:$0x1E400] =	vst v63  }
0x83: {  	_ =	swait.ge [sflag:s14], $0x4000  }
0x84: {  	[sflag:s14] =	ssyncset.done $0x0  }
0x85: {  	s25 =	sadd.s32 $0x100, s24;
	[sflag:s14] =	ssyncadd.s32 $0xFFFFC000  }
0x86: {  	[tilespmem:s17], [sflag:$0x1] =	stream.indirect.gather [hbm4b:s2+s16], $0x80, s25, s16, $0xb8;
	[tilespmem:$0x1E400] =	vst v63  }
0x87: {  	_ =	swait.ge [sflag:s19], $0x4000  }
.Ltmp1:
0x88: {  	[sflag:s19] =	ssyncset.done $0x0;
	(pc) =	sbr.rel @p0 .LBB2_4-.Ltmp1, $4  }
0x89: {  	s24 =	sadd.s32 $0x1480, s24;
	[sflag:s19] =	ssyncadd.s32 $0xFFFFC000  }
0x8a: {  	[spmem:s3] =	stream.indirect.scatter.add.f32 [tilespmem:s18], [sflag:$0x2], $0x80, s24, s16, $0xb8;
	[tilespmem:$0x1E400] =	vst v63  }
0x8b: {  	_ =	swait.ge [sflag:s14], $0x4000  }
0x8c: {  	s25 =	smov.u32 s29;
	s24 =	sshra.s32 s28, $0x2;
	[sflag:s14] =	ssyncset.done $0x0  }
0x8d: {  	s25 =	sadd.s32 $0x80, s24;
	[sflag:s14] =	ssyncadd.s32 $0xFFFFC000  }
0x8e: {  	[tilespmem:s18], [sflag:$0x1] =	stream.indirect.gather [hbm4b:s2+s16], $0x80, s25, s16, $0xb8;
	[tilespmem:$0x1E400] =	vst v63  }
0x8f: {  	_ =	swait.ge [sflag:s19], $0x4000  }
0x90: {  	[sflag:s19] =	ssyncset.done $0x0  }
0x91: {  	s29 =	sadd.s32 $0x1400, s24;
	[sflag:s19] =	ssyncadd.s32 $0xFFFFC000  }
0x92: {  	[spmem:s3] =	stream.indirect.scatter.add.f32 [tilespmem:s17], [sflag:$0x2], $0x80, s29, s16, $0xb8;
	[tilespmem:$0x1E400] =	vst v63  }
0x93: {  	_ =	swait.ge [sflag:s14], $0x4000  }
0x94: {  	[sflag:s14] =	ssyncset.done $0x0  }
0x95: {  	s30 =	sadd.s32 $0x100, s24;
	[sflag:s14] =	ssyncadd.s32 $0xFFFFC000  }
0x96: {  	[tilespmem:s17], [sflag:$0x1] =	stream.indirect.gather [hbm4b:s2+s16], $0x80, s30, s16, $0xb8;
	[tilespmem:$0x1E400] =	vst v63  }
0x97: {  	_ =	swait.ge [sflag:s19], $0x4000  }
0x98: {  	[sflag:s19] =	ssyncset.done $0x0  }
0x99: {  	s31 =	sadd.s32 $0x1480, s24;
	[sflag:s19] =	ssyncadd.s32 $0xFFFFC000  }
0x9a: {  	[spmem:s3] =	stream.indirect.scatter.add.f32 [tilespmem:s18], [sflag:$0x2], $0x80, s31, s16, $0xb8;
	[tilespmem:$0x1E400] =	vst v63  }
0x9b: {  	_ =	swait.ge [sflag:s14], $0x4000  }
0x9c: {  	[sflag:s14] =	ssyncset.done $0x0  }
0x9d: {  	[sflag:s14] =	ssyncadd.s32 $0xFFFFC000  }
0x9e: {  	[tilespmem:s18], [sflag:$0x1] =	stream.indirect.gather [hbm4b:s2+s16], $0x80, s20, s16, $0xb8;
	[tilespmem:$0x1E400] =	vst v63  }
0x9f: {  	_ =	swait.ge [sflag:s19], $0x4000  }
0xa0: {  	[sflag:s19] =	ssyncset.done $0x0  }
0xa1: {  	[sflag:s19] =	ssyncadd.s32 $0xFFFFC000  }
0xa2: {  	[spmem:s3] =	stream.indirect.scatter.add.f32 [tilespmem:s17], [sflag:$0x2], $0x80, s21, s16, $0xb8;
	[tilespmem:$0x1E400] =	vst v63  }
0xa3: {  	_ =	swait.ge [sflag:s14], $0x4000  }
0xa4: {  	[sflag:s14] =	ssyncset.done $0x0  }
0xa5: {  	[sflag:s14] =	ssyncadd.s32 $0xFFFFC000  }
0xa6: {  	_ =	swait.ge [sflag:s19], $0x4000  }
0xa7: {  	[sflag:s19] =	ssyncset.done $0x0  }
0xa8: {  	[sflag:s19] =	ssyncadd.s32 $0xFFFFC000  }
0xa9: {  	[spmem:s3] =	stream.indirect.scatter.add.f32 [tilespmem:s18], [sflag:$0x2], $0x80, s22, s16, $0xb8;
	[tilespmem:$0x1E400] =	vst v63  }
0xaa: {  	_ =	swait.ge [sflag:s14], $0x4000  }
0xab: {  	s23 =	sadd.s32 $0x1, s23;
	[sflag:s14] =	ssyncset.done $0x0  }
0xac: {  	p0 =	sne.s32 s23, s12;
	[sflag:s14] =	ssyncadd.s32 $0xFFFFC000  }
.Ltmp2:
0xad: {  	[bflag:$0x0] =	sbarrier.arrive $0xFFFF;
	(pc) =	sbr.rel @p0 .LBB2_1-.Ltmp2, $4  }
0xae: {  	[hbm:s11], [sflag:s6] =	dma.local [spmem:s13], $0x2780  }
0xaf: {  	_ =	swait.ge [sflag:s14], $0x2780  }
0xb0: {  	[sflag:s14] =	ssyncset.done $0x0  }
0xb1: {  	[sflag:s14] =	ssyncadd.s32 $0xFFFFD880  }
0xb2: {  	_ =	sfence.sel $0x180000  }
0xb3: {  	[bflag:$0x0] =	sbarrier.arrive $0xFFFF  }
0xb4: {  	p0 =	sne.s32 s1, $0x0;
	_ =	strace $0x9000004A  }
0xb5: {  	s0 =	sadd.s32 @!p0 $0x100000, s0;
	[bflag:$0x2] =	sbarrier.arrive $0xFFFF  }
0xb6: {  	[sflag:s0] =	ssyncadd.tile.s32 @!p0 $0x1;
	_ =	shalt  }
.Lfunc_end2:
_tile_overlayer_lowered:
.L_overlay_start_2:
0xb7: {  	(tag) =	ssettag $0x2  }
0xb8: {  	s0 =	rddreg [dreg:$0x0];
	s2 =	stileid.u32  }
0xb9: {  	s1 =	rddreg [dreg:$0x1];
	p0 =	sne.s32 s2, $0x0  }
0xba: {  	s3 =	rddreg [dreg:$0x2];
	[bflag:$0x3] =	sbarrier.arrive $0xFFFF;
	s2 =	simm.s32 @!p0 $0x1C02  }
0xbb: {  	[timem:s3], [sflag:s2] =	dma.local @!p0 [hbm:s0], s1  }
0xbc: {  	s0 =	simm.s32 @!p0 $0x2  }
0xbd: {  	_ =	swait.ge @!p0 [sflag:s0], s1  }
0xbe: {  	s1 =	ssub.s32 @!p0 $0x0, s1;
	[sflag:s0] =	ssyncset.done @!p0 $0x0  }
0xbf: {  	[sflag:s0] =	ssyncadd.s32 @!p0 s1  }
0xc0: {  	[bflag:$0x3] =	sbarrier.arrive $0xFFFF  }
0xc1: {  	_ =	shalt  }

// kernel: kernel.18.cloned.1.call-start
scs
__scs_entry_jumppad:
0x0: {  	(pc) =	sbr.rel $0x88, $3  }
0x1: {  	(tag) =	ssettag $0x0;
	lr =	simm.s32 $0x1  }
0x2: {  	[smem:$0x3F98] =	sst lr;
	_ =	strace $0xD0000000  }
0x3: {  	_ = 	snop  }
0x4: {  	_ = 	snop  }
0x5: {  	_ = 	snop  }
0x6: {  	_ = 	snop  }
0x7: {  	_ = 	snop  }
__scs_overlays_trampoline_lowered:
0x8: {  	[smem:$0x3FA7] =	sst s0  }
0x9: {  	[smem:$0x3FA8] =	sst s1  }
0xa: {  	[smem:$0x3FA9] =	sst s2  }
0xb: {  	[smem:$0x3FAA] =	sst s3  }
0xc: {  	[smem:$0x3FAB] =	sst s4  }
0xd: {  	[smem:$0x3FAC] =	sst s5  }
0xe: {  	[smem:$0x3FAD] =	sst s6  }
0xf: {  	[smem:$0x3FAE] =	sst s7  }
0x10: {  	[smem:$0x3FAF] =	sst s8  }
0x11: {  	[smem:$0x3FB0] =	sst s9;
	s0 =	simm.s32 @!p0 $0x0  }
0x12: {  	s1 =	sld [smem:$0x3F96];
	s0 =	simm.s32 @p0 $0x1  }
0x13: {  	[smem:$0x3FB1] =	sst s0;
	s0 =	simm.s32 @!p1 $0x0  }
0x14: {  	s2 =	sld [smem:$0x3F95];
	s0 =	simm.s32 @p1 $0x1  }
0x15: {  	[smem:$0x3FB2] =	sst s0;
	s0 =	simm.s32 @!p2 $0x0  }
0x16: {  	s3 =	sld [smem:$0x3FDB];
	s0 =	simm.s32 @p2 $0x1  }
0x17: {  	s4 =	simm.s32 $0x1BF5;
	[smem:$0x3FB4] =	sst s0  }
0x18: {  	s0 =	sld [smem:$0x3F97];
	_ =	swait.ge [sflag:s4], $0x0  }
0x19: {  	s7 =	sld [smem:$0x3F98]  }
0x1a: {  	s8 =	sadd.s32 $0xFFFFE003, lr  }
0x1b: {  	s9 =	sadd.s32 $0xFFFFFEF7, lr;
	s5 =	simm.s32 $0xFFFFFFFF;
	p2 =	slt.u32 s8, $0xFFFFF086  }
0x1c: {  	p1 =	slt.u32 s9, $0xF7A;
	s5 =	simm.s32 @!p2 $0x0  }
0x1d: {  	s5 =	simm.s32 @p1 $0x1;
	p0 =	seq.s32 s7, s2  }
0x1e: {  	s7 =	smul.u32 @!p0 $0xF7A, s2;
	p2 =	seq.s32 @!p0 s5, $0x0  }
0x1f: {  	s9 =	smul.u32 $0xF7A, s1;
	s8 =	simm.s32 @!p0 $0x1BF5;
	p2 =	por !p2, p0  }
0x20: {  	[sflag:s8] =	ssyncset.s32 @!p0 $0xFFFFF086;
	s6 =	sadd.s32 @!p0 s3, s7;
	s7 =	simm.s32 @!p0 $0x108  }
0x21: {  	s3 =	sadd.s32 s3, s9;
	s6 =	sadd.s32 @!p0 $0x88, s6;
	s7 =	simm.s32 @p2 $0x1082  }
0x22: {  	[simem:s7], [sflag:s8] =	dma.local @!p0 [hbm:s6], $0xF7A  }
0x23: {  	s9 =	sor.u32 $0xD0000000, s2;
	s6 =	simm.s32 $0x108;
	_ =	swait.ge @!p0 [sflag:s8], $0x0  }
0x24: {  	s3 =	sadd.s32 $0x88, s3;
	s6 =	simm.s32 @!p1 $0x1082;
	[sflag:s4] =	ssyncset.s32 $0xFFFFF086  }
0x25: {  	[simem:s6], [sflag:s4] =	dma.local [hbm:s3], $0xF7A  }
0x26: {  	[smem:$0x3F98] =	sst s1;
	(tag) =	ssettag s2;
	_ =	strace s9  }
0x27: {  	s1 =	sld [smem:$0x3FA8]  }
0x28: {  	s2 =	sld [smem:$0x3FA9]  }
0x29: {  	s4 =	sld [smem:$0x3FAB]  }
0x2a: {  	p0 =	seq.s32 s5, $0x0;
	s5 =	sld [smem:$0x3FAC]  }
0x2b: {  	s6 =	sld [smem:$0x3FAD]  }
0x2c: {  	s7 =	sld [smem:$0x3FAE]  }
0x2d: {  	s3 =	simm.s32 $0x108;
	s8 =	sld [smem:$0x3FAF]  }
0x2e: {  	s3 =	simm.s32 @!p0 $0x1082;
	s9 =	sld [smem:$0x3FB0]  }
0x2f: {  	lr =	sadd.s32 s0, s3;
	s0 =	sld [smem:$0x3FA7]  }
0x30: {  	s3 =	sld [smem:$0x3FAA]  }
0x31: {  	[smem:$0x3FB3] =	sst s10  }
0x32: {  	s10 =	sld [smem:$0x3FB1];
	_ =	sdelay $0x3  }
0x33: {  	p0 =	seq.s32 s10, $0x1;
	s10 =	sld [smem:$0x3FB3];
	_ =	sdelay $0x3  }
0x34: {  	[smem:$0x3FB3] =	sst s10  }
0x35: {  	s10 =	sld [smem:$0x3FB2];
	_ =	sdelay $0x3  }
0x36: {  	p1 =	seq.s32 s10, $0x1;
	s10 =	sld [smem:$0x3FB3];
	_ =	sdelay $0x3  }
0x37: {  	[smem:$0x3FB3] =	sst s10  }
0x38: {  	s10 =	sld [smem:$0x3FB4]  }
0x39: {  	_ = 	snop;
	(pc) =	sbr.ind lr, $3  }
0x3a: {  	_ = 	snop  }
0x3b: {  	_ = 	snop  }
0x3c: {  	p2 =	seq.s32 s10, $0x1;
	s10 =	sld [smem:$0x3FB3]  }
0x3d: {  	_ =	shalt  }
0x3e: {  	_ =	shalt  }
0x3f: {  	_ =	shalt  }
0x40: {  	_ =	shalt  }
0x41: {  	_ =	shalt  }
0x42: {  	_ =	shalt  }
0x43: {  	_ =	shalt  }
0x44: {  	_ =	shalt  }
0x45: {  	_ =	shalt  }
0x46: {  	_ =	shalt  }
0x47: {  	_ =	shalt  }
0x48: {  	_ =	shalt  }
0x49: {  	_ =	shalt  }
0x4a: {  	_ =	shalt  }
0x4b: {  	_ =	shalt  }
0x4c: {  	_ =	shalt  }
0x4d: {  	_ =	shalt  }
0x4e: {  	_ =	shalt  }
0x4f: {  	_ =	shalt  }
0x50: {  	_ =	shalt  }
0x51: {  	_ =	shalt  }
0x52: {  	_ =	shalt  }
0x53: {  	_ =	shalt  }
0x54: {  	_ =	shalt  }
0x55: {  	_ =	shalt  }
0x56: {  	_ =	shalt  }
0x57: {  	_ =	shalt  }
0x58: {  	_ =	shalt  }
0x59: {  	_ =	shalt  }
0x5a: {  	_ =	shalt  }
0x5b: {  	_ =	shalt  }
0x5c: {  	_ =	shalt  }
0x5d: {  	_ =	shalt  }
0x5e: {  	_ =	shalt  }
0x5f: {  	_ =	shalt  }
0x60: {  	_ =	shalt  }
0x61: {  	_ =	shalt  }
0x62: {  	_ =	shalt  }
0x63: {  	_ =	shalt  }
0x64: {  	_ =	shalt  }
0x65: {  	_ =	shalt  }
0x66: {  	_ =	shalt  }
0x67: {  	_ =	shalt  }
0x68: {  	_ =	shalt  }
0x69: {  	_ =	shalt  }
0x6a: {  	_ =	shalt  }
0x6b: {  	_ =	shalt  }
0x6c: {  	_ =	shalt  }
0x6d: {  	_ =	shalt  }
0x6e: {  	_ =	shalt  }
0x6f: {  	_ =	shalt  }
0x70: {  	_ =	shalt  }
0x71: {  	_ =	shalt  }
0x72: {  	_ =	shalt  }
0x73: {  	_ =	shalt  }
0x74: {  	_ =	shalt  }
0x75: {  	_ =	shalt  }
0x76: {  	_ =	shalt  }
0x77: {  	_ =	shalt  }
0x78: {  	_ =	shalt  }
0x79: {  	_ =	shalt  }
0x7a: {  	_ =	shalt  }
0x7b: {  	_ =	shalt  }
0x7c: {  	_ =	shalt  }
0x7d: {  	_ =	shalt  }
0x7e: {  	_ =	shalt  }
0x7f: {  	_ =	shalt  }
0x80: {  	_ =	shalt  }
0x81: {  	_ =	shalt  }
0x82: {  	_ =	shalt  }
0x83: {  	_ =	shalt  }
0x84: {  	_ =	shalt  }
0x85: {  	_ =	shalt  }
0x86: {  	_ =	shalt  }
0x87: {  	_ =	shalt  }
.Lfunc_end0:
.L_simem_size_0:
called_computation.2_lowered:
.L_overlay_start_0:
0x88: {  	s2 =	sld [smem:$0x3FD9]  }
0x89: {  	s3 =	sld [smem:$0x3FFE];
	_ =	sdelay $0x1  }
0x8a: {  	s1 =	srdreg.scid  }
0x8b: {  	s0 =	sand.u32 $0x1, s1  }
0x8c: {  	s17 =	sshll.u32 s0, $0xA;
	s2 =	sadd.s32 s3, s2  }
0x8d: {  	s2 =	sadd.s32 s2, s17  }
0x8e: {  	[smem:$0x3FBF] =	sst s2  }
0x8f: {  	_ = 	snop  }
0x90: {  	s2 =	sld [smem:$0x3FD0];
	(tm) =	ssettm $0x1  }
0x91: {  	s18 =	sld [smem:$0x3FFB];
	_ =	sdelay $0x3  }
0x92: {  	_ =	strace s18  }
0x93: {  	s3 =	sld [smem:$0x3FFC];
	_ =	sdelay $0x3  }
0x94: {  	_ =	strace s3  }
0x95: {  	s3 =	sld [smem:$0x3FFD];
	_ =	sdelay $0x3  }
0x96: {  	_ =	strace s3  }
0x97: {  	_ =	strace $0x8FFFFFFF  }
0x98: {  	s19 =	sld [smem:$0x3FDB];
	_ =	sdelay $0x1  }
0x99: {  	s4 =	simm.s32 $_scs_section_size  }
0x9a: {  	s5 =	simm.s32 $_size__tile_overlayer_lowered;
	s6 =	simm.s32 $_tile_overlayer_lowered  }
0x9b: {  	s22 =	simm.s32 $0x1BFF;
	s21 =	sshll.u32 s6, $0x1;
	s3 =	sadd.s32 s4, s19  }
0x9c: {  	s7 =	simm.s32 $0x0;
	s20 =	sshll.u32 s5, $0x1;
	s5 =	sadd.s32 s21, s3  }
0x9d: {  	[timem:s7], [sflag:s22] =	dma.local [hbm:s5], s20  }
0x9e: {  	_ =	swait.ge [sflag:s22], s20  }
0x9f: {  	s4 =	ssub.s32 $0x0, s20;
	[sflag:s22] =	ssyncset.done $0x0  }
0xa0: {  	[sflag:s22] =	ssyncadd.s32 s4;
	_ =	sdelay $0x1  }
0xa1: {  	s23 =	simm.s32 $0x1B8B  }
0xa2: {  	_ =	swait.ge [sflag:s23], $0x1  }
0xa3: {  	[sflag:s23] =	ssyncset.done $0x0  }
0xa4: {  	s25 =	simm.s32 $0x1B8E;
	s24 =	sld [smem:$0x3FFE];
	[sflag:s23] =	ssyncadd.s32 $0xFFFFFFFF  }
0xa5: {  	s26 =	simm.s32 $execute0_lowered;
	[smem:$0x3FD2] =	sst s25  }
0xa6: {  	s5 =	sshll.u32 s26, $0x1;
	_ =	strace $0x8000004C;
	[dreg:$0x1] =	wrdreg $0xFFFFFFFF  }
0xa7: {  	s28 =	simm.s32 $_size_execute0_lowered;
	s3 =	sadd.s32 s3, s5;
	[dreg:$0x0] =	wrdreg $0x0  }
0xa8: {  	s5 =	sshll.u32 s28, $0x1;
	[dreg:$0x2] =	wrdreg s3  }
0xa9: {  	[dreg:$0x3] =	wrdreg s5  }
0xaa: {  	[dreg:$0x4] =	wrdreg $0xC0  }
0xab: {  	_ =	task [dreg:s7], $0x5FFFF  }
0xac: {  	[dreg:$0x1] =	wrdreg $0xFFFFFFFF  }
0xad: {  	[dreg:$0x0] =	wrdreg $0x60  }
0xae: {  	[dreg:$0x2] =	wrdreg s2  }
0xaf: {  	[dreg:$0x3] =	wrdreg s24  }
0xb0: {  	[dreg:$0x4] =	wrdreg $0xA8000  }
0xb1: {  	[dreg:$0x5] =	wrdreg $0x9  }
0xb2: {  	_ =	task.clear_ibuf [dreg:s7], $0x6FFFF;
	_ =	strace $0x9000004C  }
0xb3: {  	s29 =	simm.s32 $0x9;
	_ =	strace $0x8000004E  }
0xb4: {  	_ =	swait.ge [sflag:s29], $0x1  }
0xb5: {  	[sflag:s29] =	ssyncadd.s32 $0xFFFFFFFF  }
0xb6: {  	_ =	strace $0x9000004E  }
0xb7: {  	_ =	sfence  }
0xb8: {  	s30 =	sld [smem:$0x0];
	_ =	sdelay $0x2  }
0xb9: {  	s31 =	sshll.u32 s1, $0xD;
	s1 =	sshrl.u32 s1, $0x2  }
0xba: {  	s3 =	sand.u32 $0x4000, s31;
	s1 =	sadd.s32 s1, s30  }
0xbb: {  	s0 =	sor.u32 s3, s0;
	s1 =	sshll.u32 s1, $0x11  }
0xbc: {  	s0 =	sor.u32 s1, s0  }
0xbd: {  	s0 =	sadd.s32 $0x8F2B, s0  }
0xbe: {  	[sflag:s0] =	ssyncadd.remote.s32 $0x1  }
0xbf: {  	_ =	sfence.sel $0xFFFF  }
0xc0: {  	[dreg:$0x0] =	wrdreg $0xFFFFFFFF;
	(pc) =	sbr.abs _section_cstart, $3  }
0xc1: {  	[dreg:$0x1] =	wrdreg $0xFFFFFFFF  }
0xc2: {  	_ =	task.clear_ibuf [dreg:s7], $0x2FFFF;
	_ =	strace $0x9FFFFFFF  }
0xc3: {  	(tm) =	ssettm $0x7FFFFFFF  }
tec
execute0_lowered:
.L_overlay_start_1:
0x0: {  	(tag) =	ssettag $0x1  }
0x1: {  	s2 =	rddreg [dreg:$0x0]  }
0x2: {  	s5 =	rddreg [dreg:$0x1]  }
0x3: {  	s3 =	rddreg [dreg:$0x2]  }
0x4: {  	s0 =	rddreg [dreg:$0x3]  }
0x5: {  	s1 =	stileid.u32;
	s6 =	srdreg.scid;
	s4 =	simm.s32 $0x0  }
0x6: {  	s16 =	simm.s32 $0x80;
	s17 =	simm.s32 $0x2800;
	s18 =	simm.s32 $0x6800  }
0x7: {  	s19 =	simm.s32 $0x1;
	s20 =	simm.s32 $0x1380;
	s21 =	simm.s32 $0x2700  }
0x8: {  	s22 =	simm.s32 $0x2780;
	s23 =	simm.s32 $0x0;
	s7 =	smul.u32 $0x2780, s1  }
0x9: {  	s6 =	sand.u32 $0x1, s6;
	[smem:$0x7FF] =	sst s4;
	s9 =	sadd.s32 $0x4800, s5  }
0xa: {  	s10 =	sadd.s32 $0xE800, s5;
	s12 =	smul.u32 $0x4F000, s1;
	s29 =	sshll.u32 s1, $0x6  }
0xb: {  	s8 =	smul.u32 $0x27800, s6;
	_ =	strace $0x8000004D;
	s24 =	ssub.s32 $0x2, s6  }
0xc: {  	s6 =	sshll.u32 s6, $0x4;
	s11 =	sadd.s32 s7, s5;
	s25 =	sshrl.u32 s24, $0x1  }
0xd: {  	s6 =	sor.u32 s1, s6;
	s26 =	sshrl.u32 s12, $0x2;
	s7 =	sadd.s32 s7, s8  }
0xe: {  	s14 =	ssub.s32 s24, s25;
	s28 =	smul.u32 $0x2800, s6;
	s15 =	sadd.s32 s26, s3  }
0xf: {  	s30 =	smul.u32 $0x500, s6;
	s6 =	sor.u32 $0x1C02, s29;
	s13 =	sadd.s32 s7, s5  }
0x10: {  	s5 =	sadd.s32 $0x19000, s11;
	s12 =	smax.u32 s14, $0x1;
	s31 =	sshrl.u32 s28, $0x3  }
0x11: {  	s14 =	simm.s32 $0x2;
	s7 =	sadd.s32 s9, s30;
	s11 =	sadd.s32 $0x280, s31  }
0x12: {  	s8 =	sadd.s32 s10, s30;
	s9 =	sadd.s32 s9, s11;
	s10 =	sadd.s32 s10, s11  }
0x13: {  	s11 =	sadd.s32 $0x40800, s13;
	s13 =	sshrl.u32 s15, $0x3;
	s15 =	simm.s32 $0x1400  }
.LBB2_1:
0x14: {  	[spmem:s13], [sflag:s6] =	dma.local [hbm:s5], $0x2780  }
0x15: {  	_ =	swait.ge [sflag:s14], $0x2780  }
0x16: {  	[sflag:s14] =	ssyncset.done $0x0  }
0x17: {  	[sflag:s14] =	ssyncadd.s32 $0xFFFFD880  }
0x18: {  	[bflag:$0x0] =	sbarrier.arrive $0xFFFF  }
0x19: {  	[tilespmem:s4], [sflag:$0x2] =	stream.linear.gather [hbm4b:s7+s4], $0x1400, $0x38;
	[tilespmem:$0x1E400] =	vst v63  }
0x1a: {  	_ =	swait.ge [sflag:s14], $0x1400  }
0x1b: {  	[sflag:s14] =	ssyncset.done $0x0  }
0x1c: {  	[sflag:s14] =	ssyncadd.s32 $0xFFFFEC00  }
0x1d: {  	[tilespmem:s15], [sflag:$0x2] =	stream.linear.gather [hbm4b:s8+s4], $0x1400, $0x38;
	[tilespmem:$0x1E400] =	vst v63  }
0x1e: {  	_ =	swait.ge [sflag:s14], $0x1400  }
0x1f: {  	[sflag:s14] =	ssyncset.done $0x0  }
0x20: {  	[sflag:s14] =	ssyncadd.s32 $0xFFFFEC00  }
0x21: {  	[tilespmem:s17], [sflag:$0x1] =	stream.indirect.gather [hbm4b:s2+s16], $0x80, s4, s16, $0xb8;
	[tilespmem:$0x1E400] =	vst v63  }
0x22: {  	s24 =	simm.s32 $0x80  }
0x23: {  	[tilespmem:s18], [sflag:$0x1] =	stream.indirect.gather [hbm4b:s2+s16], $0x80, s24, s16, $0xb8;
	[tilespmem:$0x1E400] =	vst v63  }
0x24: {  	_ =	swait.ge [sflag:s19], $0x4000  }
0x25: {  	[sflag:s19] =	ssyncset.done $0x0  }
0x26: {  	s29 =	simm.s32 $0x1400;
	[sflag:s19] =	ssyncadd.s32 $0xFFFFC000  }
0x27: {  	[spmem:s3] =	stream.indirect.scatter.add.f32 [tilespmem:s17], [sflag:$0x2], $0x80, s29, s16, $0xb8;
	[tilespmem:$0x1E400] =	vst v63  }
0x28: {  	_ =	swait.ge [sflag:s14], $0x4000  }
0x29: {  	[sflag:s14] =	ssyncset.done $0x0  }
0x2a: {  	s30 =	simm.s32 $0x100;
	[sflag:s14] =	ssyncadd.s32 $0xFFFFC000  }
0x2b: {  	[tilespmem:s17], [sflag:$0x1] =	stream.indirect.gather [hbm4b:s2+s16], $0x80, s30, s16, $0xb8;
	[tilespmem:$0x1E400] =	vst v63  }
0x2c: {  	_ =	swait.ge [sflag:s19], $0x4000  }
0x2d: {  	[sflag:s19] =	ssyncset.done $0x0  }
0x2e: {  	s31 =	simm.s32 $0x1480;
	[sflag:s19] =	ssyncadd.s32 $0xFFFFC000  }
0x2f: {  	[spmem:s3] =	stream.indirect.scatter.add.f32 [tilespmem:s18], [sflag:$0x2], $0x80, s31, s16, $0xb8;
	[tilespmem:$0x1E400] =	vst v63  }
0x30: {  	_ =	swait.ge [sflag:s14], $0x4000  }
0x31: {  	s25 =	simm.s32 $0x800;
	s24 =	simm.s32 $0x100;
	[sflag:s14] =	ssyncset.done $0x0  }
.LBB2_2:
0x32: {  	s26 =	sadd.s32 $0x80, s24  }
0x33: {  	[sflag:s14] =	ssyncadd.s32 $0xFFFFC000;
	s28 =	smov.u32 s25;
	s29 =	sadd.s32 $0x400, s25  }
0x34: {  	[tilespmem:s18], [sflag:$0x1] =	stream.indirect.gather [hbm4b:s2+s16], $0x80, s26, s16, $0xb8;
	[tilespmem:$0x1E400] =	vst v63  }
0x35: {  	p0 =	sne.s32 s25, $0x4800;
	_ =	swait.ge [sflag:s19], $0x4000  }
0x36: {  	[sflag:s19] =	ssyncset.done $0x0  }
0x37: {  	s25 =	sadd.s32 $0x1400, s24;
	[sflag:s19] =	ssyncadd.s32 $0xFFFFC000  }
0x38: {  	[spmem:s3] =	stream.indirect.scatter.add.f32 [tilespmem:s17], [sflag:$0x2], $0x80, s25, s16, $0xb8;
	[tilespmem:$0x1E400] =	vst v63  }
0x39: {  	_ =	swait.ge [sflag:s14], $0x4000  }
0x3a: {  	[sflag:s14] =	ssyncset.done $0x0  }
0x3b: {  	s25 =	sadd.s32 $0x100, s24;
	[sflag:s14] =	ssyncadd.s32 $0xFFFFC000  }
0x3c: {  	[tilespmem:s17], [sflag:$0x1] =	stream.indirect.gather [hbm4b:s2+s16], $0x80, s25, s16, $0xb8;
	[tilespmem:$0x1E400] =	vst v63  }
0x3d: {  	_ =	swait.ge [sflag:s19], $0x4000  }
.Ltmp0:
0x3e: {  	[sflag:s19] =	ssyncset.done $0x0;
	(pc) =	sbr.rel @p0 .LBB2_2-.Ltmp0, $4  }
0x3f: {  	s24 =	sadd.s32 $0x1480, s24;
	[sflag:s19] =	ssyncadd.s32 $0xFFFFC000  }
0x40: {  	[spmem:s3] =	stream.indirect.scatter.add.f32 [tilespmem:s18], [sflag:$0x2], $0x80, s24, s16, $0xb8;
	[tilespmem:$0x1E400] =	vst v63  }
0x41: {  	_ =	swait.ge [sflag:s14], $0x4000  }
0x42: {  	s25 =	smov.u32 s29;
	s24 =	sshra.s32 s28, $0x2;
	[sflag:s14] =	ssyncset.done $0x0  }
0x43: {  	s25 =	sadd.s32 $0x80, s24;
	[sflag:s14] =	ssyncadd.s32 $0xFFFFC000  }
0x44: {  	[tilespmem:s18], [sflag:$0x1] =	stream.indirect.gather [hbm4b:s2+s16], $0x80, s25, s16, $0xb8;
	[tilespmem:$0x1E400] =	vst v63  }
0x45: {  	_ =	swait.ge [sflag:s19], $0x4000  }
0x46: {  	[sflag:s19] =	ssyncset.done $0x0  }
0x47: {  	s30 =	sadd.s32 $0x1400, s24;
	[sflag:s19] =	ssyncadd.s32 $0xFFFFC000  }
0x48: {  	[spmem:s3] =	stream.indirect.scatter.add.f32 [tilespmem:s17], [sflag:$0x2], $0x80, s30, s16, $0xb8;
	[tilespmem:$0x1E400] =	vst v63  }
0x49: {  	_ =	swait.ge [sflag:s14], $0x4000  }
0x4a: {  	[sflag:s14] =	ssyncset.done $0x0  }
0x4b: {  	s31 =	sadd.s32 $0x100, s24;
	[sflag:s14] =	ssyncadd.s32 $0xFFFFC000  }
0x4c: {  	[tilespmem:s17], [sflag:$0x1] =	stream.indirect.gather [hbm4b:s2+s16], $0x80, s31, s16, $0xb8;
	[tilespmem:$0x1E400] =	vst v63  }
0x4d: {  	_ =	swait.ge [sflag:s19], $0x4000  }
0x4e: {  	[sflag:s19] =	ssyncset.done $0x0  }
0x4f: {  	s25 =	sadd.s32 $0x1480, s24;
	[sflag:s19] =	ssyncadd.s32 $0xFFFFC000  }
0x50: {  	[spmem:s3] =	stream.indirect.scatter.add.f32 [tilespmem:s18], [sflag:$0x2], $0x80, s25, s16, $0xb8;
	[tilespmem:$0x1E400] =	vst v63  }
0x51: {  	_ =	swait.ge [sflag:s14], $0x4000  }
0x52: {  	[sflag:s14] =	ssyncset.done $0x0  }
0x53: {  	[sflag:s14] =	ssyncadd.s32 $0xFFFFC000  }
0x54: {  	[tilespmem:s18], [sflag:$0x1] =	stream.indirect.gather [hbm4b:s2+s16], $0x80, s20, s16, $0xb8;
	[tilespmem:$0x1E400] =	vst v63  }
0x55: {  	_ =	swait.ge [sflag:s19], $0x4000  }
0x56: {  	[sflag:s19] =	ssyncset.done $0x0  }
0x57: {  	[sflag:s19] =	ssyncadd.s32 $0xFFFFC000  }
0x58: {  	[spmem:s3] =	stream.indirect.scatter.add.f32 [tilespmem:s17], [sflag:$0x2], $0x80, s21, s16, $0xb8;
	[tilespmem:$0x1E400] =	vst v63  }
0x59: {  	_ =	swait.ge [sflag:s14], $0x4000  }
0x5a: {  	[sflag:s14] =	ssyncset.done $0x0  }
0x5b: {  	[sflag:s14] =	ssyncadd.s32 $0xFFFFC000  }
0x5c: {  	_ =	swait.ge [sflag:s19], $0x4000  }
0x5d: {  	[sflag:s19] =	ssyncset.done $0x0  }
0x5e: {  	[sflag:s19] =	ssyncadd.s32 $0xFFFFC000  }
0x5f: {  	[spmem:s3] =	stream.indirect.scatter.add.f32 [tilespmem:s18], [sflag:$0x2], $0x80, s22, s16, $0xb8;
	[tilespmem:$0x1E400] =	vst v63  }
0x60: {  	_ =	swait.ge [sflag:s14], $0x4000  }
0x61: {  	[sflag:s14] =	ssyncset.done $0x0  }
0x62: {  	s26 =	simm.s32 $0x0;
	[sflag:s14] =	ssyncadd.s32 $0xFFFFC000  }
0x63: {  	[tilespmem:s26], [sflag:$0x2] =	stream.linear.gather [hbm4b:s9+s26], $0x1400, $0x38;
	[tilespmem:$0x1E400] =	vst v63  }
0x64: {  	_ =	swait.ge [sflag:s14], $0x1400  }
0x65: {  	[sflag:s14] =	ssyncset.done $0x0  }
0x66: {  	[sflag:s14] =	ssyncadd.s32 $0xFFFFEC00  }
0x67: {  	[tilespmem:s15], [sflag:$0x2] =	stream.linear.gather [hbm4b:s10+s26], $0x1400, $0x38;
	[tilespmem:$0x1E400] =	vst v63  }
0x68: {  	_ =	swait.ge [sflag:s14], $0x1400  }
0x69: {  	[sflag:s14] =	ssyncset.done $0x0  }
0x6a: {  	[sflag:s14] =	ssyncadd.s32 $0xFFFFEC00  }
0x6b: {  	[tilespmem:s17], [sflag:$0x1] =	stream.indirect.gather [hbm4b:s2+s16], $0x80, s26, s16, $0xb8;
	[tilespmem:$0x1E400] =	vst v63  }
0x6c: {  	s28 =	simm.s32 $0x80  }
0x6d: {  	[tilespmem:s18], [sflag:$0x1] =	stream.indirect.gather [hbm4b:s2+s16], $0x80, s28, s16, $0xb8;
	[tilespmem:$0x1E400] =	vst v63  }
0x6e: {  	_ =	swait.ge [sflag:s19], $0x4000  }
0x6f: {  	[sflag:s19] =	ssyncset.done $0x0  }
0x70: {  	s29 =	simm.s32 $0x1400;
	[sflag:s19] =	ssyncadd.s32 $0xFFFFC000  }
0x71: {  	[spmem:s3] =	stream.indirect.scatter.add.f32 [tilespmem:s17], [sflag:$0x2], $0x80, s29, s16, $0xb8;
	[tilespmem:$0x1E400] =	vst v63  }
0x72: {  	_ =	swait.ge [sflag:s14], $0x4000  }
0x73: {  	[sflag:s14] =	ssyncset.done $0x0  }
0x74: {  	s30 =	simm.s32 $0x100;
	[sflag:s14] =	ssyncadd.s32 $0xFFFFC000  }
0x75: {  	[tilespmem:s17], [sflag:$0x1] =	stream.indirect.gather [hbm4b:s2+s16], $0x80, s30, s16, $0xb8;
	[tilespmem:$0x1E400] =	vst v63  }
0x76: {  	_ =	swait.ge [sflag:s19], $0x4000  }
0x77: {  	[sflag:s19] =	ssyncset.done $0x0  }
0x78: {  	s31 =	simm.s32 $0x1480;
	[sflag:s19] =	ssyncadd.s32 $0xFFFFC000  }
0x79: {  	[spmem:s3] =	stream.indirect.scatter.add.f32 [tilespmem:s18], [sflag:$0x2], $0x80, s31, s16, $0xb8;
	[tilespmem:$0x1E400] =	vst v63  }
0x7a: {  	_ =	swait.ge [sflag:s14], $0x4000  }
0x7b: {  	s24 =	simm.s32 $0x100;
	s25 =	simm.s32 $0x800;
	[sflag:s14] =	ssyncset.done $0x0  }
.LBB2_4:
0x7c: {  	s26 =	sadd.s32 $0x80, s24  }
0x7d: {  	[sflag:s14] =	ssyncadd.s32 $0xFFFFC000;
	s28 =	smov.u32 s25;
	s29 =	sadd.s32 $0x400, s25  }
0x7e: {  	[tilespmem:s18], [sflag:$0x1] =	stream.indirect.gather [hbm4b:s2+s16], $0x80, s26, s16, $0xb8;
	[tilespmem:$0x1E400] =	vst v63  }
0x7f: {  	p0 =	sne.s32 s25, $0x4800;
	_ =	swait.ge [sflag:s19], $0x4000  }
0x80: {  	[sflag:s19] =	ssyncset.done $0x0  }
0x81: {  	s25 =	sadd.s32 $0x1400, s24;
	[sflag:s19] =	ssyncadd.s32 $0xFFFFC000  }
0x82: {  	[spmem:s3] =	stream.indirect.scatter.add.f32 [tilespmem:s17], [sflag:$0x2], $0x80, s25, s16, $0xb8;
	[tilespmem:$0x1E400] =	vst v63  }
0x83: {  	_ =	swait.ge [sflag:s14], $0x4000  }
0x84: {  	[sflag:s14] =	ssyncset.done $0x0  }
0x85: {  	s25 =	sadd.s32 $0x100, s24;
	[sflag:s14] =	ssyncadd.s32 $0xFFFFC000  }
0x86: {  	[tilespmem:s17], [sflag:$0x1] =	stream.indirect.gather [hbm4b:s2+s16], $0x80, s25, s16, $0xb8;
	[tilespmem:$0x1E400] =	vst v63  }
0x87: {  	_ =	swait.ge [sflag:s19], $0x4000  }
.Ltmp1:
0x88: {  	[sflag:s19] =	ssyncset.done $0x0;
	(pc) =	sbr.rel @p0 .LBB2_4-.Ltmp1, $4  }
0x89: {  	s24 =	sadd.s32 $0x1480, s24;
	[sflag:s19] =	ssyncadd.s32 $0xFFFFC000  }
0x8a: {  	[spmem:s3] =	stream.indirect.scatter.add.f32 [tilespmem:s18], [sflag:$0x2], $0x80, s24, s16, $0xb8;
	[tilespmem:$0x1E400] =	vst v63  }
0x8b: {  	_ =	swait.ge [sflag:s14], $0x4000  }
0x8c: {  	s25 =	smov.u32 s29;
	s24 =	sshra.s32 s28, $0x2;
	[sflag:s14] =	ssyncset.done $0x0  }
0x8d: {  	s25 =	sadd.s32 $0x80, s24;
	[sflag:s14] =	ssyncadd.s32 $0xFFFFC000  }
0x8e: {  	[tilespmem:s18], [sflag:$0x1] =	stream.indirect.gather [hbm4b:s2+s16], $0x80, s25, s16, $0xb8;
	[tilespmem:$0x1E400] =	vst v63  }
0x8f: {  	_ =	swait.ge [sflag:s19], $0x4000  }
0x90: {  	[sflag:s19] =	ssyncset.done $0x0  }
0x91: {  	s29 =	sadd.s32 $0x1400, s24;
	[sflag:s19] =	ssyncadd.s32 $0xFFFFC000  }
0x92: {  	[spmem:s3] =	stream.indirect.scatter.add.f32 [tilespmem:s17], [sflag:$0x2], $0x80, s29, s16, $0xb8;
	[tilespmem:$0x1E400] =	vst v63  }
0x93: {  	_ =	swait.ge [sflag:s14], $0x4000  }
0x94: {  	[sflag:s14] =	ssyncset.done $0x0  }
0x95: {  	s30 =	sadd.s32 $0x100, s24;
	[sflag:s14] =	ssyncadd.s32 $0xFFFFC000  }
0x96: {  	[tilespmem:s17], [sflag:$0x1] =	stream.indirect.gather [hbm4b:s2+s16], $0x80, s30, s16, $0xb8;
	[tilespmem:$0x1E400] =	vst v63  }
0x97: {  	_ =	swait.ge [sflag:s19], $0x4000  }
0x98: {  	[sflag:s19] =	ssyncset.done $0x0  }
0x99: {  	s31 =	sadd.s32 $0x1480, s24;
	[sflag:s19] =	ssyncadd.s32 $0xFFFFC000  }
0x9a: {  	[spmem:s3] =	stream.indirect.scatter.add.f32 [tilespmem:s18], [sflag:$0x2], $0x80, s31, s16, $0xb8;
	[tilespmem:$0x1E400] =	vst v63  }
0x9b: {  	_ =	swait.ge [sflag:s14], $0x4000  }
0x9c: {  	[sflag:s14] =	ssyncset.done $0x0  }
0x9d: {  	[sflag:s14] =	ssyncadd.s32 $0xFFFFC000  }
0x9e: {  	[tilespmem:s18], [sflag:$0x1] =	stream.indirect.gather [hbm4b:s2+s16], $0x80, s20, s16, $0xb8;
	[tilespmem:$0x1E400] =	vst v63  }
0x9f: {  	_ =	swait.ge [sflag:s19], $0x4000  }
0xa0: {  	[sflag:s19] =	ssyncset.done $0x0  }
0xa1: {  	[sflag:s19] =	ssyncadd.s32 $0xFFFFC000  }
0xa2: {  	[spmem:s3] =	stream.indirect.scatter.add.f32 [tilespmem:s17], [sflag:$0x2], $0x80, s21, s16, $0xb8;
	[tilespmem:$0x1E400] =	vst v63  }
0xa3: {  	_ =	swait.ge [sflag:s14], $0x4000  }
0xa4: {  	[sflag:s14] =	ssyncset.done $0x0  }
0xa5: {  	[sflag:s14] =	ssyncadd.s32 $0xFFFFC000  }
0xa6: {  	_ =	swait.ge [sflag:s19], $0x4000  }
0xa7: {  	[sflag:s19] =	ssyncset.done $0x0  }
0xa8: {  	[sflag:s19] =	ssyncadd.s32 $0xFFFFC000  }
0xa9: {  	[spmem:s3] =	stream.indirect.scatter.add.f32 [tilespmem:s18], [sflag:$0x2], $0x80, s22, s16, $0xb8;
	[tilespmem:$0x1E400] =	vst v63  }
0xaa: {  	_ =	swait.ge [sflag:s14], $0x4000  }
0xab: {  	s23 =	sadd.s32 $0x1, s23;
	[sflag:s14] =	ssyncset.done $0x0  }
0xac: {  	p0 =	sne.s32 s23, s12;
	[sflag:s14] =	ssyncadd.s32 $0xFFFFC000  }
.Ltmp2:
0xad: {  	[bflag:$0x0] =	sbarrier.arrive $0xFFFF;
	(pc) =	sbr.rel @p0 .LBB2_1-.Ltmp2, $4  }
0xae: {  	[hbm:s11], [sflag:s6] =	dma.local [spmem:s13], $0x2780  }
0xaf: {  	_ =	swait.ge [sflag:s14], $0x2780  }
0xb0: {  	[sflag:s14] =	ssyncset.done $0x0  }
0xb1: {  	[sflag:s14] =	ssyncadd.s32 $0xFFFFD880  }
0xb2: {  	_ =	sfence.sel $0x180000  }
0xb3: {  	[bflag:$0x0] =	sbarrier.arrive $0xFFFF  }
0xb4: {  	p0 =	sne.s32 s1, $0x0;
	_ =	strace $0x9000004D  }
0xb5: {  	s0 =	sadd.s32 @!p0 $0x100000, s0;
	[bflag:$0x2] =	sbarrier.arrive $0xFFFF  }
0xb6: {  	[sflag:s0] =	ssyncadd.tile.s32 @!p0 $0x1;
	_ =	shalt  }
.Lfunc_end2:
_tile_overlayer_lowered:
.L_overlay_start_2:
0xb7: {  	(tag) =	ssettag $0x2  }
0xb8: {  	s0 =	rddreg [dreg:$0x0];
	s2 =	stileid.u32  }
0xb9: {  	s1 =	rddreg [dreg:$0x1];
	p0 =	sne.s32 s2, $0x0  }
0xba: {  	s3 =	rddreg [dreg:$0x2];
	[bflag:$0x3] =	sbarrier.arrive $0xFFFF;
	s2 =	simm.s32 @!p0 $0x1C02  }
0xbb: {  	[timem:s3], [sflag:s2] =	dma.local @!p0 [hbm:s0], s1  }
0xbc: {  	s0 =	simm.s32 @!p0 $0x2  }
0xbd: {  	_ =	swait.ge @!p0 [sflag:s0], s1  }
0xbe: {  	s1 =	ssub.s32 @!p0 $0x0, s1;
	[sflag:s0] =	ssyncset.done @!p0 $0x0  }
0xbf: {  	[sflag:s0] =	ssyncadd.s32 @!p0 s1  }
0xc0: {  	[bflag:$0x3] =	sbarrier.arrive $0xFFFF  }
0xc1: {  	_ =	shalt  }

// kernel: kernel.21.cloned.1.call-start
scs
__scs_entry_jumppad:
0x0: {  	(pc) =	sbr.rel $0x88, $3  }
0x1: {  	(tag) =	ssettag $0x0;
	lr =	simm.s32 $0x1  }
0x2: {  	[smem:$0x3F98] =	sst lr;
	_ =	strace $0xD0000000  }
0x3: {  	_ = 	snop  }
0x4: {  	_ = 	snop  }
0x5: {  	_ = 	snop  }
0x6: {  	_ = 	snop  }
0x7: {  	_ = 	snop  }
__scs_overlays_trampoline_lowered:
0x8: {  	[smem:$0x3FA7] =	sst s0  }
0x9: {  	[smem:$0x3FA8] =	sst s1  }
0xa: {  	[smem:$0x3FA9] =	sst s2  }
0xb: {  	[smem:$0x3FAA] =	sst s3  }
0xc: {  	[smem:$0x3FAB] =	sst s4  }
0xd: {  	[smem:$0x3FAC] =	sst s5  }
0xe: {  	[smem:$0x3FAD] =	sst s6  }
0xf: {  	[smem:$0x3FAE] =	sst s7  }
0x10: {  	[smem:$0x3FAF] =	sst s8  }
0x11: {  	[smem:$0x3FB0] =	sst s9;
	s0 =	simm.s32 @!p0 $0x0  }
0x12: {  	s1 =	sld [smem:$0x3F96];
	s0 =	simm.s32 @p0 $0x1  }
0x13: {  	[smem:$0x3FB1] =	sst s0;
	s0 =	simm.s32 @!p1 $0x0  }
0x14: {  	s2 =	sld [smem:$0x3F95];
	s0 =	simm.s32 @p1 $0x1  }
0x15: {  	[smem:$0x3FB2] =	sst s0;
	s0 =	simm.s32 @!p2 $0x0  }
0x16: {  	s3 =	sld [smem:$0x3FDB];
	s0 =	simm.s32 @p2 $0x1  }
0x17: {  	s4 =	simm.s32 $0x1BF5;
	[smem:$0x3FB4] =	sst s0  }
0x18: {  	s0 =	sld [smem:$0x3F97];
	_ =	swait.ge [sflag:s4], $0x0  }
0x19: {  	s7 =	sld [smem:$0x3F98]  }
0x1a: {  	s8 =	sadd.s32 $0xFFFFE003, lr  }
0x1b: {  	s9 =	sadd.s32 $0xFFFFFEF7, lr;
	s5 =	simm.s32 $0xFFFFFFFF;
	p2 =	slt.u32 s8, $0xFFFFF086  }
0x1c: {  	p1 =	slt.u32 s9, $0xF7A;
	s5 =	simm.s32 @!p2 $0x0  }
0x1d: {  	s5 =	simm.s32 @p1 $0x1;
	p0 =	seq.s32 s7, s2  }
0x1e: {  	s7 =	smul.u32 @!p0 $0xF7A, s2;
	p2 =	seq.s32 @!p0 s5, $0x0  }
0x1f: {  	s9 =	smul.u32 $0xF7A, s1;
	s8 =	simm.s32 @!p0 $0x1BF5;
	p2 =	por !p2, p0  }
0x20: {  	[sflag:s8] =	ssyncset.s32 @!p0 $0xFFFFF086;
	s6 =	sadd.s32 @!p0 s3, s7;
	s7 =	simm.s32 @!p0 $0x108  }
0x21: {  	s3 =	sadd.s32 s3, s9;
	s6 =	sadd.s32 @!p0 $0x88, s6;
	s7 =	simm.s32 @p2 $0x1082  }
0x22: {  	[simem:s7], [sflag:s8] =	dma.local @!p0 [hbm:s6], $0xF7A  }
0x23: {  	s9 =	sor.u32 $0xD0000000, s2;
	s6 =	simm.s32 $0x108;
	_ =	swait.ge @!p0 [sflag:s8], $0x0  }
0x24: {  	s3 =	sadd.s32 $0x88, s3;
	s6 =	simm.s32 @!p1 $0x1082;
	[sflag:s4] =	ssyncset.s32 $0xFFFFF086  }
0x25: {  	[simem:s6], [sflag:s4] =	dma.local [hbm:s3], $0xF7A  }
0x26: {  	[smem:$0x3F98] =	sst s1;
	(tag) =	ssettag s2;
	_ =	strace s9  }
0x27: {  	s1 =	sld [smem:$0x3FA8]  }
0x28: {  	s2 =	sld [smem:$0x3FA9]  }
0x29: {  	s4 =	sld [smem:$0x3FAB]  }
0x2a: {  	p0 =	seq.s32 s5, $0x0;
	s5 =	sld [smem:$0x3FAC]  }
0x2b: {  	s6 =	sld [smem:$0x3FAD]  }
0x2c: {  	s7 =	sld [smem:$0x3FAE]  }
0x2d: {  	s3 =	simm.s32 $0x108;
	s8 =	sld [smem:$0x3FAF]  }
0x2e: {  	s3 =	simm.s32 @!p0 $0x1082;
	s9 =	sld [smem:$0x3FB0]  }
0x2f: {  	lr =	sadd.s32 s0, s3;
	s0 =	sld [smem:$0x3FA7]  }
0x30: {  	s3 =	sld [smem:$0x3FAA]  }
0x31: {  	[smem:$0x3FB3] =	sst s10  }
0x32: {  	s10 =	sld [smem:$0x3FB1];
	_ =	sdelay $0x3  }
0x33: {  	p0 =	seq.s32 s10, $0x1;
	s10 =	sld [smem:$0x3FB3];
	_ =	sdelay $0x3  }
0x34: {  	[smem:$0x3FB3] =	sst s10  }
0x35: {  	s10 =	sld [smem:$0x3FB2];
	_ =	sdelay $0x3  }
0x36: {  	p1 =	seq.s32 s10, $0x1;
	s10 =	sld [smem:$0x3FB3];
	_ =	sdelay $0x3  }
0x37: {  	[smem:$0x3FB3] =	sst s10  }
0x38: {  	s10 =	sld [smem:$0x3FB4]  }
0x39: {  	_ = 	snop;
	(pc) =	sbr.ind lr, $3  }
0x3a: {  	_ = 	snop  }
0x3b: {  	_ = 	snop  }
0x3c: {  	p2 =	seq.s32 s10, $0x1;
	s10 =	sld [smem:$0x3FB3]  }
0x3d: {  	_ =	shalt  }
0x3e: {  	_ =	shalt  }
0x3f: {  	_ =	shalt  }
0x40: {  	_ =	shalt  }
0x41: {  	_ =	shalt  }
0x42: {  	_ =	shalt  }
0x43: {  	_ =	shalt  }
0x44: {  	_ =	shalt  }
0x45: {  	_ =	shalt  }
0x46: {  	_ =	shalt  }
0x47: {  	_ =	shalt  }
0x48: {  	_ =	shalt  }
0x49: {  	_ =	shalt  }
0x4a: {  	_ =	shalt  }
0x4b: {  	_ =	shalt  }
0x4c: {  	_ =	shalt  }
0x4d: {  	_ =	shalt  }
0x4e: {  	_ =	shalt  }
0x4f: {  	_ =	shalt  }
0x50: {  	_ =	shalt  }
0x51: {  	_ =	shalt  }
0x52: {  	_ =	shalt  }
0x53: {  	_ =	shalt  }
0x54: {  	_ =	shalt  }
0x55: {  	_ =	shalt  }
0x56: {  	_ =	shalt  }
0x57: {  	_ =	shalt  }
0x58: {  	_ =	shalt  }
0x59: {  	_ =	shalt  }
0x5a: {  	_ =	shalt  }
0x5b: {  	_ =	shalt  }
0x5c: {  	_ =	shalt  }
0x5d: {  	_ =	shalt  }
0x5e: {  	_ =	shalt  }
0x5f: {  	_ =	shalt  }
0x60: {  	_ =	shalt  }
0x61: {  	_ =	shalt  }
0x62: {  	_ =	shalt  }
0x63: {  	_ =	shalt  }
0x64: {  	_ =	shalt  }
0x65: {  	_ =	shalt  }
0x66: {  	_ =	shalt  }
0x67: {  	_ =	shalt  }
0x68: {  	_ =	shalt  }
0x69: {  	_ =	shalt  }
0x6a: {  	_ =	shalt  }
0x6b: {  	_ =	shalt  }
0x6c: {  	_ =	shalt  }
0x6d: {  	_ =	shalt  }
0x6e: {  	_ =	shalt  }
0x6f: {  	_ =	shalt  }
0x70: {  	_ =	shalt  }
0x71: {  	_ =	shalt  }
0x72: {  	_ =	shalt  }
0x73: {  	_ =	shalt  }
0x74: {  	_ =	shalt  }
0x75: {  	_ =	shalt  }
0x76: {  	_ =	shalt  }
0x77: {  	_ =	shalt  }
0x78: {  	_ =	shalt  }
0x79: {  	_ =	shalt  }
0x7a: {  	_ =	shalt  }
0x7b: {  	_ =	shalt  }
0x7c: {  	_ =	shalt  }
0x7d: {  	_ =	shalt  }
0x7e: {  	_ =	shalt  }
0x7f: {  	_ =	shalt  }
0x80: {  	_ =	shalt  }
0x81: {  	_ =	shalt  }
0x82: {  	_ =	shalt  }
0x83: {  	_ =	shalt  }
0x84: {  	_ =	shalt  }
0x85: {  	_ =	shalt  }
0x86: {  	_ =	shalt  }
0x87: {  	_ =	shalt  }
.Lfunc_end0:
.L_simem_size_0:
called_computation.3_lowered:
.L_overlay_start_0:
0x88: {  	s2 =	sld [smem:$0x3FD9]  }
0x89: {  	s3 =	sld [smem:$0x3FFE];
	_ =	sdelay $0x1  }
0x8a: {  	s1 =	srdreg.scid  }
0x8b: {  	s0 =	sand.u32 $0x1, s1  }
0x8c: {  	s17 =	sshll.u32 s0, $0xA;
	s2 =	sadd.s32 s3, s2  }
0x8d: {  	s2 =	sadd.s32 s2, s17  }
0x8e: {  	[smem:$0x3FBF] =	sst s2  }
0x8f: {  	_ = 	snop  }
0x90: {  	s2 =	sld [smem:$0x3FD0];
	(tm) =	ssettm $0x1  }
0x91: {  	s18 =	sld [smem:$0x3FFB];
	_ =	sdelay $0x3  }
0x92: {  	_ =	strace s18  }
0x93: {  	s3 =	sld [smem:$0x3FFC];
	_ =	sdelay $0x3  }
0x94: {  	_ =	strace s3  }
0x95: {  	s3 =	sld [smem:$0x3FFD];
	_ =	sdelay $0x3  }
0x96: {  	_ =	strace s3  }
0x97: {  	_ =	strace $0x8FFFFFFF  }
0x98: {  	s19 =	sld [smem:$0x3FDB];
	_ =	sdelay $0x1  }
0x99: {  	s4 =	simm.s32 $_scs_section_size  }
0x9a: {  	s5 =	simm.s32 $_size__tile_overlayer_lowered;
	s6 =	simm.s32 $_tile_overlayer_lowered  }
0x9b: {  	s22 =	simm.s32 $0x1BFF;
	s21 =	sshll.u32 s6, $0x1;
	s3 =	sadd.s32 s4, s19  }
0x9c: {  	s7 =	simm.s32 $0x0;
	s20 =	sshll.u32 s5, $0x1;
	s5 =	sadd.s32 s21, s3  }
0x9d: {  	[timem:s7], [sflag:s22] =	dma.local [hbm:s5], s20  }
0x9e: {  	_ =	swait.ge [sflag:s22], s20  }
0x9f: {  	s4 =	ssub.s32 $0x0, s20;
	[sflag:s22] =	ssyncset.done $0x0  }
0xa0: {  	[sflag:s22] =	ssyncadd.s32 s4;
	_ =	sdelay $0x1  }
0xa1: {  	s23 =	simm.s32 $0x1B8B  }
0xa2: {  	_ =	swait.ge [sflag:s23], $0x1  }
0xa3: {  	[sflag:s23] =	ssyncset.done $0x0  }
0xa4: {  	s25 =	simm.s32 $0x1B8E;
	s24 =	sld [smem:$0x3FFE];
	[sflag:s23] =	ssyncadd.s32 $0xFFFFFFFF  }
0xa5: {  	s26 =	simm.s32 $execute0_lowered;
	[smem:$0x3FD2] =	sst s25  }
0xa6: {  	s5 =	sshll.u32 s26, $0x1;
	_ =	strace $0x8000004F;
	[dreg:$0x1] =	wrdreg $0xFFFFFFFF  }
0xa7: {  	s28 =	simm.s32 $_size_execute0_lowered;
	s3 =	sadd.s32 s3, s5;
	[dreg:$0x0] =	wrdreg $0x0  }
0xa8: {  	s5 =	sshll.u32 s28, $0x1;
	[dreg:$0x2] =	wrdreg s3  }
0xa9: {  	[dreg:$0x3] =	wrdreg s5  }
0xaa: {  	[dreg:$0x4] =	wrdreg $0xC0  }
0xab: {  	_ =	task [dreg:s7], $0x5FFFF  }
0xac: {  	[dreg:$0x1] =	wrdreg $0xFFFFFFFF  }
0xad: {  	[dreg:$0x0] =	wrdreg $0x60  }
0xae: {  	[dreg:$0x2] =	wrdreg s2  }
0xaf: {  	[dreg:$0x3] =	wrdreg s24  }
0xb0: {  	[dreg:$0x4] =	wrdreg $0xA8000  }
0xb1: {  	[dreg:$0x5] =	wrdreg $0x9  }
0xb2: {  	_ =	task.clear_ibuf [dreg:s7], $0x6FFFF;
	_ =	strace $0x9000004F  }
0xb3: {  	s29 =	simm.s32 $0x9;
	_ =	strace $0x80000051  }
0xb4: {  	_ =	swait.ge [sflag:s29], $0x1  }
0xb5: {  	[sflag:s29] =	ssyncadd.s32 $0xFFFFFFFF  }
0xb6: {  	_ =	strace $0x90000051  }
0xb7: {  	_ =	sfence  }
0xb8: {  	s30 =	sld [smem:$0x0];
	_ =	sdelay $0x2  }
0xb9: {  	s31 =	sshll.u32 s1, $0xD;
	s1 =	sshrl.u32 s1, $0x2  }
0xba: {  	s3 =	sand.u32 $0x4000, s31;
	s1 =	sadd.s32 s1, s30  }
0xbb: {  	s0 =	sor.u32 s3, s0;
	s1 =	sshll.u32 s1, $0x11  }
0xbc: {  	s0 =	sor.u32 s1, s0  }
0xbd: {  	s0 =	sadd.s32 $0x8F2B, s0  }
0xbe: {  	[sflag:s0] =	ssyncadd.remote.s32 $0x1  }
0xbf: {  	_ =	sfence.sel $0xFFFF  }
0xc0: {  	[dreg:$0x0] =	wrdreg $0xFFFFFFFF;
	(pc) =	sbr.abs _section_cstart, $3  }
0xc1: {  	[dreg:$0x1] =	wrdreg $0xFFFFFFFF  }
0xc2: {  	_ =	task.clear_ibuf [dreg:s7], $0x2FFFF;
	_ =	strace $0x9FFFFFFF  }
0xc3: {  	(tm) =	ssettm $0x7FFFFFFF  }
tec
execute0_lowered:
.L_overlay_start_1:
0x0: {  	(tag) =	ssettag $0x1  }
0x1: {  	s2 =	rddreg [dreg:$0x0]  }
0x2: {  	s5 =	rddreg [dreg:$0x1]  }
0x3: {  	s3 =	rddreg [dreg:$0x2]  }
0x4: {  	s0 =	rddreg [dreg:$0x3]  }
0x5: {  	s1 =	stileid.u32;
	s6 =	srdreg.scid;
	s4 =	simm.s32 $0x0  }
0x6: {  	s16 =	simm.s32 $0x80;
	s17 =	simm.s32 $0x2800;
	s18 =	simm.s32 $0x6800  }
0x7: {  	s19 =	simm.s32 $0x1;
	s20 =	simm.s32 $0x1380;
	s21 =	simm.s32 $0x2700  }
0x8: {  	s22 =	simm.s32 $0x2780;
	s23 =	simm.s32 $0x0;
	s7 =	smul.u32 $0x2780, s1  }
0x9: {  	s6 =	sand.u32 $0x1, s6;
	[smem:$0x7FF] =	sst s4;
	s9 =	sadd.s32 $0x4800, s5  }
0xa: {  	s10 =	sadd.s32 $0xE800, s5;
	s12 =	smul.u32 $0x4F000, s1;
	s29 =	sshll.u32 s1, $0x6  }
0xb: {  	s8 =	smul.u32 $0x27800, s6;
	_ =	strace $0x80000050;
	s24 =	ssub.s32 $0x2, s6  }
0xc: {  	s6 =	sshll.u32 s6, $0x4;
	s11 =	sadd.s32 s7, s5;
	s25 =	sshrl.u32 s24, $0x1  }
0xd: {  	s6 =	sor.u32 s1, s6;
	s26 =	sshrl.u32 s12, $0x2;
	s7 =	sadd.s32 s7, s8  }
0xe: {  	s14 =	ssub.s32 s24, s25;
	s28 =	smul.u32 $0x2800, s6;
	s15 =	sadd.s32 s26, s3  }
0xf: {  	s30 =	smul.u32 $0x500, s6;
	s6 =	sor.u32 $0x1C02, s29;
	s13 =	sadd.s32 s7, s5  }
0x10: {  	s5 =	sadd.s32 $0x19000, s11;
	s12 =	smax.u32 s14, $0x1;
	s31 =	sshrl.u32 s28, $0x3  }
0x11: {  	s14 =	simm.s32 $0x2;
	s7 =	sadd.s32 s9, s30;
	s11 =	sadd.s32 $0x280, s31  }
0x12: {  	s8 =	sadd.s32 s10, s30;
	s9 =	sadd.s32 s9, s11;
	s10 =	sadd.s32 s10, s11  }
0x13: {  	s11 =	sadd.s32 $0x40800, s13;
	s13 =	sshrl.u32 s15, $0x3;
	s15 =	simm.s32 $0x1400  }
.LBB2_1:
0x14: {  	[spmem:s13], [sflag:s6] =	dma.local [hbm:s5], $0x2780  }
0x15: {  	_ =	swait.ge [sflag:s14], $0x2780  }
0x16: {  	[sflag:s14] =	ssyncset.done $0x0  }
0x17: {  	[sflag:s14] =	ssyncadd.s32 $0xFFFFD880  }
0x18: {  	[bflag:$0x0] =	sbarrier.arrive $0xFFFF  }
0x19: {  	[tilespmem:s4], [sflag:$0x2] =	stream.linear.gather [hbm4b:s7+s4], $0x1400, $0x38;
	[tilespmem:$0x1E400] =	vst v63  }
0x1a: {  	_ =	swait.ge [sflag:s14], $0x1400  }
0x1b: {  	[sflag:s14] =	ssyncset.done $0x0  }
0x1c: {  	[sflag:s14] =	ssyncadd.s32 $0xFFFFEC00  }
0x1d: {  	[tilespmem:s15], [sflag:$0x2] =	stream.linear.gather [hbm4b:s8+s4], $0x1400, $0x38;
	[tilespmem:$0x1E400] =	vst v63  }
0x1e: {  	_ =	swait.ge [sflag:s14], $0x1400  }
0x1f: {  	[sflag:s14] =	ssyncset.done $0x0  }
0x20: {  	[sflag:s14] =	ssyncadd.s32 $0xFFFFEC00  }
0x21: {  	[tilespmem:s17], [sflag:$0x1] =	stream.indirect.gather [hbm4b:s2+s16], $0x80, s4, s16, $0xb8;
	[tilespmem:$0x1E400] =	vst v63  }
0x22: {  	s24 =	simm.s32 $0x80  }
0x23: {  	[tilespmem:s18], [sflag:$0x1] =	stream.indirect.gather [hbm4b:s2+s16], $0x80, s24, s16, $0xb8;
	[tilespmem:$0x1E400] =	vst v63  }
0x24: {  	_ =	swait.ge [sflag:s19], $0x4000  }
0x25: {  	[sflag:s19] =	ssyncset.done $0x0  }
0x26: {  	s29 =	simm.s32 $0x1400;
	[sflag:s19] =	ssyncadd.s32 $0xFFFFC000  }
0x27: {  	[spmem:s3] =	stream.indirect.scatter.add.f32 [tilespmem:s17], [sflag:$0x2], $0x80, s29, s16, $0xb8;
	[tilespmem:$0x1E400] =	vst v63  }
0x28: {  	_ =	swait.ge [sflag:s14], $0x4000  }
0x29: {  	[sflag:s14] =	ssyncset.done $0x0  }
0x2a: {  	s30 =	simm.s32 $0x100;
	[sflag:s14] =	ssyncadd.s32 $0xFFFFC000  }
0x2b: {  	[tilespmem:s17], [sflag:$0x1] =	stream.indirect.gather [hbm4b:s2+s16], $0x80, s30, s16, $0xb8;
	[tilespmem:$0x1E400] =	vst v63  }
0x2c: {  	_ =	swait.ge [sflag:s19], $0x4000  }
0x2d: {  	[sflag:s19] =	ssyncset.done $0x0  }
0x2e: {  	s31 =	simm.s32 $0x1480;
	[sflag:s19] =	ssyncadd.s32 $0xFFFFC000  }
0x2f: {  	[spmem:s3] =	stream.indirect.scatter.add.f32 [tilespmem:s18], [sflag:$0x2], $0x80, s31, s16, $0xb8;
	[tilespmem:$0x1E400] =	vst v63  }
0x30: {  	_ =	swait.ge [sflag:s14], $0x4000  }
0x31: {  	s25 =	simm.s32 $0x800;
	s24 =	simm.s32 $0x100;
	[sflag:s14] =	ssyncset.done $0x0  }
.LBB2_2:
0x32: {  	s26 =	sadd.s32 $0x80, s24  }
0x33: {  	[sflag:s14] =	ssyncadd.s32 $0xFFFFC000;
	s28 =	smov.u32 s25;
	s29 =	sadd.s32 $0x400, s25  }
0x34: {  	[tilespmem:s18], [sflag:$0x1] =	stream.indirect.gather [hbm4b:s2+s16], $0x80, s26, s16, $0xb8;
	[tilespmem:$0x1E400] =	vst v63  }
0x35: {  	p0 =	sne.s32 s25, $0x4800;
	_ =	swait.ge [sflag:s19], $0x4000  }
0x36: {  	[sflag:s19] =	ssyncset.done $0x0  }
0x37: {  	s25 =	sadd.s32 $0x1400, s24;
	[sflag:s19] =	ssyncadd.s32 $0xFFFFC000  }
0x38: {  	[spmem:s3] =	stream.indirect.scatter.add.f32 [tilespmem:s17], [sflag:$0x2], $0x80, s25, s16, $0xb8;
	[tilespmem:$0x1E400] =	vst v63  }
0x39: {  	_ =	swait.ge [sflag:s14], $0x4000  }
0x3a: {  	[sflag:s14] =	ssyncset.done $0x0  }
0x3b: {  	s25 =	sadd.s32 $0x100, s24;
	[sflag:s14] =	ssyncadd.s32 $0xFFFFC000  }
0x3c: {  	[tilespmem:s17], [sflag:$0x1] =	stream.indirect.gather [hbm4b:s2+s16], $0x80, s25, s16, $0xb8;
	[tilespmem:$0x1E400] =	vst v63  }
0x3d: {  	_ =	swait.ge [sflag:s19], $0x4000  }
.Ltmp0:
0x3e: {  	[sflag:s19] =	ssyncset.done $0x0;
	(pc) =	sbr.rel @p0 .LBB2_2-.Ltmp0, $4  }
0x3f: {  	s24 =	sadd.s32 $0x1480, s24;
	[sflag:s19] =	ssyncadd.s32 $0xFFFFC000  }
0x40: {  	[spmem:s3] =	stream.indirect.scatter.add.f32 [tilespmem:s18], [sflag:$0x2], $0x80, s24, s16, $0xb8;
	[tilespmem:$0x1E400] =	vst v63  }
0x41: {  	_ =	swait.ge [sflag:s14], $0x4000  }
0x42: {  	s25 =	smov.u32 s29;
	s24 =	sshra.s32 s28, $0x2;
	[sflag:s14] =	ssyncset.done $0x0  }
0x43: {  	s25 =	sadd.s32 $0x80, s24;
	[sflag:s14] =	ssyncadd.s32 $0xFFFFC000  }
0x44: {  	[tilespmem:s18], [sflag:$0x1] =	stream.indirect.gather [hbm4b:s2+s16], $0x80, s25, s16, $0xb8;
	[tilespmem:$0x1E400] =	vst v63  }
0x45: {  	_ =	swait.ge [sflag:s19], $0x4000  }
0x46: {  	[sflag:s19] =	ssyncset.done $0x0  }
0x47: {  	s30 =	sadd.s32 $0x1400, s24;
	[sflag:s19] =	ssyncadd.s32 $0xFFFFC000  }
0x48: {  	[spmem:s3] =	stream.indirect.scatter.add.f32 [tilespmem:s17], [sflag:$0x2], $0x80, s30, s16, $0xb8;
	[tilespmem:$0x1E400] =	vst v63  }
0x49: {  	_ =	swait.ge [sflag:s14], $0x4000  }
0x4a: {  	[sflag:s14] =	ssyncset.done $0x0  }
0x4b: {  	s31 =	sadd.s32 $0x100, s24;
	[sflag:s14] =	ssyncadd.s32 $0xFFFFC000  }
0x4c: {  	[tilespmem:s17], [sflag:$0x1] =	stream.indirect.gather [hbm4b:s2+s16], $0x80, s31, s16, $0xb8;
	[tilespmem:$0x1E400] =	vst v63  }
0x4d: {  	_ =	swait.ge [sflag:s19], $0x4000  }
0x4e: {  	[sflag:s19] =	ssyncset.done $0x0  }
0x4f: {  	s25 =	sadd.s32 $0x1480, s24;
	[sflag:s19] =	ssyncadd.s32 $0xFFFFC000  }
0x50: {  	[spmem:s3] =	stream.indirect.scatter.add.f32 [tilespmem:s18], [sflag:$0x2], $0x80, s25, s16, $0xb8;
	[tilespmem:$0x1E400] =	vst v63  }
0x51: {  	_ =	swait.ge [sflag:s14], $0x4000  }
0x52: {  	[sflag:s14] =	ssyncset.done $0x0  }
0x53: {  	[sflag:s14] =	ssyncadd.s32 $0xFFFFC000  }
0x54: {  	[tilespmem:s18], [sflag:$0x1] =	stream.indirect.gather [hbm4b:s2+s16], $0x80, s20, s16, $0xb8;
	[tilespmem:$0x1E400] =	vst v63  }
0x55: {  	_ =	swait.ge [sflag:s19], $0x4000  }
0x56: {  	[sflag:s19] =	ssyncset.done $0x0  }
0x57: {  	[sflag:s19] =	ssyncadd.s32 $0xFFFFC000  }
0x58: {  	[spmem:s3] =	stream.indirect.scatter.add.f32 [tilespmem:s17], [sflag:$0x2], $0x80, s21, s16, $0xb8;
	[tilespmem:$0x1E400] =	vst v63  }
0x59: {  	_ =	swait.ge [sflag:s14], $0x4000  }
0x5a: {  	[sflag:s14] =	ssyncset.done $0x0  }
0x5b: {  	[sflag:s14] =	ssyncadd.s32 $0xFFFFC000  }
0x5c: {  	_ =	swait.ge [sflag:s19], $0x4000  }
0x5d: {  	[sflag:s19] =	ssyncset.done $0x0  }
0x5e: {  	[sflag:s19] =	ssyncadd.s32 $0xFFFFC000  }
0x5f: {  	[spmem:s3] =	stream.indirect.scatter.add.f32 [tilespmem:s18], [sflag:$0x2], $0x80, s22, s16, $0xb8;
	[tilespmem:$0x1E400] =	vst v63  }
0x60: {  	_ =	swait.ge [sflag:s14], $0x4000  }
0x61: {  	[sflag:s14] =	ssyncset.done $0x0  }
0x62: {  	s26 =	simm.s32 $0x0;
	[sflag:s14] =	ssyncadd.s32 $0xFFFFC000  }
0x63: {  	[tilespmem:s26], [sflag:$0x2] =	stream.linear.gather [hbm4b:s9+s26], $0x1400, $0x38;
	[tilespmem:$0x1E400] =	vst v63  }
0x64: {  	_ =	swait.ge [sflag:s14], $0x1400  }
0x65: {  	[sflag:s14] =	ssyncset.done $0x0  }
0x66: {  	[sflag:s14] =	ssyncadd.s32 $0xFFFFEC00  }
0x67: {  	[tilespmem:s15], [sflag:$0x2] =	stream.linear.gather [hbm4b:s10+s26], $0x1400, $0x38;
	[tilespmem:$0x1E400] =	vst v63  }
0x68: {  	_ =	swait.ge [sflag:s14], $0x1400  }
0x69: {  	[sflag:s14] =	ssyncset.done $0x0  }
0x6a: {  	[sflag:s14] =	ssyncadd.s32 $0xFFFFEC00  }
0x6b: {  	[tilespmem:s17], [sflag:$0x1] =	stream.indirect.gather [hbm4b:s2+s16], $0x80, s26, s16, $0xb8;
	[tilespmem:$0x1E400] =	vst v63  }
0x6c: {  	s28 =	simm.s32 $0x80  }
0x6d: {  	[tilespmem:s18], [sflag:$0x1] =	stream.indirect.gather [hbm4b:s2+s16], $0x80, s28, s16, $0xb8;
	[tilespmem:$0x1E400] =	vst v63  }
0x6e: {  	_ =	swait.ge [sflag:s19], $0x4000  }
0x6f: {  	[sflag:s19] =	ssyncset.done $0x0  }
0x70: {  	s29 =	simm.s32 $0x1400;
	[sflag:s19] =	ssyncadd.s32 $0xFFFFC000  }
0x71: {  	[spmem:s3] =	stream.indirect.scatter.add.f32 [tilespmem:s17], [sflag:$0x2], $0x80, s29, s16, $0xb8;
	[tilespmem:$0x1E400] =	vst v63  }
0x72: {  	_ =	swait.ge [sflag:s14], $0x4000  }
0x73: {  	[sflag:s14] =	ssyncset.done $0x0  }
0x74: {  	s30 =	simm.s32 $0x100;
	[sflag:s14] =	ssyncadd.s32 $0xFFFFC000  }
0x75: {  	[tilespmem:s17], [sflag:$0x1] =	stream.indirect.gather [hbm4b:s2+s16], $0x80, s30, s16, $0xb8;
	[tilespmem:$0x1E400] =	vst v63  }
0x76: {  	_ =	swait.ge [sflag:s19], $0x4000  }
0x77: {  	[sflag:s19] =	ssyncset.done $0x0  }
0x78: {  	s31 =	simm.s32 $0x1480;
	[sflag:s19] =	ssyncadd.s32 $0xFFFFC000  }
0x79: {  	[spmem:s3] =	stream.indirect.scatter.add.f32 [tilespmem:s18], [sflag:$0x2], $0x80, s31, s16, $0xb8;
	[tilespmem:$0x1E400] =	vst v63  }
0x7a: {  	_ =	swait.ge [sflag:s14], $0x4000  }
0x7b: {  	s24 =	simm.s32 $0x100;
	s25 =	simm.s32 $0x800;
	[sflag:s14] =	ssyncset.done $0x0  }
.LBB2_4:
0x7c: {  	s26 =	sadd.s32 $0x80, s24  }
0x7d: {  	[sflag:s14] =	ssyncadd.s32 $0xFFFFC000;
	s28 =	smov.u32 s25;
	s29 =	sadd.s32 $0x400, s25  }
0x7e: {  	[tilespmem:s18], [sflag:$0x1] =	stream.indirect.gather [hbm4b:s2+s16], $0x80, s26, s16, $0xb8;
	[tilespmem:$0x1E400] =	vst v63  }
0x7f: {  	p0 =	sne.s32 s25, $0x4800;
	_ =	swait.ge [sflag:s19], $0x4000  }
0x80: {  	[sflag:s19] =	ssyncset.done $0x0  }
0x81: {  	s25 =	sadd.s32 $0x1400, s24;
	[sflag:s19] =	ssyncadd.s32 $0xFFFFC000  }
0x82: {  	[spmem:s3] =	stream.indirect.scatter.add.f32 [tilespmem:s17], [sflag:$0x2], $0x80, s25, s16, $0xb8;
	[tilespmem:$0x1E400] =	vst v63  }
0x83: {  	_ =	swait.ge [sflag:s14], $0x4000  }
0x84: {  	[sflag:s14] =	ssyncset.done $0x0  }
0x85: {  	s25 =	sadd.s32 $0x100, s24;
	[sflag:s14] =	ssyncadd.s32 $0xFFFFC000  }
0x86: {  	[tilespmem:s17], [sflag:$0x1] =	stream.indirect.gather [hbm4b:s2+s16], $0x80, s25, s16, $0xb8;
	[tilespmem:$0x1E400] =	vst v63  }
0x87: {  	_ =	swait.ge [sflag:s19], $0x4000  }
.Ltmp1:
0x88: {  	[sflag:s19] =	ssyncset.done $0x0;
	(pc) =	sbr.rel @p0 .LBB2_4-.Ltmp1, $4  }
0x89: {  	s24 =	sadd.s32 $0x1480, s24;
	[sflag:s19] =	ssyncadd.s32 $0xFFFFC000  }
0x8a: {  	[spmem:s3] =	stream.indirect.scatter.add.f32 [tilespmem:s18], [sflag:$0x2], $0x80, s24, s16, $0xb8;
	[tilespmem:$0x1E400] =	vst v63  }
0x8b: {  	_ =	swait.ge [sflag:s14], $0x4000  }
0x8c: {  	s25 =	smov.u32 s29;
	s24 =	sshra.s32 s28, $0x2;
	[sflag:s14] =	ssyncset.done $0x0  }
0x8d: {  	s25 =	sadd.s32 $0x80, s24;
	[sflag:s14] =	ssyncadd.s32 $0xFFFFC000  }
0x8e: {  	[tilespmem:s18], [sflag:$0x1] =	stream.indirect.gather [hbm4b:s2+s16], $0x80, s25, s16, $0xb8;
	[tilespmem:$0x1E400] =	vst v63  }
0x8f: {  	_ =	swait.ge [sflag:s19], $0x4000  }
0x90: {  	[sflag:s19] =	ssyncset.done $0x0  }
0x91: {  	s29 =	sadd.s32 $0x1400, s24;
	[sflag:s19] =	ssyncadd.s32 $0xFFFFC000  }
0x92: {  	[spmem:s3] =	stream.indirect.scatter.add.f32 [tilespmem:s17], [sflag:$0x2], $0x80, s29, s16, $0xb8;
	[tilespmem:$0x1E400] =	vst v63  }
0x93: {  	_ =	swait.ge [sflag:s14], $0x4000  }
0x94: {  	[sflag:s14] =	ssyncset.done $0x0  }
0x95: {  	s30 =	sadd.s32 $0x100, s24;
	[sflag:s14] =	ssyncadd.s32 $0xFFFFC000  }
0x96: {  	[tilespmem:s17], [sflag:$0x1] =	stream.indirect.gather [hbm4b:s2+s16], $0x80, s30, s16, $0xb8;
	[tilespmem:$0x1E400] =	vst v63  }
0x97: {  	_ =	swait.ge [sflag:s19], $0x4000  }
0x98: {  	[sflag:s19] =	ssyncset.done $0x0  }
0x99: {  	s31 =	sadd.s32 $0x1480, s24;
	[sflag:s19] =	ssyncadd.s32 $0xFFFFC000  }
0x9a: {  	[spmem:s3] =	stream.indirect.scatter.add.f32 [tilespmem:s18], [sflag:$0x2], $0x80, s31, s16, $0xb8;
	[tilespmem:$0x1E400] =	vst v63  }
0x9b: {  	_ =	swait.ge [sflag:s14], $0x4000  }
0x9c: {  	[sflag:s14] =	ssyncset.done $0x0  }
0x9d: {  	[sflag:s14] =	ssyncadd.s32 $0xFFFFC000  }
0x9e: {  	[tilespmem:s18], [sflag:$0x1] =	stream.indirect.gather [hbm4b:s2+s16], $0x80, s20, s16, $0xb8;
	[tilespmem:$0x1E400] =	vst v63  }
0x9f: {  	_ =	swait.ge [sflag:s19], $0x4000  }
0xa0: {  	[sflag:s19] =	ssyncset.done $0x0  }
0xa1: {  	[sflag:s19] =	ssyncadd.s32 $0xFFFFC000  }
0xa2: {  	[spmem:s3] =	stream.indirect.scatter.add.f32 [tilespmem:s17], [sflag:$0x2], $0x80, s21, s16, $0xb8;
	[tilespmem:$0x1E400] =	vst v63  }
0xa3: {  	_ =	swait.ge [sflag:s14], $0x4000  }
0xa4: {  	[sflag:s14] =	ssyncset.done $0x0  }
0xa5: {  	[sflag:s14] =	ssyncadd.s32 $0xFFFFC000  }
0xa6: {  	_ =	swait.ge [sflag:s19], $0x4000  }
0xa7: {  	[sflag:s19] =	ssyncset.done $0x0  }
0xa8: {  	[sflag:s19] =	ssyncadd.s32 $0xFFFFC000  }
0xa9: {  	[spmem:s3] =	stream.indirect.scatter.add.f32 [tilespmem:s18], [sflag:$0x2], $0x80, s22, s16, $0xb8;
	[tilespmem:$0x1E400] =	vst v63  }
0xaa: {  	_ =	swait.ge [sflag:s14], $0x4000  }
0xab: {  	s23 =	sadd.s32 $0x1, s23;
	[sflag:s14] =	ssyncset.done $0x0  }
0xac: {  	p0 =	sne.s32 s23, s12;
	[sflag:s14] =	ssyncadd.s32 $0xFFFFC000  }
.Ltmp2:
0xad: {  	[bflag:$0x0] =	sbarrier.arrive $0xFFFF;
	(pc) =	sbr.rel @p0 .LBB2_1-.Ltmp2, $4  }
0xae: {  	[hbm:s11], [sflag:s6] =	dma.local [spmem:s13], $0x2780  }
0xaf: {  	_ =	swait.ge [sflag:s14], $0x2780  }
0xb0: {  	[sflag:s14] =	ssyncset.done $0x0  }
0xb1: {  	[sflag:s14] =	ssyncadd.s32 $0xFFFFD880  }
0xb2: {  	_ =	sfence.sel $0x180000  }
0xb3: {  	[bflag:$0x0] =	sbarrier.arrive $0xFFFF  }
0xb4: {  	p0 =	sne.s32 s1, $0x0;
	_ =	strace $0x90000050  }
0xb5: {  	s0 =	sadd.s32 @!p0 $0x100000, s0;
	[bflag:$0x2] =	sbarrier.arrive $0xFFFF  }
0xb6: {  	[sflag:s0] =	ssyncadd.tile.s32 @!p0 $0x1;
	_ =	shalt  }
.Lfunc_end2:
_tile_overlayer_lowered:
.L_overlay_start_2:
0xb7: {  	(tag) =	ssettag $0x2  }
0xb8: {  	s0 =	rddreg [dreg:$0x0];
	s2 =	stileid.u32  }
0xb9: {  	s1 =	rddreg [dreg:$0x1];
	p0 =	sne.s32 s2, $0x0  }
0xba: {  	s3 =	rddreg [dreg:$0x2];
	[bflag:$0x3] =	sbarrier.arrive $0xFFFF;
	s2 =	simm.s32 @!p0 $0x1C02  }
0xbb: {  	[timem:s3], [sflag:s2] =	dma.local @!p0 [hbm:s0], s1  }
0xbc: {  	s0 =	simm.s32 @!p0 $0x2  }
0xbd: {  	_ =	swait.ge @!p0 [sflag:s0], s1  }
0xbe: {  	s1 =	ssub.s32 @!p0 $0x0, s1;
	[sflag:s0] =	ssyncset.done @!p0 $0x0  }
0xbf: {  	[sflag:s0] =	ssyncadd.s32 @!p0 s1  }
0xc0: {  	[bflag:$0x3] =	sbarrier.arrive $0xFFFF  }
0xc1: {  	_ =	shalt  }

// kernel: kernel.24.cloned.1.call-start
scs
__scs_entry_jumppad:
0x0: {  	(pc) =	sbr.rel $0x88, $3  }
0x1: {  	(tag) =	ssettag $0x0;
	lr =	simm.s32 $0x1  }
0x2: {  	[smem:$0x3F98] =	sst lr;
	_ =	strace $0xD0000000  }
0x3: {  	_ = 	snop  }
0x4: {  	_ = 	snop  }
0x5: {  	_ = 	snop  }
0x6: {  	_ = 	snop  }
0x7: {  	_ = 	snop  }
__scs_overlays_trampoline_lowered:
0x8: {  	[smem:$0x3FA7] =	sst s0  }
0x9: {  	[smem:$0x3FA8] =	sst s1  }
0xa: {  	[smem:$0x3FA9] =	sst s2  }
0xb: {  	[smem:$0x3FAA] =	sst s3  }
0xc: {  	[smem:$0x3FAB] =	sst s4  }
0xd: {  	[smem:$0x3FAC] =	sst s5  }
0xe: {  	[smem:$0x3FAD] =	sst s6  }
0xf: {  	[smem:$0x3FAE] =	sst s7  }
0x10: {  	[smem:$0x3FAF] =	sst s8  }
0x11: {  	[smem:$0x3FB0] =	sst s9;
	s0 =	simm.s32 @!p0 $0x0  }
0x12: {  	s1 =	sld [smem:$0x3F96];
	s0 =	simm.s32 @p0 $0x1  }
0x13: {  	[smem:$0x3FB1] =	sst s0;
	s0 =	simm.s32 @!p1 $0x0  }
0x14: {  	s2 =	sld [smem:$0x3F95];
	s0 =	simm.s32 @p1 $0x1  }
0x15: {  	[smem:$0x3FB2] =	sst s0;
	s0 =	simm.s32 @!p2 $0x0  }
0x16: {  	s3 =	sld [smem:$0x3FDB];
	s0 =	simm.s32 @p2 $0x1  }
0x17: {  	s4 =	simm.s32 $0x1BF5;
	[smem:$0x3FB4] =	sst s0  }
0x18: {  	s0 =	sld [smem:$0x3F97];
	_ =	swait.ge [sflag:s4], $0x0  }
0x19: {  	s7 =	sld [smem:$0x3F98]  }
0x1a: {  	s8 =	sadd.s32 $0xFFFFE003, lr  }
0x1b: {  	s9 =	sadd.s32 $0xFFFFFEF7, lr;
	s5 =	simm.s32 $0xFFFFFFFF;
	p2 =	slt.u32 s8, $0xFFFFF086  }
0x1c: {  	p1 =	slt.u32 s9, $0xF7A;
	s5 =	simm.s32 @!p2 $0x0  }
0x1d: {  	s5 =	simm.s32 @p1 $0x1;
	p0 =	seq.s32 s7, s2  }
0x1e: {  	s7 =	smul.u32 @!p0 $0xF7A, s2;
	p2 =	seq.s32 @!p0 s5, $0x0  }
0x1f: {  	s9 =	smul.u32 $0xF7A, s1;
	s8 =	simm.s32 @!p0 $0x1BF5;
	p2 =	por !p2, p0  }
0x20: {  	[sflag:s8] =	ssyncset.s32 @!p0 $0xFFFFF086;
	s6 =	sadd.s32 @!p0 s3, s7;
	s7 =	simm.s32 @!p0 $0x108  }
0x21: {  	s3 =	sadd.s32 s3, s9;
	s6 =	sadd.s32 @!p0 $0x88, s6;
	s7 =	simm.s32 @p2 $0x1082  }
0x22: {  	[simem:s7], [sflag:s8] =	dma.local @!p0 [hbm:s6], $0xF7A  }
0x23: {  	s9 =	sor.u32 $0xD0000000, s2;
	s6 =	simm.s32 $0x108;
	_ =	swait.ge @!p0 [sflag:s8], $0x0  }
0x24: {  	s3 =	sadd.s32 $0x88, s3;
	s6 =	simm.s32 @!p1 $0x1082;
	[sflag:s4] =	ssyncset.s32 $0xFFFFF086  }
0x25: {  	[simem:s6], [sflag:s4] =	dma.local [hbm:s3], $0xF7A  }
0x26: {  	[smem:$0x3F98] =	sst s1;
	(tag) =	ssettag s2;
	_ =	strace s9  }
0x27: {  	s1 =	sld [smem:$0x3FA8]  }
0x28: {  	s2 =	sld [smem:$0x3FA9]  }
0x29: {  	s4 =	sld [smem:$0x3FAB]  }
0x2a: {  	p0 =	seq.s32 s5, $0x0;
	s5 =	sld [smem:$0x3FAC]  }
0x2b: {  	s6 =	sld [smem:$0x3FAD]  }
0x2c: {  	s7 =	sld [smem:$0x3FAE]  }
0x2d: {  	s3 =	simm.s32 $0x108;
	s8 =	sld [smem:$0x3FAF]  }
0x2e: {  	s3 =	simm.s32 @!p0 $0x1082;
	s9 =	sld [smem:$0x3FB0]  }
0x2f: {  	lr =	sadd.s32 s0, s3;
	s0 =	sld [smem:$0x3FA7]  }
0x30: {  	s3 =	sld [smem:$0x3FAA]  }
0x31: {  	[smem:$0x3FB3] =	sst s10  }
0x32: {  	s10 =	sld [smem:$0x3FB1];
	_ =	sdelay $0x3  }
0x33: {  	p0 =	seq.s32 s10, $0x1;
	s10 =	sld [smem:$0x3FB3];
	_ =	sdelay $0x3  }
0x34: {  	[smem:$0x3FB3] =	sst s10  }
0x35: {  	s10 =	sld [smem:$0x3FB2];
	_ =	sdelay $0x3  }
0x36: {  	p1 =	seq.s32 s10, $0x1;
	s10 =	sld [smem:$0x3FB3];
	_ =	sdelay $0x3  }
0x37: {  	[smem:$0x3FB3] =	sst s10  }
0x38: {  	s10 =	sld [smem:$0x3FB4]  }
0x39: {  	_ = 	snop;
	(pc) =	sbr.ind lr, $3  }
0x3a: {  	_ = 	snop  }
0x3b: {  	_ = 	snop  }
0x3c: {  	p2 =	seq.s32 s10, $0x1;
	s10 =	sld [smem:$0x3FB3]  }
0x3d: {  	_ =	shalt  }
0x3e: {  	_ =	shalt  }
0x3f: {  	_ =	shalt  }
0x40: {  	_ =	shalt  }
0x41: {  	_ =	shalt  }
0x42: {  	_ =	shalt  }
0x43: {  	_ =	shalt  }
0x44: {  	_ =	shalt  }
0x45: {  	_ =	shalt  }
0x46: {  	_ =	shalt  }
0x47: {  	_ =	shalt  }
0x48: {  	_ =	shalt  }
0x49: {  	_ =	shalt  }
0x4a: {  	_ =	shalt  }
0x4b: {  	_ =	shalt  }
0x4c: {  	_ =	shalt  }
0x4d: {  	_ =	shalt  }
0x4e: {  	_ =	shalt  }
0x4f: {  	_ =	shalt  }
0x50: {  	_ =	shalt  }
0x51: {  	_ =	shalt  }
0x52: {  	_ =	shalt  }
0x53: {  	_ =	shalt  }
0x54: {  	_ =	shalt  }
0x55: {  	_ =	shalt  }
0x56: {  	_ =	shalt  }
0x57: {  	_ =	shalt  }
0x58: {  	_ =	shalt  }
0x59: {  	_ =	shalt  }
0x5a: {  	_ =	shalt  }
0x5b: {  	_ =	shalt  }
0x5c: {  	_ =	shalt  }
0x5d: {  	_ =	shalt  }
0x5e: {  	_ =	shalt  }
0x5f: {  	_ =	shalt  }
0x60: {  	_ =	shalt  }
0x61: {  	_ =	shalt  }
0x62: {  	_ =	shalt  }
0x63: {  	_ =	shalt  }
0x64: {  	_ =	shalt  }
0x65: {  	_ =	shalt  }
0x66: {  	_ =	shalt  }
0x67: {  	_ =	shalt  }
0x68: {  	_ =	shalt  }
0x69: {  	_ =	shalt  }
0x6a: {  	_ =	shalt  }
0x6b: {  	_ =	shalt  }
0x6c: {  	_ =	shalt  }
0x6d: {  	_ =	shalt  }
0x6e: {  	_ =	shalt  }
0x6f: {  	_ =	shalt  }
0x70: {  	_ =	shalt  }
0x71: {  	_ =	shalt  }
0x72: {  	_ =	shalt  }
0x73: {  	_ =	shalt  }
0x74: {  	_ =	shalt  }
0x75: {  	_ =	shalt  }
0x76: {  	_ =	shalt  }
0x77: {  	_ =	shalt  }
0x78: {  	_ =	shalt  }
0x79: {  	_ =	shalt  }
0x7a: {  	_ =	shalt  }
0x7b: {  	_ =	shalt  }
0x7c: {  	_ =	shalt  }
0x7d: {  	_ =	shalt  }
0x7e: {  	_ =	shalt  }
0x7f: {  	_ =	shalt  }
0x80: {  	_ =	shalt  }
0x81: {  	_ =	shalt  }
0x82: {  	_ =	shalt  }
0x83: {  	_ =	shalt  }
0x84: {  	_ =	shalt  }
0x85: {  	_ =	shalt  }
0x86: {  	_ =	shalt  }
0x87: {  	_ =	shalt  }
.Lfunc_end0:
.L_simem_size_0:
called_computation.4_lowered:
.L_overlay_start_0:
0x88: {  	s2 =	sld [smem:$0x3FD9]  }
0x89: {  	s3 =	sld [smem:$0x3FFE];
	_ =	sdelay $0x1  }
0x8a: {  	s1 =	srdreg.scid  }
0x8b: {  	s0 =	sand.u32 $0x1, s1  }
0x8c: {  	s17 =	sshll.u32 s0, $0xA;
	s2 =	sadd.s32 s3, s2  }
0x8d: {  	s2 =	sadd.s32 s2, s17  }
0x8e: {  	[smem:$0x3FBF] =	sst s2  }
0x8f: {  	_ = 	snop  }
0x90: {  	s2 =	sld [smem:$0x3FD0];
	(tm) =	ssettm $0x1  }
0x91: {  	s18 =	sld [smem:$0x3FFB];
	_ =	sdelay $0x3  }
0x92: {  	_ =	strace s18  }
0x93: {  	s3 =	sld [smem:$0x3FFC];
	_ =	sdelay $0x3  }
0x94: {  	_ =	strace s3  }
0x95: {  	s3 =	sld [smem:$0x3FFD];
	_ =	sdelay $0x3  }
0x96: {  	_ =	strace s3  }
0x97: {  	_ =	strace $0x8FFFFFFF  }
0x98: {  	s19 =	sld [smem:$0x3FDB];
	_ =	sdelay $0x1  }
0x99: {  	s4 =	simm.s32 $_scs_section_size  }
0x9a: {  	s5 =	simm.s32 $_size__tile_overlayer_lowered;
	s6 =	simm.s32 $_tile_overlayer_lowered  }
0x9b: {  	s22 =	simm.s32 $0x1BFF;
	s21 =	sshll.u32 s6, $0x1;
	s3 =	sadd.s32 s4, s19  }
0x9c: {  	s7 =	simm.s32 $0x0;
	s20 =	sshll.u32 s5, $0x1;
	s5 =	sadd.s32 s21, s3  }
0x9d: {  	[timem:s7], [sflag:s22] =	dma.local [hbm:s5], s20  }
0x9e: {  	_ =	swait.ge [sflag:s22], s20  }
0x9f: {  	s4 =	ssub.s32 $0x0, s20;
	[sflag:s22] =	ssyncset.done $0x0  }
0xa0: {  	[sflag:s22] =	ssyncadd.s32 s4;
	_ =	sdelay $0x1  }
0xa1: {  	s23 =	simm.s32 $0x1B8B  }
0xa2: {  	_ =	swait.ge [sflag:s23], $0x1  }
0xa3: {  	[sflag:s23] =	ssyncset.done $0x0  }
0xa4: {  	s25 =	simm.s32 $0x1B8E;
	s24 =	sld [smem:$0x3FFE];
	[sflag:s23] =	ssyncadd.s32 $0xFFFFFFFF  }
0xa5: {  	s26 =	simm.s32 $execute0_lowered;
	[smem:$0x3FD2] =	sst s25  }
0xa6: {  	s5 =	sshll.u32 s26, $0x1;
	_ =	strace $0x80000052;
	[dreg:$0x1] =	wrdreg $0xFFFFFFFF  }
0xa7: {  	s28 =	simm.s32 $_size_execute0_lowered;
	s3 =	sadd.s32 s3, s5;
	[dreg:$0x0] =	wrdreg $0x0  }
0xa8: {  	s5 =	sshll.u32 s28, $0x1;
	[dreg:$0x2] =	wrdreg s3  }
0xa9: {  	[dreg:$0x3] =	wrdreg s5  }
0xaa: {  	[dreg:$0x4] =	wrdreg $0xC0  }
0xab: {  	_ =	task [dreg:s7], $0x5FFFF  }
0xac: {  	[dreg:$0x1] =	wrdreg $0xFFFFFFFF  }
0xad: {  	[dreg:$0x0] =	wrdreg $0x60  }
0xae: {  	[dreg:$0x2] =	wrdreg s2  }
0xaf: {  	[dreg:$0x3] =	wrdreg s24  }
0xb0: {  	[dreg:$0x4] =	wrdreg $0xA8000  }
0xb1: {  	[dreg:$0x5] =	wrdreg $0x9  }
0xb2: {  	_ =	task.clear_ibuf [dreg:s7], $0x6FFFF;
	_ =	strace $0x90000052  }
0xb3: {  	s29 =	simm.s32 $0x9;
	_ =	strace $0x80000054  }
0xb4: {  	_ =	swait.ge [sflag:s29], $0x1  }
0xb5: {  	[sflag:s29] =	ssyncadd.s32 $0xFFFFFFFF  }
0xb6: {  	_ =	strace $0x90000054  }
0xb7: {  	_ =	sfence  }
0xb8: {  	s30 =	sld [smem:$0x0];
	_ =	sdelay $0x2  }
0xb9: {  	s31 =	sshll.u32 s1, $0xD;
	s1 =	sshrl.u32 s1, $0x2  }
0xba: {  	s3 =	sand.u32 $0x4000, s31;
	s1 =	sadd.s32 s1, s30  }
0xbb: {  	s0 =	sor.u32 s3, s0;
	s1 =	sshll.u32 s1, $0x11  }
0xbc: {  	s0 =	sor.u32 s1, s0  }
0xbd: {  	s0 =	sadd.s32 $0x8F2B, s0  }
0xbe: {  	[sflag:s0] =	ssyncadd.remote.s32 $0x1  }
0xbf: {  	_ =	sfence.sel $0xFFFF  }
0xc0: {  	[dreg:$0x0] =	wrdreg $0xFFFFFFFF;
	(pc) =	sbr.abs _section_cstart, $3  }
0xc1: {  	[dreg:$0x1] =	wrdreg $0xFFFFFFFF  }
0xc2: {  	_ =	task.clear_ibuf [dreg:s7], $0x2FFFF;
	_ =	strace $0x9FFFFFFF  }
0xc3: {  	(tm) =	ssettm $0x7FFFFFFF  }
tec
execute0_lowered:
.L_overlay_start_1:
0x0: {  	(tag) =	ssettag $0x1  }
0x1: {  	s2 =	rddreg [dreg:$0x0]  }
0x2: {  	s5 =	rddreg [dreg:$0x1]  }
0x3: {  	s3 =	rddreg [dreg:$0x2]  }
0x4: {  	s0 =	rddreg [dreg:$0x3]  }
0x5: {  	s1 =	stileid.u32;
	s6 =	srdreg.scid;
	s4 =	simm.s32 $0x0  }
0x6: {  	s16 =	simm.s32 $0x80;
	s17 =	simm.s32 $0x2800;
	s18 =	simm.s32 $0x6800  }
0x7: {  	s19 =	simm.s32 $0x1;
	s20 =	simm.s32 $0x1380;
	s21 =	simm.s32 $0x2700  }
0x8: {  	s22 =	simm.s32 $0x2780;
	s23 =	simm.s32 $0x0;
	s7 =	smul.u32 $0x2780, s1  }
0x9: {  	s6 =	sand.u32 $0x1, s6;
	[smem:$0x7FF] =	sst s4;
	s9 =	sadd.s32 $0x4800, s5  }
0xa: {  	s10 =	sadd.s32 $0xE800, s5;
	s12 =	smul.u32 $0x4F000, s1;
	s29 =	sshll.u32 s1, $0x6  }
0xb: {  	s8 =	smul.u32 $0x27800, s6;
	_ =	strace $0x80000053;
	s24 =	ssub.s32 $0x2, s6  }
0xc: {  	s6 =	sshll.u32 s6, $0x4;
	s11 =	sadd.s32 s7, s5;
	s25 =	sshrl.u32 s24, $0x1  }
0xd: {  	s6 =	sor.u32 s1, s6;
	s26 =	sshrl.u32 s12, $0x2;
	s7 =	sadd.s32 s7, s8  }
0xe: {  	s14 =	ssub.s32 s24, s25;
	s28 =	smul.u32 $0x2800, s6;
	s15 =	sadd.s32 s26, s3  }
0xf: {  	s30 =	smul.u32 $0x500, s6;
	s6 =	sor.u32 $0x1C02, s29;
	s13 =	sadd.s32 s7, s5  }
0x10: {  	s5 =	sadd.s32 $0x19000, s11;
	s12 =	smax.u32 s14, $0x1;
	s31 =	sshrl.u32 s28, $0x3  }
0x11: {  	s14 =	simm.s32 $0x2;
	s7 =	sadd.s32 s9, s30;
	s11 =	sadd.s32 $0x280, s31  }
0x12: {  	s8 =	sadd.s32 s10, s30;
	s9 =	sadd.s32 s9, s11;
	s10 =	sadd.s32 s10, s11  }
0x13: {  	s11 =	sadd.s32 $0x40800, s13;
	s13 =	sshrl.u32 s15, $0x3;
	s15 =	simm.s32 $0x1400  }
.LBB2_1:
0x14: {  	[spmem:s13], [sflag:s6] =	dma.local [hbm:s5], $0x2780  }
0x15: {  	_ =	swait.ge [sflag:s14], $0x2780  }
0x16: {  	[sflag:s14] =	ssyncset.done $0x0  }
0x17: {  	[sflag:s14] =	ssyncadd.s32 $0xFFFFD880  }
0x18: {  	[bflag:$0x0] =	sbarrier.arrive $0xFFFF  }
0x19: {  	[tilespmem:s4], [sflag:$0x2] =	stream.linear.gather [hbm4b:s7+s4], $0x1400, $0x38;
	[tilespmem:$0x1E400] =	vst v63  }
0x1a: {  	_ =	swait.ge [sflag:s14], $0x1400  }
0x1b: {  	[sflag:s14] =	ssyncset.done $0x0  }
0x1c: {  	[sflag:s14] =	ssyncadd.s32 $0xFFFFEC00  }
0x1d: {  	[tilespmem:s15], [sflag:$0x2] =	stream.linear.gather [hbm4b:s8+s4], $0x1400, $0x38;
	[tilespmem:$0x1E400] =	vst v63  }
0x1e: {  	_ =	swait.ge [sflag:s14], $0x1400  }
0x1f: {  	[sflag:s14] =	ssyncset.done $0x0  }
0x20: {  	[sflag:s14] =	ssyncadd.s32 $0xFFFFEC00  }
0x21: {  	[tilespmem:s17], [sflag:$0x1] =	stream.indirect.gather [hbm4b:s2+s16], $0x80, s4, s16, $0xb8;
	[tilespmem:$0x1E400] =	vst v63  }
0x22: {  	s24 =	simm.s32 $0x80  }
0x23: {  	[tilespmem:s18], [sflag:$0x1] =	stream.indirect.gather [hbm4b:s2+s16], $0x80, s24, s16, $0xb8;
	[tilespmem:$0x1E400] =	vst v63  }
0x24: {  	_ =	swait.ge [sflag:s19], $0x4000  }
0x25: {  	[sflag:s19] =	ssyncset.done $0x0  }
0x26: {  	s29 =	simm.s32 $0x1400;
	[sflag:s19] =	ssyncadd.s32 $0xFFFFC000  }
0x27: {  	[spmem:s3] =	stream.indirect.scatter.add.f32 [tilespmem:s17], [sflag:$0x2], $0x80, s29, s16, $0xb8;
	[tilespmem:$0x1E400] =	vst v63  }
0x28: {  	_ =	swait.ge [sflag:s14], $0x4000  }
0x29: {  	[sflag:s14] =	ssyncset.done $0x0  }
0x2a: {  	s30 =	simm.s32 $0x100;
	[sflag:s14] =	ssyncadd.s32 $0xFFFFC000  }
0x2b: {  	[tilespmem:s17], [sflag:$0x1] =	stream.indirect.gather [hbm4b:s2+s16], $0x80, s30, s16, $0xb8;
	[tilespmem:$0x1E400] =	vst v63  }
0x2c: {  	_ =	swait.ge [sflag:s19], $0x4000  }
0x2d: {  	[sflag:s19] =	ssyncset.done $0x0  }
0x2e: {  	s31 =	simm.s32 $0x1480;
	[sflag:s19] =	ssyncadd.s32 $0xFFFFC000  }
0x2f: {  	[spmem:s3] =	stream.indirect.scatter.add.f32 [tilespmem:s18], [sflag:$0x2], $0x80, s31, s16, $0xb8;
	[tilespmem:$0x1E400] =	vst v63  }
0x30: {  	_ =	swait.ge [sflag:s14], $0x4000  }
0x31: {  	s25 =	simm.s32 $0x800;
	s24 =	simm.s32 $0x100;
	[sflag:s14] =	ssyncset.done $0x0  }
.LBB2_2:
0x32: {  	s26 =	sadd.s32 $0x80, s24  }
0x33: {  	[sflag:s14] =	ssyncadd.s32 $0xFFFFC000;
	s28 =	smov.u32 s25;
	s29 =	sadd.s32 $0x400, s25  }
0x34: {  	[tilespmem:s18], [sflag:$0x1] =	stream.indirect.gather [hbm4b:s2+s16], $0x80, s26, s16, $0xb8;
	[tilespmem:$0x1E400] =	vst v63  }
0x35: {  	p0 =	sne.s32 s25, $0x4800;
	_ =	swait.ge [sflag:s19], $0x4000  }
0x36: {  	[sflag:s19] =	ssyncset.done $0x0  }
0x37: {  	s25 =	sadd.s32 $0x1400, s24;
	[sflag:s19] =	ssyncadd.s32 $0xFFFFC000  }
0x38: {  	[spmem:s3] =	stream.indirect.scatter.add.f32 [tilespmem:s17], [sflag:$0x2], $0x80, s25, s16, $0xb8;
	[tilespmem:$0x1E400] =	vst v63  }
0x39: {  	_ =	swait.ge [sflag:s14], $0x4000  }
0x3a: {  	[sflag:s14] =	ssyncset.done $0x0  }
0x3b: {  	s25 =	sadd.s32 $0x100, s24;
	[sflag:s14] =	ssyncadd.s32 $0xFFFFC000  }
0x3c: {  	[tilespmem:s17], [sflag:$0x1] =	stream.indirect.gather [hbm4b:s2+s16], $0x80, s25, s16, $0xb8;
	[tilespmem:$0x1E400] =	vst v63  }
0x3d: {  	_ =	swait.ge [sflag:s19], $0x4000  }
.Ltmp0:
0x3e: {  	[sflag:s19] =	ssyncset.done $0x0;
	(pc) =	sbr.rel @p0 .LBB2_2-.Ltmp0, $4  }
0x3f: {  	s24 =	sadd.s32 $0x1480, s24;
	[sflag:s19] =	ssyncadd.s32 $0xFFFFC000  }
0x40: {  	[spmem:s3] =	stream.indirect.scatter.add.f32 [tilespmem:s18], [sflag:$0x2], $0x80, s24, s16, $0xb8;
	[tilespmem:$0x1E400] =	vst v63  }
0x41: {  	_ =	swait.ge [sflag:s14], $0x4000  }
0x42: {  	s25 =	smov.u32 s29;
	s24 =	sshra.s32 s28, $0x2;
	[sflag:s14] =	ssyncset.done $0x0  }
0x43: {  	s25 =	sadd.s32 $0x80, s24;
	[sflag:s14] =	ssyncadd.s32 $0xFFFFC000  }
0x44: {  	[tilespmem:s18], [sflag:$0x1] =	stream.indirect.gather [hbm4b:s2+s16], $0x80, s25, s16, $0xb8;
	[tilespmem:$0x1E400] =	vst v63  }
0x45: {  	_ =	swait.ge [sflag:s19], $0x4000  }
0x46: {  	[sflag:s19] =	ssyncset.done $0x0  }
0x47: {  	s30 =	sadd.s32 $0x1400, s24;
	[sflag:s19] =	ssyncadd.s32 $0xFFFFC000  }
0x48: {  	[spmem:s3] =	stream.indirect.scatter.add.f32 [tilespmem:s17], [sflag:$0x2], $0x80, s30, s16, $0xb8;
	[tilespmem:$0x1E400] =	vst v63  }
0x49: {  	_ =	swait.ge [sflag:s14], $0x4000  }
0x4a: {  	[sflag:s14] =	ssyncset.done $0x0  }
0x4b: {  	s31 =	sadd.s32 $0x100, s24;
	[sflag:s14] =	ssyncadd.s32 $0xFFFFC000  }
0x4c: {  	[tilespmem:s17], [sflag:$0x1] =	stream.indirect.gather [hbm4b:s2+s16], $0x80, s31, s16, $0xb8;
	[tilespmem:$0x1E400] =	vst v63  }
0x4d: {  	_ =	swait.ge [sflag:s19], $0x4000  }
0x4e: {  	[sflag:s19] =	ssyncset.done $0x0  }
0x4f: {  	s25 =	sadd.s32 $0x1480, s24;
	[sflag:s19] =	ssyncadd.s32 $0xFFFFC000  }
0x50: {  	[spmem:s3] =	stream.indirect.scatter.add.f32 [tilespmem:s18], [sflag:$0x2], $0x80, s25, s16, $0xb8;
	[tilespmem:$0x1E400] =	vst v63  }
0x51: {  	_ =	swait.ge [sflag:s14], $0x4000  }
0x52: {  	[sflag:s14] =	ssyncset.done $0x0  }
0x53: {  	[sflag:s14] =	ssyncadd.s32 $0xFFFFC000  }
0x54: {  	[tilespmem:s18], [sflag:$0x1] =	stream.indirect.gather [hbm4b:s2+s16], $0x80, s20, s16, $0xb8;
	[tilespmem:$0x1E400] =	vst v63  }
0x55: {  	_ =	swait.ge [sflag:s19], $0x4000  }
0x56: {  	[sflag:s19] =	ssyncset.done $0x0  }
0x57: {  	[sflag:s19] =	ssyncadd.s32 $0xFFFFC000  }
0x58: {  	[spmem:s3] =	stream.indirect.scatter.add.f32 [tilespmem:s17], [sflag:$0x2], $0x80, s21, s16, $0xb8;
	[tilespmem:$0x1E400] =	vst v63  }
0x59: {  	_ =	swait.ge [sflag:s14], $0x4000  }
0x5a: {  	[sflag:s14] =	ssyncset.done $0x0  }
0x5b: {  	[sflag:s14] =	ssyncadd.s32 $0xFFFFC000  }
0x5c: {  	_ =	swait.ge [sflag:s19], $0x4000  }
0x5d: {  	[sflag:s19] =	ssyncset.done $0x0  }
0x5e: {  	[sflag:s19] =	ssyncadd.s32 $0xFFFFC000  }
0x5f: {  	[spmem:s3] =	stream.indirect.scatter.add.f32 [tilespmem:s18], [sflag:$0x2], $0x80, s22, s16, $0xb8;
	[tilespmem:$0x1E400] =	vst v63  }
0x60: {  	_ =	swait.ge [sflag:s14], $0x4000  }
0x61: {  	[sflag:s14] =	ssyncset.done $0x0  }
0x62: {  	s26 =	simm.s32 $0x0;
	[sflag:s14] =	ssyncadd.s32 $0xFFFFC000  }
0x63: {  	[tilespmem:s26], [sflag:$0x2] =	stream.linear.gather [hbm4b:s9+s26], $0x1400, $0x38;
	[tilespmem:$0x1E400] =	vst v63  }
0x64: {  	_ =	swait.ge [sflag:s14], $0x1400  }
0x65: {  	[sflag:s14] =	ssyncset.done $0x0  }
0x66: {  	[sflag:s14] =	ssyncadd.s32 $0xFFFFEC00  }
0x67: {  	[tilespmem:s15], [sflag:$0x2] =	stream.linear.gather [hbm4b:s10+s26], $0x1400, $0x38;
	[tilespmem:$0x1E400] =	vst v63  }
0x68: {  	_ =	swait.ge [sflag:s14], $0x1400  }
0x69: {  	[sflag:s14] =	ssyncset.done $0x0  }
0x6a: {  	[sflag:s14] =	ssyncadd.s32 $0xFFFFEC00  }
0x6b: {  	[tilespmem:s17], [sflag:$0x1] =	stream.indirect.gather [hbm4b:s2+s16], $0x80, s26, s16, $0xb8;
	[tilespmem:$0x1E400] =	vst v63  }
0x6c: {  	s28 =	simm.s32 $0x80  }
0x6d: {  	[tilespmem:s18], [sflag:$0x1] =	stream.indirect.gather [hbm4b:s2+s16], $0x80, s28, s16, $0xb8;
	[tilespmem:$0x1E400] =	vst v63  }
0x6e: {  	_ =	swait.ge [sflag:s19], $0x4000  }
0x6f: {  	[sflag:s19] =	ssyncset.done $0x0  }
0x70: {  	s29 =	simm.s32 $0x1400;
	[sflag:s19] =	ssyncadd.s32 $0xFFFFC000  }
0x71: {  	[spmem:s3] =	stream.indirect.scatter.add.f32 [tilespmem:s17], [sflag:$0x2], $0x80, s29, s16, $0xb8;
	[tilespmem:$0x1E400] =	vst v63  }
0x72: {  	_ =	swait.ge [sflag:s14], $0x4000  }
0x73: {  	[sflag:s14] =	ssyncset.done $0x0  }
0x74: {  	s30 =	simm.s32 $0x100;
	[sflag:s14] =	ssyncadd.s32 $0xFFFFC000  }
0x75: {  	[tilespmem:s17], [sflag:$0x1] =	stream.indirect.gather [hbm4b:s2+s16], $0x80, s30, s16, $0xb8;
	[tilespmem:$0x1E400] =	vst v63  }
0x76: {  	_ =	swait.ge [sflag:s19], $0x4000  }
0x77: {  	[sflag:s19] =	ssyncset.done $0x0  }
0x78: {  	s31 =	simm.s32 $0x1480;
	[sflag:s19] =	ssyncadd.s32 $0xFFFFC000  }
0x79: {  	[spmem:s3] =	stream.indirect.scatter.add.f32 [tilespmem:s18], [sflag:$0x2], $0x80, s31, s16, $0xb8;
	[tilespmem:$0x1E400] =	vst v63  }
0x7a: {  	_ =	swait.ge [sflag:s14], $0x4000  }
0x7b: {  	s24 =	simm.s32 $0x100;
	s25 =	simm.s32 $0x800;
	[sflag:s14] =	ssyncset.done $0x0  }
.LBB2_4:
0x7c: {  	s26 =	sadd.s32 $0x80, s24  }
0x7d: {  	[sflag:s14] =	ssyncadd.s32 $0xFFFFC000;
	s28 =	smov.u32 s25;
	s29 =	sadd.s32 $0x400, s25  }
0x7e: {  	[tilespmem:s18], [sflag:$0x1] =	stream.indirect.gather [hbm4b:s2+s16], $0x80, s26, s16, $0xb8;
	[tilespmem:$0x1E400] =	vst v63  }
0x7f: {  	p0 =	sne.s32 s25, $0x4800;
	_ =	swait.ge [sflag:s19], $0x4000  }
0x80: {  	[sflag:s19] =	ssyncset.done $0x0  }
0x81: {  	s25 =	sadd.s32 $0x1400, s24;
	[sflag:s19] =	ssyncadd.s32 $0xFFFFC000  }
0x82: {  	[spmem:s3] =	stream.indirect.scatter.add.f32 [tilespmem:s17], [sflag:$0x2], $0x80, s25, s16, $0xb8;
	[tilespmem:$0x1E400] =	vst v63  }
0x83: {  	_ =	swait.ge [sflag:s14], $0x4000  }
0x84: {  	[sflag:s14] =	ssyncset.done $0x0  }
0x85: {  	s25 =	sadd.s32 $0x100, s24;
	[sflag:s14] =	ssyncadd.s32 $0xFFFFC000  }
0x86: {  	[tilespmem:s17], [sflag:$0x1] =	stream.indirect.gather [hbm4b:s2+s16], $0x80, s25, s16, $0xb8;
	[tilespmem:$0x1E400] =	vst v63  }
0x87: {  	_ =	swait.ge [sflag:s19], $0x4000  }
.Ltmp1:
0x88: {  	[sflag:s19] =	ssyncset.done $0x0;
	(pc) =	sbr.rel @p0 .LBB2_4-.Ltmp1, $4  }
0x89: {  	s24 =	sadd.s32 $0x1480, s24;
	[sflag:s19] =	ssyncadd.s32 $0xFFFFC000  }
0x8a: {  	[spmem:s3] =	stream.indirect.scatter.add.f32 [tilespmem:s18], [sflag:$0x2], $0x80, s24, s16, $0xb8;
	[tilespmem:$0x1E400] =	vst v63  }
0x8b: {  	_ =	swait.ge [sflag:s14], $0x4000  }
0x8c: {  	s25 =	smov.u32 s29;
	s24 =	sshra.s32 s28, $0x2;
	[sflag:s14] =	ssyncset.done $0x0  }
0x8d: {  	s25 =	sadd.s32 $0x80, s24;
	[sflag:s14] =	ssyncadd.s32 $0xFFFFC000  }
0x8e: {  	[tilespmem:s18], [sflag:$0x1] =	stream.indirect.gather [hbm4b:s2+s16], $0x80, s25, s16, $0xb8;
	[tilespmem:$0x1E400] =	vst v63  }
0x8f: {  	_ =	swait.ge [sflag:s19], $0x4000  }
0x90: {  	[sflag:s19] =	ssyncset.done $0x0  }
0x91: {  	s29 =	sadd.s32 $0x1400, s24;
	[sflag:s19] =	ssyncadd.s32 $0xFFFFC000  }
0x92: {  	[spmem:s3] =	stream.indirect.scatter.add.f32 [tilespmem:s17], [sflag:$0x2], $0x80, s29, s16, $0xb8;
	[tilespmem:$0x1E400] =	vst v63  }
0x93: {  	_ =	swait.ge [sflag:s14], $0x4000  }
0x94: {  	[sflag:s14] =	ssyncset.done $0x0  }
0x95: {  	s30 =	sadd.s32 $0x100, s24;
	[sflag:s14] =	ssyncadd.s32 $0xFFFFC000  }
0x96: {  	[tilespmem:s17], [sflag:$0x1] =	stream.indirect.gather [hbm4b:s2+s16], $0x80, s30, s16, $0xb8;
	[tilespmem:$0x1E400] =	vst v63  }
0x97: {  	_ =	swait.ge [sflag:s19], $0x4000  }
0x98: {  	[sflag:s19] =	ssyncset.done $0x0  }
0x99: {  	s31 =	sadd.s32 $0x1480, s24;
	[sflag:s19] =	ssyncadd.s32 $0xFFFFC000  }
0x9a: {  	[spmem:s3] =	stream.indirect.scatter.add.f32 [tilespmem:s18], [sflag:$0x2], $0x80, s31, s16, $0xb8;
	[tilespmem:$0x1E400] =	vst v63  }
0x9b: {  	_ =	swait.ge [sflag:s14], $0x4000  }
0x9c: {  	[sflag:s14] =	ssyncset.done $0x0  }
0x9d: {  	[sflag:s14] =	ssyncadd.s32 $0xFFFFC000  }
0x9e: {  	[tilespmem:s18], [sflag:$0x1] =	stream.indirect.gather [hbm4b:s2+s16], $0x80, s20, s16, $0xb8;
	[tilespmem:$0x1E400] =	vst v63  }
0x9f: {  	_ =	swait.ge [sflag:s19], $0x4000  }
0xa0: {  	[sflag:s19] =	ssyncset.done $0x0  }
0xa1: {  	[sflag:s19] =	ssyncadd.s32 $0xFFFFC000  }
0xa2: {  	[spmem:s3] =	stream.indirect.scatter.add.f32 [tilespmem:s17], [sflag:$0x2], $0x80, s21, s16, $0xb8;
	[tilespmem:$0x1E400] =	vst v63  }
0xa3: {  	_ =	swait.ge [sflag:s14], $0x4000  }
0xa4: {  	[sflag:s14] =	ssyncset.done $0x0  }
0xa5: {  	[sflag:s14] =	ssyncadd.s32 $0xFFFFC000  }
0xa6: {  	_ =	swait.ge [sflag:s19], $0x4000  }
0xa7: {  	[sflag:s19] =	ssyncset.done $0x0  }
0xa8: {  	[sflag:s19] =	ssyncadd.s32 $0xFFFFC000  }
0xa9: {  	[spmem:s3] =	stream.indirect.scatter.add.f32 [tilespmem:s18], [sflag:$0x2], $0x80, s22, s16, $0xb8;
	[tilespmem:$0x1E400] =	vst v63  }
0xaa: {  	_ =	swait.ge [sflag:s14], $0x4000  }
0xab: {  	s23 =	sadd.s32 $0x1, s23;
	[sflag:s14] =	ssyncset.done $0x0  }
0xac: {  	p0 =	sne.s32 s23, s12;
	[sflag:s14] =	ssyncadd.s32 $0xFFFFC000  }
.Ltmp2:
0xad: {  	[bflag:$0x0] =	sbarrier.arrive $0xFFFF;
	(pc) =	sbr.rel @p0 .LBB2_1-.Ltmp2, $4  }
0xae: {  	[hbm:s11], [sflag:s6] =	dma.local [spmem:s13], $0x2780  }
0xaf: {  	_ =	swait.ge [sflag:s14], $0x2780  }
0xb0: {  	[sflag:s14] =	ssyncset.done $0x0  }
0xb1: {  	[sflag:s14] =	ssyncadd.s32 $0xFFFFD880  }
0xb2: {  	_ =	sfence.sel $0x180000  }
0xb3: {  	[bflag:$0x0] =	sbarrier.arrive $0xFFFF  }
0xb4: {  	p0 =	sne.s32 s1, $0x0;
	_ =	strace $0x90000053  }
0xb5: {  	s0 =	sadd.s32 @!p0 $0x100000, s0;
	[bflag:$0x2] =	sbarrier.arrive $0xFFFF  }
0xb6: {  	[sflag:s0] =	ssyncadd.tile.s32 @!p0 $0x1;
	_ =	shalt  }
.Lfunc_end2:
_tile_overlayer_lowered:
.L_overlay_start_2:
0xb7: {  	(tag) =	ssettag $0x2  }
0xb8: {  	s0 =	rddreg [dreg:$0x0];
	s2 =	stileid.u32  }
0xb9: {  	s1 =	rddreg [dreg:$0x1];
	p0 =	sne.s32 s2, $0x0  }
0xba: {  	s3 =	rddreg [dreg:$0x2];
	[bflag:$0x3] =	sbarrier.arrive $0xFFFF;
	s2 =	simm.s32 @!p0 $0x1C02  }
0xbb: {  	[timem:s3], [sflag:s2] =	dma.local @!p0 [hbm:s0], s1  }
0xbc: {  	s0 =	simm.s32 @!p0 $0x2  }
0xbd: {  	_ =	swait.ge @!p0 [sflag:s0], s1  }
0xbe: {  	s1 =	ssub.s32 @!p0 $0x0, s1;
	[sflag:s0] =	ssyncset.done @!p0 $0x0  }
0xbf: {  	[sflag:s0] =	ssyncadd.s32 @!p0 s1  }
0xc0: {  	[bflag:$0x3] =	sbarrier.arrive $0xFFFF  }
0xc1: {  	_ =	shalt  }

</sc_bundles>
